<compile_context>
chip_gen: v7x
topology: tpu7x:2x2x1
jax: 0.10.2.dev20260603
libtpu: 0.0.44.dev20260713+nightly
codegen_flags: <defaults>
</compile_context>

<pallas_src>
import functools

import jax
import jax.numpy as jnp
from jax import lax
from jax.experimental import pallas as pl
from jax.experimental.pallas import tpu as pltpu
from jax.experimental.pallas import tpu_sc as plsc

NXK, NYK, NZK = 432, 496, 1
CK = 64
MAXPTSK = 32
MK = 40000
BK = 4
NSEL = 12000
GRIDK = NZK * NXK * NYK
TOT = BK * GRIDK
NTILES = 32
S = TOT // NTILES
CH = 2000
N_CH1 = MK // CH
N_CH2 = NSEL // CH
VPC = CH // 16
SV = S // 16

_cparams = pltpu.CompilerParams(needs_layout_passes=False)

_mesh = plsc.VectorSubcoreMesh(core_axis_name="c", subcore_axis_name="s",
                               num_cores=2, num_subcores=16)


def _wid():
    return lax.axis_index("s") * 2 + lax.axis_index("c")


def _iota16():
    return lax.iota(jnp.int32, 16)


def _kernel_a(b_hbm, y_hbm, x_hbm, vnp_hbm, sel_hbm,
              pts_hbm, occ_hbm, dens_hbm, win_hbm,
              pts_l, win_l, occ_l, dens_l,
              b_c, y_c, x_c, vnp_c, sel_c, bs_c, ys_c, xs_c, sem_c):
    wid = _wid()
    base = wid * S
    iota = _iota16()

    def init_body(i, carry):
        sl = pl.ds(i * 16, 16)
        pts_l[sl] = jnp.zeros((16,), jnp.int32)
        win_l[sl] = jnp.full((16,), -1, jnp.int32)
        return carry
    lax.fori_loop(0, SV, init_body, 0)

    def chunk1(ci, carry):
        off = ci * CH
        sl = pl.ds(off, CH)
        pltpu.async_copy(b_hbm.at[sl], b_c, sem_c)
        pltpu.async_copy(y_hbm.at[sl], y_c, sem_c)
        pltpu.async_copy(x_hbm.at[sl], x_c, sem_c)
        pltpu.async_copy(vnp_hbm.at[sl], vnp_c, sem_c)
        for dst in (b_c, y_c, x_c, vnp_c):
            pltpu.make_async_copy(b_hbm.at[pl.ds(0, CH)], dst, sem_c).wait()

        def vec1(i, c2):
            sl = pl.ds(i * 16, 16)
            bv = b_c[sl]
            yv = y_c[sl]
            xv = x_c[sl]
            nv = vnp_c[sl]
            flat = bv * GRIDK + yv * NXK + xv
            local = flat - base
            msk = (local >= 0) & (local < S)
            local = jnp.where(msk, local, 0)
            plsc.store_scatter(pts_l, [local], nv, mask=msk)
            return c2
        lax.fori_loop(0, VPC, vec1, 0)
        return carry
    lax.fori_loop(0, N_CH1, chunk1, 0)

    def chunk2(ci, carry):
        off = ci * CH
        pltpu.sync_copy(sel_hbm.at[pl.ds(off, CH)], sel_c)
        pltpu.async_copy(b_hbm.at[sel_c], bs_c, sem_c)
        pltpu.async_copy(y_hbm.at[sel_c], ys_c, sem_c)
        pltpu.async_copy(x_hbm.at[sel_c], xs_c, sem_c)
        for dst in (bs_c, ys_c, xs_c):
            pltpu.make_async_copy(b_hbm.at[pl.ds(0, CH)], dst, sem_c).wait()

        def vec2(i, c2):
            sl = pl.ds(i * 16, 16)
            bv = bs_c[sl]
            yv = ys_c[sl]
            xv = xs_c[sl]
            flat = bv * GRIDK + yv * NXK + xv
            local = flat - base
            msk = (local >= 0) & (local < S)
            local = jnp.where(msk, local, 0)
            jv = off + i * 16 + iota
            plsc.store_scatter(win_l, [local], jv, mask=msk)
            return c2
        lax.fori_loop(0, VPC, vec2, 0)
        return carry
    lax.fori_loop(0, N_CH2, chunk2, 0)

    def derive(i, carry):
        sl = pl.ds(i * 16, 16)
        p = pts_l[sl]
        occ_l[sl] = jnp.where(p > 0, 1.0, 0.0).astype(jnp.float32)
        dens_l[sl] = p.astype(jnp.float32) * (1.0 / MAXPTSK)
        return carry
    lax.fori_loop(0, SV, derive, 0)

    dst = pl.ds(base, S)
    pltpu.sync_copy(pts_l, pts_hbm.at[dst])
    pltpu.sync_copy(occ_l, occ_hbm.at[dst])
    pltpu.sync_copy(dens_l, dens_hbm.at[dst])
    pltpu.sync_copy(win_l, win_hbm.at[dst])


WCAP = NSEL + 32
WROWS = 8
BLK = WROWS * NXK
NBLK = NYK // WROWS
WSC = GRIDK // 48
NWSC = GRIDK // WSC


def _kernel_b(win_hbm, pf_hbm, sel_hbm,
              canvas_hbm,
              win_c0, win_c1, sel_l, wj_l, wc_l, ring, buf_a, buf_b,
              sem_a, sem_b, sem_r, sem_w):
    wid = lax.axis_index("c") * 16 + lax.axis_index("s")
    b0 = wid // 8
    cg = wid - b0 * 8
    ch0 = cg * 8
    iota = _iota16()
    zeros16 = jnp.zeros((16,), jnp.float32)
    bufs2 = (buf_a, buf_b)
    sems2 = (sem_a, sem_b)

    for zb in bufs2:
        def zinit(i, carry):
            c = i // (WROWS * 27)
            rem2 = i - c * (WROWS * 27)
            r = rem2 // 27
            col = (rem2 - r * 27) * 16
            zb[c, r, pl.ds(col, 16)] = zeros16
            return carry
        lax.fori_loop(0, 8 * WROWS * 27, zinit, 0)

    pltpu.sync_copy(sel_hbm, sel_l)

    win_cs = (win_c0, win_c1)

    def wfire(sub, p):
        pltpu.async_copy(win_hbm.at[pl.ds(b0 * GRIDK + sub * WSC, WSC)],
                         win_cs[p], sem_w.at[p])

    def wwait(p):
        pltpu.make_async_copy(win_hbm.at[pl.ds(0, WSC)], win_cs[p],
                              sem_w.at[p]).wait()

    wfire(0, 0)
    wfire(1, 1)

    def scanpair(pair, cnt):
        for p in range(2):
            sub = pair * 2 + p
            wwait(p)

            def vec(i, cnt2, p=p, sub=sub):
                sl = pl.ds(i * 16, 16)
                w = win_cs[p][sl]
                msk = w >= 0
                cell = sub * WSC + i * 16 + iota
                plsc.store_compressed(wj_l.at[pl.ds(cnt2, 16)], w, mask=msk)
                plsc.store_compressed(wc_l.at[pl.ds(cnt2, 16)], cell, mask=msk)
                npop = plsc.all_reduce_population_count(msk)
                return cnt2 + npop[0]
            cnt = lax.fori_loop(0, WSC // 16, vec, cnt)

            @pl.when(sub + 2 < NWSC)
            def _(sub=sub, p=p):
                wfire(sub + 2, p)
        return cnt
    n_w = lax.fori_loop(0, NWSC // 2, scanpair, jnp.int32(0))
    nw1 = jnp.maximum(n_w - 1, 0)

    def bsearch(thr):
        def step(_, lh):
            lo, hi = lh
            mid = (lo + hi) // 2
            v = plsc.load_gather(
                wc_l, [jnp.broadcast_to(jnp.minimum(mid, nw1), (16,))])[0]
            go = lo < hi
            lt = v < thr
            lo2 = jnp.where(lt, mid + 1, lo)
            hi2 = jnp.where(lt, hi, mid)
            return (jnp.where(go, lo2, lo), jnp.where(go, hi2, hi))
        lo, _ = lax.fori_loop(0, 15, step, (jnp.int32(0), n_w))
        return lo

    U = (n_w + 15) // 16

    def ring_fire(u):
        sl = pl.ds(u * 16, 16)
        wj = wj_l[sl]
        li = u * 16 + iota
        wj = jnp.where(li < n_w, wj, 0)
        pil = plsc.load_gather(sel_l, [wj])
        slot = u % 8
        pltpu.async_copy(pf_hbm.at[pil // 2], ring.at[slot], sem_r.at[slot])

    def ring_wait(u):
        slot = u % 8
        pltpu.make_async_copy(pf_hbm.at[pl.ds(0, 16)], ring.at[slot],
                              sem_r.at[slot]).wait()

    def prime(i, pc):
        @pl.when(i < U)
        def _():
            ring_fire(i)
        return pc + jnp.where(i < U, 1, 0)
    pc0 = lax.fori_loop(0, 8, prime, jnp.int32(0))

    def fill(yblk, buf, lo, hi, pc, lw):
        u0 = lo // 16
        nch = jnp.where(hi > lo, (hi + 15) // 16 - u0, 0)

        def wchunk(t, carry):
            pc2, lw2 = carry
            u = u0 + t
            fire_ok = (pc2 < U) & (pc2 <= u + 7)

            @pl.when(fire_ok)
            def _():
                ring_fire(pc2)
            pc2 = pc2 + jnp.where(fire_ok, 1, 0)

            @pl.when(u > lw2)
            def _():
                ring_wait(u)
            lw2 = jnp.maximum(lw2, u)

            s0 = u * 16
            sl = pl.ds(s0, 16)
            wc = wc_l[sl]
            wj = wj_l[sl]
            li = s0 + iota
            msk = (li >= lo) & (li < hi)
            wj = jnp.where(msk, wj, 0)
            pil = plsc.load_gather(sel_l, [wj])
            half = (pil % 2) * CK
            pos = wc - yblk * BLK
            pos = jnp.where(msk, pos, 0)
            r = pos // NXK
            col = pos - r * NXK
            slotv = jnp.broadcast_to(u % 8, (16,))
            for c8 in range(8):
                vals = plsc.load_gather(
                    ring, [slotv, iota,
                           half + jnp.broadcast_to(ch0 + c8, (16,))])
                plsc.store_scatter(
                    buf, [jnp.broadcast_to(jnp.int32(c8), (16,)), r, col],
                    vals, mask=msk)
            return (pc2, lw2)
        return lax.fori_loop(0, nch, wchunk, (pc, lw))

    def repair(yblk, buf, lo, hi):
        lo16 = (lo // 16) * 16
        nch = (hi - lo16 + 15) // 16

        def wchunk(t, carry):
            s0 = lo16 + t * 16
            wc = wc_l[pl.ds(s0, 16)]
            li = s0 + iota
            msk = (li >= lo) & (li < hi)
            pos = wc - yblk * BLK
            pos = jnp.where(msk, pos, 0)
            r = pos // NXK
            col = pos - r * NXK
            for c8 in range(8):
                plsc.store_scatter(
                    buf, [jnp.broadcast_to(jnp.int32(c8), (16,)), r, col],
                    zeros16, mask=msk)
            return carry
        lax.fori_loop(0, nch, wchunk, 0)

    def fire(yblk, p):
        for c8 in range(8):
            pltpu.async_copy(
                bufs2[p].at[c8],
                canvas_hbm.at[b0, ch0 + c8, pl.ds(yblk * WROWS, WROWS), :],
                sems2[p])

    def drain(yblk, p):
        for c8 in range(8):
            pltpu.make_async_copy(
                bufs2[p].at[c8],
                canvas_hbm.at[b0, ch0 + c8, pl.ds(yblk * WROWS, WROWS), :],
                sems2[p]).wait()

    def pair_body(pair, carry):
        hi_prev, loA, hiA, loB, hiB, pc, lw = carry
        olds = (loA, hiA, loB, hiB)
        news = [None, None, None, None]
        for p in range(2):
            yblk = pair * 2 + p
            lo = hi_prev
            hi = bsearch((yblk + 1) * BLK)

            @pl.when(pair > 0)
            def _reuse(p=p, yblk=yblk, lo_r=olds[2 * p], hi_r=olds[2 * p + 1]):
                drain(yblk - 2, p)
                repair(yblk - 2, bufs2[p], lo_r, hi_r)
            pc, lw = fill(yblk, bufs2[p], lo, hi, pc, lw)
            fire(yblk, p)
            news[2 * p] = lo
            news[2 * p + 1] = hi
            hi_prev = hi
        return (hi_prev, news[0], news[1], news[2], news[3], pc, lw)

    z = jnp.int32(0)
    _, loA, hiA, loB, hiB, _, _ = lax.fori_loop(
        0, NBLK // 2, pair_body, (z, z, z, z, z, pc0, jnp.int32(-1)))
    drain(NBLK - 2, 0)
    drain(NBLK - 1, 1)


def _make_a(interpret=False):
    out_type = (
        jax.ShapeDtypeStruct((TOT,), jnp.int32),
        jax.ShapeDtypeStruct((TOT,), jnp.float32),
        jax.ShapeDtypeStruct((TOT,), jnp.float32),
        jax.ShapeDtypeStruct((TOT,), jnp.int32),
    )
    scratch = [
        pltpu.VMEM((S,), jnp.int32),
        pltpu.VMEM((S,), jnp.int32),
        pltpu.VMEM((S,), jnp.float32),
        pltpu.VMEM((S,), jnp.float32),
        pltpu.VMEM((CH,), jnp.int32),
        pltpu.VMEM((CH,), jnp.int32),
        pltpu.VMEM((CH,), jnp.int32),
        pltpu.VMEM((CH,), jnp.int32),
        pltpu.VMEM((CH,), jnp.int32),
        pltpu.VMEM((CH,), jnp.int32),
        pltpu.VMEM((CH,), jnp.int32),
        pltpu.VMEM((CH,), jnp.int32),
        pltpu.SemaphoreType.DMA,
    ]
    return pl.kernel(_kernel_a, out_type=out_type, mesh=_mesh,
                     scratch_types=scratch, interpret=interpret,
                     compiler_params=_cparams)


def _make_b(interpret=False):
    out_type = jax.ShapeDtypeStruct((BK, CK, NYK, NXK), jnp.float32)
    scratch = [
        pltpu.VMEM((WSC,), jnp.int32),
        pltpu.VMEM((WSC,), jnp.int32),
        pltpu.VMEM((NSEL,), jnp.int32),
        pltpu.VMEM((WCAP,), jnp.int32),
        pltpu.VMEM((WCAP,), jnp.int32),
        pltpu.VMEM((8, 16, 2 * CK), jnp.float32),
        pltpu.VMEM((8, WROWS, NXK), jnp.float32),
        pltpu.VMEM((8, WROWS, NXK), jnp.float32),
        pltpu.SemaphoreType.DMA,
        pltpu.SemaphoreType.DMA,
        pltpu.SemaphoreType.DMA((8,)),
        pltpu.SemaphoreType.DMA((2,)),
    ]
    return pl.kernel(_kernel_b, out_type=out_type, mesh=_mesh,
                     scratch_types=scratch, interpret=interpret,
                     compiler_params=_cparams)


@functools.partial(jax.jit, static_argnames=("interpret",))
def _run(pillar_features, voxel_coords, voxel_num_points, select_index,
         interpret=False):
    b_row = voxel_coords[:, 0]
    y_row = voxel_coords[:, 2]
    x_row = voxel_coords[:, 3]
    pts, occ, dens, win = _make_a(interpret)(
        b_row, y_row, x_row, voxel_num_points, select_index)
    pf2 = pillar_features.reshape(MK // 2, 2 * CK)
    spatial = _make_b(interpret)(win, pf2, select_index)
    occ = occ.reshape(BK, NYK, NXK)
    dens = dens.reshape(BK, NYK, NXK)
    pts = pts.reshape(BK, NYK, NXK)
    return spatial, occ, dens, pts


def kernel(pillar_features, voxel_coords, voxel_num_points, select_index):
    return _run(pillar_features, voxel_coords, voxel_num_points, select_index)

# --- scband reference (transcript-rebuilt; emitter-appended) ---
"""Pipeline reference for scband-point-pillar-scatter-mae-32066225832083 (READ-ONLY COPY).

The authoritative reference and input builder live on the scoring server;
editing this copy changes nothing except your own understanding.
"""

import jax, jax.numpy as jnp
import numpy as np

NX, NY, NZ = 432, 496, 1
C = 64
MAXPTS = 32
M = 40000
B = 4
MASK_RATIO = 0.7


def setup_inputs(seed: int = 0) -> dict:
    key = jax.random.key(seed)
    k1, k2, k3, k4 = jax.random.split(key, 4)
    pillar_features = jax.random.normal(k1, (M, C), dtype=jnp.float32)
    per_b = M // B
    b_col = jnp.repeat(jnp.arange(B, dtype=jnp.int32), per_b)
    z_col = jnp.zeros((M,), dtype=jnp.int32)
    y_col = jax.random.randint(k2, (M,), 0, NY, dtype=jnp.int32)
    x_col = jax.random.randint(k3, (M,), 0, NX, dtype=jnp.int32)
    voxel_coords = jnp.stack([b_col, z_col, y_col, x_col], axis=1)
    voxel_num_points = jax.random.randint(k4, (M,), 1, MAXPTS + 1, dtype=jnp.int32)
    n_keep = int(round(M * (1.0 - MASK_RATIO)))
    sel = np.sort(np.random.default_rng(0).choice(M, size=n_keep, replace=False)).astype(np.int32)
    select_index = jnp.asarray(sel)
    return {
        'pillar_features': pillar_features,
        'voxel_coords': voxel_coords,
        'voxel_num_points': voxel_num_points,
        'select_index': select_index,
    }


def reference(pillar_features, voxel_coords, voxel_num_points, select_index):
    grid = NZ * NX * NY
    batch_size = B
    # linear index within one BEV canvas: z + y*nx + x (faithful to torch code)
    lin = voxel_coords[:, 1] + voxel_coords[:, 2] * NX + voxel_coords[:, 3]
    flat = voxel_coords[:, 0] * grid + lin  # global index across stacked batch canvases

    # gt occupancy / point number / density (scatter-overwrite, all pillars)
    occ = jnp.zeros((batch_size * grid,), dtype=jnp.float32).at[flat].set(1.0)
    pts = jnp.zeros((batch_size * grid,), dtype=voxel_num_points.dtype).at[flat].set(voxel_num_points)
    dens = jnp.zeros((batch_size * grid,), dtype=jnp.float32).at[flat].set(
        voxel_num_points.astype(jnp.float32) / MAXPTS)

    # masked (MAE) partial scatter of pillar features into BEV canvas
    pf_sel = jnp.take(pillar_features, select_index, axis=0)
    flat_sel = jnp.take(flat, select_index, axis=0)
    spatial = jnp.zeros((batch_size * grid, C), dtype=jnp.float32).at[flat_sel].set(pf_sel)
    spatial = spatial.reshape(batch_size, grid, C).transpose(0, 2, 1)
    spatial = spatial.reshape(batch_size, C * NZ, NY, NX)

    occ = occ.reshape(batch_size, NY, NX)
    dens = dens.reshape(batch_size, NY, NX)
    pts = pts.reshape(batch_size, NY, NX)
    return spatial, occ, dens, pts

if __name__ == "__main__":
    import jax
    _d = setup_inputs()
    print(jax.jit(kernel)(*tuple(_d.values())))

</pallas_src>

<mosaic_0001>
#map = affine_map<(d0, d1) -> (0)>
module attributes {stable_mosaic.version = 14 : i64} {
  func.func @_kernel_a(%arg0: i32, %arg1: i32, %arg2: memref<40000xi32, #tpu.memory_space<hbm>>, %arg3: memref<40000xi32, #tpu.memory_space<hbm>>, %arg4: memref<40000xi32, #tpu.memory_space<hbm>>, %arg5: memref<40000xi32, #tpu.memory_space<hbm>>, %arg6: memref<12000xi32, #tpu.memory_space<hbm>>, %arg7: memref<857088xi32, #tpu.memory_space<hbm>>, %arg8: memref<857088xf32, #tpu.memory_space<hbm>>, %arg9: memref<857088xf32, #tpu.memory_space<hbm>>, %arg10: memref<857088xi32, #tpu.memory_space<hbm>>, %arg11: memref<26784xi32, #tpu.memory_space<vmem>>, %arg12: memref<26784xi32, #tpu.memory_space<vmem>>, %arg13: memref<26784xf32, #tpu.memory_space<vmem>>, %arg14: memref<26784xf32, #tpu.memory_space<vmem>>, %arg15: memref<2000xi32, #tpu.memory_space<vmem>>, %arg16: memref<2000xi32, #tpu.memory_space<vmem>>, %arg17: memref<2000xi32, #tpu.memory_space<vmem>>, %arg18: memref<2000xi32, #tpu.memory_space<vmem>>, %arg19: memref<2000xi32, #tpu.memory_space<vmem>>, %arg20: memref<2000xi32, #tpu.memory_space<vmem>>, %arg21: memref<2000xi32, #tpu.memory_space<vmem>>, %arg22: memref<2000xi32, #tpu.memory_space<vmem>>, %arg23: memref<!tpu.dma_semaphore, #tpu.memory_space<semaphore_mem>>) attributes {dimension_semantics = [#tpu.dimension_semantics<core_parallel>, #tpu.dimension_semantics<subcore_parallel>], iteration_bounds = array<i64: 2, 16>, scalar_prefetch = 0 : i64, scratch_operands = 13 : i64, tpu.core_type = #tpu.core_type<sc_vector_subcore>, window_params = [{transform_indices = #map}, {transform_indices = #map}, {transform_indices = #map}, {transform_indices = #map}, {transform_indices = #map}, {transform_indices = #map}, {transform_indices = #map}, {transform_indices = #map}, {transform_indices = #map}]} {
    %mul3A = arith.constant 2 : i32
    %mul3A_0 = arith.muli %arg1, %mul3A : i32
    %add3A = arith.addi %mul3A_0, %arg0 : i32
    %mul3A_1 = arith.constant 26784 : i32
    %mul3A_2 = arith.muli %add3A, %mul3A_1 : i32
    %iota3A = tpu.iota {dimensions = array<i32: 0>} : vector<16xi32>
    %scan3A = arith.constant 0 : i32
    %scan3A_3 = arith.constant 0 : i32
    %scan3A_4 = arith.constant 1674 : i32
    %scan3A_5 = arith.addi %scan3A_3, %scan3A_4 : i32
    %scan3A_6 = arith.constant 1 : i32
    scf.for %scan3A_26 = %scan3A_3 to %scan3A_5 step %scan3A_6  : i32 {
      %mul3A_27 = arith.constant 16 : i32
      %mul3A_28 = arith.muli %scan3A_26, %mul3A_27 : i32
      %broadcast_in_dim3A = arith.constant 0 : i32
      %broadcast_in_dim3A_29 = vector.broadcast %broadcast_in_dim3A : i32 to vector<16xi32>
      %swap3A = arith.index_cast %mul3A_28 : i32 to index
      %swap3A_30 = tpu.vector_load %arg11[%swap3A] {strides = array<i32>} : memref<26784xi32, #tpu.memory_space<vmem>>, vector<16xi32>,
      tpu.vector_store %arg11[%swap3A], %broadcast_in_dim3A_29 {strides = array<i32>} : memref<26784xi32, #tpu.memory_space<vmem>>, vector<16xi32>,
      %broadcast_in_dim3A_31 = arith.constant -1 : i32
      %broadcast_in_dim3A_32 = vector.broadcast %broadcast_in_dim3A_31 : i32 to vector<16xi32>
      %swap3A_33 = arith.index_cast %mul3A_28 : i32 to index
      %swap3A_34 = tpu.vector_load %arg12[%swap3A_33] {strides = array<i32>} : memref<26784xi32, #tpu.memory_space<vmem>>, vector<16xi32>,
      tpu.vector_store %arg12[%swap3A_33], %broadcast_in_dim3A_32 {strides = array<i32>} : memref<26784xi32, #tpu.memory_space<vmem>>, vector<16xi32>,
    }
    %scan3A_7 = arith.constant 1674 : i32
    %scan3A_8 = arith.constant 0 : i32
    %scan3A_9 = arith.constant 0 : i32
    %scan3A_10 = arith.constant 20 : i32
    %scan3A_11 = arith.addi %scan3A_9, %scan3A_10 : i32
    %scan3A_12 = arith.constant 1 : i32
    scf.for %scan3A_26 = %scan3A_9 to %scan3A_11 step %scan3A_12  : i32 {
      %mul3A_27 = arith.constant 2000 : i32
      %mul3A_28 = arith.muli %scan3A_26, %mul3A_27 : i32
      %dma_start3A = tpu.memref_slice %arg2[%mul3A_28] : memref<40000xi32, #tpu.memory_space<hbm>> -> memref<2000xi32, #tpu.memory_space<hbm>>
      %dma_start3A_29 = tpu.memref_slice %arg2[%mul3A_28] : memref<40000xi32, #tpu.memory_space<hbm>> -> memref<2000xi32, #tpu.memory_space<hbm>>
      tpu.enqueue_dma source(%dma_start3A_29 : memref<2000xi32, #tpu.memory_space<hbm>>) target(%arg15 : memref<2000xi32, #tpu.memory_space<vmem>>) target_semaphore(%arg23 : memref<!tpu.dma_semaphore, #tpu.memory_space<semaphore_mem>>)
      %dma_start3A_30 = tpu.memref_slice %arg3[%mul3A_28] : memref<40000xi32, #tpu.memory_space<hbm>> -> memref<2000xi32, #tpu.memory_space<hbm>>
      %dma_start3A_31 = tpu.memref_slice %arg3[%mul3A_28] : memref<40000xi32, #tpu.memory_space<hbm>> -> memref<2000xi32, #tpu.memory_space<hbm>>
      tpu.enqueue_dma source(%dma_start3A_31 : memref<2000xi32, #tpu.memory_space<hbm>>) target(%arg16 : memref<2000xi32, #tpu.memory_space<vmem>>) target_semaphore(%arg23 : memref<!tpu.dma_semaphore, #tpu.memory_space<semaphore_mem>>)
      %dma_start3A_32 = tpu.memref_slice %arg4[%mul3A_28] : memref<40000xi32, #tpu.memory_space<hbm>> -> memref<2000xi32, #tpu.memory_space<hbm>>
      %dma_start3A_33 = tpu.memref_slice %arg4[%mul3A_28] : memref<40000xi32, #tpu.memory_space<hbm>> -> memref<2000xi32, #tpu.memory_space<hbm>>
      tpu.enqueue_dma source(%dma_start3A_33 : memref<2000xi32, #tpu.memory_space<hbm>>) target(%arg17 : memref<2000xi32, #tpu.memory_space<vmem>>) target_semaphore(%arg23 : memref<!tpu.dma_semaphore, #tpu.memory_space<semaphore_mem>>)
      %dma_start3A_34 = tpu.memref_slice %arg5[%mul3A_28] : memref<40000xi32, #tpu.memory_space<hbm>> -> memref<2000xi32, #tpu.memory_space<hbm>>
      %dma_start3A_35 = tpu.memref_slice %arg5[%mul3A_28] : memref<40000xi32, #tpu.memory_space<hbm>> -> memref<2000xi32, #tpu.memory_space<hbm>>
      tpu.enqueue_dma source(%dma_start3A_35 : memref<2000xi32, #tpu.memory_space<hbm>>) target(%arg18 : memref<2000xi32, #tpu.memory_space<vmem>>) target_semaphore(%arg23 : memref<!tpu.dma_semaphore, #tpu.memory_space<semaphore_mem>>)
      %dma_wait3A = arith.constant 0 : i32
      %dma_wait3A_36 = tpu.memref_slice %arg2[%dma_wait3A] : memref<40000xi32, #tpu.memory_space<hbm>> -> memref<2000xi32, #tpu.memory_space<hbm>>
      %dma_wait3A_37 = arith.constant 0 : i32
      %dma_wait3A_38 = tpu.memref_slice %arg2[%dma_wait3A_37] : memref<40000xi32, #tpu.memory_space<hbm>> -> memref<2000xi32, #tpu.memory_space<hbm>>
      tpu.wait_dma2 semaphore(%arg23 : memref<!tpu.dma_semaphore, #tpu.memory_space<semaphore_mem>>) src(%dma_wait3A_38 : memref<2000xi32, #tpu.memory_space<hbm>>) dst(%arg15 : memref<2000xi32, #tpu.memory_space<vmem>>)
      %dma_wait3A_39 = arith.constant 0 : i32
      %dma_wait3A_40 = tpu.memref_slice %arg2[%dma_wait3A_39] : memref<40000xi32, #tpu.memory_space<hbm>> -> memref<2000xi32, #tpu.memory_space<hbm>>
      %dma_wait3A_41 = arith.constant 0 : i32
      %dma_wait3A_42 = tpu.memref_slice %arg2[%dma_wait3A_41] : memref<40000xi32, #tpu.memory_space<hbm>> -> memref<2000xi32, #tpu.memory_space<hbm>>
      tpu.wait_dma2 semaphore(%arg23 : memref<!tpu.dma_semaphore, #tpu.memory_space<semaphore_mem>>) src(%dma_wait3A_42 : memref<2000xi32, #tpu.memory_space<hbm>>) dst(%arg16 : memref<2000xi32, #tpu.memory_space<vmem>>)
      %dma_wait3A_43 = arith.constant 0 : i32
      %dma_wait3A_44 = tpu.memref_slice %arg2[%dma_wait3A_43] : memref<40000xi32, #tpu.memory_space<hbm>> -> memref<2000xi32, #tpu.memory_space<hbm>>
      %dma_wait3A_45 = arith.constant 0 : i32
      %dma_wait3A_46 = tpu.memref_slice %arg2[%dma_wait3A_45] : memref<40000xi32, #tpu.memory_space<hbm>> -> memref<2000xi32, #tpu.memory_space<hbm>>
      tpu.wait_dma2 semaphore(%arg23 : memref<!tpu.dma_semaphore, #tpu.memory_space<semaphore_mem>>) src(%dma_wait3A_46 : memref<2000xi32, #tpu.memory_space<hbm>>) dst(%arg17 : memref<2000xi32, #tpu.memory_space<vmem>>)
      %dma_wait3A_47 = arith.constant 0 : i32
      %dma_wait3A_48 = tpu.memref_slice %arg2[%dma_wait3A_47] : memref<40000xi32, #tpu.memory_space<hbm>> -> memref<2000xi32, #tpu.memory_space<hbm>>
      %dma_wait3A_49 = arith.constant 0 : i32
      %dma_wait3A_50 = tpu.memref_slice %arg2[%dma_wait3A_49] : memref<40000xi32, #tpu.memory_space<hbm>> -> memref<2000xi32, #tpu.memory_space<hbm>>
      tpu.wait_dma2 semaphore(%arg23 : memref<!tpu.dma_semaphore, #tpu.memory_space<semaphore_mem>>) src(%dma_wait3A_50 : memref<2000xi32, #tpu.memory_space<hbm>>) dst(%arg18 : memref<2000xi32, #tpu.memory_space<vmem>>)
      %scan3A_51 = arith.constant 0 : i32
      %scan3A_52 = arith.constant 0 : i32
      %scan3A_53 = arith.constant 125 : i32
      %scan3A_54 = arith.addi %scan3A_52, %scan3A_53 : i32
      %scan3A_55 = arith.constant 1 : i32
      scf.for %scan3A_57 = %scan3A_52 to %scan3A_54 step %scan3A_55  : i32 {
        %mul3A_58 = arith.constant 16 : i32
        %mul3A_59 = arith.muli %scan3A_57, %mul3A_58 : i32
        %get3A = arith.index_cast %mul3A_59 : i32 to index
        %get3A_60 = tpu.vector_load %arg15[%get3A] {strides = array<i32>} : memref<2000xi32, #tpu.memory_space<vmem>>, vector<16xi32>,
        %get3A_61 = arith.index_cast %mul3A_59 : i32 to index
        %get3A_62 = tpu.vector_load %arg16[%get3A_61] {strides = array<i32>} : memref<2000xi32, #tpu.memory_space<vmem>>, vector<16xi32>,
        %get3A_63 = arith.index_cast %mul3A_59 : i32 to index
        %get3A_64 = tpu.vector_load %arg17[%get3A_63] {strides = array<i32>} : memref<2000xi32, #tpu.memory_space<vmem>>, vector<16xi32>,
        %get3A_65 = arith.index_cast %mul3A_59 : i32 to index
        %get3A_66 = tpu.vector_load %arg18[%get3A_65] {strides = array<i32>} : memref<2000xi32, #tpu.memory_space<vmem>>, vector<16xi32>,
        %mul3A_67 = arith.constant 214272 : i32
        %mul3A_68 = vector.broadcast %mul3A_67 : i32 to vector<16xi32>
        %mul3A_69 = arith.muli %get3A_60, %mul3A_68 : vector<16xi32>
        %mul3A_70 = arith.constant 432 : i32
        %mul3A_71 = vector.broadcast %mul3A_70 : i32 to vector<16xi32>
        %mul3A_72 = arith.muli %get3A_62, %mul3A_71 : vector<16xi32>
        %add3A_73 = arith.addi %mul3A_69, %mul3A_72 : vector<16xi32>
        %add3A_74 = arith.addi %add3A_73, %get3A_64 : vector<16xi32>
        %sub3A = vector.broadcast %mul3A_2 : i32 to vector<16xi32>
        %sub3A_75 = arith.subi %add3A_74, %sub3A : vector<16xi32>
        %ge3A = arith.constant 0 : i32
        %ge3A_76 = vector.broadcast %ge3A : i32 to vector<16xi32>
        %ge3A_77 = arith.cmpi sge, %sub3A_75, %ge3A_76 : vector<16xi32>
        %lt3A = arith.constant 26784 : i32
        %lt3A_78 = vector.broadcast %lt3A : i32 to vector<16xi32>
        %lt3A_79 = arith.cmpi slt, %sub3A_75, %lt3A_78 : vector<16xi32>
        %and3A = arith.andi %ge3A_77, %lt3A_79 : vector<16xi1>
        %jit3A = arith.constant 0 : i32
        %broadcast_in_dim3A = vector.broadcast %jit3A : i32 to vector<16xi32>
        %select_n3A = arith.select %and3A, %sub3A_75, %broadcast_in_dim3A : vector<16xi1>, vector<16xi32>
        tpu.vector_store_idx %arg11[%select_n3A], %get3A_66 masked %and3A : memref<26784xi32, #tpu.memory_space<vmem>>[vector<16xi32>], vector<16xi32>, vector<16xi1>
      }
      %scan3A_56 = arith.constant 125 : i32
    }
    %scan3A_13 = arith.constant 20 : i32
    %scan3A_14 = arith.constant 0 : i32
    %scan3A_15 = arith.constant 0 : i32
    %scan3A_16 = arith.constant 6 : i32
    %scan3A_17 = arith.addi %scan3A_15, %scan3A_16 : i32
    %scan3A_18 = arith.constant 1 : i32
    scf.for %scan3A_26 = %scan3A_15 to %scan3A_17 step %scan3A_18  : i32 {
      %mul3A_27 = arith.constant 2000 : i32
      %mul3A_28 = arith.muli %scan3A_26, %mul3A_27 : i32
      "tpu.region"() ({
        %run_scoped3A = tpu.sem_alloc : memref<!tpu.dma_semaphore, #tpu.memory_space<semaphore_mem>>
        %dma_start3A_51 = tpu.memref_slice %arg6[%mul3A_28] : memref<12000xi32, #tpu.memory_space<hbm>> -> memref<2000xi32, #tpu.memory_space<hbm>>
        %dma_start3A_52 = tpu.memref_slice %arg6[%mul3A_28] : memref<12000xi32, #tpu.memory_space<hbm>> -> memref<2000xi32, #tpu.memory_space<hbm>>
        tpu.enqueue_dma source(%dma_start3A_52 : memref<2000xi32, #tpu.memory_space<hbm>>) target(%arg19 : memref<2000xi32, #tpu.memory_space<vmem>>) target_semaphore(%run_scoped3A : memref<!tpu.dma_semaphore, #tpu.memory_space<semaphore_mem>>)
        %dma_wait3A_53 = tpu.memref_slice %arg6[%mul3A_28] : memref<12000xi32, #tpu.memory_space<hbm>> -> memref<2000xi32, #tpu.memory_space<hbm>>
        %dma_wait3A_54 = tpu.memref_slice %arg6[%mul3A_28] : memref<12000xi32, #tpu.memory_space<hbm>> -> memref<2000xi32, #tpu.memory_space<hbm>>
        tpu.wait_dma2 semaphore(%run_scoped3A : memref<!tpu.dma_semaphore, #tpu.memory_space<semaphore_mem>>) src(%dma_wait3A_54 : memref<2000xi32, #tpu.memory_space<hbm>>) dst(%arg19 : memref<2000xi32, #tpu.memory_space<vmem>>)
        tpu.yield
      }) : () -> ()
      %dma_start3A = arith.constant 0 : i32
      %dma_start3A_29 = tpu.memref_slice %arg2[%dma_start3A] : memref<40000xi32, #tpu.memory_space<hbm>> -> memref<40000xi32, #tpu.memory_space<hbm>>
      tpu.enqueue_indirect_dma source(%dma_start3A_29 : memref<40000xi32, #tpu.memory_space<hbm>>) target(%arg20 : memref<2000xi32, #tpu.memory_space<vmem>>) offsets(%arg19 : memref<2000xi32, #tpu.memory_space<vmem>>) semaphore(%arg23 : memref<!tpu.dma_semaphore, #tpu.memory_space<semaphore_mem>>)
      %dma_start3A_30 = arith.constant 0 : i32
      %dma_start3A_31 = tpu.memref_slice %arg3[%dma_start3A_30] : memref<40000xi32, #tpu.memory_space<hbm>> -> memref<40000xi32, #tpu.memory_space<hbm>>
      tpu.enqueue_indirect_dma source(%dma_start3A_31 : memref<40000xi32, #tpu.memory_space<hbm>>) target(%arg21 : memref<2000xi32, #tpu.memory_space<vmem>>) offsets(%arg19 : memref<2000xi32, #tpu.memory_space<vmem>>) semaphore(%arg23 : memref<!tpu.dma_semaphore, #tpu.memory_space<semaphore_mem>>)
      %dma_start3A_32 = arith.constant 0 : i32
      %dma_start3A_33 = tpu.memref_slice %arg4[%dma_start3A_32] : memref<40000xi32, #tpu.memory_space<hbm>> -> memref<40000xi32, #tpu.memory_space<hbm>>
      tpu.enqueue_indirect_dma source(%dma_start3A_33 : memref<40000xi32, #tpu.memory_space<hbm>>) target(%arg22 : memref<2000xi32, #tpu.memory_space<vmem>>) offsets(%arg19 : memref<2000xi32, #tpu.memory_space<vmem>>) semaphore(%arg23 : memref<!tpu.dma_semaphore, #tpu.memory_space<semaphore_mem>>)
      %dma_wait3A = arith.constant 0 : i32
      %dma_wait3A_34 = tpu.memref_slice %arg2[%dma_wait3A] : memref<40000xi32, #tpu.memory_space<hbm>> -> memref<2000xi32, #tpu.memory_space<hbm>>
      %dma_wait3A_35 = arith.constant 0 : i32
      %dma_wait3A_36 = tpu.memref_slice %arg2[%dma_wait3A_35] : memref<40000xi32, #tpu.memory_space<hbm>> -> memref<2000xi32, #tpu.memory_space<hbm>>
      tpu.wait_dma2 semaphore(%arg23 : memref<!tpu.dma_semaphore, #tpu.memory_space<semaphore_mem>>) src(%dma_wait3A_36 : memref<2000xi32, #tpu.memory_space<hbm>>) dst(%arg20 : memref<2000xi32, #tpu.memory_space<vmem>>)
      %dma_wait3A_37 = arith.constant 0 : i32
      %dma_wait3A_38 = tpu.memref_slice %arg2[%dma_wait3A_37] : memref<40000xi32, #tpu.memory_space<hbm>> -> memref<2000xi32, #tpu.memory_space<hbm>>
      %dma_wait3A_39 = arith.constant 0 : i32
      %dma_wait3A_40 = tpu.memref_slice %arg2[%dma_wait3A_39] : memref<40000xi32, #tpu.memory_space<hbm>> -> memref<2000xi32, #tpu.memory_space<hbm>>
      tpu.wait_dma2 semaphore(%arg23 : memref<!tpu.dma_semaphore, #tpu.memory_space<semaphore_mem>>) src(%dma_wait3A_40 : memref<2000xi32, #tpu.memory_space<hbm>>) dst(%arg21 : memref<2000xi32, #tpu.memory_space<vmem>>)
      %dma_wait3A_41 = arith.constant 0 : i32
      %dma_wait3A_42 = tpu.memref_slice %arg2[%dma_wait3A_41] : memref<40000xi32, #tpu.memory_space<hbm>> -> memref<2000xi32, #tpu.memory_space<hbm>>
      %dma_wait3A_43 = arith.constant 0 : i32
      %dma_wait3A_44 = tpu.memref_slice %arg2[%dma_wait3A_43] : memref<40000xi32, #tpu.memory_space<hbm>> -> memref<2000xi32, #tpu.memory_space<hbm>>
      tpu.wait_dma2 semaphore(%arg23 : memref<!tpu.dma_semaphore, #tpu.memory_space<semaphore_mem>>) src(%dma_wait3A_44 : memref<2000xi32, #tpu.memory_space<hbm>>) dst(%arg22 : memref<2000xi32, #tpu.memory_space<vmem>>)
      %scan3A_45 = arith.constant 0 : i32
      %scan3A_46 = arith.constant 0 : i32
      %scan3A_47 = arith.constant 125 : i32
      %scan3A_48 = arith.addi %scan3A_46, %scan3A_47 : i32
      %scan3A_49 = arith.constant 1 : i32
      scf.for %scan3A_51 = %scan3A_46 to %scan3A_48 step %scan3A_49  : i32 {
        %mul3A_52 = arith.constant 16 : i32
        %mul3A_53 = arith.muli %scan3A_51, %mul3A_52 : i32
        %get3A = arith.index_cast %mul3A_53 : i32 to index
        %get3A_54 = tpu.vector_load %arg20[%get3A] {strides = array<i32>} : memref<2000xi32, #tpu.memory_space<vmem>>, vector<16xi32>,
        %get3A_55 = arith.index_cast %mul3A_53 : i32 to index
        %get3A_56 = tpu.vector_load %arg21[%get3A_55] {strides = array<i32>} : memref<2000xi32, #tpu.memory_space<vmem>>, vector<16xi32>,
        %get3A_57 = arith.index_cast %mul3A_53 : i32 to index
        %get3A_58 = tpu.vector_load %arg22[%get3A_57] {strides = array<i32>} : memref<2000xi32, #tpu.memory_space<vmem>>, vector<16xi32>,
        %mul3A_59 = arith.constant 214272 : i32
        %mul3A_60 = vector.broadcast %mul3A_59 : i32 to vector<16xi32>
        %mul3A_61 = arith.muli %get3A_54, %mul3A_60 : vector<16xi32>
        %mul3A_62 = arith.constant 432 : i32
        %mul3A_63 = vector.broadcast %mul3A_62 : i32 to vector<16xi32>
        %mul3A_64 = arith.muli %get3A_56, %mul3A_63 : vector<16xi32>
        %add3A_65 = arith.addi %mul3A_61, %mul3A_64 : vector<16xi32>
        %add3A_66 = arith.addi %add3A_65, %get3A_58 : vector<16xi32>
        %sub3A = vector.broadcast %mul3A_2 : i32 to vector<16xi32>
        %sub3A_67 = arith.subi %add3A_66, %sub3A : vector<16xi32>
        %ge3A = arith.constant 0 : i32
        %ge3A_68 = vector.broadcast %ge3A : i32 to vector<16xi32>
        %ge3A_69 = arith.cmpi sge, %sub3A_67, %ge3A_68 : vector<16xi32>
        %lt3A = arith.constant 26784 : i32
        %lt3A_70 = vector.broadcast %lt3A : i32 to vector<16xi32>
        %lt3A_71 = arith.cmpi slt, %sub3A_67, %lt3A_70 : vector<16xi32>
        %and3A = arith.andi %ge3A_69, %lt3A_71 : vector<16xi1>
        %jit3A = arith.constant 0 : i32
        %broadcast_in_dim3A = vector.broadcast %jit3A : i32 to vector<16xi32>
        %select_n3A = arith.select %and3A, %sub3A_67, %broadcast_in_dim3A : vector<16xi1>, vector<16xi32>
        %mul3A_72 = arith.constant 16 : i32
        %mul3A_73 = arith.muli %scan3A_51, %mul3A_72 : i32
        %add3A_74 = arith.addi %mul3A_28, %mul3A_73 : i32
        %add3A_75 = vector.broadcast %add3A_74 : i32 to vector<16xi32>
        %add3A_76 = arith.addi %add3A_75, %iota3A : vector<16xi32>
        tpu.vector_store_idx %arg12[%select_n3A], %add3A_76 masked %and3A : memref<26784xi32, #tpu.memory_space<vmem>>[vector<16xi32>], vector<16xi32>, vector<16xi1>
      }
      %scan3A_50 = arith.constant 125 : i32
    }
    %scan3A_19 = arith.constant 6 : i32
    %scan3A_20 = arith.constant 0 : i32
    %scan3A_21 = arith.constant 0 : i32
    %scan3A_22 = arith.constant 1674 : i32
    %scan3A_23 = arith.addi %scan3A_21, %scan3A_22 : i32
    %scan3A_24 = arith.constant 1 : i32
    scf.for %scan3A_26 = %scan3A_21 to %scan3A_23 step %scan3A_24  : i32 {
      %mul3A_27 = arith.constant 16 : i32
      %mul3A_28 = arith.muli %scan3A_26, %mul3A_27 : i32
      %get3A = arith.index_cast %mul3A_28 : i32 to index
      %get3A_29 = tpu.vector_load %arg11[%get3A] {strides = array<i32>} : memref<26784xi32, #tpu.memory_space<vmem>>, vector<16xi32>,
      %gt3A = arith.constant 0 : i32
      %gt3A_30 = vector.broadcast %gt3A : i32 to vector<16xi32>
      %gt3A_31 = arith.cmpi sgt, %get3A_29, %gt3A_30 : vector<16xi32>
      %jit3A = arith.constant 1.000000e+00 : f32
      %jit3A_32 = arith.constant 0.000000e+00 : f32
      %broadcast_in_dim3A = vector.broadcast %jit3A : f32 to vector<16xf32>
      %broadcast_in_dim3A_33 = vector.broadcast %jit3A_32 : f32 to vector<16xf32>
      %select_n3A = arith.select %gt3A_31, %broadcast_in_dim3A, %broadcast_in_dim3A_33 : vector<16xi1>, vector<16xf32>
      %swap3A = arith.index_cast %mul3A_28 : i32 to index
      %swap3A_34 = tpu.vector_load %arg13[%swap3A] {strides = array<i32>} : memref<26784xf32, #tpu.memory_space<vmem>>, vector<16xf32>,
      tpu.vector_store %arg13[%swap3A], %select_n3A {strides = array<i32>} : memref<26784xf32, #tpu.memory_space<vmem>>, vector<16xf32>,
      %convert_element_type3A = arith.sitofp %get3A_29 : vector<16xi32> to vector<16xf32>
      %mul3A_35 = arith.constant 3.125000e-02 : f32
      %mul3A_36 = vector.broadcast %mul3A_35 : f32 to vector<16xf32>
      %mul3A_37 = arith.mulf %convert_element_type3A, %mul3A_36 : vector<16xf32>
      %swap3A_38 = arith.index_cast %mul3A_28 : i32 to index
      %swap3A_39 = tpu.vector_load %arg14[%swap3A_38] {strides = array<i32>} : memref<26784xf32, #tpu.memory_space<vmem>>, vector<16xf32>,
      tpu.vector_store %arg14[%swap3A_38], %mul3A_37 {strides = array<i32>} : memref<26784xf32, #tpu.memory_space<vmem>>, vector<16xf32>,
    }
    %scan3A_25 = arith.constant 1674 : i32
    "tpu.region"() ({
      %run_scoped3A = tpu.sem_alloc : memref<!tpu.dma_semaphore, #tpu.memory_space<semaphore_mem>>
      %dma_start3A = tpu.memref_slice %arg7[%mul3A_2] : memref<857088xi32, #tpu.memory_space<hbm>> -> memref<26784xi32, #tpu.memory_space<hbm>>
      %dma_start3A_26 = tpu.memref_slice %arg7[%mul3A_2] : memref<857088xi32, #tpu.memory_space<hbm>> -> memref<26784xi32, #tpu.memory_space<hbm>>
      tpu.enqueue_dma source(%arg11 : memref<26784xi32, #tpu.memory_space<vmem>>) target(%dma_start3A_26 : memref<26784xi32, #tpu.memory_space<hbm>>) target_semaphore(%run_scoped3A : memref<!tpu.dma_semaphore, #tpu.memory_space<semaphore_mem>>)
      %dma_wait3A = tpu.memref_slice %arg7[%mul3A_2] : memref<857088xi32, #tpu.memory_space<hbm>> -> memref<26784xi32, #tpu.memory_space<hbm>>
      %dma_wait3A_27 = tpu.memref_slice %arg7[%mul3A_2] : memref<857088xi32, #tpu.memory_space<hbm>> -> memref<26784xi32, #tpu.memory_space<hbm>>
      tpu.wait_dma2 semaphore(%run_scoped3A : memref<!tpu.dma_semaphore, #tpu.memory_space<semaphore_mem>>) src(%arg11 : memref<26784xi32, #tpu.memory_space<vmem>>) dst(%dma_wait3A_27 : memref<26784xi32, #tpu.memory_space<hbm>>)
      tpu.yield
    }) : () -> ()
    "tpu.region"() ({
      %run_scoped3A = tpu.sem_alloc : memref<!tpu.dma_semaphore, #tpu.memory_space<semaphore_mem>>
      %dma_start3A = tpu.memref_slice %arg8[%mul3A_2] : memref<857088xf32, #tpu.memory_space<hbm>> -> memref<26784xf32, #tpu.memory_space<hbm>>
      %dma_start3A_26 = tpu.memref_slice %arg8[%mul3A_2] : memref<857088xf32, #tpu.memory_space<hbm>> -> memref<26784xf32, #tpu.memory_space<hbm>>
      tpu.enqueue_dma source(%arg13 : memref<26784xf32, #tpu.memory_space<vmem>>) target(%dma_start3A_26 : memref<26784xf32, #tpu.memory_space<hbm>>) target_semaphore(%run_scoped3A : memref<!tpu.dma_semaphore, #tpu.memory_space<semaphore_mem>>)
      %dma_wait3A = tpu.memref_slice %arg8[%mul3A_2] : memref<857088xf32, #tpu.memory_space<hbm>> -> memref<26784xf32, #tpu.memory_space<hbm>>
      %dma_wait3A_27 = tpu.memref_slice %arg8[%mul3A_2] : memref<857088xf32, #tpu.memory_space<hbm>> -> memref<26784xf32, #tpu.memory_space<hbm>>
      tpu.wait_dma2 semaphore(%run_scoped3A : memref<!tpu.dma_semaphore, #tpu.memory_space<semaphore_mem>>) src(%arg13 : memref<26784xf32, #tpu.memory_space<vmem>>) dst(%dma_wait3A_27 : memref<26784xf32, #tpu.memory_space<hbm>>)
      tpu.yield
    }) : () -> ()
    "tpu.region"() ({
      %run_scoped3A = tpu.sem_alloc : memref<!tpu.dma_semaphore, #tpu.memory_space<semaphore_mem>>
      %dma_start3A = tpu.memref_slice %arg9[%mul3A_2] : memref<857088xf32, #tpu.memory_space<hbm>> -> memref<26784xf32, #tpu.memory_space<hbm>>
      %dma_start3A_26 = tpu.memref_slice %arg9[%mul3A_2] : memref<857088xf32, #tpu.memory_space<hbm>> -> memref<26784xf32, #tpu.memory_space<hbm>>
      tpu.enqueue_dma source(%arg14 : memref<26784xf32, #tpu.memory_space<vmem>>) target(%dma_start3A_26 : memref<26784xf32, #tpu.memory_space<hbm>>) target_semaphore(%run_scoped3A : memref<!tpu.dma_semaphore, #tpu.memory_space<semaphore_mem>>)
      %dma_wait3A = tpu.memref_slice %arg9[%mul3A_2] : memref<857088xf32, #tpu.memory_space<hbm>> -> memref<26784xf32, #tpu.memory_space<hbm>>
      %dma_wait3A_27 = tpu.memref_slice %arg9[%mul3A_2] : memref<857088xf32, #tpu.memory_space<hbm>> -> memref<26784xf32, #tpu.memory_space<hbm>>
      tpu.wait_dma2 semaphore(%run_scoped3A : memref<!tpu.dma_semaphore, #tpu.memory_space<semaphore_mem>>) src(%arg14 : memref<26784xf32, #tpu.memory_space<vmem>>) dst(%dma_wait3A_27 : memref<26784xf32, #tpu.memory_space<hbm>>)
      tpu.yield
    }) : () -> ()
    "tpu.region"() ({
      %run_scoped3A = tpu.sem_alloc : memref<!tpu.dma_semaphore, #tpu.memory_space<semaphore_mem>>
      %dma_start3A = tpu.memref_slice %arg10[%mul3A_2] : memref<857088xi32, #tpu.memory_space<hbm>> -> memref<26784xi32, #tpu.memory_space<hbm>>
      %dma_start3A_26 = tpu.memref_slice %arg10[%mul3A_2] : memref<857088xi32, #tpu.memory_space<hbm>> -> memref<26784xi32, #tpu.memory_space<hbm>>
      tpu.enqueue_dma source(%arg12 : memref<26784xi32, #tpu.memory_space<vmem>>) target(%dma_start3A_26 : memref<26784xi32, #tpu.memory_space<hbm>>) target_semaphore(%run_scoped3A : memref<!tpu.dma_semaphore, #tpu.memory_space<semaphore_mem>>)
      %dma_wait3A = tpu.memref_slice %arg10[%mul3A_2] : memref<857088xi32, #tpu.memory_space<hbm>> -> memref<26784xi32, #tpu.memory_space<hbm>>
      %dma_wait3A_27 = tpu.memref_slice %arg10[%mul3A_2] : memref<857088xi32, #tpu.memory_space<hbm>> -> memref<26784xi32, #tpu.memory_space<hbm>>
      tpu.wait_dma2 semaphore(%run_scoped3A : memref<!tpu.dma_semaphore, #tpu.memory_space<semaphore_mem>>) src(%arg12 : memref<26784xi32, #tpu.memory_space<vmem>>) dst(%dma_wait3A_27 : memref<26784xi32, #tpu.memory_space<hbm>>)
      tpu.yield
    }) : () -> ()
    return
  }
}

#map = affine_map<(d0, d1) -> (0)>
#map1 = affine_map<(d0, d1) -> (0, 0)>
#map2 = affine_map<(d0, d1) -> (0, 0, 0, 0)>
module attributes {stable_mosaic.version = 14 : i64} {
  func.func @_kernel_b(%arg0: i32, %arg1: i32, %arg2: memref<857088xi32, #tpu.memory_space<hbm>>, %arg3: memref<20000x128xf32, #tpu.memory_space<hbm>>, %arg4: memref<12000xi32, #tpu.memory_space<hbm>>, %arg5: memref<4x64x496x432xf32, #tpu.memory_space<hbm>>, %arg6: memref<4464xi32, #tpu.memory_space<vmem>>, %arg7: memref<4464xi32, #tpu.memory_space<vmem>>, %arg8: memref<12000xi32, #tpu.memory_space<vmem>>, %arg9: memref<12032xi32, #tpu.memory_space<vmem>>, %arg10: memref<12032xi32, #tpu.memory_space<vmem>>, %arg11: memref<8x16x128xf32, #tpu.memory_space<vmem>>, %arg12: memref<8x8x432xf32, #tpu.memory_space<vmem>>, %arg13: memref<8x8x432xf32, #tpu.memory_space<vmem>>, %arg14: memref<!tpu.dma_semaphore, #tpu.memory_space<semaphore_mem>>, %arg15: memref<!tpu.dma_semaphore, #tpu.memory_space<semaphore_mem>>, %arg16: memref<8x!tpu.dma_semaphore, #tpu.memory_space<semaphore_mem>>, %arg17: memref<2x!tpu.dma_semaphore, #tpu.memory_space<semaphore_mem>>) attributes {dimension_semantics = [#tpu.dimension_semantics<core_parallel>, #tpu.dimension_semantics<subcore_parallel>], iteration_bounds = array<i64: 2, 16>, scalar_prefetch = 0 : i64, scratch_operands = 12 : i64, tpu.core_type = #tpu.core_type<sc_vector_subcore>, window_params = [{transform_indices = #map}, {transform_indices = #map1}, {transform_indices = #map}, {transform_indices = #map2}]} {
    %mul3A = arith.constant 16 : i32
    %mul3A_0 = arith.muli %arg0, %mul3A : i32
    %add3A = arith.addi %mul3A_0, %arg1 : i32
    %jit3A = arith.constant 8 : i32
    %div3A = arith.divsi %add3A, %jit3A : i32
    %sign3A = arith.constant 0 : i32
    %sign3A_1 = arith.cmpi sgt, %add3A, %sign3A : i32
    %sign3A_2 = arith.extui %sign3A_1 : i1 to i32
    %sign3A_3 = arith.constant 0 : i32
    %sign3A_4 = arith.cmpi slt, %add3A, %sign3A_3 : i32
    %sign3A_5 = arith.extui %sign3A_4 : i1 to i32
    %sign3A_6 = arith.subi %sign3A_2, %sign3A_5 : i32
    %sign3A_7 = arith.constant 0 : i32
    %sign3A_8 = arith.cmpi sgt, %jit3A, %sign3A_7 : i32
    %sign3A_9 = arith.extui %sign3A_8 : i1 to i32
    %sign3A_10 = arith.constant 0 : i32
    %sign3A_11 = arith.cmpi slt, %jit3A, %sign3A_10 : i32
    %sign3A_12 = arith.extui %sign3A_11 : i1 to i32
    %sign3A_13 = arith.subi %sign3A_9, %sign3A_12 : i32
    %ne3A = arith.cmpi ne, %sign3A_6, %sign3A_13 : i32
    %rem3A = arith.remsi %add3A, %jit3A : i32
    %ne3A_14 = arith.constant 0 : i32
    %ne3A_15 = arith.cmpi ne, %rem3A, %ne3A_14 : i32
    %and3A = arith.andi %ne3A, %ne3A_15 : i1
    %sub3A = arith.constant 1 : i32
    %sub3A_16 = arith.subi %div3A, %sub3A : i32
    %select_n3A = arith.select %and3A, %sub3A_16, %div3A : i32
    %mul3A_17 = arith.constant 8 : i32
    %mul3A_18 = arith.muli %select_n3A, %mul3A_17 : i32
    %sub3A_19 = arith.subi %add3A, %mul3A_18 : i32
    %mul3A_20 = arith.constant 8 : i32
    %mul3A_21 = arith.muli %sub3A_19, %mul3A_20 : i32
    %iota3A = tpu.iota {dimensions = array<i32: 0>} : vector<16xi32>
    %broadcast_in_dim3A = arith.constant 0.000000e+00 : f32
    %broadcast_in_dim3A_22 = vector.broadcast %broadcast_in_dim3A : f32 to vector<16xf32>
    %scan3A = arith.constant 0 : i32
    %scan3A_23 = arith.constant 0 : i32
    %scan3A_24 = arith.constant 1728 : i32
    %scan3A_25 = arith.addi %scan3A_23, %scan3A_24 : i32
    %scan3A_26 = arith.constant 1 : i32
    scf.for %scan3A_409 = %scan3A_23 to %scan3A_25 step %scan3A_26  : i32 {
      %jit3A_410 = arith.constant 216 : i32
      %div3A_411 = arith.divsi %scan3A_409, %jit3A_410 : i32
      %sign3A_412 = arith.constant 0 : i32
      %sign3A_413 = arith.cmpi sgt, %scan3A_409, %sign3A_412 : i32
      %sign3A_414 = arith.extui %sign3A_413 : i1 to i32
      %sign3A_415 = arith.constant 0 : i32
      %sign3A_416 = arith.cmpi slt, %scan3A_409, %sign3A_415 : i32
      %sign3A_417 = arith.extui %sign3A_416 : i1 to i32
      %sign3A_418 = arith.subi %sign3A_414, %sign3A_417 : i32
      %sign3A_419 = arith.constant 0 : i32
      %sign3A_420 = arith.cmpi sgt, %jit3A_410, %sign3A_419 : i32
      %sign3A_421 = arith.extui %sign3A_420 : i1 to i32
      %sign3A_422 = arith.constant 0 : i32
      %sign3A_423 = arith.cmpi slt, %jit3A_410, %sign3A_422 : i32
      %sign3A_424 = arith.extui %sign3A_423 : i1 to i32
      %sign3A_425 = arith.subi %sign3A_421, %sign3A_424 : i32
      %ne3A_426 = arith.cmpi ne, %sign3A_418, %sign3A_425 : i32
      %rem3A_427 = arith.remsi %scan3A_409, %jit3A_410 : i32
      %ne3A_428 = arith.constant 0 : i32
      %ne3A_429 = arith.cmpi ne, %rem3A_427, %ne3A_428 : i32
      %and3A_430 = arith.andi %ne3A_426, %ne3A_429 : i1
      %sub3A_431 = arith.constant 1 : i32
      %sub3A_432 = arith.subi %div3A_411, %sub3A_431 : i32
      %select_n3A_433 = arith.select %and3A_430, %sub3A_432, %div3A_411 : i32
      %mul3A_434 = arith.constant 216 : i32
      %mul3A_435 = arith.muli %select_n3A_433, %mul3A_434 : i32
      %sub3A_436 = arith.subi %scan3A_409, %mul3A_435 : i32
      %jit3A_437 = arith.constant 27 : i32
      %div3A_438 = arith.divsi %sub3A_436, %jit3A_437 : i32
      %sign3A_439 = arith.constant 0 : i32
      %sign3A_440 = arith.cmpi sgt, %sub3A_436, %sign3A_439 : i32
      %sign3A_441 = arith.extui %sign3A_440 : i1 to i32
      %sign3A_442 = arith.constant 0 : i32
      %sign3A_443 = arith.cmpi slt, %sub3A_436, %sign3A_442 : i32
      %sign3A_444 = arith.extui %sign3A_443 : i1 to i32
      %sign3A_445 = arith.subi %sign3A_441, %sign3A_444 : i32
      %sign3A_446 = arith.constant 0 : i32
      %sign3A_447 = arith.cmpi sgt, %jit3A_437, %sign3A_446 : i32
      %sign3A_448 = arith.extui %sign3A_447 : i1 to i32
      %sign3A_449 = arith.constant 0 : i32
      %sign3A_450 = arith.cmpi slt, %jit3A_437, %sign3A_449 : i32
      %sign3A_451 = arith.extui %sign3A_450 : i1 to i32
      %sign3A_452 = arith.subi %sign3A_448, %sign3A_451 : i32
      %ne3A_453 = arith.cmpi ne, %sign3A_445, %sign3A_452 : i32
      %rem3A_454 = arith.remsi %sub3A_436, %jit3A_437 : i32
      %ne3A_455 = arith.constant 0 : i32
      %ne3A_456 = arith.cmpi ne, %rem3A_454, %ne3A_455 : i32
      %and3A_457 = arith.andi %ne3A_453, %ne3A_456 : i1
      %sub3A_458 = arith.constant 1 : i32
      %sub3A_459 = arith.subi %div3A_438, %sub3A_458 : i32
      %select_n3A_460 = arith.select %and3A_457, %sub3A_459, %div3A_438 : i32
      %mul3A_461 = arith.constant 27 : i32
      %mul3A_462 = arith.muli %select_n3A_460, %mul3A_461 : i32
      %sub3A_463 = arith.subi %sub3A_436, %mul3A_462 : i32
      %mul3A_464 = arith.constant 16 : i32
      %mul3A_465 = arith.muli %sub3A_463, %mul3A_464 : i32
      %swap3A = arith.index_cast %select_n3A_433 : i32 to index
      %swap3A_466 = arith.index_cast %select_n3A_460 : i32 to index
      %swap3A_467 = arith.index_cast %mul3A_465 : i32 to index
      %swap3A_468 = tpu.vector_load %arg12[%swap3A, %swap3A_466, %swap3A_467] {strides = array<i32>} : memref<8x8x432xf32, #tpu.memory_space<vmem>>, vector<16xf32>,
      tpu.vector_store %arg12[%swap3A, %swap3A_466, %swap3A_467], %broadcast_in_dim3A_22 {strides = array<i32>} : memref<8x8x432xf32, #tpu.memory_space<vmem>>, vector<16xf32>,
    }
    %scan3A_27 = arith.constant 1728 : i32
    %scan3A_28 = arith.constant 0 : i32
    %scan3A_29 = arith.constant 0 : i32
    %scan3A_30 = arith.constant 1728 : i32
    %scan3A_31 = arith.addi %scan3A_29, %scan3A_30 : i32
    %scan3A_32 = arith.constant 1 : i32
    scf.for %scan3A_409 = %scan3A_29 to %scan3A_31 step %scan3A_32  : i32 {
      %jit3A_410 = arith.constant 216 : i32
      %div3A_411 = arith.divsi %scan3A_409, %jit3A_410 : i32
      %sign3A_412 = arith.constant 0 : i32
      %sign3A_413 = arith.cmpi sgt, %scan3A_409, %sign3A_412 : i32
      %sign3A_414 = arith.extui %sign3A_413 : i1 to i32
      %sign3A_415 = arith.constant 0 : i32
      %sign3A_416 = arith.cmpi slt, %scan3A_409, %sign3A_415 : i32
      %sign3A_417 = arith.extui %sign3A_416 : i1 to i32
      %sign3A_418 = arith.subi %sign3A_414, %sign3A_417 : i32
      %sign3A_419 = arith.constant 0 : i32
      %sign3A_420 = arith.cmpi sgt, %jit3A_410, %sign3A_419 : i32
      %sign3A_421 = arith.extui %sign3A_420 : i1 to i32
      %sign3A_422 = arith.constant 0 : i32
      %sign3A_423 = arith.cmpi slt, %jit3A_410, %sign3A_422 : i32
      %sign3A_424 = arith.extui %sign3A_423 : i1 to i32
      %sign3A_425 = arith.subi %sign3A_421, %sign3A_424 : i32
      %ne3A_426 = arith.cmpi ne, %sign3A_418, %sign3A_425 : i32
      %rem3A_427 = arith.remsi %scan3A_409, %jit3A_410 : i32
      %ne3A_428 = arith.constant 0 : i32
      %ne3A_429 = arith.cmpi ne, %rem3A_427, %ne3A_428 : i32
      %and3A_430 = arith.andi %ne3A_426, %ne3A_429 : i1
      %sub3A_431 = arith.constant 1 : i32
      %sub3A_432 = arith.subi %div3A_411, %sub3A_431 : i32
      %select_n3A_433 = arith.select %and3A_430, %sub3A_432, %div3A_411 : i32
      %mul3A_434 = arith.constant 216 : i32
      %mul3A_435 = arith.muli %select_n3A_433, %mul3A_434 : i32
      %sub3A_436 = arith.subi %scan3A_409, %mul3A_435 : i32
      %jit3A_437 = arith.constant 27 : i32
      %div3A_438 = arith.divsi %sub3A_436, %jit3A_437 : i32
      %sign3A_439 = arith.constant 0 : i32
      %sign3A_440 = arith.cmpi sgt, %sub3A_436, %sign3A_439 : i32
      %sign3A_441 = arith.extui %sign3A_440 : i1 to i32
      %sign3A_442 = arith.constant 0 : i32
      %sign3A_443 = arith.cmpi slt, %sub3A_436, %sign3A_442 : i32
      %sign3A_444 = arith.extui %sign3A_443 : i1 to i32
      %sign3A_445 = arith.subi %sign3A_441, %sign3A_444 : i32
      %sign3A_446 = arith.constant 0 : i32
      %sign3A_447 = arith.cmpi sgt, %jit3A_437, %sign3A_446 : i32
      %sign3A_448 = arith.extui %sign3A_447 : i1 to i32
      %sign3A_449 = arith.constant 0 : i32
      %sign3A_450 = arith.cmpi slt, %jit3A_437, %sign3A_449 : i32
      %sign3A_451 = arith.extui %sign3A_450 : i1 to i32
      %sign3A_452 = arith.subi %sign3A_448, %sign3A_451 : i32
      %ne3A_453 = arith.cmpi ne, %sign3A_445, %sign3A_452 : i32
      %rem3A_454 = arith.remsi %sub3A_436, %jit3A_437 : i32
      %ne3A_455 = arith.constant 0 : i32
      %ne3A_456 = arith.cmpi ne, %rem3A_454, %ne3A_455 : i32
      %and3A_457 = arith.andi %ne3A_453, %ne3A_456 : i1
      %sub3A_458 = arith.constant 1 : i32
      %sub3A_459 = arith.subi %div3A_438, %sub3A_458 : i32
      %select_n3A_460 = arith.select %and3A_457, %sub3A_459, %div3A_438 : i32
      %mul3A_461 = arith.constant 27 : i32
      %mul3A_462 = arith.muli %select_n3A_460, %mul3A_461 : i32
      %sub3A_463 = arith.subi %sub3A_436, %mul3A_462 : i32
      %mul3A_464 = arith.constant 16 : i32
      %mul3A_465 = arith.muli %sub3A_463, %mul3A_464 : i32
      %swap3A = arith.index_cast %select_n3A_433 : i32 to index
      %swap3A_466 = arith.index_cast %select_n3A_460 : i32 to index
      %swap3A_467 = arith.index_cast %mul3A_465 : i32 to index
      %swap3A_468 = tpu.vector_load %arg13[%swap3A, %swap3A_466, %swap3A_467] {strides = array<i32>} : memref<8x8x432xf32, #tpu.memory_space<vmem>>, vector<16xf32>,
      tpu.vector_store %arg13[%swap3A, %swap3A_466, %swap3A_467], %broadcast_in_dim3A_22 {strides = array<i32>} : memref<8x8x432xf32, #tpu.memory_space<vmem>>, vector<16xf32>,
    }
    %scan3A_33 = arith.constant 1728 : i32
    "tpu.region"() ({
      %run_scoped3A = tpu.sem_alloc : memref<!tpu.dma_semaphore, #tpu.memory_space<semaphore_mem>>
      tpu.enqueue_dma source(%arg4 : memref<12000xi32, #tpu.memory_space<hbm>>) target(%arg8 : memref<12000xi32, #tpu.memory_space<vmem>>) target_semaphore(%run_scoped3A : memref<!tpu.dma_semaphore, #tpu.memory_space<semaphore_mem>>)
      tpu.wait_dma2 semaphore(%run_scoped3A : memref<!tpu.dma_semaphore, #tpu.memory_space<semaphore_mem>>) src(%arg4 : memref<12000xi32, #tpu.memory_space<hbm>>) dst(%arg8 : memref<12000xi32, #tpu.memory_space<vmem>>)
      tpu.yield
    }) : () -> ()
    %mul3A_34 = arith.constant 214272 : i32
    %mul3A_35 = arith.muli %select_n3A, %mul3A_34 : i32
    %add3A_36 = arith.constant 0 : i32
    %add3A_37 = arith.addi %mul3A_35, %add3A_36 : i32
    %dma_start3A = arith.constant 0 : i32
    %dma_start3A_38 = tpu.memref_slice %arg2[%add3A_37] : memref<857088xi32, #tpu.memory_space<hbm>> -> memref<4464xi32, #tpu.memory_space<hbm>>
    %dma_start3A_39 = tpu.memref_slice %arg17[%dma_start3A] : memref<2x!tpu.dma_semaphore, #tpu.memory_space<semaphore_mem>> -> memref<1x!tpu.dma_semaphore, #tpu.memory_space<semaphore_mem>>
    %dma_start3A_40 = tpu.memref_squeeze %dma_start3A_39 : memref<1x!tpu.dma_semaphore, #tpu.memory_space<semaphore_mem>> -> memref<!tpu.dma_semaphore, #tpu.memory_space<semaphore_mem>>
    %dma_start3A_41 = tpu.memref_slice %arg2[%add3A_37] : memref<857088xi32, #tpu.memory_space<hbm>> -> memref<4464xi32, #tpu.memory_space<hbm>>
    tpu.enqueue_dma source(%dma_start3A_41 : memref<4464xi32, #tpu.memory_space<hbm>>) target(%arg6 : memref<4464xi32, #tpu.memory_space<vmem>>) target_semaphore(%dma_start3A_40 : memref<!tpu.dma_semaphore, #tpu.memory_space<semaphore_mem>>)
    %mul3A_42 = arith.constant 214272 : i32
    %mul3A_43 = arith.muli %select_n3A, %mul3A_42 : i32
    %add3A_44 = arith.constant 4464 : i32
    %add3A_45 = arith.addi %mul3A_43, %add3A_44 : i32
    %dma_start3A_46 = arith.constant 1 : i32
    %dma_start3A_47 = tpu.memref_slice %arg2[%add3A_45] : memref<857088xi32, #tpu.memory_space<hbm>> -> memref<4464xi32, #tpu.memory_space<hbm>>
    %dma_start3A_48 = tpu.memref_slice %arg17[%dma_start3A_46] : memref<2x!tpu.dma_semaphore, #tpu.memory_space<semaphore_mem>> -> memref<1x!tpu.dma_semaphore, #tpu.memory_space<semaphore_mem>>
    %dma_start3A_49 = tpu.memref_squeeze %dma_start3A_48 : memref<1x!tpu.dma_semaphore, #tpu.memory_space<semaphore_mem>> -> memref<!tpu.dma_semaphore, #tpu.memory_space<semaphore_mem>>
    %dma_start3A_50 = tpu.memref_slice %arg2[%add3A_45] : memref<857088xi32, #tpu.memory_space<hbm>> -> memref<4464xi32, #tpu.memory_space<hbm>>
    tpu.enqueue_dma source(%dma_start3A_50 : memref<4464xi32, #tpu.memory_space<hbm>>) target(%arg7 : memref<4464xi32, #tpu.memory_space<vmem>>) target_semaphore(%dma_start3A_49 : memref<!tpu.dma_semaphore, #tpu.memory_space<semaphore_mem>>)
    %scan3A_51 = arith.constant 0 : i32
    %scan3A_52 = arith.constant 0 : i32
    %scan3A_53 = arith.constant 24 : i32
    %scan3A_54 = arith.addi %scan3A_52, %scan3A_53 : i32
    %scan3A_55 = arith.constant 1 : i32
    %scan3A_56 = scf.for %scan3A_409 = %scan3A_52 to %scan3A_54 step %scan3A_55 iter_args(%scan3A_410 = %scan3A_51) -> (i32)  : i32 {
      %mul3A_411 = arith.constant 2 : i32
      %mul3A_412 = arith.muli %scan3A_409, %mul3A_411 : i32
      %add3A_413 = arith.constant 0 : i32
      %add3A_414 = arith.addi %mul3A_412, %add3A_413 : i32
      %dma_wait3A_415 = arith.constant 0 : i32
      %dma_wait3A_416 = arith.constant 0 : i32
      %dma_wait3A_417 = tpu.memref_slice %arg2[%dma_wait3A_416] : memref<857088xi32, #tpu.memory_space<hbm>> -> memref<4464xi32, #tpu.memory_space<hbm>>
      %dma_wait3A_418 = tpu.memref_slice %arg17[%dma_wait3A_415] : memref<2x!tpu.dma_semaphore, #tpu.memory_space<semaphore_mem>> -> memref<1x!tpu.dma_semaphore, #tpu.memory_space<semaphore_mem>>
      %dma_wait3A_419 = tpu.memref_squeeze %dma_wait3A_418 : memref<1x!tpu.dma_semaphore, #tpu.memory_space<semaphore_mem>> -> memref<!tpu.dma_semaphore, #tpu.memory_space<semaphore_mem>>
      %dma_wait3A_420 = arith.constant 0 : i32
      %dma_wait3A_421 = tpu.memref_slice %arg2[%dma_wait3A_420] : memref<857088xi32, #tpu.memory_space<hbm>> -> memref<4464xi32, #tpu.memory_space<hbm>>
      tpu.wait_dma2 semaphore(%dma_wait3A_419 : memref<!tpu.dma_semaphore, #tpu.memory_space<semaphore_mem>>) src(%dma_wait3A_421 : memref<4464xi32, #tpu.memory_space<hbm>>) dst(%arg6 : memref<4464xi32, #tpu.memory_space<vmem>>)
      %scan3A_422 = arith.constant 0 : i32
      %scan3A_423 = arith.constant 279 : i32
      %scan3A_424 = arith.addi %scan3A_422, %scan3A_423 : i32
      %scan3A_425 = arith.constant 1 : i32
      %scan3A_426 = scf.for %scan3A_456 = %scan3A_422 to %scan3A_424 step %scan3A_425 iter_args(%scan3A_457 = %scan3A_410) -> (i32)  : i32 {
        %mul3A_458 = arith.constant 16 : i32
        %mul3A_459 = arith.muli %scan3A_456, %mul3A_458 : i32
        %get3A = arith.index_cast %mul3A_459 : i32 to index
        %get3A_460 = tpu.vector_load %arg6[%get3A] {strides = array<i32>} : memref<4464xi32, #tpu.memory_space<vmem>>, vector<16xi32>,
        %ge3A = arith.constant 0 : i32
        %ge3A_461 = vector.broadcast %ge3A : i32 to vector<16xi32>
        %ge3A_462 = arith.cmpi sge, %get3A_460, %ge3A_461 : vector<16xi32>
        %mul3A_463 = arith.constant 4464 : i32
        %mul3A_464 = arith.muli %add3A_414, %mul3A_463 : i32
        %mul3A_465 = arith.constant 16 : i32
        %mul3A_466 = arith.muli %scan3A_456, %mul3A_465 : i32
        %add3A_467 = arith.addi %mul3A_464, %mul3A_466 : i32
        %add3A_468 = vector.broadcast %add3A_467 : i32 to vector<16xi32>
        %add3A_469 = arith.addi %add3A_468, %iota3A : vector<16xi32>
        %swap3A = arith.index_cast %scan3A_457 : i32 to index
        %swap3A_470 = tpu.vector_load %arg9[%swap3A] masked %ge3A_462 {strides = array<i32>} : memref<12032xi32, #tpu.memory_space<vmem>>, vector<16xi32>, vector<16xi1>
        tpu.vector_store %arg9[%swap3A], %get3A_460 masked %ge3A_462 {strides = array<i32>} : memref<12032xi32, #tpu.memory_space<vmem>>, vector<16xi32>, vector<16xi1>
        %swap3A_471 = arith.index_cast %scan3A_457 : i32 to index
        %swap3A_472 = tpu.vector_load %arg10[%swap3A_471] masked %ge3A_462 {strides = array<i32>} : memref<12032xi32, #tpu.memory_space<vmem>>, vector<16xi32>, vector<16xi1>
        tpu.vector_store %arg10[%swap3A_471], %add3A_469 masked %ge3A_462 {strides = array<i32>} : memref<12032xi32, #tpu.memory_space<vmem>>, vector<16xi32>, vector<16xi1>
        %all_reduce_population_count3A = tpu.all_reduce %ge3A_462 {dim = 0 : i64, kind = #tpu.reduction_kind<sum>} : vector<16xi1> -> vector<16xi32>
        %slice3A = vector.extract_strided_slice %all_reduce_population_count3A {offsets = [0], sizes = [1], strides = [1]} : vector<16xi32> to vector<1xi32>
        %squeeze3A = vector.extract %slice3A[0] : i32 from vector<1xi32>
        %add3A_473 = arith.addi %scan3A_457, %squeeze3A : i32
        scf.yield %add3A_473 : i32
      }
      %scan3A_427 = arith.constant 279 : i32
      %add3A_428 = arith.constant 2 : i32
      %add3A_429 = arith.addi %add3A_414, %add3A_428 : i32
      %lt3A = arith.constant 48 : i32
      %lt3A_430 = arith.cmpi slt, %add3A_429, %lt3A : i32
      %convert_element_type3A = arith.extui %lt3A_430 : i1 to i32
      %cond3A = arith.constant 0 : i32
      %cond3A_431 = arith.cmpi ne, %convert_element_type3A, %cond3A : i32
      scf.if %cond3A_431 {
        %add3A_456 = arith.constant 2 : i32
        %add3A_457 = arith.addi %add3A_414, %add3A_456 : i32
        %mul3A_458 = arith.constant 214272 : i32
        %mul3A_459 = arith.muli %select_n3A, %mul3A_458 : i32
        %mul3A_460 = arith.constant 4464 : i32
        %mul3A_461 = arith.muli %add3A_457, %mul3A_460 : i32
        %add3A_462 = arith.addi %mul3A_459, %mul3A_461 : i32
        %dma_start3A_463 = arith.constant 0 : i32
        %dma_start3A_464 = tpu.memref_slice %arg2[%add3A_462] : memref<857088xi32, #tpu.memory_space<hbm>> -> memref<4464xi32, #tpu.memory_space<hbm>>
        %dma_start3A_465 = tpu.memref_slice %arg17[%dma_start3A_463] : memref<2x!tpu.dma_semaphore, #tpu.memory_space<semaphore_mem>> -> memref<1x!tpu.dma_semaphore, #tpu.memory_space<semaphore_mem>>
        %dma_start3A_466 = tpu.memref_squeeze %dma_start3A_465 : memref<1x!tpu.dma_semaphore, #tpu.memory_space<semaphore_mem>> -> memref<!tpu.dma_semaphore, #tpu.memory_space<semaphore_mem>>
        %dma_start3A_467 = tpu.memref_slice %arg2[%add3A_462] : memref<857088xi32, #tpu.memory_space<hbm>> -> memref<4464xi32, #tpu.memory_space<hbm>>
        tpu.enqueue_dma source(%dma_start3A_467 : memref<4464xi32, #tpu.memory_space<hbm>>) target(%arg6 : memref<4464xi32, #tpu.memory_space<vmem>>) target_semaphore(%dma_start3A_466 : memref<!tpu.dma_semaphore, #tpu.memory_space<semaphore_mem>>)
      } else {
      }
      %mul3A_432 = arith.constant 2 : i32
      %mul3A_433 = arith.muli %scan3A_409, %mul3A_432 : i32
      %add3A_434 = arith.constant 1 : i32
      %add3A_435 = arith.addi %mul3A_433, %add3A_434 : i32
      %dma_wait3A_436 = arith.constant 1 : i32
      %dma_wait3A_437 = arith.constant 0 : i32
      %dma_wait3A_438 = tpu.memref_slice %arg2[%dma_wait3A_437] : memref<857088xi32, #tpu.memory_space<hbm>> -> memref<4464xi32, #tpu.memory_space<hbm>>
      %dma_wait3A_439 = tpu.memref_slice %arg17[%dma_wait3A_436] : memref<2x!tpu.dma_semaphore, #tpu.memory_space<semaphore_mem>> -> memref<1x!tpu.dma_semaphore, #tpu.memory_space<semaphore_mem>>
      %dma_wait3A_440 = tpu.memref_squeeze %dma_wait3A_439 : memref<1x!tpu.dma_semaphore, #tpu.memory_space<semaphore_mem>> -> memref<!tpu.dma_semaphore, #tpu.memory_space<semaphore_mem>>
      %dma_wait3A_441 = arith.constant 0 : i32
      %dma_wait3A_442 = tpu.memref_slice %arg2[%dma_wait3A_441] : memref<857088xi32, #tpu.memory_space<hbm>> -> memref<4464xi32, #tpu.memory_space<hbm>>
      tpu.wait_dma2 semaphore(%dma_wait3A_440 : memref<!tpu.dma_semaphore, #tpu.memory_space<semaphore_mem>>) src(%dma_wait3A_442 : memref<4464xi32, #tpu.memory_space<hbm>>) dst(%arg7 : memref<4464xi32, #tpu.memory_space<vmem>>)
      %scan3A_443 = arith.constant 0 : i32
      %scan3A_444 = arith.constant 279 : i32
      %scan3A_445 = arith.addi %scan3A_443, %scan3A_444 : i32
      %scan3A_446 = arith.constant 1 : i32
      %scan3A_447 = scf.for %scan3A_456 = %scan3A_443 to %scan3A_445 step %scan3A_446 iter_args(%scan3A_457 = %scan3A_426) -> (i32)  : i32 {
        %mul3A_458 = arith.constant 16 : i32
        %mul3A_459 = arith.muli %scan3A_456, %mul3A_458 : i32
        %get3A = arith.index_cast %mul3A_459 : i32 to index
        %get3A_460 = tpu.vector_load %arg7[%get3A] {strides = array<i32>} : memref<4464xi32, #tpu.memory_space<vmem>>, vector<16xi32>,
        %ge3A = arith.constant 0 : i32
        %ge3A_461 = vector.broadcast %ge3A : i32 to vector<16xi32>
        %ge3A_462 = arith.cmpi sge, %get3A_460, %ge3A_461 : vector<16xi32>
        %mul3A_463 = arith.constant 4464 : i32
        %mul3A_464 = arith.muli %add3A_435, %mul3A_463 : i32
        %mul3A_465 = arith.constant 16 : i32
        %mul3A_466 = arith.muli %scan3A_456, %mul3A_465 : i32
        %add3A_467 = arith.addi %mul3A_464, %mul3A_466 : i32
        %add3A_468 = vector.broadcast %add3A_467 : i32 to vector<16xi32>
        %add3A_469 = arith.addi %add3A_468, %iota3A : vector<16xi32>
        %swap3A = arith.index_cast %scan3A_457 : i32 to index
        %swap3A_470 = tpu.vector_load %arg9[%swap3A] masked %ge3A_462 {strides = array<i32>} : memref<12032xi32, #tpu.memory_space<vmem>>, vector<16xi32>, vector<16xi1>
        tpu.vector_store %arg9[%swap3A], %get3A_460 masked %ge3A_462 {strides = array<i32>} : memref<12032xi32, #tpu.memory_space<vmem>>, vector<16xi32>, vector<16xi1>
        %swap3A_471 = arith.index_cast %scan3A_457 : i32 to index
        %swap3A_472 = tpu.vector_load %arg10[%swap3A_471] masked %ge3A_462 {strides = array<i32>} : memref<12032xi32, #tpu.memory_space<vmem>>, vector<16xi32>, vector<16xi1>
        tpu.vector_store %arg10[%swap3A_471], %add3A_469 masked %ge3A_462 {strides = array<i32>} : memref<12032xi32, #tpu.memory_space<vmem>>, vector<16xi32>, vector<16xi1>
        %all_reduce_population_count3A = tpu.all_reduce %ge3A_462 {dim = 0 : i64, kind = #tpu.reduction_kind<sum>} : vector<16xi1> -> vector<16xi32>
        %slice3A = vector.extract_strided_slice %all_reduce_population_count3A {offsets = [0], sizes = [1], strides = [1]} : vector<16xi32> to vector<1xi32>
        %squeeze3A = vector.extract %slice3A[0] : i32 from vector<1xi32>
        %add3A_473 = arith.addi %scan3A_457, %squeeze3A : i32
        scf.yield %add3A_473 : i32
      }
      %scan3A_448 = arith.constant 279 : i32
      %add3A_449 = arith.constant 2 : i32
      %add3A_450 = arith.addi %add3A_435, %add3A_449 : i32
      %lt3A_451 = arith.constant 48 : i32
      %lt3A_452 = arith.cmpi slt, %add3A_450, %lt3A_451 : i32
      %convert_element_type3A_453 = arith.extui %lt3A_452 : i1 to i32
      %cond3A_454 = arith.constant 0 : i32
      %cond3A_455 = arith.cmpi ne, %convert_element_type3A_453, %cond3A_454 : i32
      scf.if %cond3A_455 {
        %add3A_456 = arith.constant 2 : i32
        %add3A_457 = arith.addi %add3A_435, %add3A_456 : i32
        %mul3A_458 = arith.constant 214272 : i32
        %mul3A_459 = arith.muli %select_n3A, %mul3A_458 : i32
        %mul3A_460 = arith.constant 4464 : i32
        %mul3A_461 = arith.muli %add3A_457, %mul3A_460 : i32
        %add3A_462 = arith.addi %mul3A_459, %mul3A_461 : i32
        %dma_start3A_463 = arith.constant 1 : i32
        %dma_start3A_464 = tpu.memref_slice %arg2[%add3A_462] : memref<857088xi32, #tpu.memory_space<hbm>> -> memref<4464xi32, #tpu.memory_space<hbm>>
        %dma_start3A_465 = tpu.memref_slice %arg17[%dma_start3A_463] : memref<2x!tpu.dma_semaphore, #tpu.memory_space<semaphore_mem>> -> memref<1x!tpu.dma_semaphore, #tpu.memory_space<semaphore_mem>>
        %dma_start3A_466 = tpu.memref_squeeze %dma_start3A_465 : memref<1x!tpu.dma_semaphore, #tpu.memory_space<semaphore_mem>> -> memref<!tpu.dma_semaphore, #tpu.memory_space<semaphore_mem>>
        %dma_start3A_467 = tpu.memref_slice %arg2[%add3A_462] : memref<857088xi32, #tpu.memory_space<hbm>> -> memref<4464xi32, #tpu.memory_space<hbm>>
        tpu.enqueue_dma source(%dma_start3A_467 : memref<4464xi32, #tpu.memory_space<hbm>>) target(%arg7 : memref<4464xi32, #tpu.memory_space<vmem>>) target_semaphore(%dma_start3A_466 : memref<!tpu.dma_semaphore, #tpu.memory_space<semaphore_mem>>)
      } else {
      }
      scf.yield %scan3A_447 : i32
    }
    %scan3A_57 = arith.constant 24 : i32
    %sub3A_58 = arith.constant 1 : i32
    %sub3A_59 = arith.subi %scan3A_56, %sub3A_58 : i32
    %max3A = arith.constant 0 : i32
    %max3A_60 = arith.maxsi %sub3A_59, %max3A : i32
    %add3A_61 = arith.constant 15 : i32
    %add3A_62 = arith.addi %scan3A_56, %add3A_61 : i32
    %jit3A_63 = arith.constant 16 : i32
    %div3A_64 = arith.divsi %add3A_62, %jit3A_63 : i32
    %sign3A_65 = arith.constant 0 : i32
    %sign3A_66 = arith.cmpi sgt, %add3A_62, %sign3A_65 : i32
    %sign3A_67 = arith.extui %sign3A_66 : i1 to i32
    %sign3A_68 = arith.constant 0 : i32
    %sign3A_69 = arith.cmpi slt, %add3A_62, %sign3A_68 : i32
    %sign3A_70 = arith.extui %sign3A_69 : i1 to i32
    %sign3A_71 = arith.subi %sign3A_67, %sign3A_70 : i32
    %sign3A_72 = arith.constant 0 : i32
    %sign3A_73 = arith.cmpi sgt, %jit3A_63, %sign3A_72 : i32
    %sign3A_74 = arith.extui %sign3A_73 : i1 to i32
    %sign3A_75 = arith.constant 0 : i32
    %sign3A_76 = arith.cmpi slt, %jit3A_63, %sign3A_75 : i32
    %sign3A_77 = arith.extui %sign3A_76 : i1 to i32
    %sign3A_78 = arith.subi %sign3A_74, %sign3A_77 : i32
    %ne3A_79 = arith.cmpi ne, %sign3A_71, %sign3A_78 : i32
    %rem3A_80 = arith.remsi %add3A_62, %jit3A_63 : i32
    %ne3A_81 = arith.constant 0 : i32
    %ne3A_82 = arith.cmpi ne, %rem3A_80, %ne3A_81 : i32
    %and3A_83 = arith.andi %ne3A_79, %ne3A_82 : i1
    %sub3A_84 = arith.constant 1 : i32
    %sub3A_85 = arith.subi %div3A_64, %sub3A_84 : i32
    %select_n3A_86 = arith.select %and3A_83, %sub3A_85, %div3A_64 : i32
    %scan3A_87 = arith.constant 0 : i32
    %scan3A_88 = arith.constant 0 : i32
    %scan3A_89 = arith.constant 8 : i32
    %scan3A_90 = arith.addi %scan3A_88, %scan3A_89 : i32
    %scan3A_91 = arith.constant 1 : i32
    %scan3A_92 = scf.for %scan3A_409 = %scan3A_88 to %scan3A_90 step %scan3A_91 iter_args(%scan3A_410 = %scan3A_87) -> (i32)  : i32 {
      %lt3A = arith.cmpi slt, %scan3A_409, %select_n3A_86 : i32
      %convert_element_type3A = arith.extui %lt3A : i1 to i32
      %cond3A = arith.constant 0 : i32
      %cond3A_411 = arith.cmpi ne, %convert_element_type3A, %cond3A : i32
      scf.if %cond3A_411 {
        %mul3A_417 = arith.constant 16 : i32
        %mul3A_418 = arith.muli %scan3A_409, %mul3A_417 : i32
        %get3A = arith.index_cast %mul3A_418 : i32 to index
        %get3A_419 = tpu.vector_load %arg9[%get3A] {strides = array<i32>} : memref<12032xi32, #tpu.memory_space<vmem>>, vector<16xi32>,
        %mul3A_420 = arith.constant 16 : i32
        %mul3A_421 = arith.muli %scan3A_409, %mul3A_420 : i32
        %add3A_422 = vector.broadcast %mul3A_421 : i32 to vector<16xi32>
        %add3A_423 = arith.addi %add3A_422, %iota3A : vector<16xi32>
        %lt3A_424 = vector.broadcast %scan3A_56 : i32 to vector<16xi32>
        %lt3A_425 = arith.cmpi slt, %add3A_423, %lt3A_424 : vector<16xi32>
        %jit3A_426 = arith.constant 0 : i32
        %broadcast_in_dim3A_427 = vector.broadcast %jit3A_426 : i32 to vector<16xi32>
        %select_n3A_428 = arith.select %lt3A_425, %get3A_419, %broadcast_in_dim3A_427 : vector<16xi1>, vector<16xi32>
        %gather3A = tpu.vector_load_idx %arg8[%select_n3A_428] : memref<12000xi32, #tpu.memory_space<vmem>>[vector<16xi32>], vector<16xi32>,
        %jit3A_429 = arith.constant 8 : i32
        %eq3A = arith.constant 0 : i32
        %eq3A_430 = arith.cmpi eq, %jit3A_429, %eq3A : i32
        %jit3A_431 = arith.constant 1 : i32
        %select_n3A_432 = arith.select %eq3A_430, %jit3A_431, %jit3A_429 : i32
        %rem3A_433 = arith.remsi %scan3A_409, %select_n3A_432 : i32
        %ne3A_434 = arith.constant 0 : i32
        %ne3A_435 = arith.cmpi ne, %rem3A_433, %ne3A_434 : i32
        %lt3A_436 = arith.constant 0 : i32
        %lt3A_437 = arith.cmpi slt, %rem3A_433, %lt3A_436 : i32
        %lt3A_438 = arith.constant 0 : i32
        %lt3A_439 = arith.cmpi slt, %select_n3A_432, %lt3A_438 : i32
        %ne3A_440 = arith.xori %lt3A_437, %lt3A_439 : i1
        %and3A_441 = arith.andi %ne3A_440, %ne3A_435 : i1
        %add3A_442 = arith.addi %rem3A_433, %select_n3A_432 : i32
        %select_n3A_443 = arith.select %and3A_441, %add3A_442, %rem3A_433 : i32
        %jit3A_444 = arith.constant 2 : i32
        %div3A_445 = vector.broadcast %jit3A_444 : i32 to vector<16xi32>
        %div3A_446 = arith.divsi %gather3A, %div3A_445 : vector<16xi32>
        %sign3A_447 = arith.constant 0 : i32
        %sign3A_448 = vector.broadcast %sign3A_447 : i32 to vector<16xi32>
        %sign3A_449 = arith.cmpi sgt, %gather3A, %sign3A_448 : vector<16xi32>
        %sign3A_450 = arith.extui %sign3A_449 : vector<16xi1> to vector<16xi32>
        %sign3A_451 = arith.constant 0 : i32
        %sign3A_452 = vector.broadcast %sign3A_451 : i32 to vector<16xi32>
        %sign3A_453 = arith.cmpi slt, %gather3A, %sign3A_452 : vector<16xi32>
        %sign3A_454 = arith.extui %sign3A_453 : vector<16xi1> to vector<16xi32>
        %sign3A_455 = arith.subi %sign3A_450, %sign3A_454 : vector<16xi32>
        %sign3A_456 = arith.constant 0 : i32
        %sign3A_457 = arith.cmpi sgt, %jit3A_444, %sign3A_456 : i32
        %sign3A_458 = arith.extui %sign3A_457 : i1 to i32
        %sign3A_459 = arith.constant 0 : i32
        %sign3A_460 = arith.cmpi slt, %jit3A_444, %sign3A_459 : i32
        %sign3A_461 = arith.extui %sign3A_460 : i1 to i32
        %sign3A_462 = arith.subi %sign3A_458, %sign3A_461 : i32
        %ne3A_463 = vector.broadcast %sign3A_462 : i32 to vector<16xi32>
        %ne3A_464 = arith.cmpi ne, %sign3A_455, %ne3A_463 : vector<16xi32>
        %rem3A_465 = vector.broadcast %jit3A_444 : i32 to vector<16xi32>
        %rem3A_466 = arith.remsi %gather3A, %rem3A_465 : vector<16xi32>
        %ne3A_467 = arith.constant 0 : i32
        %ne3A_468 = vector.broadcast %ne3A_467 : i32 to vector<16xi32>
        %ne3A_469 = arith.cmpi ne, %rem3A_466, %ne3A_468 : vector<16xi32>
        %and3A_470 = arith.andi %ne3A_464, %ne3A_469 : vector<16xi1>
        %sub3A_471 = arith.constant 1 : i32
        %sub3A_472 = vector.broadcast %sub3A_471 : i32 to vector<16xi32>
        %sub3A_473 = arith.subi %div3A_446, %sub3A_472 : vector<16xi32>
        %select_n3A_474 = arith.select %and3A_470, %sub3A_473, %div3A_446 : vector<16xi1>, vector<16xi32>
        %dma_start3A_475 = arith.constant 0 : i32
        %dma_start3A_476 = arith.constant 0 : i32
        %dma_start3A_477 = tpu.memref_slice %arg11[%select_n3A_443, %dma_start3A_475, %dma_start3A_476] : memref<8x16x128xf32, #tpu.memory_space<vmem>> -> memref<1x16x128xf32, #tpu.memory_space<vmem>>
        %dma_start3A_478 = tpu.memref_squeeze %dma_start3A_477 : memref<1x16x128xf32, #tpu.memory_space<vmem>> -> memref<16x128xf32, #tpu.memory_space<vmem>>
        %dma_start3A_479 = arith.constant 0 : i32
        %dma_start3A_480 = arith.constant 0 : i32
        %dma_start3A_481 = tpu.memref_slice %arg3[%dma_start3A_479, %dma_start3A_480] : memref<20000x128xf32, #tpu.memory_space<hbm>> -> memref<20000x128xf32, #tpu.memory_space<hbm>>
        %dma_start3A_482 = tpu.memref_slice %arg16[%select_n3A_443] : memref<8x!tpu.dma_semaphore, #tpu.memory_space<semaphore_mem>> -> memref<1x!tpu.dma_semaphore, #tpu.memory_space<semaphore_mem>>
        %dma_start3A_483 = tpu.memref_squeeze %dma_start3A_482 : memref<1x!tpu.dma_semaphore, #tpu.memory_space<semaphore_mem>> -> memref<!tpu.dma_semaphore, #tpu.memory_space<semaphore_mem>>
        tpu.enqueue_indirect_dma source(%dma_start3A_481 : memref<20000x128xf32, #tpu.memory_space<hbm>>) target(%dma_start3A_478 : memref<16x128xf32, #tpu.memory_space<vmem>>) offsets(%select_n3A_474 : vector<16xi32>) semaphore(%dma_start3A_483 : memref<!tpu.dma_semaphore, #tpu.memory_space<semaphore_mem>>)
      } else {
      }
      %lt3A_412 = arith.cmpi slt, %scan3A_409, %select_n3A_86 : i32
      %jit3A_413 = arith.constant 1 : i32
      %jit3A_414 = arith.constant 0 : i32
      %select_n3A_415 = arith.select %lt3A_412, %jit3A_413, %jit3A_414 : i32
      %add3A_416 = arith.addi %scan3A_410, %select_n3A_415 : i32
      scf.yield %add3A_416 : i32
    }
    %scan3A_93 = arith.constant 8 : i32
    %scan3A_94 = arith.constant 0 : i32
    %scan3A_95 = arith.constant 0 : i32
    %scan3A_96 = arith.constant 0 : i32
    %scan3A_97 = arith.constant 0 : i32
    %scan3A_98 = arith.constant 0 : i32
    %scan3A_99 = arith.constant -1 : i32
    %scan3A_100 = arith.constant 0 : i32
    %scan3A_101 = arith.constant 31 : i32
    %scan3A_102 = arith.addi %scan3A_100, %scan3A_101 : i32
    %scan3A_103 = arith.constant 1 : i32
    %scan3A_104:7 = scf.for %scan3A_409 = %scan3A_100 to %scan3A_102 step %scan3A_103 iter_args(%scan3A_410 = %scan3A_94, %scan3A_411 = %scan3A_95, %scan3A_412 = %scan3A_96, %scan3A_413 = %scan3A_97, %scan3A_414 = %scan3A_98, %scan3A_415 = %scan3A_92, %scan3A_416 = %scan3A_99) -> (i32, i32, i32, i32, i32, i32, i32)  : i32 {
      %mul3A_417 = arith.constant 2 : i32
      %mul3A_418 = arith.muli %scan3A_409, %mul3A_417 : i32
      %add3A_419 = arith.constant 0 : i32
      %add3A_420 = arith.addi %mul3A_418, %add3A_419 : i32
      %add3A_421 = arith.constant 1 : i32
      %add3A_422 = arith.addi %add3A_420, %add3A_421 : i32
      %mul3A_423 = arith.constant 3456 : i32
      %mul3A_424 = arith.muli %add3A_422, %mul3A_423 : i32
      %scan3A_425 = arith.constant 0 : i32
      %scan3A_426 = arith.constant 0 : i32
      %scan3A_427 = arith.constant 15 : i32
      %scan3A_428 = arith.addi %scan3A_426, %scan3A_427 : i32
      %scan3A_429 = arith.constant 1 : i32
      %scan3A_430:2 = scf.for %scan3A_887 = %scan3A_426 to %scan3A_428 step %scan3A_429 iter_args(%scan3A_888 = %scan3A_425, %scan3A_889 = %scan3A_56) -> (i32, i32)  : i32 {
        %add3A_890 = arith.addi %scan3A_888, %scan3A_889 : i32
        %jit3A_891 = arith.constant 2 : i32
        %div3A_892 = arith.divsi %add3A_890, %jit3A_891 : i32
        %sign3A_893 = arith.constant 0 : i32
        %sign3A_894 = arith.cmpi sgt, %add3A_890, %sign3A_893 : i32
        %sign3A_895 = arith.extui %sign3A_894 : i1 to i32
        %sign3A_896 = arith.constant 0 : i32
        %sign3A_897 = arith.cmpi slt, %add3A_890, %sign3A_896 : i32
        %sign3A_898 = arith.extui %sign3A_897 : i1 to i32
        %sign3A_899 = arith.subi %sign3A_895, %sign3A_898 : i32
        %sign3A_900 = arith.constant 0 : i32
        %sign3A_901 = arith.cmpi sgt, %jit3A_891, %sign3A_900 : i32
        %sign3A_902 = arith.extui %sign3A_901 : i1 to i32
        %sign3A_903 = arith.constant 0 : i32
        %sign3A_904 = arith.cmpi slt, %jit3A_891, %sign3A_903 : i32
        %sign3A_905 = arith.extui %sign3A_904 : i1 to i32
        %sign3A_906 = arith.subi %sign3A_902, %sign3A_905 : i32
        %ne3A_907 = arith.cmpi ne, %sign3A_899, %sign3A_906 : i32
        %rem3A_908 = arith.remsi %add3A_890, %jit3A_891 : i32
        %ne3A_909 = arith.constant 0 : i32
        %ne3A_910 = arith.cmpi ne, %rem3A_908, %ne3A_909 : i32
        %and3A_911 = arith.andi %ne3A_907, %ne3A_910 : i1
        %sub3A_912 = arith.constant 1 : i32
        %sub3A_913 = arith.subi %div3A_892, %sub3A_912 : i32
        %select_n3A_914 = arith.select %and3A_911, %sub3A_913, %div3A_892 : i32
        %min3A = arith.minsi %select_n3A_914, %max3A_60 : i32
        %broadcast_in_dim3A_915 = vector.broadcast %min3A : i32 to vector<16xi32>
        %gather3A = tpu.vector_load_idx %arg10[%broadcast_in_dim3A_915] : memref<12032xi32, #tpu.memory_space<vmem>>[vector<16xi32>], vector<16xi32>,
        %slice3A = vector.extract_strided_slice %gather3A {offsets = [0], sizes = [1], strides = [1]} : vector<16xi32> to vector<1xi32>
        %squeeze3A = vector.extract %slice3A[0] : i32 from vector<1xi32>
        %lt3A = arith.cmpi slt, %scan3A_888, %scan3A_889 : i32
        %lt3A_916 = arith.cmpi slt, %squeeze3A, %mul3A_424 : i32
        %add3A_917 = arith.constant 1 : i32
        %add3A_918 = arith.addi %select_n3A_914, %add3A_917 : i32
        %select_n3A_919 = arith.select %lt3A_916, %add3A_918, %scan3A_888 : i32
        %select_n3A_920 = arith.select %lt3A_916, %scan3A_889, %select_n3A_914 : i32
        %select_n3A_921 = arith.select %lt3A, %select_n3A_919, %scan3A_888 : i32
        %select_n3A_922 = arith.select %lt3A, %select_n3A_920, %scan3A_889 : i32
        scf.yield %select_n3A_921, %select_n3A_922 : i32, i32
      }
      %scan3A_431 = arith.constant 15 : i32
      %gt3A = arith.constant 0 : i32
      %gt3A_432 = arith.cmpi sgt, %scan3A_409, %gt3A : i32
      %convert_element_type3A = arith.extui %gt3A_432 : i1 to i32
      %cond3A = arith.constant 0 : i32
      %cond3A_433 = arith.cmpi ne, %convert_element_type3A, %cond3A : i32
      scf.if %cond3A_433 {
        %sub3A_887 = arith.constant 2 : i32
        %sub3A_888 = arith.subi %add3A_420, %sub3A_887 : i32
        %add3A_889 = arith.constant 0 : i32
        %add3A_890 = arith.addi %mul3A_21, %add3A_889 : i32
        %mul3A_891 = arith.constant 8 : i32
        %mul3A_892 = arith.muli %sub3A_888, %mul3A_891 : i32
        %dma_wait3A_893 = arith.constant 0 : i32
        %dma_wait3A_894 = arith.constant 0 : i32
        %dma_wait3A_895 = arith.constant 0 : i32
        %dma_wait3A_896 = tpu.memref_slice %arg12[%dma_wait3A_893, %dma_wait3A_894, %dma_wait3A_895] : memref<8x8x432xf32, #tpu.memory_space<vmem>> -> memref<1x8x432xf32, #tpu.memory_space<vmem>>
        %dma_wait3A_897 = tpu.memref_squeeze %dma_wait3A_896 : memref<1x8x432xf32, #tpu.memory_space<vmem>> -> memref<8x432xf32, #tpu.memory_space<vmem>>
        %dma_wait3A_898 = arith.constant 0 : i32
        %dma_wait3A_899 = tpu.memref_slice %arg5[%select_n3A, %add3A_890, %mul3A_892, %dma_wait3A_898] : memref<4x64x496x432xf32, #tpu.memory_space<hbm>> -> memref<1x1x8x432xf32, #tpu.memory_space<hbm>>
        %dma_wait3A_900 = tpu.memref_squeeze %dma_wait3A_899 : memref<1x1x8x432xf32, #tpu.memory_space<hbm>> -> memref<8x432xf32, #tpu.memory_space<hbm>>
        %dma_wait3A_901 = arith.constant 0 : i32
        %dma_wait3A_902 = tpu.memref_slice %arg5[%select_n3A, %add3A_890, %mul3A_892, %dma_wait3A_901] : memref<4x64x496x432xf32, #tpu.memory_space<hbm>> -> memref<1x1x8x432xf32, #tpu.memory_space<hbm>>
        %dma_wait3A_903 = tpu.memref_squeeze %dma_wait3A_902 : memref<1x1x8x432xf32, #tpu.memory_space<hbm>> -> memref<8x432xf32, #tpu.memory_space<hbm>>
        %dma_wait3A_904 = arith.constant 0 : i32
        %dma_wait3A_905 = arith.constant 0 : i32
        %dma_wait3A_906 = tpu.memref_slice %arg12[%dma_wait3A_893, %dma_wait3A_904, %dma_wait3A_905] : memref<8x8x432xf32, #tpu.memory_space<vmem>> -> memref<1x8x432xf32, #tpu.memory_space<vmem>>
        %dma_wait3A_907 = tpu.memref_squeeze %dma_wait3A_906 : memref<1x8x432xf32, #tpu.memory_space<vmem>> -> memref<8x432xf32, #tpu.memory_space<vmem>>
        tpu.wait_dma2 semaphore(%arg14 : memref<!tpu.dma_semaphore, #tpu.memory_space<semaphore_mem>>) src(%dma_wait3A_907 : memref<8x432xf32, #tpu.memory_space<vmem>>) dst(%dma_wait3A_903 : memref<8x432xf32, #tpu.memory_space<hbm>>)
        %add3A_908 = arith.constant 1 : i32
        %add3A_909 = arith.addi %mul3A_21, %add3A_908 : i32
        %mul3A_910 = arith.constant 8 : i32
        %mul3A_911 = arith.muli %sub3A_888, %mul3A_910 : i32
        %dma_wait3A_912 = arith.constant 1 : i32
        %dma_wait3A_913 = arith.constant 0 : i32
        %dma_wait3A_914 = arith.constant 0 : i32
        %dma_wait3A_915 = tpu.memref_slice %arg12[%dma_wait3A_912, %dma_wait3A_913, %dma_wait3A_914] : memref<8x8x432xf32, #tpu.memory_space<vmem>> -> memref<1x8x432xf32, #tpu.memory_space<vmem>>
        %dma_wait3A_916 = tpu.memref_squeeze %dma_wait3A_915 : memref<1x8x432xf32, #tpu.memory_space<vmem>> -> memref<8x432xf32, #tpu.memory_space<vmem>>
        %dma_wait3A_917 = arith.constant 0 : i32
        %dma_wait3A_918 = tpu.memref_slice %arg5[%select_n3A, %add3A_909, %mul3A_911, %dma_wait3A_917] : memref<4x64x496x432xf32, #tpu.memory_space<hbm>> -> memref<1x1x8x432xf32, #tpu.memory_space<hbm>>
        %dma_wait3A_919 = tpu.memref_squeeze %dma_wait3A_918 : memref<1x1x8x432xf32, #tpu.memory_space<hbm>> -> memref<8x432xf32, #tpu.memory_space<hbm>>
        %dma_wait3A_920 = arith.constant 0 : i32
        %dma_wait3A_921 = tpu.memref_slice %arg5[%select_n3A, %add3A_909, %mul3A_911, %dma_wait3A_920] : memref<4x64x496x432xf32, #tpu.memory_space<hbm>> -> memref<1x1x8x432xf32, #tpu.memory_space<hbm>>
        %dma_wait3A_922 = tpu.memref_squeeze %dma_wait3A_921 : memref<1x1x8x432xf32, #tpu.memory_space<hbm>> -> memref<8x432xf32, #tpu.memory_space<hbm>>
        %dma_wait3A_923 = arith.constant 0 : i32
        %dma_wait3A_924 = arith.constant 0 : i32
        %dma_wait3A_925 = tpu.memref_slice %arg12[%dma_wait3A_912, %dma_wait3A_923, %dma_wait3A_924] : memref<8x8x432xf32, #tpu.memory_space<vmem>> -> memref<1x8x432xf32, #tpu.memory_space<vmem>>
        %dma_wait3A_926 = tpu.memref_squeeze %dma_wait3A_925 : memref<1x8x432xf32, #tpu.memory_space<vmem>> -> memref<8x432xf32, #tpu.memory_space<vmem>>
        tpu.wait_dma2 semaphore(%arg14 : memref<!tpu.dma_semaphore, #tpu.memory_space<semaphore_mem>>) src(%dma_wait3A_926 : memref<8x432xf32, #tpu.memory_space<vmem>>) dst(%dma_wait3A_922 : memref<8x432xf32, #tpu.memory_space<hbm>>)
        %add3A_927 = arith.constant 2 : i32
        %add3A_928 = arith.addi %mul3A_21, %add3A_927 : i32
        %mul3A_929 = arith.constant 8 : i32
        %mul3A_930 = arith.muli %sub3A_888, %mul3A_929 : i32
        %dma_wait3A_931 = arith.constant 2 : i32
        %dma_wait3A_932 = arith.constant 0 : i32
        %dma_wait3A_933 = arith.constant 0 : i32
        %dma_wait3A_934 = tpu.memref_slice %arg12[%dma_wait3A_931, %dma_wait3A_932, %dma_wait3A_933] : memref<8x8x432xf32, #tpu.memory_space<vmem>> -> memref<1x8x432xf32, #tpu.memory_space<vmem>>
        %dma_wait3A_935 = tpu.memref_squeeze %dma_wait3A_934 : memref<1x8x432xf32, #tpu.memory_space<vmem>> -> memref<8x432xf32, #tpu.memory_space<vmem>>
        %dma_wait3A_936 = arith.constant 0 : i32
        %dma_wait3A_937 = tpu.memref_slice %arg5[%select_n3A, %add3A_928, %mul3A_930, %dma_wait3A_936] : memref<4x64x496x432xf32, #tpu.memory_space<hbm>> -> memref<1x1x8x432xf32, #tpu.memory_space<hbm>>
        %dma_wait3A_938 = tpu.memref_squeeze %dma_wait3A_937 : memref<1x1x8x432xf32, #tpu.memory_space<hbm>> -> memref<8x432xf32, #tpu.memory_space<hbm>>
        %dma_wait3A_939 = arith.constant 0 : i32
        %dma_wait3A_940 = tpu.memref_slice %arg5[%select_n3A, %add3A_928, %mul3A_930, %dma_wait3A_939] : memref<4x64x496x432xf32, #tpu.memory_space<hbm>> -> memref<1x1x8x432xf32, #tpu.memory_space<hbm>>
        %dma_wait3A_941 = tpu.memref_squeeze %dma_wait3A_940 : memref<1x1x8x432xf32, #tpu.memory_space<hbm>> -> memref<8x432xf32, #tpu.memory_space<hbm>>
        %dma_wait3A_942 = arith.constant 0 : i32
        %dma_wait3A_943 = arith.constant 0 : i32
        %dma_wait3A_944 = tpu.memref_slice %arg12[%dma_wait3A_931, %dma_wait3A_942, %dma_wait3A_943] : memref<8x8x432xf32, #tpu.memory_space<vmem>> -> memref<1x8x432xf32, #tpu.memory_space<vmem>>
        %dma_wait3A_945 = tpu.memref_squeeze %dma_wait3A_944 : memref<1x8x432xf32, #tpu.memory_space<vmem>> -> memref<8x432xf32, #tpu.memory_space<vmem>>
        tpu.wait_dma2 semaphore(%arg14 : memref<!tpu.dma_semaphore, #tpu.memory_space<semaphore_mem>>) src(%dma_wait3A_945 : memref<8x432xf32, #tpu.memory_space<vmem>>) dst(%dma_wait3A_941 : memref<8x432xf32, #tpu.memory_space<hbm>>)
        %add3A_946 = arith.constant 3 : i32
        %add3A_947 = arith.addi %mul3A_21, %add3A_946 : i32
        %mul3A_948 = arith.constant 8 : i32
        %mul3A_949 = arith.muli %sub3A_888, %mul3A_948 : i32
        %dma_wait3A_950 = arith.constant 3 : i32
        %dma_wait3A_951 = arith.constant 0 : i32
        %dma_wait3A_952 = arith.constant 0 : i32
        %dma_wait3A_953 = tpu.memref_slice %arg12[%dma_wait3A_950, %dma_wait3A_951, %dma_wait3A_952] : memref<8x8x432xf32, #tpu.memory_space<vmem>> -> memref<1x8x432xf32, #tpu.memory_space<vmem>>
        %dma_wait3A_954 = tpu.memref_squeeze %dma_wait3A_953 : memref<1x8x432xf32, #tpu.memory_space<vmem>> -> memref<8x432xf32, #tpu.memory_space<vmem>>
        %dma_wait3A_955 = arith.constant 0 : i32
        %dma_wait3A_956 = tpu.memref_slice %arg5[%select_n3A, %add3A_947, %mul3A_949, %dma_wait3A_955] : memref<4x64x496x432xf32, #tpu.memory_space<hbm>> -> memref<1x1x8x432xf32, #tpu.memory_space<hbm>>
        %dma_wait3A_957 = tpu.memref_squeeze %dma_wait3A_956 : memref<1x1x8x432xf32, #tpu.memory_space<hbm>> -> memref<8x432xf32, #tpu.memory_space<hbm>>
        %dma_wait3A_958 = arith.constant 0 : i32
        %dma_wait3A_959 = tpu.memref_slice %arg5[%select_n3A, %add3A_947, %mul3A_949, %dma_wait3A_958] : memref<4x64x496x432xf32, #tpu.memory_space<hbm>> -> memref<1x1x8x432xf32, #tpu.memory_space<hbm>>
        %dma_wait3A_960 = tpu.memref_squeeze %dma_wait3A_959 : memref<1x1x8x432xf32, #tpu.memory_space<hbm>> -> memref<8x432xf32, #tpu.memory_space<hbm>>
        %dma_wait3A_961 = arith.constant 0 : i32
        %dma_wait3A_962 = arith.constant 0 : i32
        %dma_wait3A_963 = tpu.memref_slice %arg12[%dma_wait3A_950, %dma_wait3A_961, %dma_wait3A_962] : memref<8x8x432xf32, #tpu.memory_space<vmem>> -> memref<1x8x432xf32, #tpu.memory_space<vmem>>
        %dma_wait3A_964 = tpu.memref_squeeze %dma_wait3A_963 : memref<1x8x432xf32, #tpu.memory_space<vmem>> -> memref<8x432xf32, #tpu.memory_space<vmem>>
        tpu.wait_dma2 semaphore(%arg14 : memref<!tpu.dma_semaphore, #tpu.memory_space<semaphore_mem>>) src(%dma_wait3A_964 : memref<8x432xf32, #tpu.memory_space<vmem>>) dst(%dma_wait3A_960 : memref<8x432xf32, #tpu.memory_space<hbm>>)
        %add3A_965 = arith.constant 4 : i32
        %add3A_966 = arith.addi %mul3A_21, %add3A_965 : i32
        %mul3A_967 = arith.constant 8 : i32
        %mul3A_968 = arith.muli %sub3A_888, %mul3A_967 : i32
        %dma_wait3A_969 = arith.constant 4 : i32
        %dma_wait3A_970 = arith.constant 0 : i32
        %dma_wait3A_971 = arith.constant 0 : i32
        %dma_wait3A_972 = tpu.memref_slice %arg12[%dma_wait3A_969, %dma_wait3A_970, %dma_wait3A_971] : memref<8x8x432xf32, #tpu.memory_space<vmem>> -> memref<1x8x432xf32, #tpu.memory_space<vmem>>
        %dma_wait3A_973 = tpu.memref_squeeze %dma_wait3A_972 : memref<1x8x432xf32, #tpu.memory_space<vmem>> -> memref<8x432xf32, #tpu.memory_space<vmem>>
        %dma_wait3A_974 = arith.constant 0 : i32
        %dma_wait3A_975 = tpu.memref_slice %arg5[%select_n3A, %add3A_966, %mul3A_968, %dma_wait3A_974] : memref<4x64x496x432xf32, #tpu.memory_space<hbm>> -> memref<1x1x8x432xf32, #tpu.memory_space<hbm>>
        %dma_wait3A_976 = tpu.memref_squeeze %dma_wait3A_975 : memref<1x1x8x432xf32, #tpu.memory_space<hbm>> -> memref<8x432xf32, #tpu.memory_space<hbm>>
        %dma_wait3A_977 = arith.constant 0 : i32
        %dma_wait3A_978 = tpu.memref_slice %arg5[%select_n3A, %add3A_966, %mul3A_968, %dma_wait3A_977] : memref<4x64x496x432xf32, #tpu.memory_space<hbm>> -> memref<1x1x8x432xf32, #tpu.memory_space<hbm>>
        %dma_wait3A_979 = tpu.memref_squeeze %dma_wait3A_978 : memref<1x1x8x432xf32, #tpu.memory_space<hbm>> -> memref<8x432xf32, #tpu.memory_space<hbm>>
        %dma_wait3A_980 = arith.constant 0 : i32
        %dma_wait3A_981 = arith.constant 0 : i32
        %dma_wait3A_982 = tpu.memref_slice %arg12[%dma_wait3A_969, %dma_wait3A_980, %dma_wait3A_981] : memref<8x8x432xf32, #tpu.memory_space<vmem>> -> memref<1x8x432xf32, #tpu.memory_space<vmem>>
        %dma_wait3A_983 = tpu.memref_squeeze %dma_wait3A_982 : memref<1x8x432xf32, #tpu.memory_space<vmem>> -> memref<8x432xf32, #tpu.memory_space<vmem>>
        tpu.wait_dma2 semaphore(%arg14 : memref<!tpu.dma_semaphore, #tpu.memory_space<semaphore_mem>>) src(%dma_wait3A_983 : memref<8x432xf32, #tpu.memory_space<vmem>>) dst(%dma_wait3A_979 : memref<8x432xf32, #tpu.memory_space<hbm>>)
        %add3A_984 = arith.constant 5 : i32
        %add3A_985 = arith.addi %mul3A_21, %add3A_984 : i32
        %mul3A_986 = arith.constant 8 : i32
        %mul3A_987 = arith.muli %sub3A_888, %mul3A_986 : i32
        %dma_wait3A_988 = arith.constant 5 : i32
        %dma_wait3A_989 = arith.constant 0 : i32
        %dma_wait3A_990 = arith.constant 0 : i32
        %dma_wait3A_991 = tpu.memref_slice %arg12[%dma_wait3A_988, %dma_wait3A_989, %dma_wait3A_990] : memref<8x8x432xf32, #tpu.memory_space<vmem>> -> memref<1x8x432xf32, #tpu.memory_space<vmem>>
        %dma_wait3A_992 = tpu.memref_squeeze %dma_wait3A_991 : memref<1x8x432xf32, #tpu.memory_space<vmem>> -> memref<8x432xf32, #tpu.memory_space<vmem>>
        %dma_wait3A_993 = arith.constant 0 : i32
        %dma_wait3A_994 = tpu.memref_slice %arg5[%select_n3A, %add3A_985, %mul3A_987, %dma_wait3A_993] : memref<4x64x496x432xf32, #tpu.memory_space<hbm>> -> memref<1x1x8x432xf32, #tpu.memory_space<hbm>>
        %dma_wait3A_995 = tpu.memref_squeeze %dma_wait3A_994 : memref<1x1x8x432xf32, #tpu.memory_space<hbm>> -> memref<8x432xf32, #tpu.memory_space<hbm>>
        %dma_wait3A_996 = arith.constant 0 : i32
        %dma_wait3A_997 = tpu.memref_slice %arg5[%select_n3A, %add3A_985, %mul3A_987, %dma_wait3A_996] : memref<4x64x496x432xf32, #tpu.memory_space<hbm>> -> memref<1x1x8x432xf32, #tpu.memory_space<hbm>>
        %dma_wait3A_998 = tpu.memref_squeeze %dma_wait3A_997 : memref<1x1x8x432xf32, #tpu.memory_space<hbm>> -> memref<8x432xf32, #tpu.memory_space<hbm>>
        %dma_wait3A_999 = arith.constant 0 : i32
        %dma_wait3A_1000 = arith.constant 0 : i32
        %dma_wait3A_1001 = tpu.memref_slice %arg12[%dma_wait3A_988, %dma_wait3A_999, %dma_wait3A_1000] : memref<8x8x432xf32, #tpu.memory_space<vmem>> -> memref<1x8x432xf32, #tpu.memory_space<vmem>>
        %dma_wait3A_1002 = tpu.memref_squeeze %dma_wait3A_1001 : memref<1x8x432xf32, #tpu.memory_space<vmem>> -> memref<8x432xf32, #tpu.memory_space<vmem>>
        tpu.wait_dma2 semaphore(%arg14 : memref<!tpu.dma_semaphore, #tpu.memory_space<semaphore_mem>>) src(%dma_wait3A_1002 : memref<8x432xf32, #tpu.memory_space<vmem>>) dst(%dma_wait3A_998 : memref<8x432xf32, #tpu.memory_space<hbm>>)
        %add3A_1003 = arith.constant 6 : i32
        %add3A_1004 = arith.addi %mul3A_21, %add3A_1003 : i32
        %mul3A_1005 = arith.constant 8 : i32
        %mul3A_1006 = arith.muli %sub3A_888, %mul3A_1005 : i32
        %dma_wait3A_1007 = arith.constant 6 : i32
        %dma_wait3A_1008 = arith.constant 0 : i32
        %dma_wait3A_1009 = arith.constant 0 : i32
        %dma_wait3A_1010 = tpu.memref_slice %arg12[%dma_wait3A_1007, %dma_wait3A_1008, %dma_wait3A_1009] : memref<8x8x432xf32, #tpu.memory_space<vmem>> -> memref<1x8x432xf32, #tpu.memory_space<vmem>>
        %dma_wait3A_1011 = tpu.memref_squeeze %dma_wait3A_1010 : memref<1x8x432xf32, #tpu.memory_space<vmem>> -> memref<8x432xf32, #tpu.memory_space<vmem>>
        %dma_wait3A_1012 = arith.constant 0 : i32
        %dma_wait3A_1013 = tpu.memref_slice %arg5[%select_n3A, %add3A_1004, %mul3A_1006, %dma_wait3A_1012] : memref<4x64x496x432xf32, #tpu.memory_space<hbm>> -> memref<1x1x8x432xf32, #tpu.memory_space<hbm>>
        %dma_wait3A_1014 = tpu.memref_squeeze %dma_wait3A_1013 : memref<1x1x8x432xf32, #tpu.memory_space<hbm>> -> memref<8x432xf32, #tpu.memory_space<hbm>>
        %dma_wait3A_1015 = arith.constant 0 : i32
        %dma_wait3A_1016 = tpu.memref_slice %arg5[%select_n3A, %add3A_1004, %mul3A_1006, %dma_wait3A_1015] : memref<4x64x496x432xf32, #tpu.memory_space<hbm>> -> memref<1x1x8x432xf32, #tpu.memory_space<hbm>>
        %dma_wait3A_1017 = tpu.memref_squeeze %dma_wait3A_1016 : memref<1x1x8x432xf32, #tpu.memory_space<hbm>> -> memref<8x432xf32, #tpu.memory_space<hbm>>
        %dma_wait3A_1018 = arith.constant 0 : i32
        %dma_wait3A_1019 = arith.constant 0 : i32
        %dma_wait3A_1020 = tpu.memref_slice %arg12[%dma_wait3A_1007, %dma_wait3A_1018, %dma_wait3A_1019] : memref<8x8x432xf32, #tpu.memory_space<vmem>> -> memref<1x8x432xf32, #tpu.memory_space<vmem>>
        %dma_wait3A_1021 = tpu.memref_squeeze %dma_wait3A_1020 : memref<1x8x432xf32, #tpu.memory_space<vmem>> -> memref<8x432xf32, #tpu.memory_space<vmem>>
        tpu.wait_dma2 semaphore(%arg14 : memref<!tpu.dma_semaphore, #tpu.memory_space<semaphore_mem>>) src(%dma_wait3A_1021 : memref<8x432xf32, #tpu.memory_space<vmem>>) dst(%dma_wait3A_1017 : memref<8x432xf32, #tpu.memory_space<hbm>>)
        %add3A_1022 = arith.constant 7 : i32
        %add3A_1023 = arith.addi %mul3A_21, %add3A_1022 : i32
        %mul3A_1024 = arith.constant 8 : i32
        %mul3A_1025 = arith.muli %sub3A_888, %mul3A_1024 : i32
        %dma_wait3A_1026 = arith.constant 7 : i32
        %dma_wait3A_1027 = arith.constant 0 : i32
        %dma_wait3A_1028 = arith.constant 0 : i32
        %dma_wait3A_1029 = tpu.memref_slice %arg12[%dma_wait3A_1026, %dma_wait3A_1027, %dma_wait3A_1028] : memref<8x8x432xf32, #tpu.memory_space<vmem>> -> memref<1x8x432xf32, #tpu.memory_space<vmem>>
        %dma_wait3A_1030 = tpu.memref_squeeze %dma_wait3A_1029 : memref<1x8x432xf32, #tpu.memory_space<vmem>> -> memref<8x432xf32, #tpu.memory_space<vmem>>
        %dma_wait3A_1031 = arith.constant 0 : i32
        %dma_wait3A_1032 = tpu.memref_slice %arg5[%select_n3A, %add3A_1023, %mul3A_1025, %dma_wait3A_1031] : memref<4x64x496x432xf32, #tpu.memory_space<hbm>> -> memref<1x1x8x432xf32, #tpu.memory_space<hbm>>
        %dma_wait3A_1033 = tpu.memref_squeeze %dma_wait3A_1032 : memref<1x1x8x432xf32, #tpu.memory_space<hbm>> -> memref<8x432xf32, #tpu.memory_space<hbm>>
        %dma_wait3A_1034 = arith.constant 0 : i32
        %dma_wait3A_1035 = tpu.memref_slice %arg5[%select_n3A, %add3A_1023, %mul3A_1025, %dma_wait3A_1034] : memref<4x64x496x432xf32, #tpu.memory_space<hbm>> -> memref<1x1x8x432xf32, #tpu.memory_space<hbm>>
        %dma_wait3A_1036 = tpu.memref_squeeze %dma_wait3A_1035 : memref<1x1x8x432xf32, #tpu.memory_space<hbm>> -> memref<8x432xf32, #tpu.memory_space<hbm>>
        %dma_wait3A_1037 = arith.constant 0 : i32
        %dma_wait3A_1038 = arith.constant 0 : i32
        %dma_wait3A_1039 = tpu.memref_slice %arg12[%dma_wait3A_1026, %dma_wait3A_1037, %dma_wait3A_1038] : memref<8x8x432xf32, #tpu.memory_space<vmem>> -> memref<1x8x432xf32, #tpu.memory_space<vmem>>
        %dma_wait3A_1040 = tpu.memref_squeeze %dma_wait3A_1039 : memref<1x8x432xf32, #tpu.memory_space<vmem>> -> memref<8x432xf32, #tpu.memory_space<vmem>>
        tpu.wait_dma2 semaphore(%arg14 : memref<!tpu.dma_semaphore, #tpu.memory_space<semaphore_mem>>) src(%dma_wait3A_1040 : memref<8x432xf32, #tpu.memory_space<vmem>>) dst(%dma_wait3A_1036 : memref<8x432xf32, #tpu.memory_space<hbm>>)
        %sub3A_1041 = arith.constant 2 : i32
        %sub3A_1042 = arith.subi %add3A_420, %sub3A_1041 : i32
        %jit3A_1043 = arith.constant 16 : i32
        %div3A_1044 = arith.divsi %scan3A_411, %jit3A_1043 : i32
        %sign3A_1045 = arith.constant 0 : i32
        %sign3A_1046 = arith.cmpi sgt, %scan3A_411, %sign3A_1045 : i32
        %sign3A_1047 = arith.extui %sign3A_1046 : i1 to i32
        %sign3A_1048 = arith.constant 0 : i32
        %sign3A_1049 = arith.cmpi slt, %scan3A_411, %sign3A_1048 : i32
        %sign3A_1050 = arith.extui %sign3A_1049 : i1 to i32
        %sign3A_1051 = arith.subi %sign3A_1047, %sign3A_1050 : i32
        %sign3A_1052 = arith.constant 0 : i32
        %sign3A_1053 = arith.cmpi sgt, %jit3A_1043, %sign3A_1052 : i32
        %sign3A_1054 = arith.extui %sign3A_1053 : i1 to i32
        %sign3A_1055 = arith.constant 0 : i32
        %sign3A_1056 = arith.cmpi slt, %jit3A_1043, %sign3A_1055 : i32
        %sign3A_1057 = arith.extui %sign3A_1056 : i1 to i32
        %sign3A_1058 = arith.subi %sign3A_1054, %sign3A_1057 : i32
        %ne3A_1059 = arith.cmpi ne, %sign3A_1051, %sign3A_1058 : i32
        %rem3A_1060 = arith.remsi %scan3A_411, %jit3A_1043 : i32
        %ne3A_1061 = arith.constant 0 : i32
        %ne3A_1062 = arith.cmpi ne, %rem3A_1060, %ne3A_1061 : i32
        %and3A_1063 = arith.andi %ne3A_1059, %ne3A_1062 : i1
        %sub3A_1064 = arith.constant 1 : i32
        %sub3A_1065 = arith.subi %div3A_1044, %sub3A_1064 : i32
        %select_n3A_1066 = arith.select %and3A_1063, %sub3A_1065, %div3A_1044 : i32
        %mul3A_1067 = arith.constant 16 : i32
        %mul3A_1068 = arith.muli %select_n3A_1066, %mul3A_1067 : i32
        %sub3A_1069 = arith.subi %scan3A_412, %mul3A_1068 : i32
        %add3A_1070 = arith.constant 15 : i32
        %add3A_1071 = arith.addi %sub3A_1069, %add3A_1070 : i32
        %jit3A_1072 = arith.constant 16 : i32
        %div3A_1073 = arith.divsi %add3A_1071, %jit3A_1072 : i32
        %sign3A_1074 = arith.constant 0 : i32
        %sign3A_1075 = arith.cmpi sgt, %add3A_1071, %sign3A_1074 : i32
        %sign3A_1076 = arith.extui %sign3A_1075 : i1 to i32
        %sign3A_1077 = arith.constant 0 : i32
        %sign3A_1078 = arith.cmpi slt, %add3A_1071, %sign3A_1077 : i32
        %sign3A_1079 = arith.extui %sign3A_1078 : i1 to i32
        %sign3A_1080 = arith.subi %sign3A_1076, %sign3A_1079 : i32
        %sign3A_1081 = arith.constant 0 : i32
        %sign3A_1082 = arith.cmpi sgt, %jit3A_1072, %sign3A_1081 : i32
        %sign3A_1083 = arith.extui %sign3A_1082 : i1 to i32
        %sign3A_1084 = arith.constant 0 : i32
        %sign3A_1085 = arith.cmpi slt, %jit3A_1072, %sign3A_1084 : i32
        %sign3A_1086 = arith.extui %sign3A_1085 : i1 to i32
        %sign3A_1087 = arith.subi %sign3A_1083, %sign3A_1086 : i32
        %ne3A_1088 = arith.cmpi ne, %sign3A_1080, %sign3A_1087 : i32
        %rem3A_1089 = arith.remsi %add3A_1071, %jit3A_1072 : i32
        %ne3A_1090 = arith.constant 0 : i32
        %ne3A_1091 = arith.cmpi ne, %rem3A_1089, %ne3A_1090 : i32
        %and3A_1092 = arith.andi %ne3A_1088, %ne3A_1091 : i1
        %sub3A_1093 = arith.constant 1 : i32
        %sub3A_1094 = arith.subi %div3A_1073, %sub3A_1093 : i32
        %select_n3A_1095 = arith.select %and3A_1092, %sub3A_1094, %div3A_1073 : i32
        %while3A_1096 = arith.constant 0 : i32
        %while3A_1097 = arith.constant 0 : i32
        %while3A_1098 = arith.subi %select_n3A_1095, %while3A_1097 : i32
        %while3A_1099 = arith.addi %while3A_1097, %while3A_1098 : i32
        %while3A_1100 = arith.constant 1 : i32
        %while3A_1101 = arith.divsi %while3A_1098, %while3A_1100 : i32
        %while3A_1102 = arith.muli %while3A_1101, %while3A_1100 : i32
        %while3A_1103 = arith.addi %while3A_1097, %while3A_1102 : i32
        %while3A_1104 = arith.constant 1 : i32
        scf.for %while3A_1106 = %while3A_1097 to %while3A_1103 step %while3A_1104  : i32 {
          %mul3A_1107 = arith.constant 16 : i32
          %mul3A_1108 = arith.muli %while3A_1106, %mul3A_1107 : i32
          %add3A_1109 = arith.addi %mul3A_1068, %mul3A_1108 : i32
          %get3A = arith.index_cast %add3A_1109 : i32 to index
          %get3A_1110 = tpu.vector_load %arg10[%get3A] {strides = array<i32>} : memref<12032xi32, #tpu.memory_space<vmem>>, vector<16xi32>,
          %add3A_1111 = vector.broadcast %add3A_1109 : i32 to vector<16xi32>
          %add3A_1112 = arith.addi %add3A_1111, %iota3A : vector<16xi32>
          %ge3A = vector.broadcast %scan3A_411 : i32 to vector<16xi32>
          %ge3A_1113 = arith.cmpi sge, %add3A_1112, %ge3A : vector<16xi32>
          %lt3A = vector.broadcast %scan3A_412 : i32 to vector<16xi32>
          %lt3A_1114 = arith.cmpi slt, %add3A_1112, %lt3A : vector<16xi32>
          %and3A_1115 = arith.andi %ge3A_1113, %lt3A_1114 : vector<16xi1>
          %mul3A_1116 = arith.constant 3456 : i32
          %mul3A_1117 = arith.muli %sub3A_1042, %mul3A_1116 : i32
          %sub3A_1118 = vector.broadcast %mul3A_1117 : i32 to vector<16xi32>
          %sub3A_1119 = arith.subi %get3A_1110, %sub3A_1118 : vector<16xi32>
          %jit3A_1120 = arith.constant 0 : i32
          %broadcast_in_dim3A_1121 = vector.broadcast %jit3A_1120 : i32 to vector<16xi32>
          %select_n3A_1122 = arith.select %and3A_1115, %sub3A_1119, %broadcast_in_dim3A_1121 : vector<16xi1>, vector<16xi32>
          %jit3A_1123 = arith.constant 432 : i32
          %div3A_1124 = vector.broadcast %jit3A_1123 : i32 to vector<16xi32>
          %div3A_1125 = arith.divsi %select_n3A_1122, %div3A_1124 : vector<16xi32>
          %sign3A_1126 = arith.constant 0 : i32
          %sign3A_1127 = vector.broadcast %sign3A_1126 : i32 to vector<16xi32>
          %sign3A_1128 = arith.cmpi sgt, %select_n3A_1122, %sign3A_1127 : vector<16xi32>
          %sign3A_1129 = arith.extui %sign3A_1128 : vector<16xi1> to vector<16xi32>
          %sign3A_1130 = arith.constant 0 : i32
          %sign3A_1131 = vector.broadcast %sign3A_1130 : i32 to vector<16xi32>
          %sign3A_1132 = arith.cmpi slt, %select_n3A_1122, %sign3A_1131 : vector<16xi32>
          %sign3A_1133 = arith.extui %sign3A_1132 : vector<16xi1> to vector<16xi32>
          %sign3A_1134 = arith.subi %sign3A_1129, %sign3A_1133 : vector<16xi32>
          %sign3A_1135 = arith.constant 0 : i32
          %sign3A_1136 = arith.cmpi sgt, %jit3A_1123, %sign3A_1135 : i32
          %sign3A_1137 = arith.extui %sign3A_1136 : i1 to i32
          %sign3A_1138 = arith.constant 0 : i32
          %sign3A_1139 = arith.cmpi slt, %jit3A_1123, %sign3A_1138 : i32
          %sign3A_1140 = arith.extui %sign3A_1139 : i1 to i32
          %sign3A_1141 = arith.subi %sign3A_1137, %sign3A_1140 : i32
          %ne3A_1142 = vector.broadcast %sign3A_1141 : i32 to vector<16xi32>
          %ne3A_1143 = arith.cmpi ne, %sign3A_1134, %ne3A_1142 : vector<16xi32>
          %rem3A_1144 = vector.broadcast %jit3A_1123 : i32 to vector<16xi32>
          %rem3A_1145 = arith.remsi %select_n3A_1122, %rem3A_1144 : vector<16xi32>
          %ne3A_1146 = arith.constant 0 : i32
          %ne3A_1147 = vector.broadcast %ne3A_1146 : i32 to vector<16xi32>
          %ne3A_1148 = arith.cmpi ne, %rem3A_1145, %ne3A_1147 : vector<16xi32>
          %and3A_1149 = arith.andi %ne3A_1143, %ne3A_1148 : vector<16xi1>
          %sub3A_1150 = arith.constant 1 : i32
          %sub3A_1151 = vector.broadcast %sub3A_1150 : i32 to vector<16xi32>
          %sub3A_1152 = arith.subi %div3A_1125, %sub3A_1151 : vector<16xi32>
          %select_n3A_1153 = arith.select %and3A_1149, %sub3A_1152, %div3A_1125 : vector<16xi1>, vector<16xi32>
          %mul3A_1154 = arith.constant 432 : i32
          %mul3A_1155 = vector.broadcast %mul3A_1154 : i32 to vector<16xi32>
          %mul3A_1156 = arith.muli %select_n3A_1153, %mul3A_1155 : vector<16xi32>
          %sub3A_1157 = arith.subi %select_n3A_1122, %mul3A_1156 : vector<16xi32>
          %broadcast_in_dim3A_1158 = arith.constant 0 : i32
          %broadcast_in_dim3A_1159 = vector.broadcast %broadcast_in_dim3A_1158 : i32 to vector<16xi32>
          tpu.vector_store_idx %arg12[%broadcast_in_dim3A_1159, %select_n3A_1153, %sub3A_1157], %broadcast_in_dim3A_22 masked %and3A_1115 : memref<8x8x432xf32, #tpu.memory_space<vmem>>[vector<16xi32>, vector<16xi32>, vector<16xi32>], vector<16xf32>, vector<16xi1>
          %broadcast_in_dim3A_1160 = arith.constant 1 : i32
          %broadcast_in_dim3A_1161 = vector.broadcast %broadcast_in_dim3A_1160 : i32 to vector<16xi32>
          tpu.vector_store_idx %arg12[%broadcast_in_dim3A_1161, %select_n3A_1153, %sub3A_1157], %broadcast_in_dim3A_22 masked %and3A_1115 : memref<8x8x432xf32, #tpu.memory_space<vmem>>[vector<16xi32>, vector<16xi32>, vector<16xi32>], vector<16xf32>, vector<16xi1>
          %broadcast_in_dim3A_1162 = arith.constant 2 : i32
          %broadcast_in_dim3A_1163 = vector.broadcast %broadcast_in_dim3A_1162 : i32 to vector<16xi32>
          tpu.vector_store_idx %arg12[%broadcast_in_dim3A_1163, %select_n3A_1153, %sub3A_1157], %broadcast_in_dim3A_22 masked %and3A_1115 : memref<8x8x432xf32, #tpu.memory_space<vmem>>[vector<16xi32>, vector<16xi32>, vector<16xi32>], vector<16xf32>, vector<16xi1>
          %broadcast_in_dim3A_1164 = arith.constant 3 : i32
          %broadcast_in_dim3A_1165 = vector.broadcast %broadcast_in_dim3A_1164 : i32 to vector<16xi32>
          tpu.vector_store_idx %arg12[%broadcast_in_dim3A_1165, %select_n3A_1153, %sub3A_1157], %broadcast_in_dim3A_22 masked %and3A_1115 : memref<8x8x432xf32, #tpu.memory_space<vmem>>[vector<16xi32>, vector<16xi32>, vector<16xi32>], vector<16xf32>, vector<16xi1>
          %broadcast_in_dim3A_1166 = arith.constant 4 : i32
          %broadcast_in_dim3A_1167 = vector.broadcast %broadcast_in_dim3A_1166 : i32 to vector<16xi32>
          tpu.vector_store_idx %arg12[%broadcast_in_dim3A_1167, %select_n3A_1153, %sub3A_1157], %broadcast_in_dim3A_22 masked %and3A_1115 : memref<8x8x432xf32, #tpu.memory_space<vmem>>[vector<16xi32>, vector<16xi32>, vector<16xi32>], vector<16xf32>, vector<16xi1>
          %broadcast_in_dim3A_1168 = arith.constant 5 : i32
          %broadcast_in_dim3A_1169 = vector.broadcast %broadcast_in_dim3A_1168 : i32 to vector<16xi32>
          tpu.vector_store_idx %arg12[%broadcast_in_dim3A_1169, %select_n3A_1153, %sub3A_1157], %broadcast_in_dim3A_22 masked %and3A_1115 : memref<8x8x432xf32, #tpu.memory_space<vmem>>[vector<16xi32>, vector<16xi32>, vector<16xi32>], vector<16xf32>, vector<16xi1>
          %broadcast_in_dim3A_1170 = arith.constant 6 : i32
          %broadcast_in_dim3A_1171 = vector.broadcast %broadcast_in_dim3A_1170 : i32 to vector<16xi32>
          tpu.vector_store_idx %arg12[%broadcast_in_dim3A_1171, %select_n3A_1153, %sub3A_1157], %broadcast_in_dim3A_22 masked %and3A_1115 : memref<8x8x432xf32, #tpu.memory_space<vmem>>[vector<16xi32>, vector<16xi32>, vector<16xi32>], vector<16xf32>, vector<16xi1>
          %broadcast_in_dim3A_1172 = arith.constant 7 : i32
          %broadcast_in_dim3A_1173 = vector.broadcast %broadcast_in_dim3A_1172 : i32 to vector<16xi32>
          tpu.vector_store_idx %arg12[%broadcast_in_dim3A_1173, %select_n3A_1153, %sub3A_1157], %broadcast_in_dim3A_22 masked %and3A_1115 : memref<8x8x432xf32, #tpu.memory_space<vmem>>[vector<16xi32>, vector<16xi32>, vector<16xi32>], vector<16xf32>, vector<16xi1>
        }
        %while3A_1105 = arith.constant 1 : i32
        scf.for %while3A_1106 = %while3A_1103 to %while3A_1099 step %while3A_1105  : i32 {
          %mul3A_1107 = arith.constant 16 : i32
          %mul3A_1108 = arith.muli %while3A_1106, %mul3A_1107 : i32
          %add3A_1109 = arith.addi %mul3A_1068, %mul3A_1108 : i32
          %get3A = arith.index_cast %add3A_1109 : i32 to index
          %get3A_1110 = tpu.vector_load %arg10[%get3A] {strides = array<i32>} : memref<12032xi32, #tpu.memory_space<vmem>>, vector<16xi32>,
          %add3A_1111 = vector.broadcast %add3A_1109 : i32 to vector<16xi32>
          %add3A_1112 = arith.addi %add3A_1111, %iota3A : vector<16xi32>
          %ge3A = vector.broadcast %scan3A_411 : i32 to vector<16xi32>
          %ge3A_1113 = arith.cmpi sge, %add3A_1112, %ge3A : vector<16xi32>
          %lt3A = vector.broadcast %scan3A_412 : i32 to vector<16xi32>
          %lt3A_1114 = arith.cmpi slt, %add3A_1112, %lt3A : vector<16xi32>
          %and3A_1115 = arith.andi %ge3A_1113, %lt3A_1114 : vector<16xi1>
          %mul3A_1116 = arith.constant 3456 : i32
          %mul3A_1117 = arith.muli %sub3A_1042, %mul3A_1116 : i32
          %sub3A_1118 = vector.broadcast %mul3A_1117 : i32 to vector<16xi32>
          %sub3A_1119 = arith.subi %get3A_1110, %sub3A_1118 : vector<16xi32>
          %jit3A_1120 = arith.constant 0 : i32
          %broadcast_in_dim3A_1121 = vector.broadcast %jit3A_1120 : i32 to vector<16xi32>
          %select_n3A_1122 = arith.select %and3A_1115, %sub3A_1119, %broadcast_in_dim3A_1121 : vector<16xi1>, vector<16xi32>
          %jit3A_1123 = arith.constant 432 : i32
          %div3A_1124 = vector.broadcast %jit3A_1123 : i32 to vector<16xi32>
          %div3A_1125 = arith.divsi %select_n3A_1122, %div3A_1124 : vector<16xi32>
          %sign3A_1126 = arith.constant 0 : i32
          %sign3A_1127 = vector.broadcast %sign3A_1126 : i32 to vector<16xi32>
          %sign3A_1128 = arith.cmpi sgt, %select_n3A_1122, %sign3A_1127 : vector<16xi32>
          %sign3A_1129 = arith.extui %sign3A_1128 : vector<16xi1> to vector<16xi32>
          %sign3A_1130 = arith.constant 0 : i32
          %sign3A_1131 = vector.broadcast %sign3A_1130 : i32 to vector<16xi32>
          %sign3A_1132 = arith.cmpi slt, %select_n3A_1122, %sign3A_1131 : vector<16xi32>
          %sign3A_1133 = arith.extui %sign3A_1132 : vector<16xi1> to vector<16xi32>
          %sign3A_1134 = arith.subi %sign3A_1129, %sign3A_1133 : vector<16xi32>
          %sign3A_1135 = arith.constant 0 : i32
          %sign3A_1136 = arith.cmpi sgt, %jit3A_1123, %sign3A_1135 : i32
          %sign3A_1137 = arith.extui %sign3A_1136 : i1 to i32
          %sign3A_1138 = arith.constant 0 : i32
          %sign3A_1139 = arith.cmpi slt, %jit3A_1123, %sign3A_1138 : i32
          %sign3A_1140 = arith.extui %sign3A_1139 : i1 to i32
          %sign3A_1141 = arith.subi %sign3A_1137, %sign3A_1140 : i32
          %ne3A_1142 = vector.broadcast %sign3A_1141 : i32 to vector<16xi32>
          %ne3A_1143 = arith.cmpi ne, %sign3A_1134, %ne3A_1142 : vector<16xi32>
          %rem3A_1144 = vector.broadcast %jit3A_1123 : i32 to vector<16xi32>
          %rem3A_1145 = arith.remsi %select_n3A_1122, %rem3A_1144 : vector<16xi32>
          %ne3A_1146 = arith.constant 0 : i32
          %ne3A_1147 = vector.broadcast %ne3A_1146 : i32 to vector<16xi32>
          %ne3A_1148 = arith.cmpi ne, %rem3A_1145, %ne3A_1147 : vector<16xi32>
          %and3A_1149 = arith.andi %ne3A_1143, %ne3A_1148 : vector<16xi1>
          %sub3A_1150 = arith.constant 1 : i32
          %sub3A_1151 = vector.broadcast %sub3A_1150 : i32 to vector<16xi32>
          %sub3A_1152 = arith.subi %div3A_1125, %sub3A_1151 : vector<16xi32>
          %select_n3A_1153 = arith.select %and3A_1149, %sub3A_1152, %div3A_1125 : vector<16xi1>, vector<16xi32>
          %mul3A_1154 = arith.constant 432 : i32
          %mul3A_1155 = vector.broadcast %mul3A_1154 : i32 to vector<16xi32>
          %mul3A_1156 = arith.muli %select_n3A_1153, %mul3A_1155 : vector<16xi32>
          %sub3A_1157 = arith.subi %select_n3A_1122, %mul3A_1156 : vector<16xi32>
          %broadcast_in_dim3A_1158 = arith.constant 0 : i32
          %broadcast_in_dim3A_1159 = vector.broadcast %broadcast_in_dim3A_1158 : i32 to vector<16xi32>
          tpu.vector_store_idx %arg12[%broadcast_in_dim3A_1159, %select_n3A_1153, %sub3A_1157], %broadcast_in_dim3A_22 masked %and3A_1115 : memref<8x8x432xf32, #tpu.memory_space<vmem>>[vector<16xi32>, vector<16xi32>, vector<16xi32>], vector<16xf32>, vector<16xi1>
          %broadcast_in_dim3A_1160 = arith.constant 1 : i32
          %broadcast_in_dim3A_1161 = vector.broadcast %broadcast_in_dim3A_1160 : i32 to vector<16xi32>
          tpu.vector_store_idx %arg12[%broadcast_in_dim3A_1161, %select_n3A_1153, %sub3A_1157], %broadcast_in_dim3A_22 masked %and3A_1115 : memref<8x8x432xf32, #tpu.memory_space<vmem>>[vector<16xi32>, vector<16xi32>, vector<16xi32>], vector<16xf32>, vector<16xi1>
          %broadcast_in_dim3A_1162 = arith.constant 2 : i32
          %broadcast_in_dim3A_1163 = vector.broadcast %broadcast_in_dim3A_1162 : i32 to vector<16xi32>
          tpu.vector_store_idx %arg12[%broadcast_in_dim3A_1163, %select_n3A_1153, %sub3A_1157], %broadcast_in_dim3A_22 masked %and3A_1115 : memref<8x8x432xf32, #tpu.memory_space<vmem>>[vector<16xi32>, vector<16xi32>, vector<16xi32>], vector<16xf32>, vector<16xi1>
          %broadcast_in_dim3A_1164 = arith.constant 3 : i32
          %broadcast_in_dim3A_1165 = vector.broadcast %broadcast_in_dim3A_1164 : i32 to vector<16xi32>
          tpu.vector_store_idx %arg12[%broadcast_in_dim3A_1165, %select_n3A_1153, %sub3A_1157], %broadcast_in_dim3A_22 masked %and3A_1115 : memref<8x8x432xf32, #tpu.memory_space<vmem>>[vector<16xi32>, vector<16xi32>, vector<16xi32>], vector<16xf32>, vector<16xi1>
          %broadcast_in_dim3A_1166 = arith.constant 4 : i32
          %broadcast_in_dim3A_1167 = vector.broadcast %broadcast_in_dim3A_1166 : i32 to vector<16xi32>
          tpu.vector_store_idx %arg12[%broadcast_in_dim3A_1167, %select_n3A_1153, %sub3A_1157], %broadcast_in_dim3A_22 masked %and3A_1115 : memref<8x8x432xf32, #tpu.memory_space<vmem>>[vector<16xi32>, vector<16xi32>, vector<16xi32>], vector<16xf32>, vector<16xi1>
          %broadcast_in_dim3A_1168 = arith.constant 5 : i32
          %broadcast_in_dim3A_1169 = vector.broadcast %broadcast_in_dim3A_1168 : i32 to vector<16xi32>
          tpu.vector_store_idx %arg12[%broadcast_in_dim3A_1169, %select_n3A_1153, %sub3A_1157], %broadcast_in_dim3A_22 masked %and3A_1115 : memref<8x8x432xf32, #tpu.memory_space<vmem>>[vector<16xi32>, vector<16xi32>, vector<16xi32>], vector<16xf32>, vector<16xi1>
          %broadcast_in_dim3A_1170 = arith.constant 6 : i32
          %broadcast_in_dim3A_1171 = vector.broadcast %broadcast_in_dim3A_1170 : i32 to vector<16xi32>
          tpu.vector_store_idx %arg12[%broadcast_in_dim3A_1171, %select_n3A_1153, %sub3A_1157], %broadcast_in_dim3A_22 masked %and3A_1115 : memref<8x8x432xf32, #tpu.memory_space<vmem>>[vector<16xi32>, vector<16xi32>, vector<16xi32>], vector<16xf32>, vector<16xi1>
          %broadcast_in_dim3A_1172 = arith.constant 7 : i32
          %broadcast_in_dim3A_1173 = vector.broadcast %broadcast_in_dim3A_1172 : i32 to vector<16xi32>
          tpu.vector_store_idx %arg12[%broadcast_in_dim3A_1173, %select_n3A_1153, %sub3A_1157], %broadcast_in_dim3A_22 masked %and3A_1115 : memref<8x8x432xf32, #tpu.memory_space<vmem>>[vector<16xi32>, vector<16xi32>, vector<16xi32>], vector<16xf32>, vector<16xi1>
        }
      } else {
      }
      %jit3A_434 = arith.constant 16 : i32
      %div3A_435 = arith.divsi %scan3A_410, %jit3A_434 : i32
      %sign3A_436 = arith.constant 0 : i32
      %sign3A_437 = arith.cmpi sgt, %scan3A_410, %sign3A_436 : i32
      %sign3A_438 = arith.extui %sign3A_437 : i1 to i32
      %sign3A_439 = arith.constant 0 : i32
      %sign3A_440 = arith.cmpi slt, %scan3A_410, %sign3A_439 : i32
      %sign3A_441 = arith.extui %sign3A_440 : i1 to i32
      %sign3A_442 = arith.subi %sign3A_438, %sign3A_441 : i32
      %sign3A_443 = arith.constant 0 : i32
      %sign3A_444 = arith.cmpi sgt, %jit3A_434, %sign3A_443 : i32
      %sign3A_445 = arith.extui %sign3A_444 : i1 to i32
      %sign3A_446 = arith.constant 0 : i32
      %sign3A_447 = arith.cmpi slt, %jit3A_434, %sign3A_446 : i32
      %sign3A_448 = arith.extui %sign3A_447 : i1 to i32
      %sign3A_449 = arith.subi %sign3A_445, %sign3A_448 : i32
      %ne3A_450 = arith.cmpi ne, %sign3A_442, %sign3A_449 : i32
      %rem3A_451 = arith.remsi %scan3A_410, %jit3A_434 : i32
      %ne3A_452 = arith.constant 0 : i32
      %ne3A_453 = arith.cmpi ne, %rem3A_451, %ne3A_452 : i32
      %and3A_454 = arith.andi %ne3A_450, %ne3A_453 : i1
      %sub3A_455 = arith.constant 1 : i32
      %sub3A_456 = arith.subi %div3A_435, %sub3A_455 : i32
      %select_n3A_457 = arith.select %and3A_454, %sub3A_456, %div3A_435 : i32
      %gt3A_458 = arith.cmpi sgt, %scan3A_430#0, %scan3A_410 : i32
      %add3A_459 = arith.constant 15 : i32
      %add3A_460 = arith.addi %scan3A_430#0, %add3A_459 : i32
      %jit3A_461 = arith.constant 16 : i32
      %div3A_462 = arith.divsi %add3A_460, %jit3A_461 : i32
      %sign3A_463 = arith.constant 0 : i32
      %sign3A_464 = arith.cmpi sgt, %add3A_460, %sign3A_463 : i32
      %sign3A_465 = arith.extui %sign3A_464 : i1 to i32
      %sign3A_466 = arith.constant 0 : i32
      %sign3A_467 = arith.cmpi slt, %add3A_460, %sign3A_466 : i32
      %sign3A_468 = arith.extui %sign3A_467 : i1 to i32
      %sign3A_469 = arith.subi %sign3A_465, %sign3A_468 : i32
      %sign3A_470 = arith.constant 0 : i32
      %sign3A_471 = arith.cmpi sgt, %jit3A_461, %sign3A_470 : i32
      %sign3A_472 = arith.extui %sign3A_471 : i1 to i32
      %sign3A_473 = arith.constant 0 : i32
      %sign3A_474 = arith.cmpi slt, %jit3A_461, %sign3A_473 : i32
      %sign3A_475 = arith.extui %sign3A_474 : i1 to i32
      %sign3A_476 = arith.subi %sign3A_472, %sign3A_475 : i32
      %ne3A_477 = arith.cmpi ne, %sign3A_469, %sign3A_476 : i32
      %rem3A_478 = arith.remsi %add3A_460, %jit3A_461 : i32
      %ne3A_479 = arith.constant 0 : i32
      %ne3A_480 = arith.cmpi ne, %rem3A_478, %ne3A_479 : i32
      %and3A_481 = arith.andi %ne3A_477, %ne3A_480 : i1
      %sub3A_482 = arith.constant 1 : i32
      %sub3A_483 = arith.subi %div3A_462, %sub3A_482 : i32
      %select_n3A_484 = arith.select %and3A_481, %sub3A_483, %div3A_462 : i32
      %sub3A_485 = arith.subi %select_n3A_484, %select_n3A_457 : i32
      %jit3A_486 = arith.constant 0 : i32
      %select_n3A_487 = arith.select %gt3A_458, %sub3A_485, %jit3A_486 : i32
      %while3A = arith.constant 0 : i32
      %while3A_488 = arith.subi %select_n3A_487, %while3A : i32
      %while3A_489 = arith.addi %while3A, %while3A_488 : i32
      %while3A_490 = arith.constant 1 : i32
      %while3A_491 = arith.divsi %while3A_488, %while3A_490 : i32
      %while3A_492 = arith.muli %while3A_491, %while3A_490 : i32
      %while3A_493 = arith.addi %while3A, %while3A_492 : i32
      %while3A_494 = arith.constant 1 : i32
      %while3A_495:2 = scf.for %while3A_887 = %while3A to %while3A_493 step %while3A_494 iter_args(%while3A_888 = %scan3A_415, %while3A_889 = %scan3A_416) -> (i32, i32)  : i32 {
        %add3A_890 = arith.addi %select_n3A_457, %while3A_887 : i32
        %lt3A = arith.cmpi slt, %while3A_888, %select_n3A_86 : i32
        %add3A_891 = arith.constant 7 : i32
        %add3A_892 = arith.addi %add3A_890, %add3A_891 : i32
        %le3A = arith.cmpi sle, %while3A_888, %add3A_892 : i32
        %and3A_893 = arith.andi %lt3A, %le3A : i1
        %convert_element_type3A_894 = arith.extui %and3A_893 : i1 to i32
        %cond3A_895 = arith.constant 0 : i32
        %cond3A_896 = arith.cmpi ne, %convert_element_type3A_894, %cond3A_895 : i32
        scf.if %cond3A_896 {
          %mul3A_1059 = arith.constant 16 : i32
          %mul3A_1060 = arith.muli %while3A_888, %mul3A_1059 : i32
          %get3A_1061 = arith.index_cast %mul3A_1060 : i32 to index
          %get3A_1062 = tpu.vector_load %arg9[%get3A_1061] {strides = array<i32>} : memref<12032xi32, #tpu.memory_space<vmem>>, vector<16xi32>,
          %mul3A_1063 = arith.constant 16 : i32
          %mul3A_1064 = arith.muli %while3A_888, %mul3A_1063 : i32
          %add3A_1065 = vector.broadcast %mul3A_1064 : i32 to vector<16xi32>
          %add3A_1066 = arith.addi %add3A_1065, %iota3A : vector<16xi32>
          %lt3A_1067 = vector.broadcast %scan3A_56 : i32 to vector<16xi32>
          %lt3A_1068 = arith.cmpi slt, %add3A_1066, %lt3A_1067 : vector<16xi32>
          %jit3A_1069 = arith.constant 0 : i32
          %broadcast_in_dim3A_1070 = vector.broadcast %jit3A_1069 : i32 to vector<16xi32>
          %select_n3A_1071 = arith.select %lt3A_1068, %get3A_1062, %broadcast_in_dim3A_1070 : vector<16xi1>, vector<16xi32>
          %gather3A_1072 = tpu.vector_load_idx %arg8[%select_n3A_1071] : memref<12000xi32, #tpu.memory_space<vmem>>[vector<16xi32>], vector<16xi32>,
          %jit3A_1073 = arith.constant 8 : i32
          %eq3A_1074 = arith.constant 0 : i32
          %eq3A_1075 = arith.cmpi eq, %jit3A_1073, %eq3A_1074 : i32
          %jit3A_1076 = arith.constant 1 : i32
          %select_n3A_1077 = arith.select %eq3A_1075, %jit3A_1076, %jit3A_1073 : i32
          %rem3A_1078 = arith.remsi %while3A_888, %select_n3A_1077 : i32
          %ne3A_1079 = arith.constant 0 : i32
          %ne3A_1080 = arith.cmpi ne, %rem3A_1078, %ne3A_1079 : i32
          %lt3A_1081 = arith.constant 0 : i32
          %lt3A_1082 = arith.cmpi slt, %rem3A_1078, %lt3A_1081 : i32
          %lt3A_1083 = arith.constant 0 : i32
          %lt3A_1084 = arith.cmpi slt, %select_n3A_1077, %lt3A_1083 : i32
          %ne3A_1085 = arith.xori %lt3A_1082, %lt3A_1084 : i1
          %and3A_1086 = arith.andi %ne3A_1085, %ne3A_1080 : i1
          %add3A_1087 = arith.addi %rem3A_1078, %select_n3A_1077 : i32
          %select_n3A_1088 = arith.select %and3A_1086, %add3A_1087, %rem3A_1078 : i32
          %jit3A_1089 = arith.constant 2 : i32
          %div3A_1090 = vector.broadcast %jit3A_1089 : i32 to vector<16xi32>
          %div3A_1091 = arith.divsi %gather3A_1072, %div3A_1090 : vector<16xi32>
          %sign3A_1092 = arith.constant 0 : i32
          %sign3A_1093 = vector.broadcast %sign3A_1092 : i32 to vector<16xi32>
          %sign3A_1094 = arith.cmpi sgt, %gather3A_1072, %sign3A_1093 : vector<16xi32>
          %sign3A_1095 = arith.extui %sign3A_1094 : vector<16xi1> to vector<16xi32>
          %sign3A_1096 = arith.constant 0 : i32
          %sign3A_1097 = vector.broadcast %sign3A_1096 : i32 to vector<16xi32>
          %sign3A_1098 = arith.cmpi slt, %gather3A_1072, %sign3A_1097 : vector<16xi32>
          %sign3A_1099 = arith.extui %sign3A_1098 : vector<16xi1> to vector<16xi32>
          %sign3A_1100 = arith.subi %sign3A_1095, %sign3A_1099 : vector<16xi32>
          %sign3A_1101 = arith.constant 0 : i32
          %sign3A_1102 = arith.cmpi sgt, %jit3A_1089, %sign3A_1101 : i32
          %sign3A_1103 = arith.extui %sign3A_1102 : i1 to i32
          %sign3A_1104 = arith.constant 0 : i32
          %sign3A_1105 = arith.cmpi slt, %jit3A_1089, %sign3A_1104 : i32
          %sign3A_1106 = arith.extui %sign3A_1105 : i1 to i32
          %sign3A_1107 = arith.subi %sign3A_1103, %sign3A_1106 : i32
          %ne3A_1108 = vector.broadcast %sign3A_1107 : i32 to vector<16xi32>
          %ne3A_1109 = arith.cmpi ne, %sign3A_1100, %ne3A_1108 : vector<16xi32>
          %rem3A_1110 = vector.broadcast %jit3A_1089 : i32 to vector<16xi32>
          %rem3A_1111 = arith.remsi %gather3A_1072, %rem3A_1110 : vector<16xi32>
          %ne3A_1112 = arith.constant 0 : i32
          %ne3A_1113 = vector.broadcast %ne3A_1112 : i32 to vector<16xi32>
          %ne3A_1114 = arith.cmpi ne, %rem3A_1111, %ne3A_1113 : vector<16xi32>
          %and3A_1115 = arith.andi %ne3A_1109, %ne3A_1114 : vector<16xi1>
          %sub3A_1116 = arith.constant 1 : i32
          %sub3A_1117 = vector.broadcast %sub3A_1116 : i32 to vector<16xi32>
          %sub3A_1118 = arith.subi %div3A_1091, %sub3A_1117 : vector<16xi32>
          %select_n3A_1119 = arith.select %and3A_1115, %sub3A_1118, %div3A_1091 : vector<16xi1>, vector<16xi32>
          %dma_start3A_1120 = arith.constant 0 : i32
          %dma_start3A_1121 = arith.constant 0 : i32
          %dma_start3A_1122 = tpu.memref_slice %arg11[%select_n3A_1088, %dma_start3A_1120, %dma_start3A_1121] : memref<8x16x128xf32, #tpu.memory_space<vmem>> -> memref<1x16x128xf32, #tpu.memory_space<vmem>>
          %dma_start3A_1123 = tpu.memref_squeeze %dma_start3A_1122 : memref<1x16x128xf32, #tpu.memory_space<vmem>> -> memref<16x128xf32, #tpu.memory_space<vmem>>
          %dma_start3A_1124 = arith.constant 0 : i32
          %dma_start3A_1125 = arith.constant 0 : i32
          %dma_start3A_1126 = tpu.memref_slice %arg3[%dma_start3A_1124, %dma_start3A_1125] : memref<20000x128xf32, #tpu.memory_space<hbm>> -> memref<20000x128xf32, #tpu.memory_space<hbm>>
          %dma_start3A_1127 = tpu.memref_slice %arg16[%select_n3A_1088] : memref<8x!tpu.dma_semaphore, #tpu.memory_space<semaphore_mem>> -> memref<1x!tpu.dma_semaphore, #tpu.memory_space<semaphore_mem>>
          %dma_start3A_1128 = tpu.memref_squeeze %dma_start3A_1127 : memref<1x!tpu.dma_semaphore, #tpu.memory_space<semaphore_mem>> -> memref<!tpu.dma_semaphore, #tpu.memory_space<semaphore_mem>>
          tpu.enqueue_indirect_dma source(%dma_start3A_1126 : memref<20000x128xf32, #tpu.memory_space<hbm>>) target(%dma_start3A_1123 : memref<16x128xf32, #tpu.memory_space<vmem>>) offsets(%select_n3A_1119 : vector<16xi32>) semaphore(%dma_start3A_1128 : memref<!tpu.dma_semaphore, #tpu.memory_space<semaphore_mem>>)
        } else {
        }
        %jit3A_897 = arith.constant 1 : i32
        %jit3A_898 = arith.constant 0 : i32
        %select_n3A_899 = arith.select %and3A_893, %jit3A_897, %jit3A_898 : i32
        %add3A_900 = arith.addi %while3A_888, %select_n3A_899 : i32
        %gt3A_901 = arith.cmpi sgt, %add3A_890, %while3A_889 : i32
        %convert_element_type3A_902 = arith.extui %gt3A_901 : i1 to i32
        %cond3A_903 = arith.constant 0 : i32
        %cond3A_904 = arith.cmpi ne, %convert_element_type3A_902, %cond3A_903 : i32
        scf.if %cond3A_904 {
          %jit3A_1059 = arith.constant 8 : i32
          %eq3A_1060 = arith.constant 0 : i32
          %eq3A_1061 = arith.cmpi eq, %jit3A_1059, %eq3A_1060 : i32
          %jit3A_1062 = arith.constant 1 : i32
          %select_n3A_1063 = arith.select %eq3A_1061, %jit3A_1062, %jit3A_1059 : i32
          %rem3A_1064 = arith.remsi %add3A_890, %select_n3A_1063 : i32
          %ne3A_1065 = arith.constant 0 : i32
          %ne3A_1066 = arith.cmpi ne, %rem3A_1064, %ne3A_1065 : i32
          %lt3A_1067 = arith.constant 0 : i32
          %lt3A_1068 = arith.cmpi slt, %rem3A_1064, %lt3A_1067 : i32
          %lt3A_1069 = arith.constant 0 : i32
          %lt3A_1070 = arith.cmpi slt, %select_n3A_1063, %lt3A_1069 : i32
          %ne3A_1071 = arith.xori %lt3A_1068, %lt3A_1070 : i1
          %and3A_1072 = arith.andi %ne3A_1071, %ne3A_1066 : i1
          %add3A_1073 = arith.addi %rem3A_1064, %select_n3A_1063 : i32
          %select_n3A_1074 = arith.select %and3A_1072, %add3A_1073, %rem3A_1064 : i32
          %dma_wait3A_1075 = arith.constant 0 : i32
          %dma_wait3A_1076 = arith.constant 0 : i32
          %dma_wait3A_1077 = tpu.memref_slice %arg11[%select_n3A_1074, %dma_wait3A_1075, %dma_wait3A_1076] : memref<8x16x128xf32, #tpu.memory_space<vmem>> -> memref<1x16x128xf32, #tpu.memory_space<vmem>>
          %dma_wait3A_1078 = tpu.memref_squeeze %dma_wait3A_1077 : memref<1x16x128xf32, #tpu.memory_space<vmem>> -> memref<16x128xf32, #tpu.memory_space<vmem>>
          %dma_wait3A_1079 = arith.constant 0 : i32
          %dma_wait3A_1080 = arith.constant 0 : i32
          %dma_wait3A_1081 = tpu.memref_slice %arg3[%dma_wait3A_1079, %dma_wait3A_1080] : memref<20000x128xf32, #tpu.memory_space<hbm>> -> memref<16x128xf32, #tpu.memory_space<hbm>>
          %dma_wait3A_1082 = tpu.memref_slice %arg16[%select_n3A_1074] : memref<8x!tpu.dma_semaphore, #tpu.memory_space<semaphore_mem>> -> memref<1x!tpu.dma_semaphore, #tpu.memory_space<semaphore_mem>>
          %dma_wait3A_1083 = tpu.memref_squeeze %dma_wait3A_1082 : memref<1x!tpu.dma_semaphore, #tpu.memory_space<semaphore_mem>> -> memref<!tpu.dma_semaphore, #tpu.memory_space<semaphore_mem>>
          %dma_wait3A_1084 = arith.constant 0 : i32
          %dma_wait3A_1085 = arith.constant 0 : i32
          %dma_wait3A_1086 = tpu.memref_slice %arg11[%select_n3A_1074, %dma_wait3A_1084, %dma_wait3A_1085] : memref<8x16x128xf32, #tpu.memory_space<vmem>> -> memref<1x16x128xf32, #tpu.memory_space<vmem>>
          %dma_wait3A_1087 = tpu.memref_squeeze %dma_wait3A_1086 : memref<1x16x128xf32, #tpu.memory_space<vmem>> -> memref<16x128xf32, #tpu.memory_space<vmem>>
          %dma_wait3A_1088 = arith.constant 0 : i32
          %dma_wait3A_1089 = arith.constant 0 : i32
          %dma_wait3A_1090 = tpu.memref_slice %arg3[%dma_wait3A_1088, %dma_wait3A_1089] : memref<20000x128xf32, #tpu.memory_space<hbm>> -> memref<16x128xf32, #tpu.memory_space<hbm>>
          tpu.wait_dma2 semaphore(%dma_wait3A_1083 : memref<!tpu.dma_semaphore, #tpu.memory_space<semaphore_mem>>) src(%dma_wait3A_1090 : memref<16x128xf32, #tpu.memory_space<hbm>>) dst(%dma_wait3A_1087 : memref<16x128xf32, #tpu.memory_space<vmem>>)
        } else {
        }
        %max3A_905 = arith.maxsi %while3A_889, %add3A_890 : i32
        %mul3A_906 = arith.constant 16 : i32
        %mul3A_907 = arith.muli %add3A_890, %mul3A_906 : i32
        %get3A = arith.index_cast %mul3A_907 : i32 to index
        %get3A_908 = tpu.vector_load %arg10[%get3A] {strides = array<i32>} : memref<12032xi32, #tpu.memory_space<vmem>>, vector<16xi32>,
        %get3A_909 = arith.index_cast %mul3A_907 : i32 to index
        %get3A_910 = tpu.vector_load %arg9[%get3A_909] {strides = array<i32>} : memref<12032xi32, #tpu.memory_space<vmem>>, vector<16xi32>,
        %add3A_911 = vector.broadcast %mul3A_907 : i32 to vector<16xi32>
        %add3A_912 = arith.addi %add3A_911, %iota3A : vector<16xi32>
        %ge3A = vector.broadcast %scan3A_410 : i32 to vector<16xi32>
        %ge3A_913 = arith.cmpi sge, %add3A_912, %ge3A : vector<16xi32>
        %lt3A_914 = vector.broadcast %scan3A_430#0 : i32 to vector<16xi32>
        %lt3A_915 = arith.cmpi slt, %add3A_912, %lt3A_914 : vector<16xi32>
        %and3A_916 = arith.andi %ge3A_913, %lt3A_915 : vector<16xi1>
        %jit3A_917 = arith.constant 0 : i32
        %broadcast_in_dim3A_918 = vector.broadcast %jit3A_917 : i32 to vector<16xi32>
        %select_n3A_919 = arith.select %and3A_916, %get3A_910, %broadcast_in_dim3A_918 : vector<16xi1>, vector<16xi32>
        %gather3A = tpu.vector_load_idx %arg8[%select_n3A_919] : memref<12000xi32, #tpu.memory_space<vmem>>[vector<16xi32>], vector<16xi32>,
        %jit3A_920 = arith.constant 2 : i32
        %eq3A = arith.constant 0 : i32
        %eq3A_921 = arith.cmpi eq, %jit3A_920, %eq3A : i32
        %jit3A_922 = arith.constant 1 : i32
        %select_n3A_923 = arith.select %eq3A_921, %jit3A_922, %jit3A_920 : i32
        %rem3A_924 = vector.broadcast %select_n3A_923 : i32 to vector<16xi32>
        %rem3A_925 = arith.remsi %gather3A, %rem3A_924 : vector<16xi32>
        %ne3A_926 = arith.constant 0 : i32
        %ne3A_927 = vector.broadcast %ne3A_926 : i32 to vector<16xi32>
        %ne3A_928 = arith.cmpi ne, %rem3A_925, %ne3A_927 : vector<16xi32>
        %lt3A_929 = arith.constant 0 : i32
        %lt3A_930 = vector.broadcast %lt3A_929 : i32 to vector<16xi32>
        %lt3A_931 = arith.cmpi slt, %rem3A_925, %lt3A_930 : vector<16xi32>
        %lt3A_932 = arith.constant 0 : i32
        %lt3A_933 = arith.cmpi slt, %select_n3A_923, %lt3A_932 : i32
        %ne3A_934 = vector.broadcast %lt3A_933 : i1 to vector<16xi1>
        %ne3A_935 = vector.broadcast %ne3A_934 : vector<16xi1> to vector<16xi1>
        %ne3A_936 = arith.xori %lt3A_931, %ne3A_935 : vector<16xi1>
        %and3A_937 = arith.andi %ne3A_936, %ne3A_928 : vector<16xi1>
        %add3A_938 = vector.broadcast %select_n3A_923 : i32 to vector<16xi32>
        %add3A_939 = arith.addi %rem3A_925, %add3A_938 : vector<16xi32>
        %select_n3A_940 = arith.select %and3A_937, %add3A_939, %rem3A_925 : vector<16xi1>, vector<16xi32>
        %mul3A_941 = arith.constant 64 : i32
        %mul3A_942 = vector.broadcast %mul3A_941 : i32 to vector<16xi32>
        %mul3A_943 = arith.muli %select_n3A_940, %mul3A_942 : vector<16xi32>
        %mul3A_944 = arith.constant 3456 : i32
        %mul3A_945 = arith.muli %add3A_420, %mul3A_944 : i32
        %sub3A_946 = vector.broadcast %mul3A_945 : i32 to vector<16xi32>
        %sub3A_947 = arith.subi %get3A_908, %sub3A_946 : vector<16xi32>
        %jit3A_948 = arith.constant 0 : i32
        %broadcast_in_dim3A_949 = vector.broadcast %jit3A_948 : i32 to vector<16xi32>
        %select_n3A_950 = arith.select %and3A_916, %sub3A_947, %broadcast_in_dim3A_949 : vector<16xi1>, vector<16xi32>
        %jit3A_951 = arith.constant 432 : i32
        %div3A_952 = vector.broadcast %jit3A_951 : i32 to vector<16xi32>
        %div3A_953 = arith.divsi %select_n3A_950, %div3A_952 : vector<16xi32>
        %sign3A_954 = arith.constant 0 : i32
        %sign3A_955 = vector.broadcast %sign3A_954 : i32 to vector<16xi32>
        %sign3A_956 = arith.cmpi sgt, %select_n3A_950, %sign3A_955 : vector<16xi32>
        %sign3A_957 = arith.extui %sign3A_956 : vector<16xi1> to vector<16xi32>
        %sign3A_958 = arith.constant 0 : i32
        %sign3A_959 = vector.broadcast %sign3A_958 : i32 to vector<16xi32>
        %sign3A_960 = arith.cmpi slt, %select_n3A_950, %sign3A_959 : vector<16xi32>
        %sign3A_961 = arith.extui %sign3A_960 : vector<16xi1> to vector<16xi32>
        %sign3A_962 = arith.subi %sign3A_957, %sign3A_961 : vector<16xi32>
        %sign3A_963 = arith.constant 0 : i32
        %sign3A_964 = arith.cmpi sgt, %jit3A_951, %sign3A_963 : i32
        %sign3A_965 = arith.extui %sign3A_964 : i1 to i32
        %sign3A_966 = arith.constant 0 : i32
        %sign3A_967 = arith.cmpi slt, %jit3A_951, %sign3A_966 : i32
        %sign3A_968 = arith.extui %sign3A_967 : i1 to i32
        %sign3A_969 = arith.subi %sign3A_965, %sign3A_968 : i32
        %ne3A_970 = vector.broadcast %sign3A_969 : i32 to vector<16xi32>
        %ne3A_971 = arith.cmpi ne, %sign3A_962, %ne3A_970 : vector<16xi32>
        %rem3A_972 = vector.broadcast %jit3A_951 : i32 to vector<16xi32>
        %rem3A_973 = arith.remsi %select_n3A_950, %rem3A_972 : vector<16xi32>
        %ne3A_974 = arith.constant 0 : i32
        %ne3A_975 = vector.broadcast %ne3A_974 : i32 to vector<16xi32>
        %ne3A_976 = arith.cmpi ne, %rem3A_973, %ne3A_975 : vector<16xi32>
        %and3A_977 = arith.andi %ne3A_971, %ne3A_976 : vector<16xi1>
        %sub3A_978 = arith.constant 1 : i32
        %sub3A_979 = vector.broadcast %sub3A_978 : i32 to vector<16xi32>
        %sub3A_980 = arith.subi %div3A_953, %sub3A_979 : vector<16xi32>
        %select_n3A_981 = arith.select %and3A_977, %sub3A_980, %div3A_953 : vector<16xi1>, vector<16xi32>
        %mul3A_982 = arith.constant 432 : i32
        %mul3A_983 = vector.broadcast %mul3A_982 : i32 to vector<16xi32>
        %mul3A_984 = arith.muli %select_n3A_981, %mul3A_983 : vector<16xi32>
        %sub3A_985 = arith.subi %select_n3A_950, %mul3A_984 : vector<16xi32>
        %jit3A_986 = arith.constant 8 : i32
        %eq3A_987 = arith.constant 0 : i32
        %eq3A_988 = arith.cmpi eq, %jit3A_986, %eq3A_987 : i32
        %jit3A_989 = arith.constant 1 : i32
        %select_n3A_990 = arith.select %eq3A_988, %jit3A_989, %jit3A_986 : i32
        %rem3A_991 = arith.remsi %add3A_890, %select_n3A_990 : i32
        %ne3A_992 = arith.constant 0 : i32
        %ne3A_993 = arith.cmpi ne, %rem3A_991, %ne3A_992 : i32
        %lt3A_994 = arith.constant 0 : i32
        %lt3A_995 = arith.cmpi slt, %rem3A_991, %lt3A_994 : i32
        %lt3A_996 = arith.constant 0 : i32
        %lt3A_997 = arith.cmpi slt, %select_n3A_990, %lt3A_996 : i32
        %ne3A_998 = arith.xori %lt3A_995, %lt3A_997 : i1
        %and3A_999 = arith.andi %ne3A_998, %ne3A_993 : i1
        %add3A_1000 = arith.addi %rem3A_991, %select_n3A_990 : i32
        %select_n3A_1001 = arith.select %and3A_999, %add3A_1000, %rem3A_991 : i32
        %broadcast_in_dim3A_1002 = vector.broadcast %select_n3A_1001 : i32 to vector<16xi32>
        %add3A_1003 = arith.constant 0 : i32
        %add3A_1004 = arith.addi %mul3A_21, %add3A_1003 : i32
        %broadcast_in_dim3A_1005 = vector.broadcast %add3A_1004 : i32 to vector<16xi32>
        %add3A_1006 = arith.addi %mul3A_943, %broadcast_in_dim3A_1005 : vector<16xi32>
        %gather3A_1007 = tpu.vector_load_idx %arg11[%broadcast_in_dim3A_1002, %iota3A, %add3A_1006] : memref<8x16x128xf32, #tpu.memory_space<vmem>>[vector<16xi32>, vector<16xi32>, vector<16xi32>], vector<16xf32>,
        %broadcast_in_dim3A_1008 = arith.constant 0 : i32
        %broadcast_in_dim3A_1009 = vector.broadcast %broadcast_in_dim3A_1008 : i32 to vector<16xi32>
        tpu.vector_store_idx %arg12[%broadcast_in_dim3A_1009, %select_n3A_981, %sub3A_985], %gather3A_1007 masked %and3A_916 : memref<8x8x432xf32, #tpu.memory_space<vmem>>[vector<16xi32>, vector<16xi32>, vector<16xi32>], vector<16xf32>, vector<16xi1>
        %add3A_1010 = arith.constant 1 : i32
        %add3A_1011 = arith.addi %mul3A_21, %add3A_1010 : i32
        %broadcast_in_dim3A_1012 = vector.broadcast %add3A_1011 : i32 to vector<16xi32>
        %add3A_1013 = arith.addi %mul3A_943, %broadcast_in_dim3A_1012 : vector<16xi32>
        %gather3A_1014 = tpu.vector_load_idx %arg11[%broadcast_in_dim3A_1002, %iota3A, %add3A_1013] : memref<8x16x128xf32, #tpu.memory_space<vmem>>[vector<16xi32>, vector<16xi32>, vector<16xi32>], vector<16xf32>,
        %broadcast_in_dim3A_1015 = arith.constant 1 : i32
        %broadcast_in_dim3A_1016 = vector.broadcast %broadcast_in_dim3A_1015 : i32 to vector<16xi32>
        tpu.vector_store_idx %arg12[%broadcast_in_dim3A_1016, %select_n3A_981, %sub3A_985], %gather3A_1014 masked %and3A_916 : memref<8x8x432xf32, #tpu.memory_space<vmem>>[vector<16xi32>, vector<16xi32>, vector<16xi32>], vector<16xf32>, vector<16xi1>
        %add3A_1017 = arith.constant 2 : i32
        %add3A_1018 = arith.addi %mul3A_21, %add3A_1017 : i32
        %broadcast_in_dim3A_1019 = vector.broadcast %add3A_1018 : i32 to vector<16xi32>
        %add3A_1020 = arith.addi %mul3A_943, %broadcast_in_dim3A_1019 : vector<16xi32>
        %gather3A_1021 = tpu.vector_load_idx %arg11[%broadcast_in_dim3A_1002, %iota3A, %add3A_1020] : memref<8x16x128xf32, #tpu.memory_space<vmem>>[vector<16xi32>, vector<16xi32>, vector<16xi32>], vector<16xf32>,
        %broadcast_in_dim3A_1022 = arith.constant 2 : i32
        %broadcast_in_dim3A_1023 = vector.broadcast %broadcast_in_dim3A_1022 : i32 to vector<16xi32>
        tpu.vector_store_idx %arg12[%broadcast_in_dim3A_1023, %select_n3A_981, %sub3A_985], %gather3A_1021 masked %and3A_916 : memref<8x8x432xf32, #tpu.memory_space<vmem>>[vector<16xi32>, vector<16xi32>, vector<16xi32>], vector<16xf32>, vector<16xi1>
        %add3A_1024 = arith.constant 3 : i32
        %add3A_1025 = arith.addi %mul3A_21, %add3A_1024 : i32
        %broadcast_in_dim3A_1026 = vector.broadcast %add3A_1025 : i32 to vector<16xi32>
        %add3A_1027 = arith.addi %mul3A_943, %broadcast_in_dim3A_1026 : vector<16xi32>
        %gather3A_1028 = tpu.vector_load_idx %arg11[%broadcast_in_dim3A_1002, %iota3A, %add3A_1027] : memref<8x16x128xf32, #tpu.memory_space<vmem>>[vector<16xi32>, vector<16xi32>, vector<16xi32>], vector<16xf32>,
        %broadcast_in_dim3A_1029 = arith.constant 3 : i32
        %broadcast_in_dim3A_1030 = vector.broadcast %broadcast_in_dim3A_1029 : i32 to vector<16xi32>
        tpu.vector_store_idx %arg12[%broadcast_in_dim3A_1030, %select_n3A_981, %sub3A_985], %gather3A_1028 masked %and3A_916 : memref<8x8x432xf32, #tpu.memory_space<vmem>>[vector<16xi32>, vector<16xi32>, vector<16xi32>], vector<16xf32>, vector<16xi1>
        %add3A_1031 = arith.constant 4 : i32
        %add3A_1032 = arith.addi %mul3A_21, %add3A_1031 : i32
        %broadcast_in_dim3A_1033 = vector.broadcast %add3A_1032 : i32 to vector<16xi32>
        %add3A_1034 = arith.addi %mul3A_943, %broadcast_in_dim3A_1033 : vector<16xi32>
        %gather3A_1035 = tpu.vector_load_idx %arg11[%broadcast_in_dim3A_1002, %iota3A, %add3A_1034] : memref<8x16x128xf32, #tpu.memory_space<vmem>>[vector<16xi32>, vector<16xi32>, vector<16xi32>], vector<16xf32>,
        %broadcast_in_dim3A_1036 = arith.constant 4 : i32
        %broadcast_in_dim3A_1037 = vector.broadcast %broadcast_in_dim3A_1036 : i32 to vector<16xi32>
        tpu.vector_store_idx %arg12[%broadcast_in_dim3A_1037, %select_n3A_981, %sub3A_985], %gather3A_1035 masked %and3A_916 : memref<8x8x432xf32, #tpu.memory_space<vmem>>[vector<16xi32>, vector<16xi32>, vector<16xi32>], vector<16xf32>, vector<16xi1>
        %add3A_1038 = arith.constant 5 : i32
        %add3A_1039 = arith.addi %mul3A_21, %add3A_1038 : i32
        %broadcast_in_dim3A_1040 = vector.broadcast %add3A_1039 : i32 to vector<16xi32>
        %add3A_1041 = arith.addi %mul3A_943, %broadcast_in_dim3A_1040 : vector<16xi32>
        %gather3A_1042 = tpu.vector_load_idx %arg11[%broadcast_in_dim3A_1002, %iota3A, %add3A_1041] : memref<8x16x128xf32, #tpu.memory_space<vmem>>[vector<16xi32>, vector<16xi32>, vector<16xi32>], vector<16xf32>,
        %broadcast_in_dim3A_1043 = arith.constant 5 : i32
        %broadcast_in_dim3A_1044 = vector.broadcast %broadcast_in_dim3A_1043 : i32 to vector<16xi32>
        tpu.vector_store_idx %arg12[%broadcast_in_dim3A_1044, %select_n3A_981, %sub3A_985], %gather3A_1042 masked %and3A_916 : memref<8x8x432xf32, #tpu.memory_space<vmem>>[vector<16xi32>, vector<16xi32>, vector<16xi32>], vector<16xf32>, vector<16xi1>
        %add3A_1045 = arith.constant 6 : i32
        %add3A_1046 = arith.addi %mul3A_21, %add3A_1045 : i32
        %broadcast_in_dim3A_1047 = vector.broadcast %add3A_1046 : i32 to vector<16xi32>
        %add3A_1048 = arith.addi %mul3A_943, %broadcast_in_dim3A_1047 : vector<16xi32>
        %gather3A_1049 = tpu.vector_load_idx %arg11[%broadcast_in_dim3A_1002, %iota3A, %add3A_1048] : memref<8x16x128xf32, #tpu.memory_space<vmem>>[vector<16xi32>, vector<16xi32>, vector<16xi32>], vector<16xf32>,
        %broadcast_in_dim3A_1050 = arith.constant 6 : i32
        %broadcast_in_dim3A_1051 = vector.broadcast %broadcast_in_dim3A_1050 : i32 to vector<16xi32>
        tpu.vector_store_idx %arg12[%broadcast_in_dim3A_1051, %select_n3A_981, %sub3A_985], %gather3A_1049 masked %and3A_916 : memref<8x8x432xf32, #tpu.memory_space<vmem>>[vector<16xi32>, vector<16xi32>, vector<16xi32>], vector<16xf32>, vector<16xi1>
        %add3A_1052 = arith.constant 7 : i32
        %add3A_1053 = arith.addi %mul3A_21, %add3A_1052 : i32
        %broadcast_in_dim3A_1054 = vector.broadcast %add3A_1053 : i32 to vector<16xi32>
        %add3A_1055 = arith.addi %mul3A_943, %broadcast_in_dim3A_1054 : vector<16xi32>
        %gather3A_1056 = tpu.vector_load_idx %arg11[%broadcast_in_dim3A_1002, %iota3A, %add3A_1055] : memref<8x16x128xf32, #tpu.memory_space<vmem>>[vector<16xi32>, vector<16xi32>, vector<16xi32>], vector<16xf32>,
        %broadcast_in_dim3A_1057 = arith.constant 7 : i32
        %broadcast_in_dim3A_1058 = vector.broadcast %broadcast_in_dim3A_1057 : i32 to vector<16xi32>
        tpu.vector_store_idx %arg12[%broadcast_in_dim3A_1058, %select_n3A_981, %sub3A_985], %gather3A_1056 masked %and3A_916 : memref<8x8x432xf32, #tpu.memory_space<vmem>>[vector<16xi32>, vector<16xi32>, vector<16xi32>], vector<16xf32>, vector<16xi1>
        scf.yield %add3A_900, %max3A_905 : i32, i32
      }
      %while3A_496 = arith.constant 1 : i32
      %while3A_497:2 = scf.for %while3A_887 = %while3A_493 to %while3A_489 step %while3A_496 iter_args(%while3A_888 = %while3A_495#0, %while3A_889 = %while3A_495#1) -> (i32, i32)  : i32 {
        %add3A_890 = arith.addi %select_n3A_457, %while3A_887 : i32
        %lt3A = arith.cmpi slt, %while3A_888, %select_n3A_86 : i32
        %add3A_891 = arith.constant 7 : i32
        %add3A_892 = arith.addi %add3A_890, %add3A_891 : i32
        %le3A = arith.cmpi sle, %while3A_888, %add3A_892 : i32
        %and3A_893 = arith.andi %lt3A, %le3A : i1
        %convert_element_type3A_894 = arith.extui %and3A_893 : i1 to i32
        %cond3A_895 = arith.constant 0 : i32
        %cond3A_896 = arith.cmpi ne, %convert_element_type3A_894, %cond3A_895 : i32
        scf.if %cond3A_896 {
          %mul3A_1059 = arith.constant 16 : i32
          %mul3A_1060 = arith.muli %while3A_888, %mul3A_1059 : i32
          %get3A_1061 = arith.index_cast %mul3A_1060 : i32 to index
          %get3A_1062 = tpu.vector_load %arg9[%get3A_1061] {strides = array<i32>} : memref<12032xi32, #tpu.memory_space<vmem>>, vector<16xi32>,
          %mul3A_1063 = arith.constant 16 : i32
          %mul3A_1064 = arith.muli %while3A_888, %mul3A_1063 : i32
          %add3A_1065 = vector.broadcast %mul3A_1064 : i32 to vector<16xi32>
          %add3A_1066 = arith.addi %add3A_1065, %iota3A : vector<16xi32>
          %lt3A_1067 = vector.broadcast %scan3A_56 : i32 to vector<16xi32>
          %lt3A_1068 = arith.cmpi slt, %add3A_1066, %lt3A_1067 : vector<16xi32>
          %jit3A_1069 = arith.constant 0 : i32
          %broadcast_in_dim3A_1070 = vector.broadcast %jit3A_1069 : i32 to vector<16xi32>
          %select_n3A_1071 = arith.select %lt3A_1068, %get3A_1062, %broadcast_in_dim3A_1070 : vector<16xi1>, vector<16xi32>
          %gather3A_1072 = tpu.vector_load_idx %arg8[%select_n3A_1071] : memref<12000xi32, #tpu.memory_space<vmem>>[vector<16xi32>], vector<16xi32>,
          %jit3A_1073 = arith.constant 8 : i32
          %eq3A_1074 = arith.constant 0 : i32
          %eq3A_1075 = arith.cmpi eq, %jit3A_1073, %eq3A_1074 : i32
          %jit3A_1076 = arith.constant 1 : i32
          %select_n3A_1077 = arith.select %eq3A_1075, %jit3A_1076, %jit3A_1073 : i32
          %rem3A_1078 = arith.remsi %while3A_888, %select_n3A_1077 : i32
          %ne3A_1079 = arith.constant 0 : i32
          %ne3A_1080 = arith.cmpi ne, %rem3A_1078, %ne3A_1079 : i32
          %lt3A_1081 = arith.constant 0 : i32
          %lt3A_1082 = arith.cmpi slt, %rem3A_1078, %lt3A_1081 : i32
          %lt3A_1083 = arith.constant 0 : i32
          %lt3A_1084 = arith.cmpi slt, %select_n3A_1077, %lt3A_1083 : i32
          %ne3A_1085 = arith.xori %lt3A_1082, %lt3A_1084 : i1
          %and3A_1086 = arith.andi %ne3A_1085, %ne3A_1080 : i1
          %add3A_1087 = arith.addi %rem3A_1078, %select_n3A_1077 : i32
          %select_n3A_1088 = arith.select %and3A_1086, %add3A_1087, %rem3A_1078 : i32
          %jit3A_1089 = arith.constant 2 : i32
          %div3A_1090 = vector.broadcast %jit3A_1089 : i32 to vector<16xi32>
          %div3A_1091 = arith.divsi %gather3A_1072, %div3A_1090 : vector<16xi32>
          %sign3A_1092 = arith.constant 0 : i32
          %sign3A_1093 = vector.broadcast %sign3A_1092 : i32 to vector<16xi32>
          %sign3A_1094 = arith.cmpi sgt, %gather3A_1072, %sign3A_1093 : vector<16xi32>
          %sign3A_1095 = arith.extui %sign3A_1094 : vector<16xi1> to vector<16xi32>
          %sign3A_1096 = arith.constant 0 : i32
          %sign3A_1097 = vector.broadcast %sign3A_1096 : i32 to vector<16xi32>
          %sign3A_1098 = arith.cmpi slt, %gather3A_1072, %sign3A_1097 : vector<16xi32>
          %sign3A_1099 = arith.extui %sign3A_1098 : vector<16xi1> to vector<16xi32>
          %sign3A_1100 = arith.subi %sign3A_1095, %sign3A_1099 : vector<16xi32>
          %sign3A_1101 = arith.constant 0 : i32
          %sign3A_1102 = arith.cmpi sgt, %jit3A_1089, %sign3A_1101 : i32
          %sign3A_1103 = arith.extui %sign3A_1102 : i1 to i32
          %sign3A_1104 = arith.constant 0 : i32
          %sign3A_1105 = arith.cmpi slt, %jit3A_1089, %sign3A_1104 : i32
          %sign3A_1106 = arith.extui %sign3A_1105 : i1 to i32
          %sign3A_1107 = arith.subi %sign3A_1103, %sign3A_1106 : i32
          %ne3A_1108 = vector.broadcast %sign3A_1107 : i32 to vector<16xi32>
          %ne3A_1109 = arith.cmpi ne, %sign3A_1100, %ne3A_1108 : vector<16xi32>
          %rem3A_1110 = vector.broadcast %jit3A_1089 : i32 to vector<16xi32>
          %rem3A_1111 = arith.remsi %gather3A_1072, %rem3A_1110 : vector<16xi32>
          %ne3A_1112 = arith.constant 0 : i32
          %ne3A_1113 = vector.broadcast %ne3A_1112 : i32 to vector<16xi32>
          %ne3A_1114 = arith.cmpi ne, %rem3A_1111, %ne3A_1113 : vector<16xi32>
          %and3A_1115 = arith.andi %ne3A_1109, %ne3A_1114 : vector<16xi1>
          %sub3A_1116 = arith.constant 1 : i32
          %sub3A_1117 = vector.broadcast %sub3A_1116 : i32 to vector<16xi32>
          %sub3A_1118 = arith.subi %div3A_1091, %sub3A_1117 : vector<16xi32>
          %select_n3A_1119 = arith.select %and3A_1115, %sub3A_1118, %div3A_1091 : vector<16xi1>, vector<16xi32>
          %dma_start3A_1120 = arith.constant 0 : i32
          %dma_start3A_1121 = arith.constant 0 : i32
          %dma_start3A_1122 = tpu.memref_slice %arg11[%select_n3A_1088, %dma_start3A_1120, %dma_start3A_1121] : memref<8x16x128xf32, #tpu.memory_space<vmem>> -> memref<1x16x128xf32, #tpu.memory_space<vmem>>
          %dma_start3A_1123 = tpu.memref_squeeze %dma_start3A_1122 : memref<1x16x128xf32, #tpu.memory_space<vmem>> -> memref<16x128xf32, #tpu.memory_space<vmem>>
          %dma_start3A_1124 = arith.constant 0 : i32
          %dma_start3A_1125 = arith.constant 0 : i32
          %dma_start3A_1126 = tpu.memref_slice %arg3[%dma_start3A_1124, %dma_start3A_1125] : memref<20000x128xf32, #tpu.memory_space<hbm>> -> memref<20000x128xf32, #tpu.memory_space<hbm>>
          %dma_start3A_1127 = tpu.memref_slice %arg16[%select_n3A_1088] : memref<8x!tpu.dma_semaphore, #tpu.memory_space<semaphore_mem>> -> memref<1x!tpu.dma_semaphore, #tpu.memory_space<semaphore_mem>>
          %dma_start3A_1128 = tpu.memref_squeeze %dma_start3A_1127 : memref<1x!tpu.dma_semaphore, #tpu.memory_space<semaphore_mem>> -> memref<!tpu.dma_semaphore, #tpu.memory_space<semaphore_mem>>
          tpu.enqueue_indirect_dma source(%dma_start3A_1126 : memref<20000x128xf32, #tpu.memory_space<hbm>>) target(%dma_start3A_1123 : memref<16x128xf32, #tpu.memory_space<vmem>>) offsets(%select_n3A_1119 : vector<16xi32>) semaphore(%dma_start3A_1128 : memref<!tpu.dma_semaphore, #tpu.memory_space<semaphore_mem>>)
        } else {
        }
        %jit3A_897 = arith.constant 1 : i32
        %jit3A_898 = arith.constant 0 : i32
        %select_n3A_899 = arith.select %and3A_893, %jit3A_897, %jit3A_898 : i32
        %add3A_900 = arith.addi %while3A_888, %select_n3A_899 : i32
        %gt3A_901 = arith.cmpi sgt, %add3A_890, %while3A_889 : i32
        %convert_element_type3A_902 = arith.extui %gt3A_901 : i1 to i32
        %cond3A_903 = arith.constant 0 : i32
        %cond3A_904 = arith.cmpi ne, %convert_element_type3A_902, %cond3A_903 : i32
        scf.if %cond3A_904 {
          %jit3A_1059 = arith.constant 8 : i32
          %eq3A_1060 = arith.constant 0 : i32
          %eq3A_1061 = arith.cmpi eq, %jit3A_1059, %eq3A_1060 : i32
          %jit3A_1062 = arith.constant 1 : i32
          %select_n3A_1063 = arith.select %eq3A_1061, %jit3A_1062, %jit3A_1059 : i32
          %rem3A_1064 = arith.remsi %add3A_890, %select_n3A_1063 : i32
          %ne3A_1065 = arith.constant 0 : i32
          %ne3A_1066 = arith.cmpi ne, %rem3A_1064, %ne3A_1065 : i32
          %lt3A_1067 = arith.constant 0 : i32
          %lt3A_1068 = arith.cmpi slt, %rem3A_1064, %lt3A_1067 : i32
          %lt3A_1069 = arith.constant 0 : i32
          %lt3A_1070 = arith.cmpi slt, %select_n3A_1063, %lt3A_1069 : i32
          %ne3A_1071 = arith.xori %lt3A_1068, %lt3A_1070 : i1
          %and3A_1072 = arith.andi %ne3A_1071, %ne3A_1066 : i1
          %add3A_1073 = arith.addi %rem3A_1064, %select_n3A_1063 : i32
          %select_n3A_1074 = arith.select %and3A_1072, %add3A_1073, %rem3A_1064 : i32
          %dma_wait3A_1075 = arith.constant 0 : i32
          %dma_wait3A_1076 = arith.constant 0 : i32
          %dma_wait3A_1077 = tpu.memref_slice %arg11[%select_n3A_1074, %dma_wait3A_1075, %dma_wait3A_1076] : memref<8x16x128xf32, #tpu.memory_space<vmem>> -> memref<1x16x128xf32, #tpu.memory_space<vmem>>
          %dma_wait3A_1078 = tpu.memref_squeeze %dma_wait3A_1077 : memref<1x16x128xf32, #tpu.memory_space<vmem>> -> memref<16x128xf32, #tpu.memory_space<vmem>>
          %dma_wait3A_1079 = arith.constant 0 : i32
          %dma_wait3A_1080 = arith.constant 0 : i32
          %dma_wait3A_1081 = tpu.memref_slice %arg3[%dma_wait3A_1079, %dma_wait3A_1080] : memref<20000x128xf32, #tpu.memory_space<hbm>> -> memref<16x128xf32, #tpu.memory_space<hbm>>
          %dma_wait3A_1082 = tpu.memref_slice %arg16[%select_n3A_1074] : memref<8x!tpu.dma_semaphore, #tpu.memory_space<semaphore_mem>> -> memref<1x!tpu.dma_semaphore, #tpu.memory_space<semaphore_mem>>
          %dma_wait3A_1083 = tpu.memref_squeeze %dma_wait3A_1082 : memref<1x!tpu.dma_semaphore, #tpu.memory_space<semaphore_mem>> -> memref<!tpu.dma_semaphore, #tpu.memory_space<semaphore_mem>>
          %dma_wait3A_1084 = arith.constant 0 : i32
          %dma_wait3A_1085 = arith.constant 0 : i32
          %dma_wait3A_1086 = tpu.memref_slice %arg11[%select_n3A_1074, %dma_wait3A_1084, %dma_wait3A_1085] : memref<8x16x128xf32, #tpu.memory_space<vmem>> -> memref<1x16x128xf32, #tpu.memory_space<vmem>>
          %dma_wait3A_1087 = tpu.memref_squeeze %dma_wait3A_1086 : memref<1x16x128xf32, #tpu.memory_space<vmem>> -> memref<16x128xf32, #tpu.memory_space<vmem>>
          %dma_wait3A_1088 = arith.constant 0 : i32
          %dma_wait3A_1089 = arith.constant 0 : i32
          %dma_wait3A_1090 = tpu.memref_slice %arg3[%dma_wait3A_1088, %dma_wait3A_1089] : memref<20000x128xf32, #tpu.memory_space<hbm>> -> memref<16x128xf32, #tpu.memory_space<hbm>>
          tpu.wait_dma2 semaphore(%dma_wait3A_1083 : memref<!tpu.dma_semaphore, #tpu.memory_space<semaphore_mem>>) src(%dma_wait3A_1090 : memref<16x128xf32, #tpu.memory_space<hbm>>) dst(%dma_wait3A_1087 : memref<16x128xf32, #tpu.memory_space<vmem>>)
        } else {
        }
        %max3A_905 = arith.maxsi %while3A_889, %add3A_890 : i32
        %mul3A_906 = arith.constant 16 : i32
        %mul3A_907 = arith.muli %add3A_890, %mul3A_906 : i32
        %get3A = arith.index_cast %mul3A_907 : i32 to index
        %get3A_908 = tpu.vector_load %arg10[%get3A] {strides = array<i32>} : memref<12032xi32, #tpu.memory_space<vmem>>, vector<16xi32>,
        %get3A_909 = arith.index_cast %mul3A_907 : i32 to index
        %get3A_910 = tpu.vector_load %arg9[%get3A_909] {strides = array<i32>} : memref<12032xi32, #tpu.memory_space<vmem>>, vector<16xi32>,
        %add3A_911 = vector.broadcast %mul3A_907 : i32 to vector<16xi32>
        %add3A_912 = arith.addi %add3A_911, %iota3A : vector<16xi32>
        %ge3A = vector.broadcast %scan3A_410 : i32 to vector<16xi32>
        %ge3A_913 = arith.cmpi sge, %add3A_912, %ge3A : vector<16xi32>
        %lt3A_914 = vector.broadcast %scan3A_430#0 : i32 to vector<16xi32>
        %lt3A_915 = arith.cmpi slt, %add3A_912, %lt3A_914 : vector<16xi32>
        %and3A_916 = arith.andi %ge3A_913, %lt3A_915 : vector<16xi1>
        %jit3A_917 = arith.constant 0 : i32
        %broadcast_in_dim3A_918 = vector.broadcast %jit3A_917 : i32 to vector<16xi32>
        %select_n3A_919 = arith.select %and3A_916, %get3A_910, %broadcast_in_dim3A_918 : vector<16xi1>, vector<16xi32>
        %gather3A = tpu.vector_load_idx %arg8[%select_n3A_919] : memref<12000xi32, #tpu.memory_space<vmem>>[vector<16xi32>], vector<16xi32>,
        %jit3A_920 = arith.constant 2 : i32
        %eq3A = arith.constant 0 : i32
        %eq3A_921 = arith.cmpi eq, %jit3A_920, %eq3A : i32
        %jit3A_922 = arith.constant 1 : i32
        %select_n3A_923 = arith.select %eq3A_921, %jit3A_922, %jit3A_920 : i32
        %rem3A_924 = vector.broadcast %select_n3A_923 : i32 to vector<16xi32>
        %rem3A_925 = arith.remsi %gather3A, %rem3A_924 : vector<16xi32>
        %ne3A_926 = arith.constant 0 : i32
        %ne3A_927 = vector.broadcast %ne3A_926 : i32 to vector<16xi32>
        %ne3A_928 = arith.cmpi ne, %rem3A_925, %ne3A_927 : vector<16xi32>
        %lt3A_929 = arith.constant 0 : i32
        %lt3A_930 = vector.broadcast %lt3A_929 : i32 to vector<16xi32>
        %lt3A_931 = arith.cmpi slt, %rem3A_925, %lt3A_930 : vector<16xi32>
        %lt3A_932 = arith.constant 0 : i32
        %lt3A_933 = arith.cmpi slt, %select_n3A_923, %lt3A_932 : i32
        %ne3A_934 = vector.broadcast %lt3A_933 : i1 to vector<16xi1>
        %ne3A_935 = vector.broadcast %ne3A_934 : vector<16xi1> to vector<16xi1>
        %ne3A_936 = arith.xori %lt3A_931, %ne3A_935 : vector<16xi1>
        %and3A_937 = arith.andi %ne3A_936, %ne3A_928 : vector<16xi1>
        %add3A_938 = vector.broadcast %select_n3A_923 : i32 to vector<16xi32>
        %add3A_939 = arith.addi %rem3A_925, %add3A_938 : vector<16xi32>
        %select_n3A_940 = arith.select %and3A_937, %add3A_939, %rem3A_925 : vector<16xi1>, vector<16xi32>
        %mul3A_941 = arith.constant 64 : i32
        %mul3A_942 = vector.broadcast %mul3A_941 : i32 to vector<16xi32>
        %mul3A_943 = arith.muli %select_n3A_940, %mul3A_942 : vector<16xi32>
        %mul3A_944 = arith.constant 3456 : i32
        %mul3A_945 = arith.muli %add3A_420, %mul3A_944 : i32
        %sub3A_946 = vector.broadcast %mul3A_945 : i32 to vector<16xi32>
        %sub3A_947 = arith.subi %get3A_908, %sub3A_946 : vector<16xi32>
        %jit3A_948 = arith.constant 0 : i32
        %broadcast_in_dim3A_949 = vector.broadcast %jit3A_948 : i32 to vector<16xi32>
        %select_n3A_950 = arith.select %and3A_916, %sub3A_947, %broadcast_in_dim3A_949 : vector<16xi1>, vector<16xi32>
        %jit3A_951 = arith.constant 432 : i32
        %div3A_952 = vector.broadcast %jit3A_951 : i32 to vector<16xi32>
        %div3A_953 = arith.divsi %select_n3A_950, %div3A_952 : vector<16xi32>
        %sign3A_954 = arith.constant 0 : i32
        %sign3A_955 = vector.broadcast %sign3A_954 : i32 to vector<16xi32>
        %sign3A_956 = arith.cmpi sgt, %select_n3A_950, %sign3A_955 : vector<16xi32>
        %sign3A_957 = arith.extui %sign3A_956 : vector<16xi1> to vector<16xi32>
        %sign3A_958 = arith.constant 0 : i32
        %sign3A_959 = vector.broadcast %sign3A_958 : i32 to vector<16xi32>
        %sign3A_960 = arith.cmpi slt, %select_n3A_950, %sign3A_959 : vector<16xi32>
        %sign3A_961 = arith.extui %sign3A_960 : vector<16xi1> to vector<16xi32>
        %sign3A_962 = arith.subi %sign3A_957, %sign3A_961 : vector<16xi32>
        %sign3A_963 = arith.constant 0 : i32
        %sign3A_964 = arith.cmpi sgt, %jit3A_951, %sign3A_963 : i32
        %sign3A_965 = arith.extui %sign3A_964 : i1 to i32
        %sign3A_966 = arith.constant 0 : i32
        %sign3A_967 = arith.cmpi slt, %jit3A_951, %sign3A_966 : i32
        %sign3A_968 = arith.extui %sign3A_967 : i1 to i32
        %sign3A_969 = arith.subi %sign3A_965, %sign3A_968 : i32
        %ne3A_970 = vector.broadcast %sign3A_969 : i32 to vector<16xi32>
        %ne3A_971 = arith.cmpi ne, %sign3A_962, %ne3A_970 : vector<16xi32>
        %rem3A_972 = vector.broadcast %jit3A_951 : i32 to vector<16xi32>
        %rem3A_973 = arith.remsi %select_n3A_950, %rem3A_972 : vector<16xi32>
        %ne3A_974 = arith.constant 0 : i32
        %ne3A_975 = vector.broadcast %ne3A_974 : i32 to vector<16xi32>
        %ne3A_976 = arith.cmpi ne, %rem3A_973, %ne3A_975 : vector<16xi32>
        %and3A_977 = arith.andi %ne3A_971, %ne3A_976 : vector<16xi1>
        %sub3A_978 = arith.constant 1 : i32
        %sub3A_979 = vector.broadcast %sub3A_978 : i32 to vector<16xi32>
        %sub3A_980 = arith.subi %div3A_953, %sub3A_979 : vector<16xi32>
        %select_n3A_981 = arith.select %and3A_977, %sub3A_980, %div3A_953 : vector<16xi1>, vector<16xi32>
        %mul3A_982 = arith.constant 432 : i32
        %mul3A_983 = vector.broadcast %mul3A_982 : i32 to vector<16xi32>
        %mul3A_984 = arith.muli %select_n3A_981, %mul3A_983 : vector<16xi32>
        %sub3A_985 = arith.subi %select_n3A_950, %mul3A_984 : vector<16xi32>
        %jit3A_986 = arith.constant 8 : i32
        %eq3A_987 = arith.constant 0 : i32
        %eq3A_988 = arith.cmpi eq, %jit3A_986, %eq3A_987 : i32
        %jit3A_989 = arith.constant 1 : i32
        %select_n3A_990 = arith.select %eq3A_988, %jit3A_989, %jit3A_986 : i32
        %rem3A_991 = arith.remsi %add3A_890, %select_n3A_990 : i32
        %ne3A_992 = arith.constant 0 : i32
        %ne3A_993 = arith.cmpi ne, %rem3A_991, %ne3A_992 : i32
        %lt3A_994 = arith.constant 0 : i32
        %lt3A_995 = arith.cmpi slt, %rem3A_991, %lt3A_994 : i32
        %lt3A_996 = arith.constant 0 : i32
        %lt3A_997 = arith.cmpi slt, %select_n3A_990, %lt3A_996 : i32
        %ne3A_998 = arith.xori %lt3A_995, %lt3A_997 : i1
        %and3A_999 = arith.andi %ne3A_998, %ne3A_993 : i1
        %add3A_1000 = arith.addi %rem3A_991, %select_n3A_990 : i32
        %select_n3A_1001 = arith.select %and3A_999, %add3A_1000, %rem3A_991 : i32
        %broadcast_in_dim3A_1002 = vector.broadcast %select_n3A_1001 : i32 to vector<16xi32>
        %add3A_1003 = arith.constant 0 : i32
        %add3A_1004 = arith.addi %mul3A_21, %add3A_1003 : i32
        %broadcast_in_dim3A_1005 = vector.broadcast %add3A_1004 : i32 to vector<16xi32>
        %add3A_1006 = arith.addi %mul3A_943, %broadcast_in_dim3A_1005 : vector<16xi32>
        %gather3A_1007 = tpu.vector_load_idx %arg11[%broadcast_in_dim3A_1002, %iota3A, %add3A_1006] : memref<8x16x128xf32, #tpu.memory_space<vmem>>[vector<16xi32>, vector<16xi32>, vector<16xi32>], vector<16xf32>,
        %broadcast_in_dim3A_1008 = arith.constant 0 : i32
        %broadcast_in_dim3A_1009 = vector.broadcast %broadcast_in_dim3A_1008 : i32 to vector<16xi32>
        tpu.vector_store_idx %arg12[%broadcast_in_dim3A_1009, %select_n3A_981, %sub3A_985], %gather3A_1007 masked %and3A_916 : memref<8x8x432xf32, #tpu.memory_space<vmem>>[vector<16xi32>, vector<16xi32>, vector<16xi32>], vector<16xf32>, vector<16xi1>
        %add3A_1010 = arith.constant 1 : i32
        %add3A_1011 = arith.addi %mul3A_21, %add3A_1010 : i32
        %broadcast_in_dim3A_1012 = vector.broadcast %add3A_1011 : i32 to vector<16xi32>
        %add3A_1013 = arith.addi %mul3A_943, %broadcast_in_dim3A_1012 : vector<16xi32>
        %gather3A_1014 = tpu.vector_load_idx %arg11[%broadcast_in_dim3A_1002, %iota3A, %add3A_1013] : memref<8x16x128xf32, #tpu.memory_space<vmem>>[vector<16xi32>, vector<16xi32>, vector<16xi32>], vector<16xf32>,
        %broadcast_in_dim3A_1015 = arith.constant 1 : i32
        %broadcast_in_dim3A_1016 = vector.broadcast %broadcast_in_dim3A_1015 : i32 to vector<16xi32>
        tpu.vector_store_idx %arg12[%broadcast_in_dim3A_1016, %select_n3A_981, %sub3A_985], %gather3A_1014 masked %and3A_916 : memref<8x8x432xf32, #tpu.memory_space<vmem>>[vector<16xi32>, vector<16xi32>, vector<16xi32>], vector<16xf32>, vector<16xi1>
        %add3A_1017 = arith.constant 2 : i32
        %add3A_1018 = arith.addi %mul3A_21, %add3A_1017 : i32
        %broadcast_in_dim3A_1019 = vector.broadcast %add3A_1018 : i32 to vector<16xi32>
        %add3A_1020 = arith.addi %mul3A_943, %broadcast_in_dim3A_1019 : vector<16xi32>
        %gather3A_1021 = tpu.vector_load_idx %arg11[%broadcast_in_dim3A_1002, %iota3A, %add3A_1020] : memref<8x16x128xf32, #tpu.memory_space<vmem>>[vector<16xi32>, vector<16xi32>, vector<16xi32>], vector<16xf32>,
        %broadcast_in_dim3A_1022 = arith.constant 2 : i32
        %broadcast_in_dim3A_1023 = vector.broadcast %broadcast_in_dim3A_1022 : i32 to vector<16xi32>
        tpu.vector_store_idx %arg12[%broadcast_in_dim3A_1023, %select_n3A_981, %sub3A_985], %gather3A_1021 masked %and3A_916 : memref<8x8x432xf32, #tpu.memory_space<vmem>>[vector<16xi32>, vector<16xi32>, vector<16xi32>], vector<16xf32>, vector<16xi1>
        %add3A_1024 = arith.constant 3 : i32
        %add3A_1025 = arith.addi %mul3A_21, %add3A_1024 : i32
        %broadcast_in_dim3A_1026 = vector.broadcast %add3A_1025 : i32 to vector<16xi32>
        %add3A_1027 = arith.addi %mul3A_943, %broadcast_in_dim3A_1026 : vector<16xi32>
        %gather3A_1028 = tpu.vector_load_idx %arg11[%broadcast_in_dim3A_1002, %iota3A, %add3A_1027] : memref<8x16x128xf32, #tpu.memory_space<vmem>>[vector<16xi32>, vector<16xi32>, vector<16xi32>], vector<16xf32>,
        %broadcast_in_dim3A_1029 = arith.constant 3 : i32
        %broadcast_in_dim3A_1030 = vector.broadcast %broadcast_in_dim3A_1029 : i32 to vector<16xi32>
        tpu.vector_store_idx %arg12[%broadcast_in_dim3A_1030, %select_n3A_981, %sub3A_985], %gather3A_1028 masked %and3A_916 : memref<8x8x432xf32, #tpu.memory_space<vmem>>[vector<16xi32>, vector<16xi32>, vector<16xi32>], vector<16xf32>, vector<16xi1>
        %add3A_1031 = arith.constant 4 : i32
        %add3A_1032 = arith.addi %mul3A_21, %add3A_1031 : i32
        %broadcast_in_dim3A_1033 = vector.broadcast %add3A_1032 : i32 to vector<16xi32>
        %add3A_1034 = arith.addi %mul3A_943, %broadcast_in_dim3A_1033 : vector<16xi32>
        %gather3A_1035 = tpu.vector_load_idx %arg11[%broadcast_in_dim3A_1002, %iota3A, %add3A_1034] : memref<8x16x128xf32, #tpu.memory_space<vmem>>[vector<16xi32>, vector<16xi32>, vector<16xi32>], vector<16xf32>,
        %broadcast_in_dim3A_1036 = arith.constant 4 : i32
        %broadcast_in_dim3A_1037 = vector.broadcast %broadcast_in_dim3A_1036 : i32 to vector<16xi32>
        tpu.vector_store_idx %arg12[%broadcast_in_dim3A_1037, %select_n3A_981, %sub3A_985], %gather3A_1035 masked %and3A_916 : memref<8x8x432xf32, #tpu.memory_space<vmem>>[vector<16xi32>, vector<16xi32>, vector<16xi32>], vector<16xf32>, vector<16xi1>
        %add3A_1038 = arith.constant 5 : i32
        %add3A_1039 = arith.addi %mul3A_21, %add3A_1038 : i32
        %broadcast_in_dim3A_1040 = vector.broadcast %add3A_1039 : i32 to vector<16xi32>
        %add3A_1041 = arith.addi %mul3A_943, %broadcast_in_dim3A_1040 : vector<16xi32>
        %gather3A_1042 = tpu.vector_load_idx %arg11[%broadcast_in_dim3A_1002, %iota3A, %add3A_1041] : memref<8x16x128xf32, #tpu.memory_space<vmem>>[vector<16xi32>, vector<16xi32>, vector<16xi32>], vector<16xf32>,
        %broadcast_in_dim3A_1043 = arith.constant 5 : i32
        %broadcast_in_dim3A_1044 = vector.broadcast %broadcast_in_dim3A_1043 : i32 to vector<16xi32>
        tpu.vector_store_idx %arg12[%broadcast_in_dim3A_1044, %select_n3A_981, %sub3A_985], %gather3A_1042 masked %and3A_916 : memref<8x8x432xf32, #tpu.memory_space<vmem>>[vector<16xi32>, vector<16xi32>, vector<16xi32>], vector<16xf32>, vector<16xi1>
        %add3A_1045 = arith.constant 6 : i32
        %add3A_1046 = arith.addi %mul3A_21, %add3A_1045 : i32
        %broadcast_in_dim3A_1047 = vector.broadcast %add3A_1046 : i32 to vector<16xi32>
        %add3A_1048 = arith.addi %mul3A_943, %broadcast_in_dim3A_1047 : vector<16xi32>
        %gather3A_1049 = tpu.vector_load_idx %arg11[%broadcast_in_dim3A_1002, %iota3A, %add3A_1048] : memref<8x16x128xf32, #tpu.memory_space<vmem>>[vector<16xi32>, vector<16xi32>, vector<16xi32>], vector<16xf32>,
        %broadcast_in_dim3A_1050 = arith.constant 6 : i32
        %broadcast_in_dim3A_1051 = vector.broadcast %broadcast_in_dim3A_1050 : i32 to vector<16xi32>
        tpu.vector_store_idx %arg12[%broadcast_in_dim3A_1051, %select_n3A_981, %sub3A_985], %gather3A_1049 masked %and3A_916 : memref<8x8x432xf32, #tpu.memory_space<vmem>>[vector<16xi32>, vector<16xi32>, vector<16xi32>], vector<16xf32>, vector<16xi1>
        %add3A_1052 = arith.constant 7 : i32
        %add3A_1053 = arith.addi %mul3A_21, %add3A_1052 : i32
        %broadcast_in_dim3A_1054 = vector.broadcast %add3A_1053 : i32 to vector<16xi32>
        %add3A_1055 = arith.addi %mul3A_943, %broadcast_in_dim3A_1054 : vector<16xi32>
        %gather3A_1056 = tpu.vector_load_idx %arg11[%broadcast_in_dim3A_1002, %iota3A, %add3A_1055] : memref<8x16x128xf32, #tpu.memory_space<vmem>>[vector<16xi32>, vector<16xi32>, vector<16xi32>], vector<16xf32>,
        %broadcast_in_dim3A_1057 = arith.constant 7 : i32
        %broadcast_in_dim3A_1058 = vector.broadcast %broadcast_in_dim3A_1057 : i32 to vector<16xi32>
        tpu.vector_store_idx %arg12[%broadcast_in_dim3A_1058, %select_n3A_981, %sub3A_985], %gather3A_1056 masked %and3A_916 : memref<8x8x432xf32, #tpu.memory_space<vmem>>[vector<16xi32>, vector<16xi32>, vector<16xi32>], vector<16xf32>, vector<16xi1>
        scf.yield %add3A_900, %max3A_905 : i32, i32
      }
      %add3A_498 = arith.constant 0 : i32
      %add3A_499 = arith.addi %mul3A_21, %add3A_498 : i32
      %mul3A_500 = arith.constant 8 : i32
      %mul3A_501 = arith.muli %add3A_420, %mul3A_500 : i32
      %dma_start3A_502 = arith.constant 0 : i32
      %dma_start3A_503 = arith.constant 0 : i32
      %dma_start3A_504 = arith.constant 0 : i32
      %dma_start3A_505 = tpu.memref_slice %arg12[%dma_start3A_502, %dma_start3A_503, %dma_start3A_504] : memref<8x8x432xf32, #tpu.memory_space<vmem>> -> memref<1x8x432xf32, #tpu.memory_space<vmem>>
      %dma_start3A_506 = tpu.memref_squeeze %dma_start3A_505 : memref<1x8x432xf32, #tpu.memory_space<vmem>> -> memref<8x432xf32, #tpu.memory_space<vmem>>
      %dma_start3A_507 = arith.constant 0 : i32
      %dma_start3A_508 = tpu.memref_slice %arg5[%select_n3A, %add3A_499, %mul3A_501, %dma_start3A_507] : memref<4x64x496x432xf32, #tpu.memory_space<hbm>> -> memref<1x1x8x432xf32, #tpu.memory_space<hbm>>
      %dma_start3A_509 = tpu.memref_squeeze %dma_start3A_508 : memref<1x1x8x432xf32, #tpu.memory_space<hbm>> -> memref<8x432xf32, #tpu.memory_space<hbm>>
      %dma_start3A_510 = arith.constant 0 : i32
      %dma_start3A_511 = tpu.memref_slice %arg5[%select_n3A, %add3A_499, %mul3A_501, %dma_start3A_510] : memref<4x64x496x432xf32, #tpu.memory_space<hbm>> -> memref<1x1x8x432xf32, #tpu.memory_space<hbm>>
      %dma_start3A_512 = tpu.memref_squeeze %dma_start3A_511 : memref<1x1x8x432xf32, #tpu.memory_space<hbm>> -> memref<8x432xf32, #tpu.memory_space<hbm>>
      %dma_start3A_513 = arith.constant 0 : i32
      %dma_start3A_514 = arith.constant 0 : i32
      %dma_start3A_515 = tpu.memref_slice %arg12[%dma_start3A_502, %dma_start3A_513, %dma_start3A_514] : memref<8x8x432xf32, #tpu.memory_space<vmem>> -> memref<1x8x432xf32, #tpu.memory_space<vmem>>
      %dma_start3A_516 = tpu.memref_squeeze %dma_start3A_515 : memref<1x8x432xf32, #tpu.memory_space<vmem>> -> memref<8x432xf32, #tpu.memory_space<vmem>>
      tpu.enqueue_dma source(%dma_start3A_516 : memref<8x432xf32, #tpu.memory_space<vmem>>) target(%dma_start3A_512 : memref<8x432xf32, #tpu.memory_space<hbm>>) target_semaphore(%arg14 : memref<!tpu.dma_semaphore, #tpu.memory_space<semaphore_mem>>)
      %add3A_517 = arith.constant 1 : i32
      %add3A_518 = arith.addi %mul3A_21, %add3A_517 : i32
      %mul3A_519 = arith.constant 8 : i32
      %mul3A_520 = arith.muli %add3A_420, %mul3A_519 : i32
      %dma_start3A_521 = arith.constant 1 : i32
      %dma_start3A_522 = arith.constant 0 : i32
      %dma_start3A_523 = arith.constant 0 : i32
      %dma_start3A_524 = tpu.memref_slice %arg12[%dma_start3A_521, %dma_start3A_522, %dma_start3A_523] : memref<8x8x432xf32, #tpu.memory_space<vmem>> -> memref<1x8x432xf32, #tpu.memory_space<vmem>>
      %dma_start3A_525 = tpu.memref_squeeze %dma_start3A_524 : memref<1x8x432xf32, #tpu.memory_space<vmem>> -> memref<8x432xf32, #tpu.memory_space<vmem>>
      %dma_start3A_526 = arith.constant 0 : i32
      %dma_start3A_527 = tpu.memref_slice %arg5[%select_n3A, %add3A_518, %mul3A_520, %dma_start3A_526] : memref<4x64x496x432xf32, #tpu.memory_space<hbm>> -> memref<1x1x8x432xf32, #tpu.memory_space<hbm>>
      %dma_start3A_528 = tpu.memref_squeeze %dma_start3A_527 : memref<1x1x8x432xf32, #tpu.memory_space<hbm>> -> memref<8x432xf32, #tpu.memory_space<hbm>>
      %dma_start3A_529 = arith.constant 0 : i32
      %dma_start3A_530 = tpu.memref_slice %arg5[%select_n3A, %add3A_518, %mul3A_520, %dma_start3A_529] : memref<4x64x496x432xf32, #tpu.memory_space<hbm>> -> memref<1x1x8x432xf32, #tpu.memory_space<hbm>>
      %dma_start3A_531 = tpu.memref_squeeze %dma_start3A_530 : memref<1x1x8x432xf32, #tpu.memory_space<hbm>> -> memref<8x432xf32, #tpu.memory_space<hbm>>
      %dma_start3A_532 = arith.constant 0 : i32
      %dma_start3A_533 = arith.constant 0 : i32
      %dma_start3A_534 = tpu.memref_slice %arg12[%dma_start3A_521, %dma_start3A_532, %dma_start3A_533] : memref<8x8x432xf32, #tpu.memory_space<vmem>> -> memref<1x8x432xf32, #tpu.memory_space<vmem>>
      %dma_start3A_535 = tpu.memref_squeeze %dma_start3A_534 : memref<1x8x432xf32, #tpu.memory_space<vmem>> -> memref<8x432xf32, #tpu.memory_space<vmem>>
      tpu.enqueue_dma source(%dma_start3A_535 : memref<8x432xf32, #tpu.memory_space<vmem>>) target(%dma_start3A_531 : memref<8x432xf32, #tpu.memory_space<hbm>>) target_semaphore(%arg14 : memref<!tpu.dma_semaphore, #tpu.memory_space<semaphore_mem>>)
      %add3A_536 = arith.constant 2 : i32
      %add3A_537 = arith.addi %mul3A_21, %add3A_536 : i32
      %mul3A_538 = arith.constant 8 : i32
      %mul3A_539 = arith.muli %add3A_420, %mul3A_538 : i32
      %dma_start3A_540 = arith.constant 2 : i32
      %dma_start3A_541 = arith.constant 0 : i32
      %dma_start3A_542 = arith.constant 0 : i32
      %dma_start3A_543 = tpu.memref_slice %arg12[%dma_start3A_540, %dma_start3A_541, %dma_start3A_542] : memref<8x8x432xf32, #tpu.memory_space<vmem>> -> memref<1x8x432xf32, #tpu.memory_space<vmem>>
      %dma_start3A_544 = tpu.memref_squeeze %dma_start3A_543 : memref<1x8x432xf32, #tpu.memory_space<vmem>> -> memref<8x432xf32, #tpu.memory_space<vmem>>
      %dma_start3A_545 = arith.constant 0 : i32
      %dma_start3A_546 = tpu.memref_slice %arg5[%select_n3A, %add3A_537, %mul3A_539, %dma_start3A_545] : memref<4x64x496x432xf32, #tpu.memory_space<hbm>> -> memref<1x1x8x432xf32, #tpu.memory_space<hbm>>
      %dma_start3A_547 = tpu.memref_squeeze %dma_start3A_546 : memref<1x1x8x432xf32, #tpu.memory_space<hbm>> -> memref<8x432xf32, #tpu.memory_space<hbm>>
      %dma_start3A_548 = arith.constant 0 : i32
      %dma_start3A_549 = tpu.memref_slice %arg5[%select_n3A, %add3A_537, %mul3A_539, %dma_start3A_548] : memref<4x64x496x432xf32, #tpu.memory_space<hbm>> -> memref<1x1x8x432xf32, #tpu.memory_space<hbm>>
      %dma_start3A_550 = tpu.memref_squeeze %dma_start3A_549 : memref<1x1x8x432xf32, #tpu.memory_space<hbm>> -> memref<8x432xf32, #tpu.memory_space<hbm>>
      %dma_start3A_551 = arith.constant 0 : i32
      %dma_start3A_552 = arith.constant 0 : i32
      %dma_start3A_553 = tpu.memref_slice %arg12[%dma_start3A_540, %dma_start3A_551, %dma_start3A_552] : memref<8x8x432xf32, #tpu.memory_space<vmem>> -> memref<1x8x432xf32, #tpu.memory_space<vmem>>
      %dma_start3A_554 = tpu.memref_squeeze %dma_start3A_553 : memref<1x8x432xf32, #tpu.memory_space<vmem>> -> memref<8x432xf32, #tpu.memory_space<vmem>>
      tpu.enqueue_dma source(%dma_start3A_554 : memref<8x432xf32, #tpu.memory_space<vmem>>) target(%dma_start3A_550 : memref<8x432xf32, #tpu.memory_space<hbm>>) target_semaphore(%arg14 : memref<!tpu.dma_semaphore, #tpu.memory_space<semaphore_mem>>)
      %add3A_555 = arith.constant 3 : i32
      %add3A_556 = arith.addi %mul3A_21, %add3A_555 : i32
      %mul3A_557 = arith.constant 8 : i32
      %mul3A_558 = arith.muli %add3A_420, %mul3A_557 : i32
      %dma_start3A_559 = arith.constant 3 : i32
      %dma_start3A_560 = arith.constant 0 : i32
      %dma_start3A_561 = arith.constant 0 : i32
      %dma_start3A_562 = tpu.memref_slice %arg12[%dma_start3A_559, %dma_start3A_560, %dma_start3A_561] : memref<8x8x432xf32, #tpu.memory_space<vmem>> -> memref<1x8x432xf32, #tpu.memory_space<vmem>>
      %dma_start3A_563 = tpu.memref_squeeze %dma_start3A_562 : memref<1x8x432xf32, #tpu.memory_space<vmem>> -> memref<8x432xf32, #tpu.memory_space<vmem>>
      %dma_start3A_564 = arith.constant 0 : i32
      %dma_start3A_565 = tpu.memref_slice %arg5[%select_n3A, %add3A_556, %mul3A_558, %dma_start3A_564] : memref<4x64x496x432xf32, #tpu.memory_space<hbm>> -> memref<1x1x8x432xf32, #tpu.memory_space<hbm>>
      %dma_start3A_566 = tpu.memref_squeeze %dma_start3A_565 : memref<1x1x8x432xf32, #tpu.memory_space<hbm>> -> memref<8x432xf32, #tpu.memory_space<hbm>>
      %dma_start3A_567 = arith.constant 0 : i32
      %dma_start3A_568 = tpu.memref_slice %arg5[%select_n3A, %add3A_556, %mul3A_558, %dma_start3A_567] : memref<4x64x496x432xf32, #tpu.memory_space<hbm>> -> memref<1x1x8x432xf32, #tpu.memory_space<hbm>>
      %dma_start3A_569 = tpu.memref_squeeze %dma_start3A_568 : memref<1x1x8x432xf32, #tpu.memory_space<hbm>> -> memref<8x432xf32, #tpu.memory_space<hbm>>
      %dma_start3A_570 = arith.constant 0 : i32
      %dma_start3A_571 = arith.constant 0 : i32
      %dma_start3A_572 = tpu.memref_slice %arg12[%dma_start3A_559, %dma_start3A_570, %dma_start3A_571] : memref<8x8x432xf32, #tpu.memory_space<vmem>> -> memref<1x8x432xf32, #tpu.memory_space<vmem>>
      %dma_start3A_573 = tpu.memref_squeeze %dma_start3A_572 : memref<1x8x432xf32, #tpu.memory_space<vmem>> -> memref<8x432xf32, #tpu.memory_space<vmem>>
      tpu.enqueue_dma source(%dma_start3A_573 : memref<8x432xf32, #tpu.memory_space<vmem>>) target(%dma_start3A_569 : memref<8x432xf32, #tpu.memory_space<hbm>>) target_semaphore(%arg14 : memref<!tpu.dma_semaphore, #tpu.memory_space<semaphore_mem>>)
      %add3A_574 = arith.constant 4 : i32
      %add3A_575 = arith.addi %mul3A_21, %add3A_574 : i32
      %mul3A_576 = arith.constant 8 : i32
      %mul3A_577 = arith.muli %add3A_420, %mul3A_576 : i32
      %dma_start3A_578 = arith.constant 4 : i32
      %dma_start3A_579 = arith.constant 0 : i32
      %dma_start3A_580 = arith.constant 0 : i32
      %dma_start3A_581 = tpu.memref_slice %arg12[%dma_start3A_578, %dma_start3A_579, %dma_start3A_580] : memref<8x8x432xf32, #tpu.memory_space<vmem>> -> memref<1x8x432xf32, #tpu.memory_space<vmem>>
      %dma_start3A_582 = tpu.memref_squeeze %dma_start3A_581 : memref<1x8x432xf32, #tpu.memory_space<vmem>> -> memref<8x432xf32, #tpu.memory_space<vmem>>
      %dma_start3A_583 = arith.constant 0 : i32
      %dma_start3A_584 = tpu.memref_slice %arg5[%select_n3A, %add3A_575, %mul3A_577, %dma_start3A_583] : memref<4x64x496x432xf32, #tpu.memory_space<hbm>> -> memref<1x1x8x432xf32, #tpu.memory_space<hbm>>
      %dma_start3A_585 = tpu.memref_squeeze %dma_start3A_584 : memref<1x1x8x432xf32, #tpu.memory_space<hbm>> -> memref<8x432xf32, #tpu.memory_space<hbm>>
      %dma_start3A_586 = arith.constant 0 : i32
      %dma_start3A_587 = tpu.memref_slice %arg5[%select_n3A, %add3A_575, %mul3A_577, %dma_start3A_586] : memref<4x64x496x432xf32, #tpu.memory_space<hbm>> -> memref<1x1x8x432xf32, #tpu.memory_space<hbm>>
      %dma_start3A_588 = tpu.memref_squeeze %dma_start3A_587 : memref<1x1x8x432xf32, #tpu.memory_space<hbm>> -> memref<8x432xf32, #tpu.memory_space<hbm>>
      %dma_start3A_589 = arith.constant 0 : i32
      %dma_start3A_590 = arith.constant 0 : i32
      %dma_start3A_591 = tpu.memref_slice %arg12[%dma_start3A_578, %dma_start3A_589, %dma_start3A_590] : memref<8x8x432xf32, #tpu.memory_space<vmem>> -> memref<1x8x432xf32, #tpu.memory_space<vmem>>
      %dma_start3A_592 = tpu.memref_squeeze %dma_start3A_591 : memref<1x8x432xf32, #tpu.memory_space<vmem>> -> memref<8x432xf32, #tpu.memory_space<vmem>>
      tpu.enqueue_dma source(%dma_start3A_592 : memref<8x432xf32, #tpu.memory_space<vmem>>) target(%dma_start3A_588 : memref<8x432xf32, #tpu.memory_space<hbm>>) target_semaphore(%arg14 : memref<!tpu.dma_semaphore, #tpu.memory_space<semaphore_mem>>)
      %add3A_593 = arith.constant 5 : i32
      %add3A_594 = arith.addi %mul3A_21, %add3A_593 : i32
      %mul3A_595 = arith.constant 8 : i32
      %mul3A_596 = arith.muli %add3A_420, %mul3A_595 : i32
      %dma_start3A_597 = arith.constant 5 : i32
      %dma_start3A_598 = arith.constant 0 : i32
      %dma_start3A_599 = arith.constant 0 : i32
      %dma_start3A_600 = tpu.memref_slice %arg12[%dma_start3A_597, %dma_start3A_598, %dma_start3A_599] : memref<8x8x432xf32, #tpu.memory_space<vmem>> -> memref<1x8x432xf32, #tpu.memory_space<vmem>>
      %dma_start3A_601 = tpu.memref_squeeze %dma_start3A_600 : memref<1x8x432xf32, #tpu.memory_space<vmem>> -> memref<8x432xf32, #tpu.memory_space<vmem>>
      %dma_start3A_602 = arith.constant 0 : i32
      %dma_start3A_603 = tpu.memref_slice %arg5[%select_n3A, %add3A_594, %mul3A_596, %dma_start3A_602] : memref<4x64x496x432xf32, #tpu.memory_space<hbm>> -> memref<1x1x8x432xf32, #tpu.memory_space<hbm>>
      %dma_start3A_604 = tpu.memref_squeeze %dma_start3A_603 : memref<1x1x8x432xf32, #tpu.memory_space<hbm>> -> memref<8x432xf32, #tpu.memory_space<hbm>>
      %dma_start3A_605 = arith.constant 0 : i32
      %dma_start3A_606 = tpu.memref_slice %arg5[%select_n3A, %add3A_594, %mul3A_596, %dma_start3A_605] : memref<4x64x496x432xf32, #tpu.memory_space<hbm>> -> memref<1x1x8x432xf32, #tpu.memory_space<hbm>>
      %dma_start3A_607 = tpu.memref_squeeze %dma_start3A_606 : memref<1x1x8x432xf32, #tpu.memory_space<hbm>> -> memref<8x432xf32, #tpu.memory_space<hbm>>
      %dma_start3A_608 = arith.constant 0 : i32
      %dma_start3A_609 = arith.constant 0 : i32
      %dma_start3A_610 = tpu.memref_slice %arg12[%dma_start3A_597, %dma_start3A_608, %dma_start3A_609] : memref<8x8x432xf32, #tpu.memory_space<vmem>> -> memref<1x8x432xf32, #tpu.memory_space<vmem>>
      %dma_start3A_611 = tpu.memref_squeeze %dma_start3A_610 : memref<1x8x432xf32, #tpu.memory_space<vmem>> -> memref<8x432xf32, #tpu.memory_space<vmem>>
      tpu.enqueue_dma source(%dma_start3A_611 : memref<8x432xf32, #tpu.memory_space<vmem>>) target(%dma_start3A_607 : memref<8x432xf32, #tpu.memory_space<hbm>>) target_semaphore(%arg14 : memref<!tpu.dma_semaphore, #tpu.memory_space<semaphore_mem>>)
      %add3A_612 = arith.constant 6 : i32
      %add3A_613 = arith.addi %mul3A_21, %add3A_612 : i32
      %mul3A_614 = arith.constant 8 : i32
      %mul3A_615 = arith.muli %add3A_420, %mul3A_614 : i32
      %dma_start3A_616 = arith.constant 6 : i32
      %dma_start3A_617 = arith.constant 0 : i32
      %dma_start3A_618 = arith.constant 0 : i32
      %dma_start3A_619 = tpu.memref_slice %arg12[%dma_start3A_616, %dma_start3A_617, %dma_start3A_618] : memref<8x8x432xf32, #tpu.memory_space<vmem>> -> memref<1x8x432xf32, #tpu.memory_space<vmem>>
      %dma_start3A_620 = tpu.memref_squeeze %dma_start3A_619 : memref<1x8x432xf32, #tpu.memory_space<vmem>> -> memref<8x432xf32, #tpu.memory_space<vmem>>
      %dma_start3A_621 = arith.constant 0 : i32
      %dma_start3A_622 = tpu.memref_slice %arg5[%select_n3A, %add3A_613, %mul3A_615, %dma_start3A_621] : memref<4x64x496x432xf32, #tpu.memory_space<hbm>> -> memref<1x1x8x432xf32, #tpu.memory_space<hbm>>
      %dma_start3A_623 = tpu.memref_squeeze %dma_start3A_622 : memref<1x1x8x432xf32, #tpu.memory_space<hbm>> -> memref<8x432xf32, #tpu.memory_space<hbm>>
      %dma_start3A_624 = arith.constant 0 : i32
      %dma_start3A_625 = tpu.memref_slice %arg5[%select_n3A, %add3A_613, %mul3A_615, %dma_start3A_624] : memref<4x64x496x432xf32, #tpu.memory_space<hbm>> -> memref<1x1x8x432xf32, #tpu.memory_space<hbm>>
      %dma_start3A_626 = tpu.memref_squeeze %dma_start3A_625 : memref<1x1x8x432xf32, #tpu.memory_space<hbm>> -> memref<8x432xf32, #tpu.memory_space<hbm>>
      %dma_start3A_627 = arith.constant 0 : i32
      %dma_start3A_628 = arith.constant 0 : i32
      %dma_start3A_629 = tpu.memref_slice %arg12[%dma_start3A_616, %dma_start3A_627, %dma_start3A_628] : memref<8x8x432xf32, #tpu.memory_space<vmem>> -> memref<1x8x432xf32, #tpu.memory_space<vmem>>
      %dma_start3A_630 = tpu.memref_squeeze %dma_start3A_629 : memref<1x8x432xf32, #tpu.memory_space<vmem>> -> memref<8x432xf32, #tpu.memory_space<vmem>>
      tpu.enqueue_dma source(%dma_start3A_630 : memref<8x432xf32, #tpu.memory_space<vmem>>) target(%dma_start3A_626 : memref<8x432xf32, #tpu.memory_space<hbm>>) target_semaphore(%arg14 : memref<!tpu.dma_semaphore, #tpu.memory_space<semaphore_mem>>)
      %add3A_631 = arith.constant 7 : i32
      %add3A_632 = arith.addi %mul3A_21, %add3A_631 : i32
      %mul3A_633 = arith.constant 8 : i32
      %mul3A_634 = arith.muli %add3A_420, %mul3A_633 : i32
      %dma_start3A_635 = arith.constant 7 : i32
      %dma_start3A_636 = arith.constant 0 : i32
      %dma_start3A_637 = arith.constant 0 : i32
      %dma_start3A_638 = tpu.memref_slice %arg12[%dma_start3A_635, %dma_start3A_636, %dma_start3A_637] : memref<8x8x432xf32, #tpu.memory_space<vmem>> -> memref<1x8x432xf32, #tpu.memory_space<vmem>>
      %dma_start3A_639 = tpu.memref_squeeze %dma_start3A_638 : memref<1x8x432xf32, #tpu.memory_space<vmem>> -> memref<8x432xf32, #tpu.memory_space<vmem>>
      %dma_start3A_640 = arith.constant 0 : i32
      %dma_start3A_641 = tpu.memref_slice %arg5[%select_n3A, %add3A_632, %mul3A_634, %dma_start3A_640] : memref<4x64x496x432xf32, #tpu.memory_space<hbm>> -> memref<1x1x8x432xf32, #tpu.memory_space<hbm>>
      %dma_start3A_642 = tpu.memref_squeeze %dma_start3A_641 : memref<1x1x8x432xf32, #tpu.memory_space<hbm>> -> memref<8x432xf32, #tpu.memory_space<hbm>>
      %dma_start3A_643 = arith.constant 0 : i32
      %dma_start3A_644 = tpu.memref_slice %arg5[%select_n3A, %add3A_632, %mul3A_634, %dma_start3A_643] : memref<4x64x496x432xf32, #tpu.memory_space<hbm>> -> memref<1x1x8x432xf32, #tpu.memory_space<hbm>>
      %dma_start3A_645 = tpu.memref_squeeze %dma_start3A_644 : memref<1x1x8x432xf32, #tpu.memory_space<hbm>> -> memref<8x432xf32, #tpu.memory_space<hbm>>
      %dma_start3A_646 = arith.constant 0 : i32
      %dma_start3A_647 = arith.constant 0 : i32
      %dma_start3A_648 = tpu.memref_slice %arg12[%dma_start3A_635, %dma_start3A_646, %dma_start3A_647] : memref<8x8x432xf32, #tpu.memory_space<vmem>> -> memref<1x8x432xf32, #tpu.memory_space<vmem>>
      %dma_start3A_649 = tpu.memref_squeeze %dma_start3A_648 : memref<1x8x432xf32, #tpu.memory_space<vmem>> -> memref<8x432xf32, #tpu.memory_space<vmem>>
      tpu.enqueue_dma source(%dma_start3A_649 : memref<8x432xf32, #tpu.memory_space<vmem>>) target(%dma_start3A_645 : memref<8x432xf32, #tpu.memory_space<hbm>>) target_semaphore(%arg14 : memref<!tpu.dma_semaphore, #tpu.memory_space<semaphore_mem>>)
      %mul3A_650 = arith.constant 2 : i32
      %mul3A_651 = arith.muli %scan3A_409, %mul3A_650 : i32
      %add3A_652 = arith.constant 1 : i32
      %add3A_653 = arith.addi %mul3A_651, %add3A_652 : i32
      %add3A_654 = arith.constant 1 : i32
      %add3A_655 = arith.addi %add3A_653, %add3A_654 : i32
      %mul3A_656 = arith.constant 3456 : i32
      %mul3A_657 = arith.muli %add3A_655, %mul3A_656 : i32
      %scan3A_658 = arith.constant 0 : i32
      %scan3A_659 = arith.constant 0 : i32
      %scan3A_660 = arith.constant 15 : i32
      %scan3A_661 = arith.addi %scan3A_659, %scan3A_660 : i32
      %scan3A_662 = arith.constant 1 : i32
      %scan3A_663:2 = scf.for %scan3A_887 = %scan3A_659 to %scan3A_661 step %scan3A_662 iter_args(%scan3A_888 = %scan3A_658, %scan3A_889 = %scan3A_56) -> (i32, i32)  : i32 {
        %add3A_890 = arith.addi %scan3A_888, %scan3A_889 : i32
        %jit3A_891 = arith.constant 2 : i32
        %div3A_892 = arith.divsi %add3A_890, %jit3A_891 : i32
        %sign3A_893 = arith.constant 0 : i32
        %sign3A_894 = arith.cmpi sgt, %add3A_890, %sign3A_893 : i32
        %sign3A_895 = arith.extui %sign3A_894 : i1 to i32
        %sign3A_896 = arith.constant 0 : i32
        %sign3A_897 = arith.cmpi slt, %add3A_890, %sign3A_896 : i32
        %sign3A_898 = arith.extui %sign3A_897 : i1 to i32
        %sign3A_899 = arith.subi %sign3A_895, %sign3A_898 : i32
        %sign3A_900 = arith.constant 0 : i32
        %sign3A_901 = arith.cmpi sgt, %jit3A_891, %sign3A_900 : i32
        %sign3A_902 = arith.extui %sign3A_901 : i1 to i32
        %sign3A_903 = arith.constant 0 : i32
        %sign3A_904 = arith.cmpi slt, %jit3A_891, %sign3A_903 : i32
        %sign3A_905 = arith.extui %sign3A_904 : i1 to i32
        %sign3A_906 = arith.subi %sign3A_902, %sign3A_905 : i32
        %ne3A_907 = arith.cmpi ne, %sign3A_899, %sign3A_906 : i32
        %rem3A_908 = arith.remsi %add3A_890, %jit3A_891 : i32
        %ne3A_909 = arith.constant 0 : i32
        %ne3A_910 = arith.cmpi ne, %rem3A_908, %ne3A_909 : i32
        %and3A_911 = arith.andi %ne3A_907, %ne3A_910 : i1
        %sub3A_912 = arith.constant 1 : i32
        %sub3A_913 = arith.subi %div3A_892, %sub3A_912 : i32
        %select_n3A_914 = arith.select %and3A_911, %sub3A_913, %div3A_892 : i32
        %min3A = arith.minsi %select_n3A_914, %max3A_60 : i32
        %broadcast_in_dim3A_915 = vector.broadcast %min3A : i32 to vector<16xi32>
        %gather3A = tpu.vector_load_idx %arg10[%broadcast_in_dim3A_915] : memref<12032xi32, #tpu.memory_space<vmem>>[vector<16xi32>], vector<16xi32>,
        %slice3A = vector.extract_strided_slice %gather3A {offsets = [0], sizes = [1], strides = [1]} : vector<16xi32> to vector<1xi32>
        %squeeze3A = vector.extract %slice3A[0] : i32 from vector<1xi32>
        %lt3A = arith.cmpi slt, %scan3A_888, %scan3A_889 : i32
        %lt3A_916 = arith.cmpi slt, %squeeze3A, %mul3A_657 : i32
        %add3A_917 = arith.constant 1 : i32
        %add3A_918 = arith.addi %select_n3A_914, %add3A_917 : i32
        %select_n3A_919 = arith.select %lt3A_916, %add3A_918, %scan3A_888 : i32
        %select_n3A_920 = arith.select %lt3A_916, %scan3A_889, %select_n3A_914 : i32
        %select_n3A_921 = arith.select %lt3A, %select_n3A_919, %scan3A_888 : i32
        %select_n3A_922 = arith.select %lt3A, %select_n3A_920, %scan3A_889 : i32
        scf.yield %select_n3A_921, %select_n3A_922 : i32, i32
      }
      %scan3A_664 = arith.constant 15 : i32
      %gt3A_665 = arith.constant 0 : i32
      %gt3A_666 = arith.cmpi sgt, %scan3A_409, %gt3A_665 : i32
      %convert_element_type3A_667 = arith.extui %gt3A_666 : i1 to i32
      %cond3A_668 = arith.constant 0 : i32
      %cond3A_669 = arith.cmpi ne, %convert_element_type3A_667, %cond3A_668 : i32
      scf.if %cond3A_669 {
        %sub3A_887 = arith.constant 2 : i32
        %sub3A_888 = arith.subi %add3A_653, %sub3A_887 : i32
        %add3A_889 = arith.constant 0 : i32
        %add3A_890 = arith.addi %mul3A_21, %add3A_889 : i32
        %mul3A_891 = arith.constant 8 : i32
        %mul3A_892 = arith.muli %sub3A_888, %mul3A_891 : i32
        %dma_wait3A_893 = arith.constant 0 : i32
        %dma_wait3A_894 = arith.constant 0 : i32
        %dma_wait3A_895 = arith.constant 0 : i32
        %dma_wait3A_896 = tpu.memref_slice %arg13[%dma_wait3A_893, %dma_wait3A_894, %dma_wait3A_895] : memref<8x8x432xf32, #tpu.memory_space<vmem>> -> memref<1x8x432xf32, #tpu.memory_space<vmem>>
        %dma_wait3A_897 = tpu.memref_squeeze %dma_wait3A_896 : memref<1x8x432xf32, #tpu.memory_space<vmem>> -> memref<8x432xf32, #tpu.memory_space<vmem>>
        %dma_wait3A_898 = arith.constant 0 : i32
        %dma_wait3A_899 = tpu.memref_slice %arg5[%select_n3A, %add3A_890, %mul3A_892, %dma_wait3A_898] : memref<4x64x496x432xf32, #tpu.memory_space<hbm>> -> memref<1x1x8x432xf32, #tpu.memory_space<hbm>>
        %dma_wait3A_900 = tpu.memref_squeeze %dma_wait3A_899 : memref<1x1x8x432xf32, #tpu.memory_space<hbm>> -> memref<8x432xf32, #tpu.memory_space<hbm>>
        %dma_wait3A_901 = arith.constant 0 : i32
        %dma_wait3A_902 = tpu.memref_slice %arg5[%select_n3A, %add3A_890, %mul3A_892, %dma_wait3A_901] : memref<4x64x496x432xf32, #tpu.memory_space<hbm>> -> memref<1x1x8x432xf32, #tpu.memory_space<hbm>>
        %dma_wait3A_903 = tpu.memref_squeeze %dma_wait3A_902 : memref<1x1x8x432xf32, #tpu.memory_space<hbm>> -> memref<8x432xf32, #tpu.memory_space<hbm>>
        %dma_wait3A_904 = arith.constant 0 : i32
        %dma_wait3A_905 = arith.constant 0 : i32
        %dma_wait3A_906 = tpu.memref_slice %arg13[%dma_wait3A_893, %dma_wait3A_904, %dma_wait3A_905] : memref<8x8x432xf32, #tpu.memory_space<vmem>> -> memref<1x8x432xf32, #tpu.memory_space<vmem>>
        %dma_wait3A_907 = tpu.memref_squeeze %dma_wait3A_906 : memref<1x8x432xf32, #tpu.memory_space<vmem>> -> memref<8x432xf32, #tpu.memory_space<vmem>>
        tpu.wait_dma2 semaphore(%arg15 : memref<!tpu.dma_semaphore, #tpu.memory_space<semaphore_mem>>) src(%dma_wait3A_907 : memref<8x432xf32, #tpu.memory_space<vmem>>) dst(%dma_wait3A_903 : memref<8x432xf32, #tpu.memory_space<hbm>>)
        %add3A_908 = arith.constant 1 : i32
        %add3A_909 = arith.addi %mul3A_21, %add3A_908 : i32
        %mul3A_910 = arith.constant 8 : i32
        %mul3A_911 = arith.muli %sub3A_888, %mul3A_910 : i32
        %dma_wait3A_912 = arith.constant 1 : i32
        %dma_wait3A_913 = arith.constant 0 : i32
        %dma_wait3A_914 = arith.constant 0 : i32
        %dma_wait3A_915 = tpu.memref_slice %arg13[%dma_wait3A_912, %dma_wait3A_913, %dma_wait3A_914] : memref<8x8x432xf32, #tpu.memory_space<vmem>> -> memref<1x8x432xf32, #tpu.memory_space<vmem>>
        %dma_wait3A_916 = tpu.memref_squeeze %dma_wait3A_915 : memref<1x8x432xf32, #tpu.memory_space<vmem>> -> memref<8x432xf32, #tpu.memory_space<vmem>>
        %dma_wait3A_917 = arith.constant 0 : i32
        %dma_wait3A_918 = tpu.memref_slice %arg5[%select_n3A, %add3A_909, %mul3A_911, %dma_wait3A_917] : memref<4x64x496x432xf32, #tpu.memory_space<hbm>> -> memref<1x1x8x432xf32, #tpu.memory_space<hbm>>
        %dma_wait3A_919 = tpu.memref_squeeze %dma_wait3A_918 : memref<1x1x8x432xf32, #tpu.memory_space<hbm>> -> memref<8x432xf32, #tpu.memory_space<hbm>>
        %dma_wait3A_920 = arith.constant 0 : i32
        %dma_wait3A_921 = tpu.memref_slice %arg5[%select_n3A, %add3A_909, %mul3A_911, %dma_wait3A_920] : memref<4x64x496x432xf32, #tpu.memory_space<hbm>> -> memref<1x1x8x432xf32, #tpu.memory_space<hbm>>
        %dma_wait3A_922 = tpu.memref_squeeze %dma_wait3A_921 : memref<1x1x8x432xf32, #tpu.memory_space<hbm>> -> memref<8x432xf32, #tpu.memory_space<hbm>>
        %dma_wait3A_923 = arith.constant 0 : i32
        %dma_wait3A_924 = arith.constant 0 : i32
        %dma_wait3A_925 = tpu.memref_slice %arg13[%dma_wait3A_912, %dma_wait3A_923, %dma_wait3A_924] : memref<8x8x432xf32, #tpu.memory_space<vmem>> -> memref<1x8x432xf32, #tpu.memory_space<vmem>>
        %dma_wait3A_926 = tpu.memref_squeeze %dma_wait3A_925 : memref<1x8x432xf32, #tpu.memory_space<vmem>> -> memref<8x432xf32, #tpu.memory_space<vmem>>
        tpu.wait_dma2 semaphore(%arg15 : memref<!tpu.dma_semaphore, #tpu.memory_space<semaphore_mem>>) src(%dma_wait3A_926 : memref<8x432xf32, #tpu.memory_space<vmem>>) dst(%dma_wait3A_922 : memref<8x432xf32, #tpu.memory_space<hbm>>)
        %add3A_927 = arith.constant 2 : i32
        %add3A_928 = arith.addi %mul3A_21, %add3A_927 : i32
        %mul3A_929 = arith.constant 8 : i32
        %mul3A_930 = arith.muli %sub3A_888, %mul3A_929 : i32
        %dma_wait3A_931 = arith.constant 2 : i32
        %dma_wait3A_932 = arith.constant 0 : i32
        %dma_wait3A_933 = arith.constant 0 : i32
        %dma_wait3A_934 = tpu.memref_slice %arg13[%dma_wait3A_931, %dma_wait3A_932, %dma_wait3A_933] : memref<8x8x432xf32, #tpu.memory_space<vmem>> -> memref<1x8x432xf32, #tpu.memory_space<vmem>>
        %dma_wait3A_935 = tpu.memref_squeeze %dma_wait3A_934 : memref<1x8x432xf32, #tpu.memory_space<vmem>> -> memref<8x432xf32, #tpu.memory_space<vmem>>
        %dma_wait3A_936 = arith.constant 0 : i32
        %dma_wait3A_937 = tpu.memref_slice %arg5[%select_n3A, %add3A_928, %mul3A_930, %dma_wait3A_936] : memref<4x64x496x432xf32, #tpu.memory_space<hbm>> -> memref<1x1x8x432xf32, #tpu.memory_space<hbm>>
        %dma_wait3A_938 = tpu.memref_squeeze %dma_wait3A_937 : memref<1x1x8x432xf32, #tpu.memory_space<hbm>> -> memref<8x432xf32, #tpu.memory_space<hbm>>
        %dma_wait3A_939 = arith.constant 0 : i32
        %dma_wait3A_940 = tpu.memref_slice %arg5[%select_n3A, %add3A_928, %mul3A_930, %dma_wait3A_939] : memref<4x64x496x432xf32, #tpu.memory_space<hbm>> -> memref<1x1x8x432xf32, #tpu.memory_space<hbm>>
        %dma_wait3A_941 = tpu.memref_squeeze %dma_wait3A_940 : memref<1x1x8x432xf32, #tpu.memory_space<hbm>> -> memref<8x432xf32, #tpu.memory_space<hbm>>
        %dma_wait3A_942 = arith.constant 0 : i32
        %dma_wait3A_943 = arith.constant 0 : i32
        %dma_wait3A_944 = tpu.memref_slice %arg13[%dma_wait3A_931, %dma_wait3A_942, %dma_wait3A_943] : memref<8x8x432xf32, #tpu.memory_space<vmem>> -> memref<1x8x432xf32, #tpu.memory_space<vmem>>
        %dma_wait3A_945 = tpu.memref_squeeze %dma_wait3A_944 : memref<1x8x432xf32, #tpu.memory_space<vmem>> -> memref<8x432xf32, #tpu.memory_space<vmem>>
        tpu.wait_dma2 semaphore(%arg15 : memref<!tpu.dma_semaphore, #tpu.memory_space<semaphore_mem>>) src(%dma_wait3A_945 : memref<8x432xf32, #tpu.memory_space<vmem>>) dst(%dma_wait3A_941 : memref<8x432xf32, #tpu.memory_space<hbm>>)
        %add3A_946 = arith.constant 3 : i32
        %add3A_947 = arith.addi %mul3A_21, %add3A_946 : i32
        %mul3A_948 = arith.constant 8 : i32
        %mul3A_949 = arith.muli %sub3A_888, %mul3A_948 : i32
        %dma_wait3A_950 = arith.constant 3 : i32
        %dma_wait3A_951 = arith.constant 0 : i32
        %dma_wait3A_952 = arith.constant 0 : i32
        %dma_wait3A_953 = tpu.memref_slice %arg13[%dma_wait3A_950, %dma_wait3A_951, %dma_wait3A_952] : memref<8x8x432xf32, #tpu.memory_space<vmem>> -> memref<1x8x432xf32, #tpu.memory_space<vmem>>
        %dma_wait3A_954 = tpu.memref_squeeze %dma_wait3A_953 : memref<1x8x432xf32, #tpu.memory_space<vmem>> -> memref<8x432xf32, #tpu.memory_space<vmem>>
        %dma_wait3A_955 = arith.constant 0 : i32
        %dma_wait3A_956 = tpu.memref_slice %arg5[%select_n3A, %add3A_947, %mul3A_949, %dma_wait3A_955] : memref<4x64x496x432xf32, #tpu.memory_space<hbm>> -> memref<1x1x8x432xf32, #tpu.memory_space<hbm>>
        %dma_wait3A_957 = tpu.memref_squeeze %dma_wait3A_956 : memref<1x1x8x432xf32, #tpu.memory_space<hbm>> -> memref<8x432xf32, #tpu.memory_space<hbm>>
        %dma_wait3A_958 = arith.constant 0 : i32
        %dma_wait3A_959 = tpu.memref_slice %arg5[%select_n3A, %add3A_947, %mul3A_949, %dma_wait3A_958] : memref<4x64x496x432xf32, #tpu.memory_space<hbm>> -> memref<1x1x8x432xf32, #tpu.memory_space<hbm>>
        %dma_wait3A_960 = tpu.memref_squeeze %dma_wait3A_959 : memref<1x1x8x432xf32, #tpu.memory_space<hbm>> -> memref<8x432xf32, #tpu.memory_space<hbm>>
        %dma_wait3A_961 = arith.constant 0 : i32
        %dma_wait3A_962 = arith.constant 0 : i32
        %dma_wait3A_963 = tpu.memref_slice %arg13[%dma_wait3A_950, %dma_wait3A_961, %dma_wait3A_962] : memref<8x8x432xf32, #tpu.memory_space<vmem>> -> memref<1x8x432xf32, #tpu.memory_space<vmem>>
        %dma_wait3A_964 = tpu.memref_squeeze %dma_wait3A_963 : memref<1x8x432xf32, #tpu.memory_space<vmem>> -> memref<8x432xf32, #tpu.memory_space<vmem>>
        tpu.wait_dma2 semaphore(%arg15 : memref<!tpu.dma_semaphore, #tpu.memory_space<semaphore_mem>>) src(%dma_wait3A_964 : memref<8x432xf32, #tpu.memory_space<vmem>>) dst(%dma_wait3A_960 : memref<8x432xf32, #tpu.memory_space<hbm>>)
        %add3A_965 = arith.constant 4 : i32
        %add3A_966 = arith.addi %mul3A_21, %add3A_965 : i32
        %mul3A_967 = arith.constant 8 : i32
        %mul3A_968 = arith.muli %sub3A_888, %mul3A_967 : i32
        %dma_wait3A_969 = arith.constant 4 : i32
        %dma_wait3A_970 = arith.constant 0 : i32
        %dma_wait3A_971 = arith.constant 0 : i32
        %dma_wait3A_972 = tpu.memref_slice %arg13[%dma_wait3A_969, %dma_wait3A_970, %dma_wait3A_971] : memref<8x8x432xf32, #tpu.memory_space<vmem>> -> memref<1x8x432xf32, #tpu.memory_space<vmem>>
        %dma_wait3A_973 = tpu.memref_squeeze %dma_wait3A_972 : memref<1x8x432xf32, #tpu.memory_space<vmem>> -> memref<8x432xf32, #tpu.memory_space<vmem>>
        %dma_wait3A_974 = arith.constant 0 : i32
        %dma_wait3A_975 = tpu.memref_slice %arg5[%select_n3A, %add3A_966, %mul3A_968, %dma_wait3A_974] : memref<4x64x496x432xf32, #tpu.memory_space<hbm>> -> memref<1x1x8x432xf32, #tpu.memory_space<hbm>>
        %dma_wait3A_976 = tpu.memref_squeeze %dma_wait3A_975 : memref<1x1x8x432xf32, #tpu.memory_space<hbm>> -> memref<8x432xf32, #tpu.memory_space<hbm>>
        %dma_wait3A_977 = arith.constant 0 : i32
        %dma_wait3A_978 = tpu.memref_slice %arg5[%select_n3A, %add3A_966, %mul3A_968, %dma_wait3A_977] : memref<4x64x496x432xf32, #tpu.memory_space<hbm>> -> memref<1x1x8x432xf32, #tpu.memory_space<hbm>>
        %dma_wait3A_979 = tpu.memref_squeeze %dma_wait3A_978 : memref<1x1x8x432xf32, #tpu.memory_space<hbm>> -> memref<8x432xf32, #tpu.memory_space<hbm>>
        %dma_wait3A_980 = arith.constant 0 : i32
        %dma_wait3A_981 = arith.constant 0 : i32
        %dma_wait3A_982 = tpu.memref_slice %arg13[%dma_wait3A_969, %dma_wait3A_980, %dma_wait3A_981] : memref<8x8x432xf32, #tpu.memory_space<vmem>> -> memref<1x8x432xf32, #tpu.memory_space<vmem>>
        %dma_wait3A_983 = tpu.memref_squeeze %dma_wait3A_982 : memref<1x8x432xf32, #tpu.memory_space<vmem>> -> memref<8x432xf32, #tpu.memory_space<vmem>>
        tpu.wait_dma2 semaphore(%arg15 : memref<!tpu.dma_semaphore, #tpu.memory_space<semaphore_mem>>) src(%dma_wait3A_983 : memref<8x432xf32, #tpu.memory_space<vmem>>) dst(%dma_wait3A_979 : memref<8x432xf32, #tpu.memory_space<hbm>>)
        %add3A_984 = arith.constant 5 : i32
        %add3A_985 = arith.addi %mul3A_21, %add3A_984 : i32
        %mul3A_986 = arith.constant 8 : i32
        %mul3A_987 = arith.muli %sub3A_888, %mul3A_986 : i32
        %dma_wait3A_988 = arith.constant 5 : i32
        %dma_wait3A_989 = arith.constant 0 : i32
        %dma_wait3A_990 = arith.constant 0 : i32
        %dma_wait3A_991 = tpu.memref_slice %arg13[%dma_wait3A_988, %dma_wait3A_989, %dma_wait3A_990] : memref<8x8x432xf32, #tpu.memory_space<vmem>> -> memref<1x8x432xf32, #tpu.memory_space<vmem>>
        %dma_wait3A_992 = tpu.memref_squeeze %dma_wait3A_991 : memref<1x8x432xf32, #tpu.memory_space<vmem>> -> memref<8x432xf32, #tpu.memory_space<vmem>>
        %dma_wait3A_993 = arith.constant 0 : i32
        %dma_wait3A_994 = tpu.memref_slice %arg5[%select_n3A, %add3A_985, %mul3A_987, %dma_wait3A_993] : memref<4x64x496x432xf32, #tpu.memory_space<hbm>> -> memref<1x1x8x432xf32, #tpu.memory_space<hbm>>
        %dma_wait3A_995 = tpu.memref_squeeze %dma_wait3A_994 : memref<1x1x8x432xf32, #tpu.memory_space<hbm>> -> memref<8x432xf32, #tpu.memory_space<hbm>>
        %dma_wait3A_996 = arith.constant 0 : i32
        %dma_wait3A_997 = tpu.memref_slice %arg5[%select_n3A, %add3A_985, %mul3A_987, %dma_wait3A_996] : memref<4x64x496x432xf32, #tpu.memory_space<hbm>> -> memref<1x1x8x432xf32, #tpu.memory_space<hbm>>
        %dma_wait3A_998 = tpu.memref_squeeze %dma_wait3A_997 : memref<1x1x8x432xf32, #tpu.memory_space<hbm>> -> memref<8x432xf32, #tpu.memory_space<hbm>>
        %dma_wait3A_999 = arith.constant 0 : i32
        %dma_wait3A_1000 = arith.constant 0 : i32
        %dma_wait3A_1001 = tpu.memref_slice %arg13[%dma_wait3A_988, %dma_wait3A_999, %dma_wait3A_1000] : memref<8x8x432xf32, #tpu.memory_space<vmem>> -> memref<1x8x432xf32, #tpu.memory_space<vmem>>
        %dma_wait3A_1002 = tpu.memref_squeeze %dma_wait3A_1001 : memref<1x8x432xf32, #tpu.memory_space<vmem>> -> memref<8x432xf32, #tpu.memory_space<vmem>>
        tpu.wait_dma2 semaphore(%arg15 : memref<!tpu.dma_semaphore, #tpu.memory_space<semaphore_mem>>) src(%dma_wait3A_1002 : memref<8x432xf32, #tpu.memory_space<vmem>>) dst(%dma_wait3A_998 : memref<8x432xf32, #tpu.memory_space<hbm>>)
        %add3A_1003 = arith.constant 6 : i32
        %add3A_1004 = arith.addi %mul3A_21, %add3A_1003 : i32
        %mul3A_1005 = arith.constant 8 : i32
        %mul3A_1006 = arith.muli %sub3A_888, %mul3A_1005 : i32
        %dma_wait3A_1007 = arith.constant 6 : i32
        %dma_wait3A_1008 = arith.constant 0 : i32
        %dma_wait3A_1009 = arith.constant 0 : i32
        %dma_wait3A_1010 = tpu.memref_slice %arg13[%dma_wait3A_1007, %dma_wait3A_1008, %dma_wait3A_1009] : memref<8x8x432xf32, #tpu.memory_space<vmem>> -> memref<1x8x432xf32, #tpu.memory_space<vmem>>
        %dma_wait3A_1011 = tpu.memref_squeeze %dma_wait3A_1010 : memref<1x8x432xf32, #tpu.memory_space<vmem>> -> memref<8x432xf32, #tpu.memory_space<vmem>>
        %dma_wait3A_1012 = arith.constant 0 : i32
        %dma_wait3A_1013 = tpu.memref_slice %arg5[%select_n3A, %add3A_1004, %mul3A_1006, %dma_wait3A_1012] : memref<4x64x496x432xf32, #tpu.memory_space<hbm>> -> memref<1x1x8x432xf32, #tpu.memory_space<hbm>>
        %dma_wait3A_1014 = tpu.memref_squeeze %dma_wait3A_1013 : memref<1x1x8x432xf32, #tpu.memory_space<hbm>> -> memref<8x432xf32, #tpu.memory_space<hbm>>
        %dma_wait3A_1015 = arith.constant 0 : i32
        %dma_wait3A_1016 = tpu.memref_slice %arg5[%select_n3A, %add3A_1004, %mul3A_1006, %dma_wait3A_1015] : memref<4x64x496x432xf32, #tpu.memory_space<hbm>> -> memref<1x1x8x432xf32, #tpu.memory_space<hbm>>
        %dma_wait3A_1017 = tpu.memref_squeeze %dma_wait3A_1016 : memref<1x1x8x432xf32, #tpu.memory_space<hbm>> -> memref<8x432xf32, #tpu.memory_space<hbm>>
        %dma_wait3A_1018 = arith.constant 0 : i32
        %dma_wait3A_1019 = arith.constant 0 : i32
        %dma_wait3A_1020 = tpu.memref_slice %arg13[%dma_wait3A_1007, %dma_wait3A_1018, %dma_wait3A_1019] : memref<8x8x432xf32, #tpu.memory_space<vmem>> -> memref<1x8x432xf32, #tpu.memory_space<vmem>>
        %dma_wait3A_1021 = tpu.memref_squeeze %dma_wait3A_1020 : memref<1x8x432xf32, #tpu.memory_space<vmem>> -> memref<8x432xf32, #tpu.memory_space<vmem>>
        tpu.wait_dma2 semaphore(%arg15 : memref<!tpu.dma_semaphore, #tpu.memory_space<semaphore_mem>>) src(%dma_wait3A_1021 : memref<8x432xf32, #tpu.memory_space<vmem>>) dst(%dma_wait3A_1017 : memref<8x432xf32, #tpu.memory_space<hbm>>)
        %add3A_1022 = arith.constant 7 : i32
        %add3A_1023 = arith.addi %mul3A_21, %add3A_1022 : i32
        %mul3A_1024 = arith.constant 8 : i32
        %mul3A_1025 = arith.muli %sub3A_888, %mul3A_1024 : i32
        %dma_wait3A_1026 = arith.constant 7 : i32
        %dma_wait3A_1027 = arith.constant 0 : i32
        %dma_wait3A_1028 = arith.constant 0 : i32
        %dma_wait3A_1029 = tpu.memref_slice %arg13[%dma_wait3A_1026, %dma_wait3A_1027, %dma_wait3A_1028] : memref<8x8x432xf32, #tpu.memory_space<vmem>> -> memref<1x8x432xf32, #tpu.memory_space<vmem>>
        %dma_wait3A_1030 = tpu.memref_squeeze %dma_wait3A_1029 : memref<1x8x432xf32, #tpu.memory_space<vmem>> -> memref<8x432xf32, #tpu.memory_space<vmem>>
        %dma_wait3A_1031 = arith.constant 0 : i32
        %dma_wait3A_1032 = tpu.memref_slice %arg5[%select_n3A, %add3A_1023, %mul3A_1025, %dma_wait3A_1031] : memref<4x64x496x432xf32, #tpu.memory_space<hbm>> -> memref<1x1x8x432xf32, #tpu.memory_space<hbm>>
        %dma_wait3A_1033 = tpu.memref_squeeze %dma_wait3A_1032 : memref<1x1x8x432xf32, #tpu.memory_space<hbm>> -> memref<8x432xf32, #tpu.memory_space<hbm>>
        %dma_wait3A_1034 = arith.constant 0 : i32
        %dma_wait3A_1035 = tpu.memref_slice %arg5[%select_n3A, %add3A_1023, %mul3A_1025, %dma_wait3A_1034] : memref<4x64x496x432xf32, #tpu.memory_space<hbm>> -> memref<1x1x8x432xf32, #tpu.memory_space<hbm>>
        %dma_wait3A_1036 = tpu.memref_squeeze %dma_wait3A_1035 : memref<1x1x8x432xf32, #tpu.memory_space<hbm>> -> memref<8x432xf32, #tpu.memory_space<hbm>>
        %dma_wait3A_1037 = arith.constant 0 : i32
        %dma_wait3A_1038 = arith.constant 0 : i32
        %dma_wait3A_1039 = tpu.memref_slice %arg13[%dma_wait3A_1026, %dma_wait3A_1037, %dma_wait3A_1038] : memref<8x8x432xf32, #tpu.memory_space<vmem>> -> memref<1x8x432xf32, #tpu.memory_space<vmem>>
        %dma_wait3A_1040 = tpu.memref_squeeze %dma_wait3A_1039 : memref<1x8x432xf32, #tpu.memory_space<vmem>> -> memref<8x432xf32, #tpu.memory_space<vmem>>
        tpu.wait_dma2 semaphore(%arg15 : memref<!tpu.dma_semaphore, #tpu.memory_space<semaphore_mem>>) src(%dma_wait3A_1040 : memref<8x432xf32, #tpu.memory_space<vmem>>) dst(%dma_wait3A_1036 : memref<8x432xf32, #tpu.memory_space<hbm>>)
        %sub3A_1041 = arith.constant 2 : i32
        %sub3A_1042 = arith.subi %add3A_653, %sub3A_1041 : i32
        %jit3A_1043 = arith.constant 16 : i32
        %div3A_1044 = arith.divsi %scan3A_413, %jit3A_1043 : i32
        %sign3A_1045 = arith.constant 0 : i32
        %sign3A_1046 = arith.cmpi sgt, %scan3A_413, %sign3A_1045 : i32
        %sign3A_1047 = arith.extui %sign3A_1046 : i1 to i32
        %sign3A_1048 = arith.constant 0 : i32
        %sign3A_1049 = arith.cmpi slt, %scan3A_413, %sign3A_1048 : i32
        %sign3A_1050 = arith.extui %sign3A_1049 : i1 to i32
        %sign3A_1051 = arith.subi %sign3A_1047, %sign3A_1050 : i32
        %sign3A_1052 = arith.constant 0 : i32
        %sign3A_1053 = arith.cmpi sgt, %jit3A_1043, %sign3A_1052 : i32
        %sign3A_1054 = arith.extui %sign3A_1053 : i1 to i32
        %sign3A_1055 = arith.constant 0 : i32
        %sign3A_1056 = arith.cmpi slt, %jit3A_1043, %sign3A_1055 : i32
        %sign3A_1057 = arith.extui %sign3A_1056 : i1 to i32
        %sign3A_1058 = arith.subi %sign3A_1054, %sign3A_1057 : i32
        %ne3A_1059 = arith.cmpi ne, %sign3A_1051, %sign3A_1058 : i32
        %rem3A_1060 = arith.remsi %scan3A_413, %jit3A_1043 : i32
        %ne3A_1061 = arith.constant 0 : i32
        %ne3A_1062 = arith.cmpi ne, %rem3A_1060, %ne3A_1061 : i32
        %and3A_1063 = arith.andi %ne3A_1059, %ne3A_1062 : i1
        %sub3A_1064 = arith.constant 1 : i32
        %sub3A_1065 = arith.subi %div3A_1044, %sub3A_1064 : i32
        %select_n3A_1066 = arith.select %and3A_1063, %sub3A_1065, %div3A_1044 : i32
        %mul3A_1067 = arith.constant 16 : i32
        %mul3A_1068 = arith.muli %select_n3A_1066, %mul3A_1067 : i32
        %sub3A_1069 = arith.subi %scan3A_414, %mul3A_1068 : i32
        %add3A_1070 = arith.constant 15 : i32
        %add3A_1071 = arith.addi %sub3A_1069, %add3A_1070 : i32
        %jit3A_1072 = arith.constant 16 : i32
        %div3A_1073 = arith.divsi %add3A_1071, %jit3A_1072 : i32
        %sign3A_1074 = arith.constant 0 : i32
        %sign3A_1075 = arith.cmpi sgt, %add3A_1071, %sign3A_1074 : i32
        %sign3A_1076 = arith.extui %sign3A_1075 : i1 to i32
        %sign3A_1077 = arith.constant 0 : i32
        %sign3A_1078 = arith.cmpi slt, %add3A_1071, %sign3A_1077 : i32
        %sign3A_1079 = arith.extui %sign3A_1078 : i1 to i32
        %sign3A_1080 = arith.subi %sign3A_1076, %sign3A_1079 : i32
        %sign3A_1081 = arith.constant 0 : i32
        %sign3A_1082 = arith.cmpi sgt, %jit3A_1072, %sign3A_1081 : i32
        %sign3A_1083 = arith.extui %sign3A_1082 : i1 to i32
        %sign3A_1084 = arith.constant 0 : i32
        %sign3A_1085 = arith.cmpi slt, %jit3A_1072, %sign3A_1084 : i32
        %sign3A_1086 = arith.extui %sign3A_1085 : i1 to i32
        %sign3A_1087 = arith.subi %sign3A_1083, %sign3A_1086 : i32
        %ne3A_1088 = arith.cmpi ne, %sign3A_1080, %sign3A_1087 : i32
        %rem3A_1089 = arith.remsi %add3A_1071, %jit3A_1072 : i32
        %ne3A_1090 = arith.constant 0 : i32
        %ne3A_1091 = arith.cmpi ne, %rem3A_1089, %ne3A_1090 : i32
        %and3A_1092 = arith.andi %ne3A_1088, %ne3A_1091 : i1
        %sub3A_1093 = arith.constant 1 : i32
        %sub3A_1094 = arith.subi %div3A_1073, %sub3A_1093 : i32
        %select_n3A_1095 = arith.select %and3A_1092, %sub3A_1094, %div3A_1073 : i32
        %while3A_1096 = arith.constant 0 : i32
        %while3A_1097 = arith.constant 0 : i32
        %while3A_1098 = arith.subi %select_n3A_1095, %while3A_1097 : i32
        %while3A_1099 = arith.addi %while3A_1097, %while3A_1098 : i32
        %while3A_1100 = arith.constant 1 : i32
        %while3A_1101 = arith.divsi %while3A_1098, %while3A_1100 : i32
        %while3A_1102 = arith.muli %while3A_1101, %while3A_1100 : i32
        %while3A_1103 = arith.addi %while3A_1097, %while3A_1102 : i32
        %while3A_1104 = arith.constant 1 : i32
        scf.for %while3A_1106 = %while3A_1097 to %while3A_1103 step %while3A_1104  : i32 {
          %mul3A_1107 = arith.constant 16 : i32
          %mul3A_1108 = arith.muli %while3A_1106, %mul3A_1107 : i32
          %add3A_1109 = arith.addi %mul3A_1068, %mul3A_1108 : i32
          %get3A = arith.index_cast %add3A_1109 : i32 to index
          %get3A_1110 = tpu.vector_load %arg10[%get3A] {strides = array<i32>} : memref<12032xi32, #tpu.memory_space<vmem>>, vector<16xi32>,
          %add3A_1111 = vector.broadcast %add3A_1109 : i32 to vector<16xi32>
          %add3A_1112 = arith.addi %add3A_1111, %iota3A : vector<16xi32>
          %ge3A = vector.broadcast %scan3A_413 : i32 to vector<16xi32>
          %ge3A_1113 = arith.cmpi sge, %add3A_1112, %ge3A : vector<16xi32>
          %lt3A = vector.broadcast %scan3A_414 : i32 to vector<16xi32>
          %lt3A_1114 = arith.cmpi slt, %add3A_1112, %lt3A : vector<16xi32>
          %and3A_1115 = arith.andi %ge3A_1113, %lt3A_1114 : vector<16xi1>
          %mul3A_1116 = arith.constant 3456 : i32
          %mul3A_1117 = arith.muli %sub3A_1042, %mul3A_1116 : i32
          %sub3A_1118 = vector.broadcast %mul3A_1117 : i32 to vector<16xi32>
          %sub3A_1119 = arith.subi %get3A_1110, %sub3A_1118 : vector<16xi32>
          %jit3A_1120 = arith.constant 0 : i32
          %broadcast_in_dim3A_1121 = vector.broadcast %jit3A_1120 : i32 to vector<16xi32>
          %select_n3A_1122 = arith.select %and3A_1115, %sub3A_1119, %broadcast_in_dim3A_1121 : vector<16xi1>, vector<16xi32>
          %jit3A_1123 = arith.constant 432 : i32
          %div3A_1124 = vector.broadcast %jit3A_1123 : i32 to vector<16xi32>
          %div3A_1125 = arith.divsi %select_n3A_1122, %div3A_1124 : vector<16xi32>
          %sign3A_1126 = arith.constant 0 : i32
          %sign3A_1127 = vector.broadcast %sign3A_1126 : i32 to vector<16xi32>
          %sign3A_1128 = arith.cmpi sgt, %select_n3A_1122, %sign3A_1127 : vector<16xi32>
          %sign3A_1129 = arith.extui %sign3A_1128 : vector<16xi1> to vector<16xi32>
          %sign3A_1130 = arith.constant 0 : i32
          %sign3A_1131 = vector.broadcast %sign3A_1130 : i32 to vector<16xi32>
          %sign3A_1132 = arith.cmpi slt, %select_n3A_1122, %sign3A_1131 : vector<16xi32>
          %sign3A_1133 = arith.extui %sign3A_1132 : vector<16xi1> to vector<16xi32>
          %sign3A_1134 = arith.subi %sign3A_1129, %sign3A_1133 : vector<16xi32>
          %sign3A_1135 = arith.constant 0 : i32
          %sign3A_1136 = arith.cmpi sgt, %jit3A_1123, %sign3A_1135 : i32
          %sign3A_1137 = arith.extui %sign3A_1136 : i1 to i32
          %sign3A_1138 = arith.constant 0 : i32
          %sign3A_1139 = arith.cmpi slt, %jit3A_1123, %sign3A_1138 : i32
          %sign3A_1140 = arith.extui %sign3A_1139 : i1 to i32
          %sign3A_1141 = arith.subi %sign3A_1137, %sign3A_1140 : i32
          %ne3A_1142 = vector.broadcast %sign3A_1141 : i32 to vector<16xi32>
          %ne3A_1143 = arith.cmpi ne, %sign3A_1134, %ne3A_1142 : vector<16xi32>
          %rem3A_1144 = vector.broadcast %jit3A_1123 : i32 to vector<16xi32>
          %rem3A_1145 = arith.remsi %select_n3A_1122, %rem3A_1144 : vector<16xi32>
          %ne3A_1146 = arith.constant 0 : i32
          %ne3A_1147 = vector.broadcast %ne3A_1146 : i32 to vector<16xi32>
          %ne3A_1148 = arith.cmpi ne, %rem3A_1145, %ne3A_1147 : vector<16xi32>
          %and3A_1149 = arith.andi %ne3A_1143, %ne3A_1148 : vector<16xi1>
          %sub3A_1150 = arith.constant 1 : i32
          %sub3A_1151 = vector.broadcast %sub3A_1150 : i32 to vector<16xi32>
          %sub3A_1152 = arith.subi %div3A_1125, %sub3A_1151 : vector<16xi32>
          %select_n3A_1153 = arith.select %and3A_1149, %sub3A_1152, %div3A_1125 : vector<16xi1>, vector<16xi32>
          %mul3A_1154 = arith.constant 432 : i32
          %mul3A_1155 = vector.broadcast %mul3A_1154 : i32 to vector<16xi32>
          %mul3A_1156 = arith.muli %select_n3A_1153, %mul3A_1155 : vector<16xi32>
          %sub3A_1157 = arith.subi %select_n3A_1122, %mul3A_1156 : vector<16xi32>
          %broadcast_in_dim3A_1158 = arith.constant 0 : i32
          %broadcast_in_dim3A_1159 = vector.broadcast %broadcast_in_dim3A_1158 : i32 to vector<16xi32>
          tpu.vector_store_idx %arg13[%broadcast_in_dim3A_1159, %select_n3A_1153, %sub3A_1157], %broadcast_in_dim3A_22 masked %and3A_1115 : memref<8x8x432xf32, #tpu.memory_space<vmem>>[vector<16xi32>, vector<16xi32>, vector<16xi32>], vector<16xf32>, vector<16xi1>
          %broadcast_in_dim3A_1160 = arith.constant 1 : i32
          %broadcast_in_dim3A_1161 = vector.broadcast %broadcast_in_dim3A_1160 : i32 to vector<16xi32>
          tpu.vector_store_idx %arg13[%broadcast_in_dim3A_1161, %select_n3A_1153, %sub3A_1157], %broadcast_in_dim3A_22 masked %and3A_1115 : memref<8x8x432xf32, #tpu.memory_space<vmem>>[vector<16xi32>, vector<16xi32>, vector<16xi32>], vector<16xf32>, vector<16xi1>
          %broadcast_in_dim3A_1162 = arith.constant 2 : i32
          %broadcast_in_dim3A_1163 = vector.broadcast %broadcast_in_dim3A_1162 : i32 to vector<16xi32>
          tpu.vector_store_idx %arg13[%broadcast_in_dim3A_1163, %select_n3A_1153, %sub3A_1157], %broadcast_in_dim3A_22 masked %and3A_1115 : memref<8x8x432xf32, #tpu.memory_space<vmem>>[vector<16xi32>, vector<16xi32>, vector<16xi32>], vector<16xf32>, vector<16xi1>
          %broadcast_in_dim3A_1164 = arith.constant 3 : i32
          %broadcast_in_dim3A_1165 = vector.broadcast %broadcast_in_dim3A_1164 : i32 to vector<16xi32>
          tpu.vector_store_idx %arg13[%broadcast_in_dim3A_1165, %select_n3A_1153, %sub3A_1157], %broadcast_in_dim3A_22 masked %and3A_1115 : memref<8x8x432xf32, #tpu.memory_space<vmem>>[vector<16xi32>, vector<16xi32>, vector<16xi32>], vector<16xf32>, vector<16xi1>
          %broadcast_in_dim3A_1166 = arith.constant 4 : i32
          %broadcast_in_dim3A_1167 = vector.broadcast %broadcast_in_dim3A_1166 : i32 to vector<16xi32>
          tpu.vector_store_idx %arg13[%broadcast_in_dim3A_1167, %select_n3A_1153, %sub3A_1157], %broadcast_in_dim3A_22 masked %and3A_1115 : memref<8x8x432xf32, #tpu.memory_space<vmem>>[vector<16xi32>, vector<16xi32>, vector<16xi32>], vector<16xf32>, vector<16xi1>
          %broadcast_in_dim3A_1168 = arith.constant 5 : i32
          %broadcast_in_dim3A_1169 = vector.broadcast %broadcast_in_dim3A_1168 : i32 to vector<16xi32>
          tpu.vector_store_idx %arg13[%broadcast_in_dim3A_1169, %select_n3A_1153, %sub3A_1157], %broadcast_in_dim3A_22 masked %and3A_1115 : memref<8x8x432xf32, #tpu.memory_space<vmem>>[vector<16xi32>, vector<16xi32>, vector<16xi32>], vector<16xf32>, vector<16xi1>
          %broadcast_in_dim3A_1170 = arith.constant 6 : i32
          %broadcast_in_dim3A_1171 = vector.broadcast %broadcast_in_dim3A_1170 : i32 to vector<16xi32>
          tpu.vector_store_idx %arg13[%broadcast_in_dim3A_1171, %select_n3A_1153, %sub3A_1157], %broadcast_in_dim3A_22 masked %and3A_1115 : memref<8x8x432xf32, #tpu.memory_space<vmem>>[vector<16xi32>, vector<16xi32>, vector<16xi32>], vector<16xf32>, vector<16xi1>
          %broadcast_in_dim3A_1172 = arith.constant 7 : i32
          %broadcast_in_dim3A_1173 = vector.broadcast %broadcast_in_dim3A_1172 : i32 to vector<16xi32>
          tpu.vector_store_idx %arg13[%broadcast_in_dim3A_1173, %select_n3A_1153, %sub3A_1157], %broadcast_in_dim3A_22 masked %and3A_1115 : memref<8x8x432xf32, #tpu.memory_space<vmem>>[vector<16xi32>, vector<16xi32>, vector<16xi32>], vector<16xf32>, vector<16xi1>
        }
        %while3A_1105 = arith.constant 1 : i32
        scf.for %while3A_1106 = %while3A_1103 to %while3A_1099 step %while3A_1105  : i32 {
          %mul3A_1107 = arith.constant 16 : i32
          %mul3A_1108 = arith.muli %while3A_1106, %mul3A_1107 : i32
          %add3A_1109 = arith.addi %mul3A_1068, %mul3A_1108 : i32
          %get3A = arith.index_cast %add3A_1109 : i32 to index
          %get3A_1110 = tpu.vector_load %arg10[%get3A] {strides = array<i32>} : memref<12032xi32, #tpu.memory_space<vmem>>, vector<16xi32>,
          %add3A_1111 = vector.broadcast %add3A_1109 : i32 to vector<16xi32>
          %add3A_1112 = arith.addi %add3A_1111, %iota3A : vector<16xi32>
          %ge3A = vector.broadcast %scan3A_413 : i32 to vector<16xi32>
          %ge3A_1113 = arith.cmpi sge, %add3A_1112, %ge3A : vector<16xi32>
          %lt3A = vector.broadcast %scan3A_414 : i32 to vector<16xi32>
          %lt3A_1114 = arith.cmpi slt, %add3A_1112, %lt3A : vector<16xi32>
          %and3A_1115 = arith.andi %ge3A_1113, %lt3A_1114 : vector<16xi1>
          %mul3A_1116 = arith.constant 3456 : i32
          %mul3A_1117 = arith.muli %sub3A_1042, %mul3A_1116 : i32
          %sub3A_1118 = vector.broadcast %mul3A_1117 : i32 to vector<16xi32>
          %sub3A_1119 = arith.subi %get3A_1110, %sub3A_1118 : vector<16xi32>
          %jit3A_1120 = arith.constant 0 : i32
          %broadcast_in_dim3A_1121 = vector.broadcast %jit3A_1120 : i32 to vector<16xi32>
          %select_n3A_1122 = arith.select %and3A_1115, %sub3A_1119, %broadcast_in_dim3A_1121 : vector<16xi1>, vector<16xi32>
          %jit3A_1123 = arith.constant 432 : i32
          %div3A_1124 = vector.broadcast %jit3A_1123 : i32 to vector<16xi32>
          %div3A_1125 = arith.divsi %select_n3A_1122, %div3A_1124 : vector<16xi32>
          %sign3A_1126 = arith.constant 0 : i32
          %sign3A_1127 = vector.broadcast %sign3A_1126 : i32 to vector<16xi32>
          %sign3A_1128 = arith.cmpi sgt, %select_n3A_1122, %sign3A_1127 : vector<16xi32>
          %sign3A_1129 = arith.extui %sign3A_1128 : vector<16xi1> to vector<16xi32>
          %sign3A_1130 = arith.constant 0 : i32
          %sign3A_1131 = vector.broadcast %sign3A_1130 : i32 to vector<16xi32>
          %sign3A_1132 = arith.cmpi slt, %select_n3A_1122, %sign3A_1131 : vector<16xi32>
          %sign3A_1133 = arith.extui %sign3A_1132 : vector<16xi1> to vector<16xi32>
          %sign3A_1134 = arith.subi %sign3A_1129, %sign3A_1133 : vector<16xi32>
          %sign3A_1135 = arith.constant 0 : i32
          %sign3A_1136 = arith.cmpi sgt, %jit3A_1123, %sign3A_1135 : i32
          %sign3A_1137 = arith.extui %sign3A_1136 : i1 to i32
          %sign3A_1138 = arith.constant 0 : i32
          %sign3A_1139 = arith.cmpi slt, %jit3A_1123, %sign3A_1138 : i32
          %sign3A_1140 = arith.extui %sign3A_1139 : i1 to i32
          %sign3A_1141 = arith.subi %sign3A_1137, %sign3A_1140 : i32
          %ne3A_1142 = vector.broadcast %sign3A_1141 : i32 to vector<16xi32>
          %ne3A_1143 = arith.cmpi ne, %sign3A_1134, %ne3A_1142 : vector<16xi32>
          %rem3A_1144 = vector.broadcast %jit3A_1123 : i32 to vector<16xi32>
          %rem3A_1145 = arith.remsi %select_n3A_1122, %rem3A_1144 : vector<16xi32>
          %ne3A_1146 = arith.constant 0 : i32
          %ne3A_1147 = vector.broadcast %ne3A_1146 : i32 to vector<16xi32>
          %ne3A_1148 = arith.cmpi ne, %rem3A_1145, %ne3A_1147 : vector<16xi32>
          %and3A_1149 = arith.andi %ne3A_1143, %ne3A_1148 : vector<16xi1>
          %sub3A_1150 = arith.constant 1 : i32
          %sub3A_1151 = vector.broadcast %sub3A_1150 : i32 to vector<16xi32>
          %sub3A_1152 = arith.subi %div3A_1125, %sub3A_1151 : vector<16xi32>
          %select_n3A_1153 = arith.select %and3A_1149, %sub3A_1152, %div3A_1125 : vector<16xi1>, vector<16xi32>
          %mul3A_1154 = arith.constant 432 : i32
          %mul3A_1155 = vector.broadcast %mul3A_1154 : i32 to vector<16xi32>
          %mul3A_1156 = arith.muli %select_n3A_1153, %mul3A_1155 : vector<16xi32>
          %sub3A_1157 = arith.subi %select_n3A_1122, %mul3A_1156 : vector<16xi32>
          %broadcast_in_dim3A_1158 = arith.constant 0 : i32
          %broadcast_in_dim3A_1159 = vector.broadcast %broadcast_in_dim3A_1158 : i32 to vector<16xi32>
          tpu.vector_store_idx %arg13[%broadcast_in_dim3A_1159, %select_n3A_1153, %sub3A_1157], %broadcast_in_dim3A_22 masked %and3A_1115 : memref<8x8x432xf32, #tpu.memory_space<vmem>>[vector<16xi32>, vector<16xi32>, vector<16xi32>], vector<16xf32>, vector<16xi1>
          %broadcast_in_dim3A_1160 = arith.constant 1 : i32
          %broadcast_in_dim3A_1161 = vector.broadcast %broadcast_in_dim3A_1160 : i32 to vector<16xi32>
          tpu.vector_store_idx %arg13[%broadcast_in_dim3A_1161, %select_n3A_1153, %sub3A_1157], %broadcast_in_dim3A_22 masked %and3A_1115 : memref<8x8x432xf32, #tpu.memory_space<vmem>>[vector<16xi32>, vector<16xi32>, vector<16xi32>], vector<16xf32>, vector<16xi1>
          %broadcast_in_dim3A_1162 = arith.constant 2 : i32
          %broadcast_in_dim3A_1163 = vector.broadcast %broadcast_in_dim3A_1162 : i32 to vector<16xi32>
          tpu.vector_store_idx %arg13[%broadcast_in_dim3A_1163, %select_n3A_1153, %sub3A_1157], %broadcast_in_dim3A_22 masked %and3A_1115 : memref<8x8x432xf32, #tpu.memory_space<vmem>>[vector<16xi32>, vector<16xi32>, vector<16xi32>], vector<16xf32>, vector<16xi1>
          %broadcast_in_dim3A_1164 = arith.constant 3 : i32
          %broadcast_in_dim3A_1165 = vector.broadcast %broadcast_in_dim3A_1164 : i32 to vector<16xi32>
          tpu.vector_store_idx %arg13[%broadcast_in_dim3A_1165, %select_n3A_1153, %sub3A_1157], %broadcast_in_dim3A_22 masked %and3A_1115 : memref<8x8x432xf32, #tpu.memory_space<vmem>>[vector<16xi32>, vector<16xi32>, vector<16xi32>], vector<16xf32>, vector<16xi1>
          %broadcast_in_dim3A_1166 = arith.constant 4 : i32
          %broadcast_in_dim3A_1167 = vector.broadcast %broadcast_in_dim3A_1166 : i32 to vector<16xi32>
          tpu.vector_store_idx %arg13[%broadcast_in_dim3A_1167, %select_n3A_1153, %sub3A_1157], %broadcast_in_dim3A_22 masked %and3A_1115 : memref<8x8x432xf32, #tpu.memory_space<vmem>>[vector<16xi32>, vector<16xi32>, vector<16xi32>], vector<16xf32>, vector<16xi1>
          %broadcast_in_dim3A_1168 = arith.constant 5 : i32
          %broadcast_in_dim3A_1169 = vector.broadcast %broadcast_in_dim3A_1168 : i32 to vector<16xi32>
          tpu.vector_store_idx %arg13[%broadcast_in_dim3A_1169, %select_n3A_1153, %sub3A_1157], %broadcast_in_dim3A_22 masked %and3A_1115 : memref<8x8x432xf32, #tpu.memory_space<vmem>>[vector<16xi32>, vector<16xi32>, vector<16xi32>], vector<16xf32>, vector<16xi1>
          %broadcast_in_dim3A_1170 = arith.constant 6 : i32
          %broadcast_in_dim3A_1171 = vector.broadcast %broadcast_in_dim3A_1170 : i32 to vector<16xi32>
          tpu.vector_store_idx %arg13[%broadcast_in_dim3A_1171, %select_n3A_1153, %sub3A_1157], %broadcast_in_dim3A_22 masked %and3A_1115 : memref<8x8x432xf32, #tpu.memory_space<vmem>>[vector<16xi32>, vector<16xi32>, vector<16xi32>], vector<16xf32>, vector<16xi1>
          %broadcast_in_dim3A_1172 = arith.constant 7 : i32
          %broadcast_in_dim3A_1173 = vector.broadcast %broadcast_in_dim3A_1172 : i32 to vector<16xi32>
          tpu.vector_store_idx %arg13[%broadcast_in_dim3A_1173, %select_n3A_1153, %sub3A_1157], %broadcast_in_dim3A_22 masked %and3A_1115 : memref<8x8x432xf32, #tpu.memory_space<vmem>>[vector<16xi32>, vector<16xi32>, vector<16xi32>], vector<16xf32>, vector<16xi1>
        }
      } else {
      }
      %jit3A_670 = arith.constant 16 : i32
      %div3A_671 = arith.divsi %scan3A_430#0, %jit3A_670 : i32
      %sign3A_672 = arith.constant 0 : i32
      %sign3A_673 = arith.cmpi sgt, %scan3A_430#0, %sign3A_672 : i32
      %sign3A_674 = arith.extui %sign3A_673 : i1 to i32
      %sign3A_675 = arith.constant 0 : i32
      %sign3A_676 = arith.cmpi slt, %scan3A_430#0, %sign3A_675 : i32
      %sign3A_677 = arith.extui %sign3A_676 : i1 to i32
      %sign3A_678 = arith.subi %sign3A_674, %sign3A_677 : i32
      %sign3A_679 = arith.constant 0 : i32
      %sign3A_680 = arith.cmpi sgt, %jit3A_670, %sign3A_679 : i32
      %sign3A_681 = arith.extui %sign3A_680 : i1 to i32
      %sign3A_682 = arith.constant 0 : i32
      %sign3A_683 = arith.cmpi slt, %jit3A_670, %sign3A_682 : i32
      %sign3A_684 = arith.extui %sign3A_683 : i1 to i32
      %sign3A_685 = arith.subi %sign3A_681, %sign3A_684 : i32
      %ne3A_686 = arith.cmpi ne, %sign3A_678, %sign3A_685 : i32
      %rem3A_687 = arith.remsi %scan3A_430#0, %jit3A_670 : i32
      %ne3A_688 = arith.constant 0 : i32
      %ne3A_689 = arith.cmpi ne, %rem3A_687, %ne3A_688 : i32
      %and3A_690 = arith.andi %ne3A_686, %ne3A_689 : i1
      %sub3A_691 = arith.constant 1 : i32
      %sub3A_692 = arith.subi %div3A_671, %sub3A_691 : i32
      %select_n3A_693 = arith.select %and3A_690, %sub3A_692, %div3A_671 : i32
      %gt3A_694 = arith.cmpi sgt, %scan3A_663#0, %scan3A_430#0 : i32
      %add3A_695 = arith.constant 15 : i32
      %add3A_696 = arith.addi %scan3A_663#0, %add3A_695 : i32
      %jit3A_697 = arith.constant 16 : i32
      %div3A_698 = arith.divsi %add3A_696, %jit3A_697 : i32
      %sign3A_699 = arith.constant 0 : i32
      %sign3A_700 = arith.cmpi sgt, %add3A_696, %sign3A_699 : i32
      %sign3A_701 = arith.extui %sign3A_700 : i1 to i32
      %sign3A_702 = arith.constant 0 : i32
      %sign3A_703 = arith.cmpi slt, %add3A_696, %sign3A_702 : i32
      %sign3A_704 = arith.extui %sign3A_703 : i1 to i32
      %sign3A_705 = arith.subi %sign3A_701, %sign3A_704 : i32
      %sign3A_706 = arith.constant 0 : i32
      %sign3A_707 = arith.cmpi sgt, %jit3A_697, %sign3A_706 : i32
      %sign3A_708 = arith.extui %sign3A_707 : i1 to i32
      %sign3A_709 = arith.constant 0 : i32
      %sign3A_710 = arith.cmpi slt, %jit3A_697, %sign3A_709 : i32
      %sign3A_711 = arith.extui %sign3A_710 : i1 to i32
      %sign3A_712 = arith.subi %sign3A_708, %sign3A_711 : i32
      %ne3A_713 = arith.cmpi ne, %sign3A_705, %sign3A_712 : i32
      %rem3A_714 = arith.remsi %add3A_696, %jit3A_697 : i32
      %ne3A_715 = arith.constant 0 : i32
      %ne3A_716 = arith.cmpi ne, %rem3A_714, %ne3A_715 : i32
      %and3A_717 = arith.andi %ne3A_713, %ne3A_716 : i1
      %sub3A_718 = arith.constant 1 : i32
      %sub3A_719 = arith.subi %div3A_698, %sub3A_718 : i32
      %select_n3A_720 = arith.select %and3A_717, %sub3A_719, %div3A_698 : i32
      %sub3A_721 = arith.subi %select_n3A_720, %select_n3A_693 : i32
      %jit3A_722 = arith.constant 0 : i32
      %select_n3A_723 = arith.select %gt3A_694, %sub3A_721, %jit3A_722 : i32
      %while3A_724 = arith.constant 0 : i32
      %while3A_725 = arith.subi %select_n3A_723, %while3A_724 : i32
      %while3A_726 = arith.addi %while3A_724, %while3A_725 : i32
      %while3A_727 = arith.constant 1 : i32
      %while3A_728 = arith.divsi %while3A_725, %while3A_727 : i32
      %while3A_729 = arith.muli %while3A_728, %while3A_727 : i32
      %while3A_730 = arith.addi %while3A_724, %while3A_729 : i32
      %while3A_731 = arith.constant 1 : i32
      %while3A_732:2 = scf.for %while3A_887 = %while3A_724 to %while3A_730 step %while3A_731 iter_args(%while3A_888 = %while3A_497#0, %while3A_889 = %while3A_497#1) -> (i32, i32)  : i32 {
        %add3A_890 = arith.addi %select_n3A_693, %while3A_887 : i32
        %lt3A = arith.cmpi slt, %while3A_888, %select_n3A_86 : i32
        %add3A_891 = arith.constant 7 : i32
        %add3A_892 = arith.addi %add3A_890, %add3A_891 : i32
        %le3A = arith.cmpi sle, %while3A_888, %add3A_892 : i32
        %and3A_893 = arith.andi %lt3A, %le3A : i1
        %convert_element_type3A_894 = arith.extui %and3A_893 : i1 to i32
        %cond3A_895 = arith.constant 0 : i32
        %cond3A_896 = arith.cmpi ne, %convert_element_type3A_894, %cond3A_895 : i32
        scf.if %cond3A_896 {
          %mul3A_1059 = arith.constant 16 : i32
          %mul3A_1060 = arith.muli %while3A_888, %mul3A_1059 : i32
          %get3A_1061 = arith.index_cast %mul3A_1060 : i32 to index
          %get3A_1062 = tpu.vector_load %arg9[%get3A_1061] {strides = array<i32>} : memref<12032xi32, #tpu.memory_space<vmem>>, vector<16xi32>,
          %mul3A_1063 = arith.constant 16 : i32
          %mul3A_1064 = arith.muli %while3A_888, %mul3A_1063 : i32
          %add3A_1065 = vector.broadcast %mul3A_1064 : i32 to vector<16xi32>
          %add3A_1066 = arith.addi %add3A_1065, %iota3A : vector<16xi32>
          %lt3A_1067 = vector.broadcast %scan3A_56 : i32 to vector<16xi32>
          %lt3A_1068 = arith.cmpi slt, %add3A_1066, %lt3A_1067 : vector<16xi32>
          %jit3A_1069 = arith.constant 0 : i32
          %broadcast_in_dim3A_1070 = vector.broadcast %jit3A_1069 : i32 to vector<16xi32>
          %select_n3A_1071 = arith.select %lt3A_1068, %get3A_1062, %broadcast_in_dim3A_1070 : vector<16xi1>, vector<16xi32>
          %gather3A_1072 = tpu.vector_load_idx %arg8[%select_n3A_1071] : memref<12000xi32, #tpu.memory_space<vmem>>[vector<16xi32>], vector<16xi32>,
          %jit3A_1073 = arith.constant 8 : i32
          %eq3A_1074 = arith.constant 0 : i32
          %eq3A_1075 = arith.cmpi eq, %jit3A_1073, %eq3A_1074 : i32
          %jit3A_1076 = arith.constant 1 : i32
          %select_n3A_1077 = arith.select %eq3A_1075, %jit3A_1076, %jit3A_1073 : i32
          %rem3A_1078 = arith.remsi %while3A_888, %select_n3A_1077 : i32
          %ne3A_1079 = arith.constant 0 : i32
          %ne3A_1080 = arith.cmpi ne, %rem3A_1078, %ne3A_1079 : i32
          %lt3A_1081 = arith.constant 0 : i32
          %lt3A_1082 = arith.cmpi slt, %rem3A_1078, %lt3A_1081 : i32
          %lt3A_1083 = arith.constant 0 : i32
          %lt3A_1084 = arith.cmpi slt, %select_n3A_1077, %lt3A_1083 : i32
          %ne3A_1085 = arith.xori %lt3A_1082, %lt3A_1084 : i1
          %and3A_1086 = arith.andi %ne3A_1085, %ne3A_1080 : i1
          %add3A_1087 = arith.addi %rem3A_1078, %select_n3A_1077 : i32
          %select_n3A_1088 = arith.select %and3A_1086, %add3A_1087, %rem3A_1078 : i32
          %jit3A_1089 = arith.constant 2 : i32
          %div3A_1090 = vector.broadcast %jit3A_1089 : i32 to vector<16xi32>
          %div3A_1091 = arith.divsi %gather3A_1072, %div3A_1090 : vector<16xi32>
          %sign3A_1092 = arith.constant 0 : i32
          %sign3A_1093 = vector.broadcast %sign3A_1092 : i32 to vector<16xi32>
          %sign3A_1094 = arith.cmpi sgt, %gather3A_1072, %sign3A_1093 : vector<16xi32>
          %sign3A_1095 = arith.extui %sign3A_1094 : vector<16xi1> to vector<16xi32>
          %sign3A_1096 = arith.constant 0 : i32
          %sign3A_1097 = vector.broadcast %sign3A_1096 : i32 to vector<16xi32>
          %sign3A_1098 = arith.cmpi slt, %gather3A_1072, %sign3A_1097 : vector<16xi32>
          %sign3A_1099 = arith.extui %sign3A_1098 : vector<16xi1> to vector<16xi32>
          %sign3A_1100 = arith.subi %sign3A_1095, %sign3A_1099 : vector<16xi32>
          %sign3A_1101 = arith.constant 0 : i32
          %sign3A_1102 = arith.cmpi sgt, %jit3A_1089, %sign3A_1101 : i32
          %sign3A_1103 = arith.extui %sign3A_1102 : i1 to i32
          %sign3A_1104 = arith.constant 0 : i32
          %sign3A_1105 = arith.cmpi slt, %jit3A_1089, %sign3A_1104 : i32
          %sign3A_1106 = arith.extui %sign3A_1105 : i1 to i32
          %sign3A_1107 = arith.subi %sign3A_1103, %sign3A_1106 : i32
          %ne3A_1108 = vector.broadcast %sign3A_1107 : i32 to vector<16xi32>
          %ne3A_1109 = arith.cmpi ne, %sign3A_1100, %ne3A_1108 : vector<16xi32>
          %rem3A_1110 = vector.broadcast %jit3A_1089 : i32 to vector<16xi32>
          %rem3A_1111 = arith.remsi %gather3A_1072, %rem3A_1110 : vector<16xi32>
          %ne3A_1112 = arith.constant 0 : i32
          %ne3A_1113 = vector.broadcast %ne3A_1112 : i32 to vector<16xi32>
          %ne3A_1114 = arith.cmpi ne, %rem3A_1111, %ne3A_1113 : vector<16xi32>
          %and3A_1115 = arith.andi %ne3A_1109, %ne3A_1114 : vector<16xi1>
          %sub3A_1116 = arith.constant 1 : i32
          %sub3A_1117 = vector.broadcast %sub3A_1116 : i32 to vector<16xi32>
          %sub3A_1118 = arith.subi %div3A_1091, %sub3A_1117 : vector<16xi32>
          %select_n3A_1119 = arith.select %and3A_1115, %sub3A_1118, %div3A_1091 : vector<16xi1>, vector<16xi32>
          %dma_start3A_1120 = arith.constant 0 : i32
          %dma_start3A_1121 = arith.constant 0 : i32
          %dma_start3A_1122 = tpu.memref_slice %arg11[%select_n3A_1088, %dma_start3A_1120, %dma_start3A_1121] : memref<8x16x128xf32, #tpu.memory_space<vmem>> -> memref<1x16x128xf32, #tpu.memory_space<vmem>>
          %dma_start3A_1123 = tpu.memref_squeeze %dma_start3A_1122 : memref<1x16x128xf32, #tpu.memory_space<vmem>> -> memref<16x128xf32, #tpu.memory_space<vmem>>
          %dma_start3A_1124 = arith.constant 0 : i32
          %dma_start3A_1125 = arith.constant 0 : i32
          %dma_start3A_1126 = tpu.memref_slice %arg3[%dma_start3A_1124, %dma_start3A_1125] : memref<20000x128xf32, #tpu.memory_space<hbm>> -> memref<20000x128xf32, #tpu.memory_space<hbm>>
          %dma_start3A_1127 = tpu.memref_slice %arg16[%select_n3A_1088] : memref<8x!tpu.dma_semaphore, #tpu.memory_space<semaphore_mem>> -> memref<1x!tpu.dma_semaphore, #tpu.memory_space<semaphore_mem>>
          %dma_start3A_1128 = tpu.memref_squeeze %dma_start3A_1127 : memref<1x!tpu.dma_semaphore, #tpu.memory_space<semaphore_mem>> -> memref<!tpu.dma_semaphore, #tpu.memory_space<semaphore_mem>>
          tpu.enqueue_indirect_dma source(%dma_start3A_1126 : memref<20000x128xf32, #tpu.memory_space<hbm>>) target(%dma_start3A_1123 : memref<16x128xf32, #tpu.memory_space<vmem>>) offsets(%select_n3A_1119 : vector<16xi32>) semaphore(%dma_start3A_1128 : memref<!tpu.dma_semaphore, #tpu.memory_space<semaphore_mem>>)
        } else {
        }
        %jit3A_897 = arith.constant 1 : i32
        %jit3A_898 = arith.constant 0 : i32
        %select_n3A_899 = arith.select %and3A_893, %jit3A_897, %jit3A_898 : i32
        %add3A_900 = arith.addi %while3A_888, %select_n3A_899 : i32
        %gt3A_901 = arith.cmpi sgt, %add3A_890, %while3A_889 : i32
        %convert_element_type3A_902 = arith.extui %gt3A_901 : i1 to i32
        %cond3A_903 = arith.constant 0 : i32
        %cond3A_904 = arith.cmpi ne, %convert_element_type3A_902, %cond3A_903 : i32
        scf.if %cond3A_904 {
          %jit3A_1059 = arith.constant 8 : i32
          %eq3A_1060 = arith.constant 0 : i32
          %eq3A_1061 = arith.cmpi eq, %jit3A_1059, %eq3A_1060 : i32
          %jit3A_1062 = arith.constant 1 : i32
          %select_n3A_1063 = arith.select %eq3A_1061, %jit3A_1062, %jit3A_1059 : i32
          %rem3A_1064 = arith.remsi %add3A_890, %select_n3A_1063 : i32
          %ne3A_1065 = arith.constant 0 : i32
          %ne3A_1066 = arith.cmpi ne, %rem3A_1064, %ne3A_1065 : i32
          %lt3A_1067 = arith.constant 0 : i32
          %lt3A_1068 = arith.cmpi slt, %rem3A_1064, %lt3A_1067 : i32
          %lt3A_1069 = arith.constant 0 : i32
          %lt3A_1070 = arith.cmpi slt, %select_n3A_1063, %lt3A_1069 : i32
          %ne3A_1071 = arith.xori %lt3A_1068, %lt3A_1070 : i1
          %and3A_1072 = arith.andi %ne3A_1071, %ne3A_1066 : i1
          %add3A_1073 = arith.addi %rem3A_1064, %select_n3A_1063 : i32
          %select_n3A_1074 = arith.select %and3A_1072, %add3A_1073, %rem3A_1064 : i32
          %dma_wait3A_1075 = arith.constant 0 : i32
          %dma_wait3A_1076 = arith.constant 0 : i32
          %dma_wait3A_1077 = tpu.memref_slice %arg11[%select_n3A_1074, %dma_wait3A_1075, %dma_wait3A_1076] : memref<8x16x128xf32, #tpu.memory_space<vmem>> -> memref<1x16x128xf32, #tpu.memory_space<vmem>>
          %dma_wait3A_1078 = tpu.memref_squeeze %dma_wait3A_1077 : memref<1x16x128xf32, #tpu.memory_space<vmem>> -> memref<16x128xf32, #tpu.memory_space<vmem>>
          %dma_wait3A_1079 = arith.constant 0 : i32
          %dma_wait3A_1080 = arith.constant 0 : i32
          %dma_wait3A_1081 = tpu.memref_slice %arg3[%dma_wait3A_1079, %dma_wait3A_1080] : memref<20000x128xf32, #tpu.memory_space<hbm>> -> memref<16x128xf32, #tpu.memory_space<hbm>>
          %dma_wait3A_1082 = tpu.memref_slice %arg16[%select_n3A_1074] : memref<8x!tpu.dma_semaphore, #tpu.memory_space<semaphore_mem>> -> memref<1x!tpu.dma_semaphore, #tpu.memory_space<semaphore_mem>>
          %dma_wait3A_1083 = tpu.memref_squeeze %dma_wait3A_1082 : memref<1x!tpu.dma_semaphore, #tpu.memory_space<semaphore_mem>> -> memref<!tpu.dma_semaphore, #tpu.memory_space<semaphore_mem>>
          %dma_wait3A_1084 = arith.constant 0 : i32
          %dma_wait3A_1085 = arith.constant 0 : i32
          %dma_wait3A_1086 = tpu.memref_slice %arg11[%select_n3A_1074, %dma_wait3A_1084, %dma_wait3A_1085] : memref<8x16x128xf32, #tpu.memory_space<vmem>> -> memref<1x16x128xf32, #tpu.memory_space<vmem>>
          %dma_wait3A_1087 = tpu.memref_squeeze %dma_wait3A_1086 : memref<1x16x128xf32, #tpu.memory_space<vmem>> -> memref<16x128xf32, #tpu.memory_space<vmem>>
          %dma_wait3A_1088 = arith.constant 0 : i32
          %dma_wait3A_1089 = arith.constant 0 : i32
          %dma_wait3A_1090 = tpu.memref_slice %arg3[%dma_wait3A_1088, %dma_wait3A_1089] : memref<20000x128xf32, #tpu.memory_space<hbm>> -> memref<16x128xf32, #tpu.memory_space<hbm>>
          tpu.wait_dma2 semaphore(%dma_wait3A_1083 : memref<!tpu.dma_semaphore, #tpu.memory_space<semaphore_mem>>) src(%dma_wait3A_1090 : memref<16x128xf32, #tpu.memory_space<hbm>>) dst(%dma_wait3A_1087 : memref<16x128xf32, #tpu.memory_space<vmem>>)
        } else {
        }
        %max3A_905 = arith.maxsi %while3A_889, %add3A_890 : i32
        %mul3A_906 = arith.constant 16 : i32
        %mul3A_907 = arith.muli %add3A_890, %mul3A_906 : i32
        %get3A = arith.index_cast %mul3A_907 : i32 to index
        %get3A_908 = tpu.vector_load %arg10[%get3A] {strides = array<i32>} : memref<12032xi32, #tpu.memory_space<vmem>>, vector<16xi32>,
        %get3A_909 = arith.index_cast %mul3A_907 : i32 to index
        %get3A_910 = tpu.vector_load %arg9[%get3A_909] {strides = array<i32>} : memref<12032xi32, #tpu.memory_space<vmem>>, vector<16xi32>,
        %add3A_911 = vector.broadcast %mul3A_907 : i32 to vector<16xi32>
        %add3A_912 = arith.addi %add3A_911, %iota3A : vector<16xi32>
        %ge3A = vector.broadcast %scan3A_430#0 : i32 to vector<16xi32>
        %ge3A_913 = arith.cmpi sge, %add3A_912, %ge3A : vector<16xi32>
        %lt3A_914 = vector.broadcast %scan3A_663#0 : i32 to vector<16xi32>
        %lt3A_915 = arith.cmpi slt, %add3A_912, %lt3A_914 : vector<16xi32>
        %and3A_916 = arith.andi %ge3A_913, %lt3A_915 : vector<16xi1>
        %jit3A_917 = arith.constant 0 : i32
        %broadcast_in_dim3A_918 = vector.broadcast %jit3A_917 : i32 to vector<16xi32>
        %select_n3A_919 = arith.select %and3A_916, %get3A_910, %broadcast_in_dim3A_918 : vector<16xi1>, vector<16xi32>
        %gather3A = tpu.vector_load_idx %arg8[%select_n3A_919] : memref<12000xi32, #tpu.memory_space<vmem>>[vector<16xi32>], vector<16xi32>,
        %jit3A_920 = arith.constant 2 : i32
        %eq3A = arith.constant 0 : i32
        %eq3A_921 = arith.cmpi eq, %jit3A_920, %eq3A : i32
        %jit3A_922 = arith.constant 1 : i32
        %select_n3A_923 = arith.select %eq3A_921, %jit3A_922, %jit3A_920 : i32
        %rem3A_924 = vector.broadcast %select_n3A_923 : i32 to vector<16xi32>
        %rem3A_925 = arith.remsi %gather3A, %rem3A_924 : vector<16xi32>
        %ne3A_926 = arith.constant 0 : i32
        %ne3A_927 = vector.broadcast %ne3A_926 : i32 to vector<16xi32>
        %ne3A_928 = arith.cmpi ne, %rem3A_925, %ne3A_927 : vector<16xi32>
        %lt3A_929 = arith.constant 0 : i32
        %lt3A_930 = vector.broadcast %lt3A_929 : i32 to vector<16xi32>
        %lt3A_931 = arith.cmpi slt, %rem3A_925, %lt3A_930 : vector<16xi32>
        %lt3A_932 = arith.constant 0 : i32
        %lt3A_933 = arith.cmpi slt, %select_n3A_923, %lt3A_932 : i32
        %ne3A_934 = vector.broadcast %lt3A_933 : i1 to vector<16xi1>
        %ne3A_935 = vector.broadcast %ne3A_934 : vector<16xi1> to vector<16xi1>
        %ne3A_936 = arith.xori %lt3A_931, %ne3A_935 : vector<16xi1>
        %and3A_937 = arith.andi %ne3A_936, %ne3A_928 : vector<16xi1>
        %add3A_938 = vector.broadcast %select_n3A_923 : i32 to vector<16xi32>
        %add3A_939 = arith.addi %rem3A_925, %add3A_938 : vector<16xi32>
        %select_n3A_940 = arith.select %and3A_937, %add3A_939, %rem3A_925 : vector<16xi1>, vector<16xi32>
        %mul3A_941 = arith.constant 64 : i32
        %mul3A_942 = vector.broadcast %mul3A_941 : i32 to vector<16xi32>
        %mul3A_943 = arith.muli %select_n3A_940, %mul3A_942 : vector<16xi32>
        %mul3A_944 = arith.constant 3456 : i32
        %mul3A_945 = arith.muli %add3A_653, %mul3A_944 : i32
        %sub3A_946 = vector.broadcast %mul3A_945 : i32 to vector<16xi32>
        %sub3A_947 = arith.subi %get3A_908, %sub3A_946 : vector<16xi32>
        %jit3A_948 = arith.constant 0 : i32
        %broadcast_in_dim3A_949 = vector.broadcast %jit3A_948 : i32 to vector<16xi32>
        %select_n3A_950 = arith.select %and3A_916, %sub3A_947, %broadcast_in_dim3A_949 : vector<16xi1>, vector<16xi32>
        %jit3A_951 = arith.constant 432 : i32
        %div3A_952 = vector.broadcast %jit3A_951 : i32 to vector<16xi32>
        %div3A_953 = arith.divsi %select_n3A_950, %div3A_952 : vector<16xi32>
        %sign3A_954 = arith.constant 0 : i32
        %sign3A_955 = vector.broadcast %sign3A_954 : i32 to vector<16xi32>
        %sign3A_956 = arith.cmpi sgt, %select_n3A_950, %sign3A_955 : vector<16xi32>
        %sign3A_957 = arith.extui %sign3A_956 : vector<16xi1> to vector<16xi32>
        %sign3A_958 = arith.constant 0 : i32
        %sign3A_959 = vector.broadcast %sign3A_958 : i32 to vector<16xi32>
        %sign3A_960 = arith.cmpi slt, %select_n3A_950, %sign3A_959 : vector<16xi32>
        %sign3A_961 = arith.extui %sign3A_960 : vector<16xi1> to vector<16xi32>
        %sign3A_962 = arith.subi %sign3A_957, %sign3A_961 : vector<16xi32>
        %sign3A_963 = arith.constant 0 : i32
        %sign3A_964 = arith.cmpi sgt, %jit3A_951, %sign3A_963 : i32
        %sign3A_965 = arith.extui %sign3A_964 : i1 to i32
        %sign3A_966 = arith.constant 0 : i32
        %sign3A_967 = arith.cmpi slt, %jit3A_951, %sign3A_966 : i32
        %sign3A_968 = arith.extui %sign3A_967 : i1 to i32
        %sign3A_969 = arith.subi %sign3A_965, %sign3A_968 : i32
        %ne3A_970 = vector.broadcast %sign3A_969 : i32 to vector<16xi32>
        %ne3A_971 = arith.cmpi ne, %sign3A_962, %ne3A_970 : vector<16xi32>
        %rem3A_972 = vector.broadcast %jit3A_951 : i32 to vector<16xi32>
        %rem3A_973 = arith.remsi %select_n3A_950, %rem3A_972 : vector<16xi32>
        %ne3A_974 = arith.constant 0 : i32
        %ne3A_975 = vector.broadcast %ne3A_974 : i32 to vector<16xi32>
        %ne3A_976 = arith.cmpi ne, %rem3A_973, %ne3A_975 : vector<16xi32>
        %and3A_977 = arith.andi %ne3A_971, %ne3A_976 : vector<16xi1>
        %sub3A_978 = arith.constant 1 : i32
        %sub3A_979 = vector.broadcast %sub3A_978 : i32 to vector<16xi32>
        %sub3A_980 = arith.subi %div3A_953, %sub3A_979 : vector<16xi32>
        %select_n3A_981 = arith.select %and3A_977, %sub3A_980, %div3A_953 : vector<16xi1>, vector<16xi32>
        %mul3A_982 = arith.constant 432 : i32
        %mul3A_983 = vector.broadcast %mul3A_982 : i32 to vector<16xi32>
        %mul3A_984 = arith.muli %select_n3A_981, %mul3A_983 : vector<16xi32>
        %sub3A_985 = arith.subi %select_n3A_950, %mul3A_984 : vector<16xi32>
        %jit3A_986 = arith.constant 8 : i32
        %eq3A_987 = arith.constant 0 : i32
        %eq3A_988 = arith.cmpi eq, %jit3A_986, %eq3A_987 : i32
        %jit3A_989 = arith.constant 1 : i32
        %select_n3A_990 = arith.select %eq3A_988, %jit3A_989, %jit3A_986 : i32
        %rem3A_991 = arith.remsi %add3A_890, %select_n3A_990 : i32
        %ne3A_992 = arith.constant 0 : i32
        %ne3A_993 = arith.cmpi ne, %rem3A_991, %ne3A_992 : i32
        %lt3A_994 = arith.constant 0 : i32
        %lt3A_995 = arith.cmpi slt, %rem3A_991, %lt3A_994 : i32
        %lt3A_996 = arith.constant 0 : i32
        %lt3A_997 = arith.cmpi slt, %select_n3A_990, %lt3A_996 : i32
        %ne3A_998 = arith.xori %lt3A_995, %lt3A_997 : i1
        %and3A_999 = arith.andi %ne3A_998, %ne3A_993 : i1
        %add3A_1000 = arith.addi %rem3A_991, %select_n3A_990 : i32
        %select_n3A_1001 = arith.select %and3A_999, %add3A_1000, %rem3A_991 : i32
        %broadcast_in_dim3A_1002 = vector.broadcast %select_n3A_1001 : i32 to vector<16xi32>
        %add3A_1003 = arith.constant 0 : i32
        %add3A_1004 = arith.addi %mul3A_21, %add3A_1003 : i32
        %broadcast_in_dim3A_1005 = vector.broadcast %add3A_1004 : i32 to vector<16xi32>
        %add3A_1006 = arith.addi %mul3A_943, %broadcast_in_dim3A_1005 : vector<16xi32>
        %gather3A_1007 = tpu.vector_load_idx %arg11[%broadcast_in_dim3A_1002, %iota3A, %add3A_1006] : memref<8x16x128xf32, #tpu.memory_space<vmem>>[vector<16xi32>, vector<16xi32>, vector<16xi32>], vector<16xf32>,
        %broadcast_in_dim3A_1008 = arith.constant 0 : i32
        %broadcast_in_dim3A_1009 = vector.broadcast %broadcast_in_dim3A_1008 : i32 to vector<16xi32>
        tpu.vector_store_idx %arg13[%broadcast_in_dim3A_1009, %select_n3A_981, %sub3A_985], %gather3A_1007 masked %and3A_916 : memref<8x8x432xf32, #tpu.memory_space<vmem>>[vector<16xi32>, vector<16xi32>, vector<16xi32>], vector<16xf32>, vector<16xi1>
        %add3A_1010 = arith.constant 1 : i32
        %add3A_1011 = arith.addi %mul3A_21, %add3A_1010 : i32
        %broadcast_in_dim3A_1012 = vector.broadcast %add3A_1011 : i32 to vector<16xi32>
        %add3A_1013 = arith.addi %mul3A_943, %broadcast_in_dim3A_1012 : vector<16xi32>
        %gather3A_1014 = tpu.vector_load_idx %arg11[%broadcast_in_dim3A_1002, %iota3A, %add3A_1013] : memref<8x16x128xf32, #tpu.memory_space<vmem>>[vector<16xi32>, vector<16xi32>, vector<16xi32>], vector<16xf32>,
        %broadcast_in_dim3A_1015 = arith.constant 1 : i32
        %broadcast_in_dim3A_1016 = vector.broadcast %broadcast_in_dim3A_1015 : i32 to vector<16xi32>
        tpu.vector_store_idx %arg13[%broadcast_in_dim3A_1016, %select_n3A_981, %sub3A_985], %gather3A_1014 masked %and3A_916 : memref<8x8x432xf32, #tpu.memory_space<vmem>>[vector<16xi32>, vector<16xi32>, vector<16xi32>], vector<16xf32>, vector<16xi1>
        %add3A_1017 = arith.constant 2 : i32
        %add3A_1018 = arith.addi %mul3A_21, %add3A_1017 : i32
        %broadcast_in_dim3A_1019 = vector.broadcast %add3A_1018 : i32 to vector<16xi32>
        %add3A_1020 = arith.addi %mul3A_943, %broadcast_in_dim3A_1019 : vector<16xi32>
        %gather3A_1021 = tpu.vector_load_idx %arg11[%broadcast_in_dim3A_1002, %iota3A, %add3A_1020] : memref<8x16x128xf32, #tpu.memory_space<vmem>>[vector<16xi32>, vector<16xi32>, vector<16xi32>], vector<16xf32>,
        %broadcast_in_dim3A_1022 = arith.constant 2 : i32
        %broadcast_in_dim3A_1023 = vector.broadcast %broadcast_in_dim3A_1022 : i32 to vector<16xi32>
        tpu.vector_store_idx %arg13[%broadcast_in_dim3A_1023, %select_n3A_981, %sub3A_985], %gather3A_1021 masked %and3A_916 : memref<8x8x432xf32, #tpu.memory_space<vmem>>[vector<16xi32>, vector<16xi32>, vector<16xi32>], vector<16xf32>, vector<16xi1>
        %add3A_1024 = arith.constant 3 : i32
        %add3A_1025 = arith.addi %mul3A_21, %add3A_1024 : i32
        %broadcast_in_dim3A_1026 = vector.broadcast %add3A_1025 : i32 to vector<16xi32>
        %add3A_1027 = arith.addi %mul3A_943, %broadcast_in_dim3A_1026 : vector<16xi32>
        %gather3A_1028 = tpu.vector_load_idx %arg11[%broadcast_in_dim3A_1002, %iota3A, %add3A_1027] : memref<8x16x128xf32, #tpu.memory_space<vmem>>[vector<16xi32>, vector<16xi32>, vector<16xi32>], vector<16xf32>,
        %broadcast_in_dim3A_1029 = arith.constant 3 : i32
        %broadcast_in_dim3A_1030 = vector.broadcast %broadcast_in_dim3A_1029 : i32 to vector<16xi32>
        tpu.vector_store_idx %arg13[%broadcast_in_dim3A_1030, %select_n3A_981, %sub3A_985], %gather3A_1028 masked %and3A_916 : memref<8x8x432xf32, #tpu.memory_space<vmem>>[vector<16xi32>, vector<16xi32>, vector<16xi32>], vector<16xf32>, vector<16xi1>
        %add3A_1031 = arith.constant 4 : i32
        %add3A_1032 = arith.addi %mul3A_21, %add3A_1031 : i32
        %broadcast_in_dim3A_1033 = vector.broadcast %add3A_1032 : i32 to vector<16xi32>
        %add3A_1034 = arith.addi %mul3A_943, %broadcast_in_dim3A_1033 : vector<16xi32>
        %gather3A_1035 = tpu.vector_load_idx %arg11[%broadcast_in_dim3A_1002, %iota3A, %add3A_1034] : memref<8x16x128xf32, #tpu.memory_space<vmem>>[vector<16xi32>, vector<16xi32>, vector<16xi32>], vector<16xf32>,
        %broadcast_in_dim3A_1036 = arith.constant 4 : i32
        %broadcast_in_dim3A_1037 = vector.broadcast %broadcast_in_dim3A_1036 : i32 to vector<16xi32>
        tpu.vector_store_idx %arg13[%broadcast_in_dim3A_1037, %select_n3A_981, %sub3A_985], %gather3A_1035 masked %and3A_916 : memref<8x8x432xf32, #tpu.memory_space<vmem>>[vector<16xi32>, vector<16xi32>, vector<16xi32>], vector<16xf32>, vector<16xi1>
        %add3A_1038 = arith.constant 5 : i32
        %add3A_1039 = arith.addi %mul3A_21, %add3A_1038 : i32
        %broadcast_in_dim3A_1040 = vector.broadcast %add3A_1039 : i32 to vector<16xi32>
        %add3A_1041 = arith.addi %mul3A_943, %broadcast_in_dim3A_1040 : vector<16xi32>
        %gather3A_1042 = tpu.vector_load_idx %arg11[%broadcast_in_dim3A_1002, %iota3A, %add3A_1041] : memref<8x16x128xf32, #tpu.memory_space<vmem>>[vector<16xi32>, vector<16xi32>, vector<16xi32>], vector<16xf32>,
        %broadcast_in_dim3A_1043 = arith.constant 5 : i32
        %broadcast_in_dim3A_1044 = vector.broadcast %broadcast_in_dim3A_1043 : i32 to vector<16xi32>
        tpu.vector_store_idx %arg13[%broadcast_in_dim3A_1044, %select_n3A_981, %sub3A_985], %gather3A_1042 masked %and3A_916 : memref<8x8x432xf32, #tpu.memory_space<vmem>>[vector<16xi32>, vector<16xi32>, vector<16xi32>], vector<16xf32>, vector<16xi1>
        %add3A_1045 = arith.constant 6 : i32
        %add3A_1046 = arith.addi %mul3A_21, %add3A_1045 : i32
        %broadcast_in_dim3A_1047 = vector.broadcast %add3A_1046 : i32 to vector<16xi32>
        %add3A_1048 = arith.addi %mul3A_943, %broadcast_in_dim3A_1047 : vector<16xi32>
        %gather3A_1049 = tpu.vector_load_idx %arg11[%broadcast_in_dim3A_1002, %iota3A, %add3A_1048] : memref<8x16x128xf32, #tpu.memory_space<vmem>>[vector<16xi32>, vector<16xi32>, vector<16xi32>], vector<16xf32>,
        %broadcast_in_dim3A_1050 = arith.constant 6 : i32
        %broadcast_in_dim3A_1051 = vector.broadcast %broadcast_in_dim3A_1050 : i32 to vector<16xi32>
        tpu.vector_store_idx %arg13[%broadcast_in_dim3A_1051, %select_n3A_981, %sub3A_985], %gather3A_1049 masked %and3A_916 : memref<8x8x432xf32, #tpu.memory_space<vmem>>[vector<16xi32>, vector<16xi32>, vector<16xi32>], vector<16xf32>, vector<16xi1>
        %add3A_1052 = arith.constant 7 : i32
        %add3A_1053 = arith.addi %mul3A_21, %add3A_1052 : i32
        %broadcast_in_dim3A_1054 = vector.broadcast %add3A_1053 : i32 to vector<16xi32>
        %add3A_1055 = arith.addi %mul3A_943, %broadcast_in_dim3A_1054 : vector<16xi32>
        %gather3A_1056 = tpu.vector_load_idx %arg11[%broadcast_in_dim3A_1002, %iota3A, %add3A_1055] : memref<8x16x128xf32, #tpu.memory_space<vmem>>[vector<16xi32>, vector<16xi32>, vector<16xi32>], vector<16xf32>,
        %broadcast_in_dim3A_1057 = arith.constant 7 : i32
        %broadcast_in_dim3A_1058 = vector.broadcast %broadcast_in_dim3A_1057 : i32 to vector<16xi32>
        tpu.vector_store_idx %arg13[%broadcast_in_dim3A_1058, %select_n3A_981, %sub3A_985], %gather3A_1056 masked %and3A_916 : memref<8x8x432xf32, #tpu.memory_space<vmem>>[vector<16xi32>, vector<16xi32>, vector<16xi32>], vector<16xf32>, vector<16xi1>
        scf.yield %add3A_900, %max3A_905 : i32, i32
      }
      %while3A_733 = arith.constant 1 : i32
      %while3A_734:2 = scf.for %while3A_887 = %while3A_730 to %while3A_726 step %while3A_733 iter_args(%while3A_888 = %while3A_732#0, %while3A_889 = %while3A_732#1) -> (i32, i32)  : i32 {
        %add3A_890 = arith.addi %select_n3A_693, %while3A_887 : i32
        %lt3A = arith.cmpi slt, %while3A_888, %select_n3A_86 : i32
        %add3A_891 = arith.constant 7 : i32
        %add3A_892 = arith.addi %add3A_890, %add3A_891 : i32
        %le3A = arith.cmpi sle, %while3A_888, %add3A_892 : i32
        %and3A_893 = arith.andi %lt3A, %le3A : i1
        %convert_element_type3A_894 = arith.extui %and3A_893 : i1 to i32
        %cond3A_895 = arith.constant 0 : i32
        %cond3A_896 = arith.cmpi ne, %convert_element_type3A_894, %cond3A_895 : i32
        scf.if %cond3A_896 {
          %mul3A_1059 = arith.constant 16 : i32
          %mul3A_1060 = arith.muli %while3A_888, %mul3A_1059 : i32
          %get3A_1061 = arith.index_cast %mul3A_1060 : i32 to index
          %get3A_1062 = tpu.vector_load %arg9[%get3A_1061] {strides = array<i32>} : memref<12032xi32, #tpu.memory_space<vmem>>, vector<16xi32>,
          %mul3A_1063 = arith.constant 16 : i32
          %mul3A_1064 = arith.muli %while3A_888, %mul3A_1063 : i32
          %add3A_1065 = vector.broadcast %mul3A_1064 : i32 to vector<16xi32>
          %add3A_1066 = arith.addi %add3A_1065, %iota3A : vector<16xi32>
          %lt3A_1067 = vector.broadcast %scan3A_56 : i32 to vector<16xi32>
          %lt3A_1068 = arith.cmpi slt, %add3A_1066, %lt3A_1067 : vector<16xi32>
          %jit3A_1069 = arith.constant 0 : i32
          %broadcast_in_dim3A_1070 = vector.broadcast %jit3A_1069 : i32 to vector<16xi32>
          %select_n3A_1071 = arith.select %lt3A_1068, %get3A_1062, %broadcast_in_dim3A_1070 : vector<16xi1>, vector<16xi32>
          %gather3A_1072 = tpu.vector_load_idx %arg8[%select_n3A_1071] : memref<12000xi32, #tpu.memory_space<vmem>>[vector<16xi32>], vector<16xi32>,
          %jit3A_1073 = arith.constant 8 : i32
          %eq3A_1074 = arith.constant 0 : i32
          %eq3A_1075 = arith.cmpi eq, %jit3A_1073, %eq3A_1074 : i32
          %jit3A_1076 = arith.constant 1 : i32
          %select_n3A_1077 = arith.select %eq3A_1075, %jit3A_1076, %jit3A_1073 : i32
          %rem3A_1078 = arith.remsi %while3A_888, %select_n3A_1077 : i32
          %ne3A_1079 = arith.constant 0 : i32
          %ne3A_1080 = arith.cmpi ne, %rem3A_1078, %ne3A_1079 : i32
          %lt3A_1081 = arith.constant 0 : i32
          %lt3A_1082 = arith.cmpi slt, %rem3A_1078, %lt3A_1081 : i32
          %lt3A_1083 = arith.constant 0 : i32
          %lt3A_1084 = arith.cmpi slt, %select_n3A_1077, %lt3A_1083 : i32
          %ne3A_1085 = arith.xori %lt3A_1082, %lt3A_1084 : i1
          %and3A_1086 = arith.andi %ne3A_1085, %ne3A_1080 : i1
          %add3A_1087 = arith.addi %rem3A_1078, %select_n3A_1077 : i32
          %select_n3A_1088 = arith.select %and3A_1086, %add3A_1087, %rem3A_1078 : i32
          %jit3A_1089 = arith.constant 2 : i32
          %div3A_1090 = vector.broadcast %jit3A_1089 : i32 to vector<16xi32>
          %div3A_1091 = arith.divsi %gather3A_1072, %div3A_1090 : vector<16xi32>
          %sign3A_1092 = arith.constant 0 : i32
          %sign3A_1093 = vector.broadcast %sign3A_1092 : i32 to vector<16xi32>
          %sign3A_1094 = arith.cmpi sgt, %gather3A_1072, %sign3A_1093 : vector<16xi32>
          %sign3A_1095 = arith.extui %sign3A_1094 : vector<16xi1> to vector<16xi32>
          %sign3A_1096 = arith.constant 0 : i32
          %sign3A_1097 = vector.broadcast %sign3A_1096 : i32 to vector<16xi32>
          %sign3A_1098 = arith.cmpi slt, %gather3A_1072, %sign3A_1097 : vector<16xi32>
          %sign3A_1099 = arith.extui %sign3A_1098 : vector<16xi1> to vector<16xi32>
          %sign3A_1100 = arith.subi %sign3A_1095, %sign3A_1099 : vector<16xi32>
          %sign3A_1101 = arith.constant 0 : i32
          %sign3A_1102 = arith.cmpi sgt, %jit3A_1089, %sign3A_1101 : i32
          %sign3A_1103 = arith.extui %sign3A_1102 : i1 to i32
          %sign3A_1104 = arith.constant 0 : i32
          %sign3A_1105 = arith.cmpi slt, %jit3A_1089, %sign3A_1104 : i32
          %sign3A_1106 = arith.extui %sign3A_1105 : i1 to i32
          %sign3A_1107 = arith.subi %sign3A_1103, %sign3A_1106 : i32
          %ne3A_1108 = vector.broadcast %sign3A_1107 : i32 to vector<16xi32>
          %ne3A_1109 = arith.cmpi ne, %sign3A_1100, %ne3A_1108 : vector<16xi32>
          %rem3A_1110 = vector.broadcast %jit3A_1089 : i32 to vector<16xi32>
          %rem3A_1111 = arith.remsi %gather3A_1072, %rem3A_1110 : vector<16xi32>
          %ne3A_1112 = arith.constant 0 : i32
          %ne3A_1113 = vector.broadcast %ne3A_1112 : i32 to vector<16xi32>
          %ne3A_1114 = arith.cmpi ne, %rem3A_1111, %ne3A_1113 : vector<16xi32>
          %and3A_1115 = arith.andi %ne3A_1109, %ne3A_1114 : vector<16xi1>
          %sub3A_1116 = arith.constant 1 : i32
          %sub3A_1117 = vector.broadcast %sub3A_1116 : i32 to vector<16xi32>
          %sub3A_1118 = arith.subi %div3A_1091, %sub3A_1117 : vector<16xi32>
          %select_n3A_1119 = arith.select %and3A_1115, %sub3A_1118, %div3A_1091 : vector<16xi1>, vector<16xi32>
          %dma_start3A_1120 = arith.constant 0 : i32
          %dma_start3A_1121 = arith.constant 0 : i32
          %dma_start3A_1122 = tpu.memref_slice %arg11[%select_n3A_1088, %dma_start3A_1120, %dma_start3A_1121] : memref<8x16x128xf32, #tpu.memory_space<vmem>> -> memref<1x16x128xf32, #tpu.memory_space<vmem>>
          %dma_start3A_1123 = tpu.memref_squeeze %dma_start3A_1122 : memref<1x16x128xf32, #tpu.memory_space<vmem>> -> memref<16x128xf32, #tpu.memory_space<vmem>>
          %dma_start3A_1124 = arith.constant 0 : i32
          %dma_start3A_1125 = arith.constant 0 : i32
          %dma_start3A_1126 = tpu.memref_slice %arg3[%dma_start3A_1124, %dma_start3A_1125] : memref<20000x128xf32, #tpu.memory_space<hbm>> -> memref<20000x128xf32, #tpu.memory_space<hbm>>
          %dma_start3A_1127 = tpu.memref_slice %arg16[%select_n3A_1088] : memref<8x!tpu.dma_semaphore, #tpu.memory_space<semaphore_mem>> -> memref<1x!tpu.dma_semaphore, #tpu.memory_space<semaphore_mem>>
          %dma_start3A_1128 = tpu.memref_squeeze %dma_start3A_1127 : memref<1x!tpu.dma_semaphore, #tpu.memory_space<semaphore_mem>> -> memref<!tpu.dma_semaphore, #tpu.memory_space<semaphore_mem>>
          tpu.enqueue_indirect_dma source(%dma_start3A_1126 : memref<20000x128xf32, #tpu.memory_space<hbm>>) target(%dma_start3A_1123 : memref<16x128xf32, #tpu.memory_space<vmem>>) offsets(%select_n3A_1119 : vector<16xi32>) semaphore(%dma_start3A_1128 : memref<!tpu.dma_semaphore, #tpu.memory_space<semaphore_mem>>)
        } else {
        }
        %jit3A_897 = arith.constant 1 : i32
        %jit3A_898 = arith.constant 0 : i32
        %select_n3A_899 = arith.select %and3A_893, %jit3A_897, %jit3A_898 : i32
        %add3A_900 = arith.addi %while3A_888, %select_n3A_899 : i32
        %gt3A_901 = arith.cmpi sgt, %add3A_890, %while3A_889 : i32
        %convert_element_type3A_902 = arith.extui %gt3A_901 : i1 to i32
        %cond3A_903 = arith.constant 0 : i32
        %cond3A_904 = arith.cmpi ne, %convert_element_type3A_902, %cond3A_903 : i32
        scf.if %cond3A_904 {
          %jit3A_1059 = arith.constant 8 : i32
          %eq3A_1060 = arith.constant 0 : i32
          %eq3A_1061 = arith.cmpi eq, %jit3A_1059, %eq3A_1060 : i32
          %jit3A_1062 = arith.constant 1 : i32
          %select_n3A_1063 = arith.select %eq3A_1061, %jit3A_1062, %jit3A_1059 : i32
          %rem3A_1064 = arith.remsi %add3A_890, %select_n3A_1063 : i32
          %ne3A_1065 = arith.constant 0 : i32
          %ne3A_1066 = arith.cmpi ne, %rem3A_1064, %ne3A_1065 : i32
          %lt3A_1067 = arith.constant 0 : i32
          %lt3A_1068 = arith.cmpi slt, %rem3A_1064, %lt3A_1067 : i32
          %lt3A_1069 = arith.constant 0 : i32
          %lt3A_1070 = arith.cmpi slt, %select_n3A_1063, %lt3A_1069 : i32
          %ne3A_1071 = arith.xori %lt3A_1068, %lt3A_1070 : i1
          %and3A_1072 = arith.andi %ne3A_1071, %ne3A_1066 : i1
          %add3A_1073 = arith.addi %rem3A_1064, %select_n3A_1063 : i32
          %select_n3A_1074 = arith.select %and3A_1072, %add3A_1073, %rem3A_1064 : i32
          %dma_wait3A_1075 = arith.constant 0 : i32
          %dma_wait3A_1076 = arith.constant 0 : i32
          %dma_wait3A_1077 = tpu.memref_slice %arg11[%select_n3A_1074, %dma_wait3A_1075, %dma_wait3A_1076] : memref<8x16x128xf32, #tpu.memory_space<vmem>> -> memref<1x16x128xf32, #tpu.memory_space<vmem>>
          %dma_wait3A_1078 = tpu.memref_squeeze %dma_wait3A_1077 : memref<1x16x128xf32, #tpu.memory_space<vmem>> -> memref<16x128xf32, #tpu.memory_space<vmem>>
          %dma_wait3A_1079 = arith.constant 0 : i32
          %dma_wait3A_1080 = arith.constant 0 : i32
          %dma_wait3A_1081 = tpu.memref_slice %arg3[%dma_wait3A_1079, %dma_wait3A_1080] : memref<20000x128xf32, #tpu.memory_space<hbm>> -> memref<16x128xf32, #tpu.memory_space<hbm>>
          %dma_wait3A_1082 = tpu.memref_slice %arg16[%select_n3A_1074] : memref<8x!tpu.dma_semaphore, #tpu.memory_space<semaphore_mem>> -> memref<1x!tpu.dma_semaphore, #tpu.memory_space<semaphore_mem>>
          %dma_wait3A_1083 = tpu.memref_squeeze %dma_wait3A_1082 : memref<1x!tpu.dma_semaphore, #tpu.memory_space<semaphore_mem>> -> memref<!tpu.dma_semaphore, #tpu.memory_space<semaphore_mem>>
          %dma_wait3A_1084 = arith.constant 0 : i32
          %dma_wait3A_1085 = arith.constant 0 : i32
          %dma_wait3A_1086 = tpu.memref_slice %arg11[%select_n3A_1074, %dma_wait3A_1084, %dma_wait3A_1085] : memref<8x16x128xf32, #tpu.memory_space<vmem>> -> memref<1x16x128xf32, #tpu.memory_space<vmem>>
          %dma_wait3A_1087 = tpu.memref_squeeze %dma_wait3A_1086 : memref<1x16x128xf32, #tpu.memory_space<vmem>> -> memref<16x128xf32, #tpu.memory_space<vmem>>
          %dma_wait3A_1088 = arith.constant 0 : i32
          %dma_wait3A_1089 = arith.constant 0 : i32
          %dma_wait3A_1090 = tpu.memref_slice %arg3[%dma_wait3A_1088, %dma_wait3A_1089] : memref<20000x128xf32, #tpu.memory_space<hbm>> -> memref<16x128xf32, #tpu.memory_space<hbm>>
          tpu.wait_dma2 semaphore(%dma_wait3A_1083 : memref<!tpu.dma_semaphore, #tpu.memory_space<semaphore_mem>>) src(%dma_wait3A_1090 : memref<16x128xf32, #tpu.memory_space<hbm>>) dst(%dma_wait3A_1087 : memref<16x128xf32, #tpu.memory_space<vmem>>)
        } else {
        }
        %max3A_905 = arith.maxsi %while3A_889, %add3A_890 : i32
        %mul3A_906 = arith.constant 16 : i32
        %mul3A_907 = arith.muli %add3A_890, %mul3A_906 : i32
        %get3A = arith.index_cast %mul3A_907 : i32 to index
        %get3A_908 = tpu.vector_load %arg10[%get3A] {strides = array<i32>} : memref<12032xi32, #tpu.memory_space<vmem>>, vector<16xi32>,
        %get3A_909 = arith.index_cast %mul3A_907 : i32 to index
        %get3A_910 = tpu.vector_load %arg9[%get3A_909] {strides = array<i32>} : memref<12032xi32, #tpu.memory_space<vmem>>, vector<16xi32>,
        %add3A_911 = vector.broadcast %mul3A_907 : i32 to vector<16xi32>
        %add3A_912 = arith.addi %add3A_911, %iota3A : vector<16xi32>
        %ge3A = vector.broadcast %scan3A_430#0 : i32 to vector<16xi32>
        %ge3A_913 = arith.cmpi sge, %add3A_912, %ge3A : vector<16xi32>
        %lt3A_914 = vector.broadcast %scan3A_663#0 : i32 to vector<16xi32>
        %lt3A_915 = arith.cmpi slt, %add3A_912, %lt3A_914 : vector<16xi32>
        %and3A_916 = arith.andi %ge3A_913, %lt3A_915 : vector<16xi1>
        %jit3A_917 = arith.constant 0 : i32
        %broadcast_in_dim3A_918 = vector.broadcast %jit3A_917 : i32 to vector<16xi32>
        %select_n3A_919 = arith.select %and3A_916, %get3A_910, %broadcast_in_dim3A_918 : vector<16xi1>, vector<16xi32>
        %gather3A = tpu.vector_load_idx %arg8[%select_n3A_919] : memref<12000xi32, #tpu.memory_space<vmem>>[vector<16xi32>], vector<16xi32>,
        %jit3A_920 = arith.constant 2 : i32
        %eq3A = arith.constant 0 : i32
        %eq3A_921 = arith.cmpi eq, %jit3A_920, %eq3A : i32
        %jit3A_922 = arith.constant 1 : i32
        %select_n3A_923 = arith.select %eq3A_921, %jit3A_922, %jit3A_920 : i32
        %rem3A_924 = vector.broadcast %select_n3A_923 : i32 to vector<16xi32>
        %rem3A_925 = arith.remsi %gather3A, %rem3A_924 : vector<16xi32>
        %ne3A_926 = arith.constant 0 : i32
        %ne3A_927 = vector.broadcast %ne3A_926 : i32 to vector<16xi32>
        %ne3A_928 = arith.cmpi ne, %rem3A_925, %ne3A_927 : vector<16xi32>
        %lt3A_929 = arith.constant 0 : i32
        %lt3A_930 = vector.broadcast %lt3A_929 : i32 to vector<16xi32>
        %lt3A_931 = arith.cmpi slt, %rem3A_925, %lt3A_930 : vector<16xi32>
        %lt3A_932 = arith.constant 0 : i32
        %lt3A_933 = arith.cmpi slt, %select_n3A_923, %lt3A_932 : i32
        %ne3A_934 = vector.broadcast %lt3A_933 : i1 to vector<16xi1>
        %ne3A_935 = vector.broadcast %ne3A_934 : vector<16xi1> to vector<16xi1>
        %ne3A_936 = arith.xori %lt3A_931, %ne3A_935 : vector<16xi1>
        %and3A_937 = arith.andi %ne3A_936, %ne3A_928 : vector<16xi1>
        %add3A_938 = vector.broadcast %select_n3A_923 : i32 to vector<16xi32>
        %add3A_939 = arith.addi %rem3A_925, %add3A_938 : vector<16xi32>
        %select_n3A_940 = arith.select %and3A_937, %add3A_939, %rem3A_925 : vector<16xi1>, vector<16xi32>
        %mul3A_941 = arith.constant 64 : i32
        %mul3A_942 = vector.broadcast %mul3A_941 : i32 to vector<16xi32>
        %mul3A_943 = arith.muli %select_n3A_940, %mul3A_942 : vector<16xi32>
        %mul3A_944 = arith.constant 3456 : i32
        %mul3A_945 = arith.muli %add3A_653, %mul3A_944 : i32
        %sub3A_946 = vector.broadcast %mul3A_945 : i32 to vector<16xi32>
        %sub3A_947 = arith.subi %get3A_908, %sub3A_946 : vector<16xi32>
        %jit3A_948 = arith.constant 0 : i32
        %broadcast_in_dim3A_949 = vector.broadcast %jit3A_948 : i32 to vector<16xi32>
        %select_n3A_950 = arith.select %and3A_916, %sub3A_947, %broadcast_in_dim3A_949 : vector<16xi1>, vector<16xi32>
        %jit3A_951 = arith.constant 432 : i32
        %div3A_952 = vector.broadcast %jit3A_951 : i32 to vector<16xi32>
        %div3A_953 = arith.divsi %select_n3A_950, %div3A_952 : vector<16xi32>
        %sign3A_954 = arith.constant 0 : i32
        %sign3A_955 = vector.broadcast %sign3A_954 : i32 to vector<16xi32>
        %sign3A_956 = arith.cmpi sgt, %select_n3A_950, %sign3A_955 : vector<16xi32>
        %sign3A_957 = arith.extui %sign3A_956 : vector<16xi1> to vector<16xi32>
        %sign3A_958 = arith.constant 0 : i32
        %sign3A_959 = vector.broadcast %sign3A_958 : i32 to vector<16xi32>
        %sign3A_960 = arith.cmpi slt, %select_n3A_950, %sign3A_959 : vector<16xi32>
        %sign3A_961 = arith.extui %sign3A_960 : vector<16xi1> to vector<16xi32>
        %sign3A_962 = arith.subi %sign3A_957, %sign3A_961 : vector<16xi32>
        %sign3A_963 = arith.constant 0 : i32
        %sign3A_964 = arith.cmpi sgt, %jit3A_951, %sign3A_963 : i32
        %sign3A_965 = arith.extui %sign3A_964 : i1 to i32
        %sign3A_966 = arith.constant 0 : i32
        %sign3A_967 = arith.cmpi slt, %jit3A_951, %sign3A_966 : i32
        %sign3A_968 = arith.extui %sign3A_967 : i1 to i32
        %sign3A_969 = arith.subi %sign3A_965, %sign3A_968 : i32
        %ne3A_970 = vector.broadcast %sign3A_969 : i32 to vector<16xi32>
        %ne3A_971 = arith.cmpi ne, %sign3A_962, %ne3A_970 : vector<16xi32>
        %rem3A_972 = vector.broadcast %jit3A_951 : i32 to vector<16xi32>
        %rem3A_973 = arith.remsi %select_n3A_950, %rem3A_972 : vector<16xi32>
        %ne3A_974 = arith.constant 0 : i32
        %ne3A_975 = vector.broadcast %ne3A_974 : i32 to vector<16xi32>
        %ne3A_976 = arith.cmpi ne, %rem3A_973, %ne3A_975 : vector<16xi32>
        %and3A_977 = arith.andi %ne3A_971, %ne3A_976 : vector<16xi1>
        %sub3A_978 = arith.constant 1 : i32
        %sub3A_979 = vector.broadcast %sub3A_978 : i32 to vector<16xi32>
        %sub3A_980 = arith.subi %div3A_953, %sub3A_979 : vector<16xi32>
        %select_n3A_981 = arith.select %and3A_977, %sub3A_980, %div3A_953 : vector<16xi1>, vector<16xi32>
        %mul3A_982 = arith.constant 432 : i32
        %mul3A_983 = vector.broadcast %mul3A_982 : i32 to vector<16xi32>
        %mul3A_984 = arith.muli %select_n3A_981, %mul3A_983 : vector<16xi32>
        %sub3A_985 = arith.subi %select_n3A_950, %mul3A_984 : vector<16xi32>
        %jit3A_986 = arith.constant 8 : i32
        %eq3A_987 = arith.constant 0 : i32
        %eq3A_988 = arith.cmpi eq, %jit3A_986, %eq3A_987 : i32
        %jit3A_989 = arith.constant 1 : i32
        %select_n3A_990 = arith.select %eq3A_988, %jit3A_989, %jit3A_986 : i32
        %rem3A_991 = arith.remsi %add3A_890, %select_n3A_990 : i32
        %ne3A_992 = arith.constant 0 : i32
        %ne3A_993 = arith.cmpi ne, %rem3A_991, %ne3A_992 : i32
        %lt3A_994 = arith.constant 0 : i32
        %lt3A_995 = arith.cmpi slt, %rem3A_991, %lt3A_994 : i32
        %lt3A_996 = arith.constant 0 : i32
        %lt3A_997 = arith.cmpi slt, %select_n3A_990, %lt3A_996 : i32
        %ne3A_998 = arith.xori %lt3A_995, %lt3A_997 : i1
        %and3A_999 = arith.andi %ne3A_998, %ne3A_993 : i1
        %add3A_1000 = arith.addi %rem3A_991, %select_n3A_990 : i32
        %select_n3A_1001 = arith.select %and3A_999, %add3A_1000, %rem3A_991 : i32
        %broadcast_in_dim3A_1002 = vector.broadcast %select_n3A_1001 : i32 to vector<16xi32>
        %add3A_1003 = arith.constant 0 : i32
        %add3A_1004 = arith.addi %mul3A_21, %add3A_1003 : i32
        %broadcast_in_dim3A_1005 = vector.broadcast %add3A_1004 : i32 to vector<16xi32>
        %add3A_1006 = arith.addi %mul3A_943, %broadcast_in_dim3A_1005 : vector<16xi32>
        %gather3A_1007 = tpu.vector_load_idx %arg11[%broadcast_in_dim3A_1002, %iota3A, %add3A_1006] : memref<8x16x128xf32, #tpu.memory_space<vmem>>[vector<16xi32>, vector<16xi32>, vector<16xi32>], vector<16xf32>,
        %broadcast_in_dim3A_1008 = arith.constant 0 : i32
        %broadcast_in_dim3A_1009 = vector.broadcast %broadcast_in_dim3A_1008 : i32 to vector<16xi32>
        tpu.vector_store_idx %arg13[%broadcast_in_dim3A_1009, %select_n3A_981, %sub3A_985], %gather3A_1007 masked %and3A_916 : memref<8x8x432xf32, #tpu.memory_space<vmem>>[vector<16xi32>, vector<16xi32>, vector<16xi32>], vector<16xf32>, vector<16xi1>
        %add3A_1010 = arith.constant 1 : i32
        %add3A_1011 = arith.addi %mul3A_21, %add3A_1010 : i32
        %broadcast_in_dim3A_1012 = vector.broadcast %add3A_1011 : i32 to vector<16xi32>
        %add3A_1013 = arith.addi %mul3A_943, %broadcast_in_dim3A_1012 : vector<16xi32>
        %gather3A_1014 = tpu.vector_load_idx %arg11[%broadcast_in_dim3A_1002, %iota3A, %add3A_1013] : memref<8x16x128xf32, #tpu.memory_space<vmem>>[vector<16xi32>, vector<16xi32>, vector<16xi32>], vector<16xf32>,
        %broadcast_in_dim3A_1015 = arith.constant 1 : i32
        %broadcast_in_dim3A_1016 = vector.broadcast %broadcast_in_dim3A_1015 : i32 to vector<16xi32>
        tpu.vector_store_idx %arg13[%broadcast_in_dim3A_1016, %select_n3A_981, %sub3A_985], %gather3A_1014 masked %and3A_916 : memref<8x8x432xf32, #tpu.memory_space<vmem>>[vector<16xi32>, vector<16xi32>, vector<16xi32>], vector<16xf32>, vector<16xi1>
        %add3A_1017 = arith.constant 2 : i32
        %add3A_1018 = arith.addi %mul3A_21, %add3A_1017 : i32
        %broadcast_in_dim3A_1019 = vector.broadcast %add3A_1018 : i32 to vector<16xi32>
        %add3A_1020 = arith.addi %mul3A_943, %broadcast_in_dim3A_1019 : vector<16xi32>
        %gather3A_1021 = tpu.vector_load_idx %arg11[%broadcast_in_dim3A_1002, %iota3A, %add3A_1020] : memref<8x16x128xf32, #tpu.memory_space<vmem>>[vector<16xi32>, vector<16xi32>, vector<16xi32>], vector<16xf32>,
        %broadcast_in_dim3A_1022 = arith.constant 2 : i32
        %broadcast_in_dim3A_1023 = vector.broadcast %broadcast_in_dim3A_1022 : i32 to vector<16xi32>
        tpu.vector_store_idx %arg13[%broadcast_in_dim3A_1023, %select_n3A_981, %sub3A_985], %gather3A_1021 masked %and3A_916 : memref<8x8x432xf32, #tpu.memory_space<vmem>>[vector<16xi32>, vector<16xi32>, vector<16xi32>], vector<16xf32>, vector<16xi1>
        %add3A_1024 = arith.constant 3 : i32
        %add3A_1025 = arith.addi %mul3A_21, %add3A_1024 : i32
        %broadcast_in_dim3A_1026 = vector.broadcast %add3A_1025 : i32 to vector<16xi32>
        %add3A_1027 = arith.addi %mul3A_943, %broadcast_in_dim3A_1026 : vector<16xi32>
        %gather3A_1028 = tpu.vector_load_idx %arg11[%broadcast_in_dim3A_1002, %iota3A, %add3A_1027] : memref<8x16x128xf32, #tpu.memory_space<vmem>>[vector<16xi32>, vector<16xi32>, vector<16xi32>], vector<16xf32>,
        %broadcast_in_dim3A_1029 = arith.constant 3 : i32
        %broadcast_in_dim3A_1030 = vector.broadcast %broadcast_in_dim3A_1029 : i32 to vector<16xi32>
        tpu.vector_store_idx %arg13[%broadcast_in_dim3A_1030, %select_n3A_981, %sub3A_985], %gather3A_1028 masked %and3A_916 : memref<8x8x432xf32, #tpu.memory_space<vmem>>[vector<16xi32>, vector<16xi32>, vector<16xi32>], vector<16xf32>, vector<16xi1>
        %add3A_1031 = arith.constant 4 : i32
        %add3A_1032 = arith.addi %mul3A_21, %add3A_1031 : i32
        %broadcast_in_dim3A_1033 = vector.broadcast %add3A_1032 : i32 to vector<16xi32>
        %add3A_1034 = arith.addi %mul3A_943, %broadcast_in_dim3A_1033 : vector<16xi32>
        %gather3A_1035 = tpu.vector_load_idx %arg11[%broadcast_in_dim3A_1002, %iota3A, %add3A_1034] : memref<8x16x128xf32, #tpu.memory_space<vmem>>[vector<16xi32>, vector<16xi32>, vector<16xi32>], vector<16xf32>,
        %broadcast_in_dim3A_1036 = arith.constant 4 : i32
        %broadcast_in_dim3A_1037 = vector.broadcast %broadcast_in_dim3A_1036 : i32 to vector<16xi32>
        tpu.vector_store_idx %arg13[%broadcast_in_dim3A_1037, %select_n3A_981, %sub3A_985], %gather3A_1035 masked %and3A_916 : memref<8x8x432xf32, #tpu.memory_space<vmem>>[vector<16xi32>, vector<16xi32>, vector<16xi32>], vector<16xf32>, vector<16xi1>
        %add3A_1038 = arith.constant 5 : i32
        %add3A_1039 = arith.addi %mul3A_21, %add3A_1038 : i32
        %broadcast_in_dim3A_1040 = vector.broadcast %add3A_1039 : i32 to vector<16xi32>
        %add3A_1041 = arith.addi %mul3A_943, %broadcast_in_dim3A_1040 : vector<16xi32>
        %gather3A_1042 = tpu.vector_load_idx %arg11[%broadcast_in_dim3A_1002, %iota3A, %add3A_1041] : memref<8x16x128xf32, #tpu.memory_space<vmem>>[vector<16xi32>, vector<16xi32>, vector<16xi32>], vector<16xf32>,
        %broadcast_in_dim3A_1043 = arith.constant 5 : i32
        %broadcast_in_dim3A_1044 = vector.broadcast %broadcast_in_dim3A_1043 : i32 to vector<16xi32>
        tpu.vector_store_idx %arg13[%broadcast_in_dim3A_1044, %select_n3A_981, %sub3A_985], %gather3A_1042 masked %and3A_916 : memref<8x8x432xf32, #tpu.memory_space<vmem>>[vector<16xi32>, vector<16xi32>, vector<16xi32>], vector<16xf32>, vector<16xi1>
        %add3A_1045 = arith.constant 6 : i32
        %add3A_1046 = arith.addi %mul3A_21, %add3A_1045 : i32
        %broadcast_in_dim3A_1047 = vector.broadcast %add3A_1046 : i32 to vector<16xi32>
        %add3A_1048 = arith.addi %mul3A_943, %broadcast_in_dim3A_1047 : vector<16xi32>
        %gather3A_1049 = tpu.vector_load_idx %arg11[%broadcast_in_dim3A_1002, %iota3A, %add3A_1048] : memref<8x16x128xf32, #tpu.memory_space<vmem>>[vector<16xi32>, vector<16xi32>, vector<16xi32>], vector<16xf32>,
        %broadcast_in_dim3A_1050 = arith.constant 6 : i32
        %broadcast_in_dim3A_1051 = vector.broadcast %broadcast_in_dim3A_1050 : i32 to vector<16xi32>
        tpu.vector_store_idx %arg13[%broadcast_in_dim3A_1051, %select_n3A_981, %sub3A_985], %gather3A_1049 masked %and3A_916 : memref<8x8x432xf32, #tpu.memory_space<vmem>>[vector<16xi32>, vector<16xi32>, vector<16xi32>], vector<16xf32>, vector<16xi1>
        %add3A_1052 = arith.constant 7 : i32
        %add3A_1053 = arith.addi %mul3A_21, %add3A_1052 : i32
        %broadcast_in_dim3A_1054 = vector.broadcast %add3A_1053 : i32 to vector<16xi32>
        %add3A_1055 = arith.addi %mul3A_943, %broadcast_in_dim3A_1054 : vector<16xi32>
        %gather3A_1056 = tpu.vector_load_idx %arg11[%broadcast_in_dim3A_1002, %iota3A, %add3A_1055] : memref<8x16x128xf32, #tpu.memory_space<vmem>>[vector<16xi32>, vector<16xi32>, vector<16xi32>], vector<16xf32>,
        %broadcast_in_dim3A_1057 = arith.constant 7 : i32
        %broadcast_in_dim3A_1058 = vector.broadcast %broadcast_in_dim3A_1057 : i32 to vector<16xi32>
        tpu.vector_store_idx %arg13[%broadcast_in_dim3A_1058, %select_n3A_981, %sub3A_985], %gather3A_1056 masked %and3A_916 : memref<8x8x432xf32, #tpu.memory_space<vmem>>[vector<16xi32>, vector<16xi32>, vector<16xi32>], vector<16xf32>, vector<16xi1>
        scf.yield %add3A_900, %max3A_905 : i32, i32
      }
      %add3A_735 = arith.constant 0 : i32
      %add3A_736 = arith.addi %mul3A_21, %add3A_735 : i32
      %mul3A_737 = arith.constant 8 : i32
      %mul3A_738 = arith.muli %add3A_653, %mul3A_737 : i32
      %dma_start3A_739 = arith.constant 0 : i32
      %dma_start3A_740 = arith.constant 0 : i32
      %dma_start3A_741 = arith.constant 0 : i32
      %dma_start3A_742 = tpu.memref_slice %arg13[%dma_start3A_739, %dma_start3A_740, %dma_start3A_741] : memref<8x8x432xf32, #tpu.memory_space<vmem>> -> memref<1x8x432xf32, #tpu.memory_space<vmem>>
      %dma_start3A_743 = tpu.memref_squeeze %dma_start3A_742 : memref<1x8x432xf32, #tpu.memory_space<vmem>> -> memref<8x432xf32, #tpu.memory_space<vmem>>
      %dma_start3A_744 = arith.constant 0 : i32
      %dma_start3A_745 = tpu.memref_slice %arg5[%select_n3A, %add3A_736, %mul3A_738, %dma_start3A_744] : memref<4x64x496x432xf32, #tpu.memory_space<hbm>> -> memref<1x1x8x432xf32, #tpu.memory_space<hbm>>
      %dma_start3A_746 = tpu.memref_squeeze %dma_start3A_745 : memref<1x1x8x432xf32, #tpu.memory_space<hbm>> -> memref<8x432xf32, #tpu.memory_space<hbm>>
      %dma_start3A_747 = arith.constant 0 : i32
      %dma_start3A_748 = tpu.memref_slice %arg5[%select_n3A, %add3A_736, %mul3A_738, %dma_start3A_747] : memref<4x64x496x432xf32, #tpu.memory_space<hbm>> -> memref<1x1x8x432xf32, #tpu.memory_space<hbm>>
      %dma_start3A_749 = tpu.memref_squeeze %dma_start3A_748 : memref<1x1x8x432xf32, #tpu.memory_space<hbm>> -> memref<8x432xf32, #tpu.memory_space<hbm>>
      %dma_start3A_750 = arith.constant 0 : i32
      %dma_start3A_751 = arith.constant 0 : i32
      %dma_start3A_752 = tpu.memref_slice %arg13[%dma_start3A_739, %dma_start3A_750, %dma_start3A_751] : memref<8x8x432xf32, #tpu.memory_space<vmem>> -> memref<1x8x432xf32, #tpu.memory_space<vmem>>
      %dma_start3A_753 = tpu.memref_squeeze %dma_start3A_752 : memref<1x8x432xf32, #tpu.memory_space<vmem>> -> memref<8x432xf32, #tpu.memory_space<vmem>>
      tpu.enqueue_dma source(%dma_start3A_753 : memref<8x432xf32, #tpu.memory_space<vmem>>) target(%dma_start3A_749 : memref<8x432xf32, #tpu.memory_space<hbm>>) target_semaphore(%arg15 : memref<!tpu.dma_semaphore, #tpu.memory_space<semaphore_mem>>)
      %add3A_754 = arith.constant 1 : i32
      %add3A_755 = arith.addi %mul3A_21, %add3A_754 : i32
      %mul3A_756 = arith.constant 8 : i32
      %mul3A_757 = arith.muli %add3A_653, %mul3A_756 : i32
      %dma_start3A_758 = arith.constant 1 : i32
      %dma_start3A_759 = arith.constant 0 : i32
      %dma_start3A_760 = arith.constant 0 : i32
      %dma_start3A_761 = tpu.memref_slice %arg13[%dma_start3A_758, %dma_start3A_759, %dma_start3A_760] : memref<8x8x432xf32, #tpu.memory_space<vmem>> -> memref<1x8x432xf32, #tpu.memory_space<vmem>>
      %dma_start3A_762 = tpu.memref_squeeze %dma_start3A_761 : memref<1x8x432xf32, #tpu.memory_space<vmem>> -> memref<8x432xf32, #tpu.memory_space<vmem>>
      %dma_start3A_763 = arith.constant 0 : i32
      %dma_start3A_764 = tpu.memref_slice %arg5[%select_n3A, %add3A_755, %mul3A_757, %dma_start3A_763] : memref<4x64x496x432xf32, #tpu.memory_space<hbm>> -> memref<1x1x8x432xf32, #tpu.memory_space<hbm>>
      %dma_start3A_765 = tpu.memref_squeeze %dma_start3A_764 : memref<1x1x8x432xf32, #tpu.memory_space<hbm>> -> memref<8x432xf32, #tpu.memory_space<hbm>>
      %dma_start3A_766 = arith.constant 0 : i32
      %dma_start3A_767 = tpu.memref_slice %arg5[%select_n3A, %add3A_755, %mul3A_757, %dma_start3A_766] : memref<4x64x496x432xf32, #tpu.memory_space<hbm>> -> memref<1x1x8x432xf32, #tpu.memory_space<hbm>>
      %dma_start3A_768 = tpu.memref_squeeze %dma_start3A_767 : memref<1x1x8x432xf32, #tpu.memory_space<hbm>> -> memref<8x432xf32, #tpu.memory_space<hbm>>
      %dma_start3A_769 = arith.constant 0 : i32
      %dma_start3A_770 = arith.constant 0 : i32
      %dma_start3A_771 = tpu.memref_slice %arg13[%dma_start3A_758, %dma_start3A_769, %dma_start3A_770] : memref<8x8x432xf32, #tpu.memory_space<vmem>> -> memref<1x8x432xf32, #tpu.memory_space<vmem>>
      %dma_start3A_772 = tpu.memref_squeeze %dma_start3A_771 : memref<1x8x432xf32, #tpu.memory_space<vmem>> -> memref<8x432xf32, #tpu.memory_space<vmem>>
      tpu.enqueue_dma source(%dma_start3A_772 : memref<8x432xf32, #tpu.memory_space<vmem>>) target(%dma_start3A_768 : memref<8x432xf32, #tpu.memory_space<hbm>>) target_semaphore(%arg15 : memref<!tpu.dma_semaphore, #tpu.memory_space<semaphore_mem>>)
      %add3A_773 = arith.constant 2 : i32
      %add3A_774 = arith.addi %mul3A_21, %add3A_773 : i32
      %mul3A_775 = arith.constant 8 : i32
      %mul3A_776 = arith.muli %add3A_653, %mul3A_775 : i32
      %dma_start3A_777 = arith.constant 2 : i32
      %dma_start3A_778 = arith.constant 0 : i32
      %dma_start3A_779 = arith.constant 0 : i32
      %dma_start3A_780 = tpu.memref_slice %arg13[%dma_start3A_777, %dma_start3A_778, %dma_start3A_779] : memref<8x8x432xf32, #tpu.memory_space<vmem>> -> memref<1x8x432xf32, #tpu.memory_space<vmem>>
      %dma_start3A_781 = tpu.memref_squeeze %dma_start3A_780 : memref<1x8x432xf32, #tpu.memory_space<vmem>> -> memref<8x432xf32, #tpu.memory_space<vmem>>
      %dma_start3A_782 = arith.constant 0 : i32
      %dma_start3A_783 = tpu.memref_slice %arg5[%select_n3A, %add3A_774, %mul3A_776, %dma_start3A_782] : memref<4x64x496x432xf32, #tpu.memory_space<hbm>> -> memref<1x1x8x432xf32, #tpu.memory_space<hbm>>
      %dma_start3A_784 = tpu.memref_squeeze %dma_start3A_783 : memref<1x1x8x432xf32, #tpu.memory_space<hbm>> -> memref<8x432xf32, #tpu.memory_space<hbm>>
      %dma_start3A_785 = arith.constant 0 : i32
      %dma_start3A_786 = tpu.memref_slice %arg5[%select_n3A, %add3A_774, %mul3A_776, %dma_start3A_785] : memref<4x64x496x432xf32, #tpu.memory_space<hbm>> -> memref<1x1x8x432xf32, #tpu.memory_space<hbm>>
      %dma_start3A_787 = tpu.memref_squeeze %dma_start3A_786 : memref<1x1x8x432xf32, #tpu.memory_space<hbm>> -> memref<8x432xf32, #tpu.memory_space<hbm>>
      %dma_start3A_788 = arith.constant 0 : i32
      %dma_start3A_789 = arith.constant 0 : i32
      %dma_start3A_790 = tpu.memref_slice %arg13[%dma_start3A_777, %dma_start3A_788, %dma_start3A_789] : memref<8x8x432xf32, #tpu.memory_space<vmem>> -> memref<1x8x432xf32, #tpu.memory_space<vmem>>
      %dma_start3A_791 = tpu.memref_squeeze %dma_start3A_790 : memref<1x8x432xf32, #tpu.memory_space<vmem>> -> memref<8x432xf32, #tpu.memory_space<vmem>>
      tpu.enqueue_dma source(%dma_start3A_791 : memref<8x432xf32, #tpu.memory_space<vmem>>) target(%dma_start3A_787 : memref<8x432xf32, #tpu.memory_space<hbm>>) target_semaphore(%arg15 : memref<!tpu.dma_semaphore, #tpu.memory_space<semaphore_mem>>)
      %add3A_792 = arith.constant 3 : i32
      %add3A_793 = arith.addi %mul3A_21, %add3A_792 : i32
      %mul3A_794 = arith.constant 8 : i32
      %mul3A_795 = arith.muli %add3A_653, %mul3A_794 : i32
      %dma_start3A_796 = arith.constant 3 : i32
      %dma_start3A_797 = arith.constant 0 : i32
      %dma_start3A_798 = arith.constant 0 : i32
      %dma_start3A_799 = tpu.memref_slice %arg13[%dma_start3A_796, %dma_start3A_797, %dma_start3A_798] : memref<8x8x432xf32, #tpu.memory_space<vmem>> -> memref<1x8x432xf32, #tpu.memory_space<vmem>>
      %dma_start3A_800 = tpu.memref_squeeze %dma_start3A_799 : memref<1x8x432xf32, #tpu.memory_space<vmem>> -> memref<8x432xf32, #tpu.memory_space<vmem>>
      %dma_start3A_801 = arith.constant 0 : i32
      %dma_start3A_802 = tpu.memref_slice %arg5[%select_n3A, %add3A_793, %mul3A_795, %dma_start3A_801] : memref<4x64x496x432xf32, #tpu.memory_space<hbm>> -> memref<1x1x8x432xf32, #tpu.memory_space<hbm>>
      %dma_start3A_803 = tpu.memref_squeeze %dma_start3A_802 : memref<1x1x8x432xf32, #tpu.memory_space<hbm>> -> memref<8x432xf32, #tpu.memory_space<hbm>>
      %dma_start3A_804 = arith.constant 0 : i32
      %dma_start3A_805 = tpu.memref_slice %arg5[%select_n3A, %add3A_793, %mul3A_795, %dma_start3A_804] : memref<4x64x496x432xf32, #tpu.memory_space<hbm>> -> memref<1x1x8x432xf32, #tpu.memory_space<hbm>>
      %dma_start3A_806 = tpu.memref_squeeze %dma_start3A_805 : memref<1x1x8x432xf32, #tpu.memory_space<hbm>> -> memref<8x432xf32, #tpu.memory_space<hbm>>
      %dma_start3A_807 = arith.constant 0 : i32
      %dma_start3A_808 = arith.constant 0 : i32
      %dma_start3A_809 = tpu.memref_slice %arg13[%dma_start3A_796, %dma_start3A_807, %dma_start3A_808] : memref<8x8x432xf32, #tpu.memory_space<vmem>> -> memref<1x8x432xf32, #tpu.memory_space<vmem>>
      %dma_start3A_810 = tpu.memref_squeeze %dma_start3A_809 : memref<1x8x432xf32, #tpu.memory_space<vmem>> -> memref<8x432xf32, #tpu.memory_space<vmem>>
      tpu.enqueue_dma source(%dma_start3A_810 : memref<8x432xf32, #tpu.memory_space<vmem>>) target(%dma_start3A_806 : memref<8x432xf32, #tpu.memory_space<hbm>>) target_semaphore(%arg15 : memref<!tpu.dma_semaphore, #tpu.memory_space<semaphore_mem>>)
      %add3A_811 = arith.constant 4 : i32
      %add3A_812 = arith.addi %mul3A_21, %add3A_811 : i32
      %mul3A_813 = arith.constant 8 : i32
      %mul3A_814 = arith.muli %add3A_653, %mul3A_813 : i32
      %dma_start3A_815 = arith.constant 4 : i32
      %dma_start3A_816 = arith.constant 0 : i32
      %dma_start3A_817 = arith.constant 0 : i32
      %dma_start3A_818 = tpu.memref_slice %arg13[%dma_start3A_815, %dma_start3A_816, %dma_start3A_817] : memref<8x8x432xf32, #tpu.memory_space<vmem>> -> memref<1x8x432xf32, #tpu.memory_space<vmem>>
      %dma_start3A_819 = tpu.memref_squeeze %dma_start3A_818 : memref<1x8x432xf32, #tpu.memory_space<vmem>> -> memref<8x432xf32, #tpu.memory_space<vmem>>
      %dma_start3A_820 = arith.constant 0 : i32
      %dma_start3A_821 = tpu.memref_slice %arg5[%select_n3A, %add3A_812, %mul3A_814, %dma_start3A_820] : memref<4x64x496x432xf32, #tpu.memory_space<hbm>> -> memref<1x1x8x432xf32, #tpu.memory_space<hbm>>
      %dma_start3A_822 = tpu.memref_squeeze %dma_start3A_821 : memref<1x1x8x432xf32, #tpu.memory_space<hbm>> -> memref<8x432xf32, #tpu.memory_space<hbm>>
      %dma_start3A_823 = arith.constant 0 : i32
      %dma_start3A_824 = tpu.memref_slice %arg5[%select_n3A, %add3A_812, %mul3A_814, %dma_start3A_823] : memref<4x64x496x432xf32, #tpu.memory_space<hbm>> -> memref<1x1x8x432xf32, #tpu.memory_space<hbm>>
      %dma_start3A_825 = tpu.memref_squeeze %dma_start3A_824 : memref<1x1x8x432xf32, #tpu.memory_space<hbm>> -> memref<8x432xf32, #tpu.memory_space<hbm>>
      %dma_start3A_826 = arith.constant 0 : i32
      %dma_start3A_827 = arith.constant 0 : i32
      %dma_start3A_828 = tpu.memref_slice %arg13[%dma_start3A_815, %dma_start3A_826, %dma_start3A_827] : memref<8x8x432xf32, #tpu.memory_space<vmem>> -> memref<1x8x432xf32, #tpu.memory_space<vmem>>
      %dma_start3A_829 = tpu.memref_squeeze %dma_start3A_828 : memref<1x8x432xf32, #tpu.memory_space<vmem>> -> memref<8x432xf32, #tpu.memory_space<vmem>>
      tpu.enqueue_dma source(%dma_start3A_829 : memref<8x432xf32, #tpu.memory_space<vmem>>) target(%dma_start3A_825 : memref<8x432xf32, #tpu.memory_space<hbm>>) target_semaphore(%arg15 : memref<!tpu.dma_semaphore, #tpu.memory_space<semaphore_mem>>)
      %add3A_830 = arith.constant 5 : i32
      %add3A_831 = arith.addi %mul3A_21, %add3A_830 : i32
      %mul3A_832 = arith.constant 8 : i32
      %mul3A_833 = arith.muli %add3A_653, %mul3A_832 : i32
      %dma_start3A_834 = arith.constant 5 : i32
      %dma_start3A_835 = arith.constant 0 : i32
      %dma_start3A_836 = arith.constant 0 : i32
      %dma_start3A_837 = tpu.memref_slice %arg13[%dma_start3A_834, %dma_start3A_835, %dma_start3A_836] : memref<8x8x432xf32, #tpu.memory_space<vmem>> -> memref<1x8x432xf32, #tpu.memory_space<vmem>>
      %dma_start3A_838 = tpu.memref_squeeze %dma_start3A_837 : memref<1x8x432xf32, #tpu.memory_space<vmem>> -> memref<8x432xf32, #tpu.memory_space<vmem>>
      %dma_start3A_839 = arith.constant 0 : i32
      %dma_start3A_840 = tpu.memref_slice %arg5[%select_n3A, %add3A_831, %mul3A_833, %dma_start3A_839] : memref<4x64x496x432xf32, #tpu.memory_space<hbm>> -> memref<1x1x8x432xf32, #tpu.memory_space<hbm>>
      %dma_start3A_841 = tpu.memref_squeeze %dma_start3A_840 : memref<1x1x8x432xf32, #tpu.memory_space<hbm>> -> memref<8x432xf32, #tpu.memory_space<hbm>>
      %dma_start3A_842 = arith.constant 0 : i32
      %dma_start3A_843 = tpu.memref_slice %arg5[%select_n3A, %add3A_831, %mul3A_833, %dma_start3A_842] : memref<4x64x496x432xf32, #tpu.memory_space<hbm>> -> memref<1x1x8x432xf32, #tpu.memory_space<hbm>>
      %dma_start3A_844 = tpu.memref_squeeze %dma_start3A_843 : memref<1x1x8x432xf32, #tpu.memory_space<hbm>> -> memref<8x432xf32, #tpu.memory_space<hbm>>
      %dma_start3A_845 = arith.constant 0 : i32
      %dma_start3A_846 = arith.constant 0 : i32
      %dma_start3A_847 = tpu.memref_slice %arg13[%dma_start3A_834, %dma_start3A_845, %dma_start3A_846] : memref<8x8x432xf32, #tpu.memory_space<vmem>> -> memref<1x8x432xf32, #tpu.memory_space<vmem>>
      %dma_start3A_848 = tpu.memref_squeeze %dma_start3A_847 : memref<1x8x432xf32, #tpu.memory_space<vmem>> -> memref<8x432xf32, #tpu.memory_space<vmem>>
      tpu.enqueue_dma source(%dma_start3A_848 : memref<8x432xf32, #tpu.memory_space<vmem>>) target(%dma_start3A_844 : memref<8x432xf32, #tpu.memory_space<hbm>>) target_semaphore(%arg15 : memref<!tpu.dma_semaphore, #tpu.memory_space<semaphore_mem>>)
      %add3A_849 = arith.constant 6 : i32
      %add3A_850 = arith.addi %mul3A_21, %add3A_849 : i32
      %mul3A_851 = arith.constant 8 : i32
      %mul3A_852 = arith.muli %add3A_653, %mul3A_851 : i32
      %dma_start3A_853 = arith.constant 6 : i32
      %dma_start3A_854 = arith.constant 0 : i32
      %dma_start3A_855 = arith.constant 0 : i32
      %dma_start3A_856 = tpu.memref_slice %arg13[%dma_start3A_853, %dma_start3A_854, %dma_start3A_855] : memref<8x8x432xf32, #tpu.memory_space<vmem>> -> memref<1x8x432xf32, #tpu.memory_space<vmem>>
      %dma_start3A_857 = tpu.memref_squeeze %dma_start3A_856 : memref<1x8x432xf32, #tpu.memory_space<vmem>> -> memref<8x432xf32, #tpu.memory_space<vmem>>
      %dma_start3A_858 = arith.constant 0 : i32
      %dma_start3A_859 = tpu.memref_slice %arg5[%select_n3A, %add3A_850, %mul3A_852, %dma_start3A_858] : memref<4x64x496x432xf32, #tpu.memory_space<hbm>> -> memref<1x1x8x432xf32, #tpu.memory_space<hbm>>
      %dma_start3A_860 = tpu.memref_squeeze %dma_start3A_859 : memref<1x1x8x432xf32, #tpu.memory_space<hbm>> -> memref<8x432xf32, #tpu.memory_space<hbm>>
      %dma_start3A_861 = arith.constant 0 : i32
      %dma_start3A_862 = tpu.memref_slice %arg5[%select_n3A, %add3A_850, %mul3A_852, %dma_start3A_861] : memref<4x64x496x432xf32, #tpu.memory_space<hbm>> -> memref<1x1x8x432xf32, #tpu.memory_space<hbm>>
      %dma_start3A_863 = tpu.memref_squeeze %dma_start3A_862 : memref<1x1x8x432xf32, #tpu.memory_space<hbm>> -> memref<8x432xf32, #tpu.memory_space<hbm>>
      %dma_start3A_864 = arith.constant 0 : i32
      %dma_start3A_865 = arith.constant 0 : i32
      %dma_start3A_866 = tpu.memref_slice %arg13[%dma_start3A_853, %dma_start3A_864, %dma_start3A_865] : memref<8x8x432xf32, #tpu.memory_space<vmem>> -> memref<1x8x432xf32, #tpu.memory_space<vmem>>
      %dma_start3A_867 = tpu.memref_squeeze %dma_start3A_866 : memref<1x8x432xf32, #tpu.memory_space<vmem>> -> memref<8x432xf32, #tpu.memory_space<vmem>>
      tpu.enqueue_dma source(%dma_start3A_867 : memref<8x432xf32, #tpu.memory_space<vmem>>) target(%dma_start3A_863 : memref<8x432xf32, #tpu.memory_space<hbm>>) target_semaphore(%arg15 : memref<!tpu.dma_semaphore, #tpu.memory_space<semaphore_mem>>)
      %add3A_868 = arith.constant 7 : i32
      %add3A_869 = arith.addi %mul3A_21, %add3A_868 : i32
      %mul3A_870 = arith.constant 8 : i32
      %mul3A_871 = arith.muli %add3A_653, %mul3A_870 : i32
      %dma_start3A_872 = arith.constant 7 : i32
      %dma_start3A_873 = arith.constant 0 : i32
      %dma_start3A_874 = arith.constant 0 : i32
      %dma_start3A_875 = tpu.memref_slice %arg13[%dma_start3A_872, %dma_start3A_873, %dma_start3A_874] : memref<8x8x432xf32, #tpu.memory_space<vmem>> -> memref<1x8x432xf32, #tpu.memory_space<vmem>>
      %dma_start3A_876 = tpu.memref_squeeze %dma_start3A_875 : memref<1x8x432xf32, #tpu.memory_space<vmem>> -> memref<8x432xf32, #tpu.memory_space<vmem>>
      %dma_start3A_877 = arith.constant 0 : i32
      %dma_start3A_878 = tpu.memref_slice %arg5[%select_n3A, %add3A_869, %mul3A_871, %dma_start3A_877] : memref<4x64x496x432xf32, #tpu.memory_space<hbm>> -> memref<1x1x8x432xf32, #tpu.memory_space<hbm>>
      %dma_start3A_879 = tpu.memref_squeeze %dma_start3A_878 : memref<1x1x8x432xf32, #tpu.memory_space<hbm>> -> memref<8x432xf32, #tpu.memory_space<hbm>>
      %dma_start3A_880 = arith.constant 0 : i32
      %dma_start3A_881 = tpu.memref_slice %arg5[%select_n3A, %add3A_869, %mul3A_871, %dma_start3A_880] : memref<4x64x496x432xf32, #tpu.memory_space<hbm>> -> memref<1x1x8x432xf32, #tpu.memory_space<hbm>>
      %dma_start3A_882 = tpu.memref_squeeze %dma_start3A_881 : memref<1x1x8x432xf32, #tpu.memory_space<hbm>> -> memref<8x432xf32, #tpu.memory_space<hbm>>
      %dma_start3A_883 = arith.constant 0 : i32
      %dma_start3A_884 = arith.constant 0 : i32
      %dma_start3A_885 = tpu.memref_slice %arg13[%dma_start3A_872, %dma_start3A_883, %dma_start3A_884] : memref<8x8x432xf32, #tpu.memory_space<vmem>> -> memref<1x8x432xf32, #tpu.memory_space<vmem>>
      %dma_start3A_886 = tpu.memref_squeeze %dma_start3A_885 : memref<1x8x432xf32, #tpu.memory_space<vmem>> -> memref<8x432xf32, #tpu.memory_space<vmem>>
      tpu.enqueue_dma source(%dma_start3A_886 : memref<8x432xf32, #tpu.memory_space<vmem>>) target(%dma_start3A_882 : memref<8x432xf32, #tpu.memory_space<hbm>>) target_semaphore(%arg15 : memref<!tpu.dma_semaphore, #tpu.memory_space<semaphore_mem>>)
      scf.yield %scan3A_663#0, %scan3A_410, %scan3A_430#0, %scan3A_430#0, %scan3A_663#0, %while3A_734#0, %while3A_734#1 : i32, i32, i32, i32, i32, i32, i32
    }
    %scan3A_105 = arith.constant 31 : i32
    %add3A_106 = arith.constant 0 : i32
    %add3A_107 = arith.addi %mul3A_21, %add3A_106 : i32
    %dma_wait3A = arith.constant 0 : i32
    %dma_wait3A_108 = arith.constant 0 : i32
    %dma_wait3A_109 = arith.constant 0 : i32
    %dma_wait3A_110 = tpu.memref_slice %arg12[%dma_wait3A, %dma_wait3A_108, %dma_wait3A_109] : memref<8x8x432xf32, #tpu.memory_space<vmem>> -> memref<1x8x432xf32, #tpu.memory_space<vmem>>
    %dma_wait3A_111 = tpu.memref_squeeze %dma_wait3A_110 : memref<1x8x432xf32, #tpu.memory_space<vmem>> -> memref<8x432xf32, #tpu.memory_space<vmem>>
    %dma_wait3A_112 = arith.constant 480 : i32
    %dma_wait3A_113 = arith.constant 0 : i32
    %dma_wait3A_114 = tpu.memref_slice %arg5[%select_n3A, %add3A_107, %dma_wait3A_112, %dma_wait3A_113] : memref<4x64x496x432xf32, #tpu.memory_space<hbm>> -> memref<1x1x8x432xf32, #tpu.memory_space<hbm>>
    %dma_wait3A_115 = tpu.memref_squeeze %dma_wait3A_114 : memref<1x1x8x432xf32, #tpu.memory_space<hbm>> -> memref<8x432xf32, #tpu.memory_space<hbm>>
    %dma_wait3A_116 = arith.constant 480 : i32
    %dma_wait3A_117 = arith.constant 0 : i32
    %dma_wait3A_118 = tpu.memref_slice %arg5[%select_n3A, %add3A_107, %dma_wait3A_116, %dma_wait3A_117] : memref<4x64x496x432xf32, #tpu.memory_space<hbm>> -> memref<1x1x8x432xf32, #tpu.memory_space<hbm>>
    %dma_wait3A_119 = tpu.memref_squeeze %dma_wait3A_118 : memref<1x1x8x432xf32, #tpu.memory_space<hbm>> -> memref<8x432xf32, #tpu.memory_space<hbm>>
    %dma_wait3A_120 = arith.constant 0 : i32
    %dma_wait3A_121 = arith.constant 0 : i32
    %dma_wait3A_122 = tpu.memref_slice %arg12[%dma_wait3A, %dma_wait3A_120, %dma_wait3A_121] : memref<8x8x432xf32, #tpu.memory_space<vmem>> -> memref<1x8x432xf32, #tpu.memory_space<vmem>>
    %dma_wait3A_123 = tpu.memref_squeeze %dma_wait3A_122 : memref<1x8x432xf32, #tpu.memory_space<vmem>> -> memref<8x432xf32, #tpu.memory_space<vmem>>
    tpu.wait_dma2 semaphore(%arg14 : memref<!tpu.dma_semaphore, #tpu.memory_space<semaphore_mem>>) src(%dma_wait3A_123 : memref<8x432xf32, #tpu.memory_space<vmem>>) dst(%dma_wait3A_119 : memref<8x432xf32, #tpu.memory_space<hbm>>)
    %add3A_124 = arith.constant 1 : i32
    %add3A_125 = arith.addi %mul3A_21, %add3A_124 : i32
    %dma_wait3A_126 = arith.constant 1 : i32
    %dma_wait3A_127 = arith.constant 0 : i32
    %dma_wait3A_128 = arith.constant 0 : i32
    %dma_wait3A_129 = tpu.memref_slice %arg12[%dma_wait3A_126, %dma_wait3A_127, %dma_wait3A_128] : memref<8x8x432xf32, #tpu.memory_space<vmem>> -> memref<1x8x432xf32, #tpu.memory_space<vmem>>
    %dma_wait3A_130 = tpu.memref_squeeze %dma_wait3A_129 : memref<1x8x432xf32, #tpu.memory_space<vmem>> -> memref<8x432xf32, #tpu.memory_space<vmem>>
    %dma_wait3A_131 = arith.constant 480 : i32
    %dma_wait3A_132 = arith.constant 0 : i32
    %dma_wait3A_133 = tpu.memref_slice %arg5[%select_n3A, %add3A_125, %dma_wait3A_131, %dma_wait3A_132] : memref<4x64x496x432xf32, #tpu.memory_space<hbm>> -> memref<1x1x8x432xf32, #tpu.memory_space<hbm>>
    %dma_wait3A_134 = tpu.memref_squeeze %dma_wait3A_133 : memref<1x1x8x432xf32, #tpu.memory_space<hbm>> -> memref<8x432xf32, #tpu.memory_space<hbm>>
    %dma_wait3A_135 = arith.constant 480 : i32
    %dma_wait3A_136 = arith.constant 0 : i32
    %dma_wait3A_137 = tpu.memref_slice %arg5[%select_n3A, %add3A_125, %dma_wait3A_135, %dma_wait3A_136] : memref<4x64x496x432xf32, #tpu.memory_space<hbm>> -> memref<1x1x8x432xf32, #tpu.memory_space<hbm>>
    %dma_wait3A_138 = tpu.memref_squeeze %dma_wait3A_137 : memref<1x1x8x432xf32, #tpu.memory_space<hbm>> -> memref<8x432xf32, #tpu.memory_space<hbm>>
    %dma_wait3A_139 = arith.constant 0 : i32
    %dma_wait3A_140 = arith.constant 0 : i32
    %dma_wait3A_141 = tpu.memref_slice %arg12[%dma_wait3A_126, %dma_wait3A_139, %dma_wait3A_140] : memref<8x8x432xf32, #tpu.memory_space<vmem>> -> memref<1x8x432xf32, #tpu.memory_space<vmem>>
    %dma_wait3A_142 = tpu.memref_squeeze %dma_wait3A_141 : memref<1x8x432xf32, #tpu.memory_space<vmem>> -> memref<8x432xf32, #tpu.memory_space<vmem>>
    tpu.wait_dma2 semaphore(%arg14 : memref<!tpu.dma_semaphore, #tpu.memory_space<semaphore_mem>>) src(%dma_wait3A_142 : memref<8x432xf32, #tpu.memory_space<vmem>>) dst(%dma_wait3A_138 : memref<8x432xf32, #tpu.memory_space<hbm>>)
    %add3A_143 = arith.constant 2 : i32
    %add3A_144 = arith.addi %mul3A_21, %add3A_143 : i32
    %dma_wait3A_145 = arith.constant 2 : i32
    %dma_wait3A_146 = arith.constant 0 : i32
    %dma_wait3A_147 = arith.constant 0 : i32
    %dma_wait3A_148 = tpu.memref_slice %arg12[%dma_wait3A_145, %dma_wait3A_146, %dma_wait3A_147] : memref<8x8x432xf32, #tpu.memory_space<vmem>> -> memref<1x8x432xf32, #tpu.memory_space<vmem>>
    %dma_wait3A_149 = tpu.memref_squeeze %dma_wait3A_148 : memref<1x8x432xf32, #tpu.memory_space<vmem>> -> memref<8x432xf32, #tpu.memory_space<vmem>>
    %dma_wait3A_150 = arith.constant 480 : i32
    %dma_wait3A_151 = arith.constant 0 : i32
    %dma_wait3A_152 = tpu.memref_slice %arg5[%select_n3A, %add3A_144, %dma_wait3A_150, %dma_wait3A_151] : memref<4x64x496x432xf32, #tpu.memory_space<hbm>> -> memref<1x1x8x432xf32, #tpu.memory_space<hbm>>
    %dma_wait3A_153 = tpu.memref_squeeze %dma_wait3A_152 : memref<1x1x8x432xf32, #tpu.memory_space<hbm>> -> memref<8x432xf32, #tpu.memory_space<hbm>>
    %dma_wait3A_154 = arith.constant 480 : i32
    %dma_wait3A_155 = arith.constant 0 : i32
    %dma_wait3A_156 = tpu.memref_slice %arg5[%select_n3A, %add3A_144, %dma_wait3A_154, %dma_wait3A_155] : memref<4x64x496x432xf32, #tpu.memory_space<hbm>> -> memref<1x1x8x432xf32, #tpu.memory_space<hbm>>
    %dma_wait3A_157 = tpu.memref_squeeze %dma_wait3A_156 : memref<1x1x8x432xf32, #tpu.memory_space<hbm>> -> memref<8x432xf32, #tpu.memory_space<hbm>>
    %dma_wait3A_158 = arith.constant 0 : i32
    %dma_wait3A_159 = arith.constant 0 : i32
    %dma_wait3A_160 = tpu.memref_slice %arg12[%dma_wait3A_145, %dma_wait3A_158, %dma_wait3A_159] : memref<8x8x432xf32, #tpu.memory_space<vmem>> -> memref<1x8x432xf32, #tpu.memory_space<vmem>>
    %dma_wait3A_161 = tpu.memref_squeeze %dma_wait3A_160 : memref<1x8x432xf32, #tpu.memory_space<vmem>> -> memref<8x432xf32, #tpu.memory_space<vmem>>
    tpu.wait_dma2 semaphore(%arg14 : memref<!tpu.dma_semaphore, #tpu.memory_space<semaphore_mem>>) src(%dma_wait3A_161 : memref<8x432xf32, #tpu.memory_space<vmem>>) dst(%dma_wait3A_157 : memref<8x432xf32, #tpu.memory_space<hbm>>)
    %add3A_162 = arith.constant 3 : i32
    %add3A_163 = arith.addi %mul3A_21, %add3A_162 : i32
    %dma_wait3A_164 = arith.constant 3 : i32
    %dma_wait3A_165 = arith.constant 0 : i32
    %dma_wait3A_166 = arith.constant 0 : i32
    %dma_wait3A_167 = tpu.memref_slice %arg12[%dma_wait3A_164, %dma_wait3A_165, %dma_wait3A_166] : memref<8x8x432xf32, #tpu.memory_space<vmem>> -> memref<1x8x432xf32, #tpu.memory_space<vmem>>
    %dma_wait3A_168 = tpu.memref_squeeze %dma_wait3A_167 : memref<1x8x432xf32, #tpu.memory_space<vmem>> -> memref<8x432xf32, #tpu.memory_space<vmem>>
    %dma_wait3A_169 = arith.constant 480 : i32
    %dma_wait3A_170 = arith.constant 0 : i32
    %dma_wait3A_171 = tpu.memref_slice %arg5[%select_n3A, %add3A_163, %dma_wait3A_169, %dma_wait3A_170] : memref<4x64x496x432xf32, #tpu.memory_space<hbm>> -> memref<1x1x8x432xf32, #tpu.memory_space<hbm>>
    %dma_wait3A_172 = tpu.memref_squeeze %dma_wait3A_171 : memref<1x1x8x432xf32, #tpu.memory_space<hbm>> -> memref<8x432xf32, #tpu.memory_space<hbm>>
    %dma_wait3A_173 = arith.constant 480 : i32
    %dma_wait3A_174 = arith.constant 0 : i32
    %dma_wait3A_175 = tpu.memref_slice %arg5[%select_n3A, %add3A_163, %dma_wait3A_173, %dma_wait3A_174] : memref<4x64x496x432xf32, #tpu.memory_space<hbm>> -> memref<1x1x8x432xf32, #tpu.memory_space<hbm>>
    %dma_wait3A_176 = tpu.memref_squeeze %dma_wait3A_175 : memref<1x1x8x432xf32, #tpu.memory_space<hbm>> -> memref<8x432xf32, #tpu.memory_space<hbm>>
    %dma_wait3A_177 = arith.constant 0 : i32
    %dma_wait3A_178 = arith.constant 0 : i32
    %dma_wait3A_179 = tpu.memref_slice %arg12[%dma_wait3A_164, %dma_wait3A_177, %dma_wait3A_178] : memref<8x8x432xf32, #tpu.memory_space<vmem>> -> memref<1x8x432xf32, #tpu.memory_space<vmem>>
    %dma_wait3A_180 = tpu.memref_squeeze %dma_wait3A_179 : memref<1x8x432xf32, #tpu.memory_space<vmem>> -> memref<8x432xf32, #tpu.memory_space<vmem>>
    tpu.wait_dma2 semaphore(%arg14 : memref<!tpu.dma_semaphore, #tpu.memory_space<semaphore_mem>>) src(%dma_wait3A_180 : memref<8x432xf32, #tpu.memory_space<vmem>>) dst(%dma_wait3A_176 : memref<8x432xf32, #tpu.memory_space<hbm>>)
    %add3A_181 = arith.constant 4 : i32
    %add3A_182 = arith.addi %mul3A_21, %add3A_181 : i32
    %dma_wait3A_183 = arith.constant 4 : i32
    %dma_wait3A_184 = arith.constant 0 : i32
    %dma_wait3A_185 = arith.constant 0 : i32
    %dma_wait3A_186 = tpu.memref_slice %arg12[%dma_wait3A_183, %dma_wait3A_184, %dma_wait3A_185] : memref<8x8x432xf32, #tpu.memory_space<vmem>> -> memref<1x8x432xf32, #tpu.memory_space<vmem>>
    %dma_wait3A_187 = tpu.memref_squeeze %dma_wait3A_186 : memref<1x8x432xf32, #tpu.memory_space<vmem>> -> memref<8x432xf32, #tpu.memory_space<vmem>>
    %dma_wait3A_188 = arith.constant 480 : i32
    %dma_wait3A_189 = arith.constant 0 : i32
    %dma_wait3A_190 = tpu.memref_slice %arg5[%select_n3A, %add3A_182, %dma_wait3A_188, %dma_wait3A_189] : memref<4x64x496x432xf32, #tpu.memory_space<hbm>> -> memref<1x1x8x432xf32, #tpu.memory_space<hbm>>
    %dma_wait3A_191 = tpu.memref_squeeze %dma_wait3A_190 : memref<1x1x8x432xf32, #tpu.memory_space<hbm>> -> memref<8x432xf32, #tpu.memory_space<hbm>>
    %dma_wait3A_192 = arith.constant 480 : i32
    %dma_wait3A_193 = arith.constant 0 : i32
    %dma_wait3A_194 = tpu.memref_slice %arg5[%select_n3A, %add3A_182, %dma_wait3A_192, %dma_wait3A_193] : memref<4x64x496x432xf32, #tpu.memory_space<hbm>> -> memref<1x1x8x432xf32, #tpu.memory_space<hbm>>
    %dma_wait3A_195 = tpu.memref_squeeze %dma_wait3A_194 : memref<1x1x8x432xf32, #tpu.memory_space<hbm>> -> memref<8x432xf32, #tpu.memory_space<hbm>>
    %dma_wait3A_196 = arith.constant 0 : i32
    %dma_wait3A_197 = arith.constant 0 : i32
    %dma_wait3A_198 = tpu.memref_slice %arg12[%dma_wait3A_183, %dma_wait3A_196, %dma_wait3A_197] : memref<8x8x432xf32, #tpu.memory_space<vmem>> -> memref<1x8x432xf32, #tpu.memory_space<vmem>>
    %dma_wait3A_199 = tpu.memref_squeeze %dma_wait3A_198 : memref<1x8x432xf32, #tpu.memory_space<vmem>> -> memref<8x432xf32, #tpu.memory_space<vmem>>
    tpu.wait_dma2 semaphore(%arg14 : memref<!tpu.dma_semaphore, #tpu.memory_space<semaphore_mem>>) src(%dma_wait3A_199 : memref<8x432xf32, #tpu.memory_space<vmem>>) dst(%dma_wait3A_195 : memref<8x432xf32, #tpu.memory_space<hbm>>)
    %add3A_200 = arith.constant 5 : i32
    %add3A_201 = arith.addi %mul3A_21, %add3A_200 : i32
    %dma_wait3A_202 = arith.constant 5 : i32
    %dma_wait3A_203 = arith.constant 0 : i32
    %dma_wait3A_204 = arith.constant 0 : i32
    %dma_wait3A_205 = tpu.memref_slice %arg12[%dma_wait3A_202, %dma_wait3A_203, %dma_wait3A_204] : memref<8x8x432xf32, #tpu.memory_space<vmem>> -> memref<1x8x432xf32, #tpu.memory_space<vmem>>
    %dma_wait3A_206 = tpu.memref_squeeze %dma_wait3A_205 : memref<1x8x432xf32, #tpu.memory_space<vmem>> -> memref<8x432xf32, #tpu.memory_space<vmem>>
    %dma_wait3A_207 = arith.constant 480 : i32
    %dma_wait3A_208 = arith.constant 0 : i32
    %dma_wait3A_209 = tpu.memref_slice %arg5[%select_n3A, %add3A_201, %dma_wait3A_207, %dma_wait3A_208] : memref<4x64x496x432xf32, #tpu.memory_space<hbm>> -> memref<1x1x8x432xf32, #tpu.memory_space<hbm>>
    %dma_wait3A_210 = tpu.memref_squeeze %dma_wait3A_209 : memref<1x1x8x432xf32, #tpu.memory_space<hbm>> -> memref<8x432xf32, #tpu.memory_space<hbm>>
    %dma_wait3A_211 = arith.constant 480 : i32
    %dma_wait3A_212 = arith.constant 0 : i32
    %dma_wait3A_213 = tpu.memref_slice %arg5[%select_n3A, %add3A_201, %dma_wait3A_211, %dma_wait3A_212] : memref<4x64x496x432xf32, #tpu.memory_space<hbm>> -> memref<1x1x8x432xf32, #tpu.memory_space<hbm>>
    %dma_wait3A_214 = tpu.memref_squeeze %dma_wait3A_213 : memref<1x1x8x432xf32, #tpu.memory_space<hbm>> -> memref<8x432xf32, #tpu.memory_space<hbm>>
    %dma_wait3A_215 = arith.constant 0 : i32
    %dma_wait3A_216 = arith.constant 0 : i32
    %dma_wait3A_217 = tpu.memref_slice %arg12[%dma_wait3A_202, %dma_wait3A_215, %dma_wait3A_216] : memref<8x8x432xf32, #tpu.memory_space<vmem>> -> memref<1x8x432xf32, #tpu.memory_space<vmem>>
    %dma_wait3A_218 = tpu.memref_squeeze %dma_wait3A_217 : memref<1x8x432xf32, #tpu.memory_space<vmem>> -> memref<8x432xf32, #tpu.memory_space<vmem>>
    tpu.wait_dma2 semaphore(%arg14 : memref<!tpu.dma_semaphore, #tpu.memory_space<semaphore_mem>>) src(%dma_wait3A_218 : memref<8x432xf32, #tpu.memory_space<vmem>>) dst(%dma_wait3A_214 : memref<8x432xf32, #tpu.memory_space<hbm>>)
    %add3A_219 = arith.constant 6 : i32
    %add3A_220 = arith.addi %mul3A_21, %add3A_219 : i32
    %dma_wait3A_221 = arith.constant 6 : i32
    %dma_wait3A_222 = arith.constant 0 : i32
    %dma_wait3A_223 = arith.constant 0 : i32
    %dma_wait3A_224 = tpu.memref_slice %arg12[%dma_wait3A_221, %dma_wait3A_222, %dma_wait3A_223] : memref<8x8x432xf32, #tpu.memory_space<vmem>> -> memref<1x8x432xf32, #tpu.memory_space<vmem>>
    %dma_wait3A_225 = tpu.memref_squeeze %dma_wait3A_224 : memref<1x8x432xf32, #tpu.memory_space<vmem>> -> memref<8x432xf32, #tpu.memory_space<vmem>>
    %dma_wait3A_226 = arith.constant 480 : i32
    %dma_wait3A_227 = arith.constant 0 : i32
    %dma_wait3A_228 = tpu.memref_slice %arg5[%select_n3A, %add3A_220, %dma_wait3A_226, %dma_wait3A_227] : memref<4x64x496x432xf32, #tpu.memory_space<hbm>> -> memref<1x1x8x432xf32, #tpu.memory_space<hbm>>
    %dma_wait3A_229 = tpu.memref_squeeze %dma_wait3A_228 : memref<1x1x8x432xf32, #tpu.memory_space<hbm>> -> memref<8x432xf32, #tpu.memory_space<hbm>>
    %dma_wait3A_230 = arith.constant 480 : i32
    %dma_wait3A_231 = arith.constant 0 : i32
    %dma_wait3A_232 = tpu.memref_slice %arg5[%select_n3A, %add3A_220, %dma_wait3A_230, %dma_wait3A_231] : memref<4x64x496x432xf32, #tpu.memory_space<hbm>> -> memref<1x1x8x432xf32, #tpu.memory_space<hbm>>
    %dma_wait3A_233 = tpu.memref_squeeze %dma_wait3A_232 : memref<1x1x8x432xf32, #tpu.memory_space<hbm>> -> memref<8x432xf32, #tpu.memory_space<hbm>>
    %dma_wait3A_234 = arith.constant 0 : i32
    %dma_wait3A_235 = arith.constant 0 : i32
    %dma_wait3A_236 = tpu.memref_slice %arg12[%dma_wait3A_221, %dma_wait3A_234, %dma_wait3A_235] : memref<8x8x432xf32, #tpu.memory_space<vmem>> -> memref<1x8x432xf32, #tpu.memory_space<vmem>>
    %dma_wait3A_237 = tpu.memref_squeeze %dma_wait3A_236 : memref<1x8x432xf32, #tpu.memory_space<vmem>> -> memref<8x432xf32, #tpu.memory_space<vmem>>
    tpu.wait_dma2 semaphore(%arg14 : memref<!tpu.dma_semaphore, #tpu.memory_space<semaphore_mem>>) src(%dma_wait3A_237 : memref<8x432xf32, #tpu.memory_space<vmem>>) dst(%dma_wait3A_233 : memref<8x432xf32, #tpu.memory_space<hbm>>)
    %add3A_238 = arith.constant 7 : i32
    %add3A_239 = arith.addi %mul3A_21, %add3A_238 : i32
    %dma_wait3A_240 = arith.constant 7 : i32
    %dma_wait3A_241 = arith.constant 0 : i32
    %dma_wait3A_242 = arith.constant 0 : i32
    %dma_wait3A_243 = tpu.memref_slice %arg12[%dma_wait3A_240, %dma_wait3A_241, %dma_wait3A_242] : memref<8x8x432xf32, #tpu.memory_space<vmem>> -> memref<1x8x432xf32, #tpu.memory_space<vmem>>
    %dma_wait3A_244 = tpu.memref_squeeze %dma_wait3A_243 : memref<1x8x432xf32, #tpu.memory_space<vmem>> -> memref<8x432xf32, #tpu.memory_space<vmem>>
    %dma_wait3A_245 = arith.constant 480 : i32
    %dma_wait3A_246 = arith.constant 0 : i32
    %dma_wait3A_247 = tpu.memref_slice %arg5[%select_n3A, %add3A_239, %dma_wait3A_245, %dma_wait3A_246] : memref<4x64x496x432xf32, #tpu.memory_space<hbm>> -> memref<1x1x8x432xf32, #tpu.memory_space<hbm>>
    %dma_wait3A_248 = tpu.memref_squeeze %dma_wait3A_247 : memref<1x1x8x432xf32, #tpu.memory_space<hbm>> -> memref<8x432xf32, #tpu.memory_space<hbm>>
    %dma_wait3A_249 = arith.constant 480 : i32
    %dma_wait3A_250 = arith.constant 0 : i32
    %dma_wait3A_251 = tpu.memref_slice %arg5[%select_n3A, %add3A_239, %dma_wait3A_249, %dma_wait3A_250] : memref<4x64x496x432xf32, #tpu.memory_space<hbm>> -> memref<1x1x8x432xf32, #tpu.memory_space<hbm>>
    %dma_wait3A_252 = tpu.memref_squeeze %dma_wait3A_251 : memref<1x1x8x432xf32, #tpu.memory_space<hbm>> -> memref<8x432xf32, #tpu.memory_space<hbm>>
    %dma_wait3A_253 = arith.constant 0 : i32
    %dma_wait3A_254 = arith.constant 0 : i32
    %dma_wait3A_255 = tpu.memref_slice %arg12[%dma_wait3A_240, %dma_wait3A_253, %dma_wait3A_254] : memref<8x8x432xf32, #tpu.memory_space<vmem>> -> memref<1x8x432xf32, #tpu.memory_space<vmem>>
    %dma_wait3A_256 = tpu.memref_squeeze %dma_wait3A_255 : memref<1x8x432xf32, #tpu.memory_space<vmem>> -> memref<8x432xf32, #tpu.memory_space<vmem>>
    tpu.wait_dma2 semaphore(%arg14 : memref<!tpu.dma_semaphore, #tpu.memory_space<semaphore_mem>>) src(%dma_wait3A_256 : memref<8x432xf32, #tpu.memory_space<vmem>>) dst(%dma_wait3A_252 : memref<8x432xf32, #tpu.memory_space<hbm>>)
    %add3A_257 = arith.constant 0 : i32
    %add3A_258 = arith.addi %mul3A_21, %add3A_257 : i32
    %dma_wait3A_259 = arith.constant 0 : i32
    %dma_wait3A_260 = arith.constant 0 : i32
    %dma_wait3A_261 = arith.constant 0 : i32
    %dma_wait3A_262 = tpu.memref_slice %arg13[%dma_wait3A_259, %dma_wait3A_260, %dma_wait3A_261] : memref<8x8x432xf32, #tpu.memory_space<vmem>> -> memref<1x8x432xf32, #tpu.memory_space<vmem>>
    %dma_wait3A_263 = tpu.memref_squeeze %dma_wait3A_262 : memref<1x8x432xf32, #tpu.memory_space<vmem>> -> memref<8x432xf32, #tpu.memory_space<vmem>>
    %dma_wait3A_264 = arith.constant 488 : i32
    %dma_wait3A_265 = arith.constant 0 : i32
    %dma_wait3A_266 = tpu.memref_slice %arg5[%select_n3A, %add3A_258, %dma_wait3A_264, %dma_wait3A_265] : memref<4x64x496x432xf32, #tpu.memory_space<hbm>> -> memref<1x1x8x432xf32, #tpu.memory_space<hbm>>
    %dma_wait3A_267 = tpu.memref_squeeze %dma_wait3A_266 : memref<1x1x8x432xf32, #tpu.memory_space<hbm>> -> memref<8x432xf32, #tpu.memory_space<hbm>>
    %dma_wait3A_268 = arith.constant 488 : i32
    %dma_wait3A_269 = arith.constant 0 : i32
    %dma_wait3A_270 = tpu.memref_slice %arg5[%select_n3A, %add3A_258, %dma_wait3A_268, %dma_wait3A_269] : memref<4x64x496x432xf32, #tpu.memory_space<hbm>> -> memref<1x1x8x432xf32, #tpu.memory_space<hbm>>
    %dma_wait3A_271 = tpu.memref_squeeze %dma_wait3A_270 : memref<1x1x8x432xf32, #tpu.memory_space<hbm>> -> memref<8x432xf32, #tpu.memory_space<hbm>>
    %dma_wait3A_272 = arith.constant 0 : i32
    %dma_wait3A_273 = arith.constant 0 : i32
    %dma_wait3A_274 = tpu.memref_slice %arg13[%dma_wait3A_259, %dma_wait3A_272, %dma_wait3A_273] : memref<8x8x432xf32, #tpu.memory_space<vmem>> -> memref<1x8x432xf32, #tpu.memory_space<vmem>>
    %dma_wait3A_275 = tpu.memref_squeeze %dma_wait3A_274 : memref<1x8x432xf32, #tpu.memory_space<vmem>> -> memref<8x432xf32, #tpu.memory_space<vmem>>
    tpu.wait_dma2 semaphore(%arg15 : memref<!tpu.dma_semaphore, #tpu.memory_space<semaphore_mem>>) src(%dma_wait3A_275 : memref<8x432xf32, #tpu.memory_space<vmem>>) dst(%dma_wait3A_271 : memref<8x432xf32, #tpu.memory_space<hbm>>)
    %add3A_276 = arith.constant 1 : i32
    %add3A_277 = arith.addi %mul3A_21, %add3A_276 : i32
    %dma_wait3A_278 = arith.constant 1 : i32
    %dma_wait3A_279 = arith.constant 0 : i32
    %dma_wait3A_280 = arith.constant 0 : i32
    %dma_wait3A_281 = tpu.memref_slice %arg13[%dma_wait3A_278, %dma_wait3A_279, %dma_wait3A_280] : memref<8x8x432xf32, #tpu.memory_space<vmem>> -> memref<1x8x432xf32, #tpu.memory_space<vmem>>
    %dma_wait3A_282 = tpu.memref_squeeze %dma_wait3A_281 : memref<1x8x432xf32, #tpu.memory_space<vmem>> -> memref<8x432xf32, #tpu.memory_space<vmem>>
    %dma_wait3A_283 = arith.constant 488 : i32
    %dma_wait3A_284 = arith.constant 0 : i32
    %dma_wait3A_285 = tpu.memref_slice %arg5[%select_n3A, %add3A_277, %dma_wait3A_283, %dma_wait3A_284] : memref<4x64x496x432xf32, #tpu.memory_space<hbm>> -> memref<1x1x8x432xf32, #tpu.memory_space<hbm>>
    %dma_wait3A_286 = tpu.memref_squeeze %dma_wait3A_285 : memref<1x1x8x432xf32, #tpu.memory_space<hbm>> -> memref<8x432xf32, #tpu.memory_space<hbm>>
    %dma_wait3A_287 = arith.constant 488 : i32
    %dma_wait3A_288 = arith.constant 0 : i32
    %dma_wait3A_289 = tpu.memref_slice %arg5[%select_n3A, %add3A_277, %dma_wait3A_287, %dma_wait3A_288] : memref<4x64x496x432xf32, #tpu.memory_space<hbm>> -> memref<1x1x8x432xf32, #tpu.memory_space<hbm>>
    %dma_wait3A_290 = tpu.memref_squeeze %dma_wait3A_289 : memref<1x1x8x432xf32, #tpu.memory_space<hbm>> -> memref<8x432xf32, #tpu.memory_space<hbm>>
    %dma_wait3A_291 = arith.constant 0 : i32
    %dma_wait3A_292 = arith.constant 0 : i32
    %dma_wait3A_293 = tpu.memref_slice %arg13[%dma_wait3A_278, %dma_wait3A_291, %dma_wait3A_292] : memref<8x8x432xf32, #tpu.memory_space<vmem>> -> memref<1x8x432xf32, #tpu.memory_space<vmem>>
    %dma_wait3A_294 = tpu.memref_squeeze %dma_wait3A_293 : memref<1x8x432xf32, #tpu.memory_space<vmem>> -> memref<8x432xf32, #tpu.memory_space<vmem>>
    tpu.wait_dma2 semaphore(%arg15 : memref<!tpu.dma_semaphore, #tpu.memory_space<semaphore_mem>>) src(%dma_wait3A_294 : memref<8x432xf32, #tpu.memory_space<vmem>>) dst(%dma_wait3A_290 : memref<8x432xf32, #tpu.memory_space<hbm>>)
    %add3A_295 = arith.constant 2 : i32
    %add3A_296 = arith.addi %mul3A_21, %add3A_295 : i32
    %dma_wait3A_297 = arith.constant 2 : i32
    %dma_wait3A_298 = arith.constant 0 : i32
    %dma_wait3A_299 = arith.constant 0 : i32
    %dma_wait3A_300 = tpu.memref_slice %arg13[%dma_wait3A_297, %dma_wait3A_298, %dma_wait3A_299] : memref<8x8x432xf32, #tpu.memory_space<vmem>> -> memref<1x8x432xf32, #tpu.memory_space<vmem>>
    %dma_wait3A_301 = tpu.memref_squeeze %dma_wait3A_300 : memref<1x8x432xf32, #tpu.memory_space<vmem>> -> memref<8x432xf32, #tpu.memory_space<vmem>>
    %dma_wait3A_302 = arith.constant 488 : i32
    %dma_wait3A_303 = arith.constant 0 : i32
    %dma_wait3A_304 = tpu.memref_slice %arg5[%select_n3A, %add3A_296, %dma_wait3A_302, %dma_wait3A_303] : memref<4x64x496x432xf32, #tpu.memory_space<hbm>> -> memref<1x1x8x432xf32, #tpu.memory_space<hbm>>
    %dma_wait3A_305 = tpu.memref_squeeze %dma_wait3A_304 : memref<1x1x8x432xf32, #tpu.memory_space<hbm>> -> memref<8x432xf32, #tpu.memory_space<hbm>>
    %dma_wait3A_306 = arith.constant 488 : i32
    %dma_wait3A_307 = arith.constant 0 : i32
    %dma_wait3A_308 = tpu.memref_slice %arg5[%select_n3A, %add3A_296, %dma_wait3A_306, %dma_wait3A_307] : memref<4x64x496x432xf32, #tpu.memory_space<hbm>> -> memref<1x1x8x432xf32, #tpu.memory_space<hbm>>
    %dma_wait3A_309 = tpu.memref_squeeze %dma_wait3A_308 : memref<1x1x8x432xf32, #tpu.memory_space<hbm>> -> memref<8x432xf32, #tpu.memory_space<hbm>>
    %dma_wait3A_310 = arith.constant 0 : i32
    %dma_wait3A_311 = arith.constant 0 : i32
    %dma_wait3A_312 = tpu.memref_slice %arg13[%dma_wait3A_297, %dma_wait3A_310, %dma_wait3A_311] : memref<8x8x432xf32, #tpu.memory_space<vmem>> -> memref<1x8x432xf32, #tpu.memory_space<vmem>>
    %dma_wait3A_313 = tpu.memref_squeeze %dma_wait3A_312 : memref<1x8x432xf32, #tpu.memory_space<vmem>> -> memref<8x432xf32, #tpu.memory_space<vmem>>
    tpu.wait_dma2 semaphore(%arg15 : memref<!tpu.dma_semaphore, #tpu.memory_space<semaphore_mem>>) src(%dma_wait3A_313 : memref<8x432xf32, #tpu.memory_space<vmem>>) dst(%dma_wait3A_309 : memref<8x432xf32, #tpu.memory_space<hbm>>)
    %add3A_314 = arith.constant 3 : i32
    %add3A_315 = arith.addi %mul3A_21, %add3A_314 : i32
    %dma_wait3A_316 = arith.constant 3 : i32
    %dma_wait3A_317 = arith.constant 0 : i32
    %dma_wait3A_318 = arith.constant 0 : i32
    %dma_wait3A_319 = tpu.memref_slice %arg13[%dma_wait3A_316, %dma_wait3A_317, %dma_wait3A_318] : memref<8x8x432xf32, #tpu.memory_space<vmem>> -> memref<1x8x432xf32, #tpu.memory_space<vmem>>
    %dma_wait3A_320 = tpu.memref_squeeze %dma_wait3A_319 : memref<1x8x432xf32, #tpu.memory_space<vmem>> -> memref<8x432xf32, #tpu.memory_space<vmem>>
    %dma_wait3A_321 = arith.constant 488 : i32
    %dma_wait3A_322 = arith.constant 0 : i32
    %dma_wait3A_323 = tpu.memref_slice %arg5[%select_n3A, %add3A_315, %dma_wait3A_321, %dma_wait3A_322] : memref<4x64x496x432xf32, #tpu.memory_space<hbm>> -> memref<1x1x8x432xf32, #tpu.memory_space<hbm>>
    %dma_wait3A_324 = tpu.memref_squeeze %dma_wait3A_323 : memref<1x1x8x432xf32, #tpu.memory_space<hbm>> -> memref<8x432xf32, #tpu.memory_space<hbm>>
    %dma_wait3A_325 = arith.constant 488 : i32
    %dma_wait3A_326 = arith.constant 0 : i32
    %dma_wait3A_327 = tpu.memref_slice %arg5[%select_n3A, %add3A_315, %dma_wait3A_325, %dma_wait3A_326] : memref<4x64x496x432xf32, #tpu.memory_space<hbm>> -> memref<1x1x8x432xf32, #tpu.memory_space<hbm>>
    %dma_wait3A_328 = tpu.memref_squeeze %dma_wait3A_327 : memref<1x1x8x432xf32, #tpu.memory_space<hbm>> -> memref<8x432xf32, #tpu.memory_space<hbm>>
    %dma_wait3A_329 = arith.constant 0 : i32
    %dma_wait3A_330 = arith.constant 0 : i32
    %dma_wait3A_331 = tpu.memref_slice %arg13[%dma_wait3A_316, %dma_wait3A_329, %dma_wait3A_330] : memref<8x8x432xf32, #tpu.memory_space<vmem>> -> memref<1x8x432xf32, #tpu.memory_space<vmem>>
    %dma_wait3A_332 = tpu.memref_squeeze %dma_wait3A_331 : memref<1x8x432xf32, #tpu.memory_space<vmem>> -> memref<8x432xf32, #tpu.memory_space<vmem>>
    tpu.wait_dma2 semaphore(%arg15 : memref<!tpu.dma_semaphore, #tpu.memory_space<semaphore_mem>>) src(%dma_wait3A_332 : memref<8x432xf32, #tpu.memory_space<vmem>>) dst(%dma_wait3A_328 : memref<8x432xf32, #tpu.memory_space<hbm>>)
    %add3A_333 = arith.constant 4 : i32
    %add3A_334 = arith.addi %mul3A_21, %add3A_333 : i32
    %dma_wait3A_335 = arith.constant 4 : i32
    %dma_wait3A_336 = arith.constant 0 : i32
    %dma_wait3A_337 = arith.constant 0 : i32
    %dma_wait3A_338 = tpu.memref_slice %arg13[%dma_wait3A_335, %dma_wait3A_336, %dma_wait3A_337] : memref<8x8x432xf32, #tpu.memory_space<vmem>> -> memref<1x8x432xf32, #tpu.memory_space<vmem>>
    %dma_wait3A_339 = tpu.memref_squeeze %dma_wait3A_338 : memref<1x8x432xf32, #tpu.memory_space<vmem>> -> memref<8x432xf32, #tpu.memory_space<vmem>>
    %dma_wait3A_340 = arith.constant 488 : i32
    %dma_wait3A_341 = arith.constant 0 : i32
    %dma_wait3A_342 = tpu.memref_slice %arg5[%select_n3A, %add3A_334, %dma_wait3A_340, %dma_wait3A_341] : memref<4x64x496x432xf32, #tpu.memory_space<hbm>> -> memref<1x1x8x432xf32, #tpu.memory_space<hbm>>
    %dma_wait3A_343 = tpu.memref_squeeze %dma_wait3A_342 : memref<1x1x8x432xf32, #tpu.memory_space<hbm>> -> memref<8x432xf32, #tpu.memory_space<hbm>>
    %dma_wait3A_344 = arith.constant 488 : i32
    %dma_wait3A_345 = arith.constant 0 : i32
    %dma_wait3A_346 = tpu.memref_slice %arg5[%select_n3A, %add3A_334, %dma_wait3A_344, %dma_wait3A_345] : memref<4x64x496x432xf32, #tpu.memory_space<hbm>> -> memref<1x1x8x432xf32, #tpu.memory_space<hbm>>
    %dma_wait3A_347 = tpu.memref_squeeze %dma_wait3A_346 : memref<1x1x8x432xf32, #tpu.memory_space<hbm>> -> memref<8x432xf32, #tpu.memory_space<hbm>>
    %dma_wait3A_348 = arith.constant 0 : i32
    %dma_wait3A_349 = arith.constant 0 : i32
    %dma_wait3A_350 = tpu.memref_slice %arg13[%dma_wait3A_335, %dma_wait3A_348, %dma_wait3A_349] : memref<8x8x432xf32, #tpu.memory_space<vmem>> -> memref<1x8x432xf32, #tpu.memory_space<vmem>>
    %dma_wait3A_351 = tpu.memref_squeeze %dma_wait3A_350 : memref<1x8x432xf32, #tpu.memory_space<vmem>> -> memref<8x432xf32, #tpu.memory_space<vmem>>
    tpu.wait_dma2 semaphore(%arg15 : memref<!tpu.dma_semaphore, #tpu.memory_space<semaphore_mem>>) src(%dma_wait3A_351 : memref<8x432xf32, #tpu.memory_space<vmem>>) dst(%dma_wait3A_347 : memref<8x432xf32, #tpu.memory_space<hbm>>)
    %add3A_352 = arith.constant 5 : i32
    %add3A_353 = arith.addi %mul3A_21, %add3A_352 : i32
    %dma_wait3A_354 = arith.constant 5 : i32
    %dma_wait3A_355 = arith.constant 0 : i32
    %dma_wait3A_356 = arith.constant 0 : i32
    %dma_wait3A_357 = tpu.memref_slice %arg13[%dma_wait3A_354, %dma_wait3A_355, %dma_wait3A_356] : memref<8x8x432xf32, #tpu.memory_space<vmem>> -> memref<1x8x432xf32, #tpu.memory_space<vmem>>
    %dma_wait3A_358 = tpu.memref_squeeze %dma_wait3A_357 : memref<1x8x432xf32, #tpu.memory_space<vmem>> -> memref<8x432xf32, #tpu.memory_space<vmem>>
    %dma_wait3A_359 = arith.constant 488 : i32
    %dma_wait3A_360 = arith.constant 0 : i32
    %dma_wait3A_361 = tpu.memref_slice %arg5[%select_n3A, %add3A_353, %dma_wait3A_359, %dma_wait3A_360] : memref<4x64x496x432xf32, #tpu.memory_space<hbm>> -> memref<1x1x8x432xf32, #tpu.memory_space<hbm>>
    %dma_wait3A_362 = tpu.memref_squeeze %dma_wait3A_361 : memref<1x1x8x432xf32, #tpu.memory_space<hbm>> -> memref<8x432xf32, #tpu.memory_space<hbm>>
    %dma_wait3A_363 = arith.constant 488 : i32
    %dma_wait3A_364 = arith.constant 0 : i32
    %dma_wait3A_365 = tpu.memref_slice %arg5[%select_n3A, %add3A_353, %dma_wait3A_363, %dma_wait3A_364] : memref<4x64x496x432xf32, #tpu.memory_space<hbm>> -> memref<1x1x8x432xf32, #tpu.memory_space<hbm>>
    %dma_wait3A_366 = tpu.memref_squeeze %dma_wait3A_365 : memref<1x1x8x432xf32, #tpu.memory_space<hbm>> -> memref<8x432xf32, #tpu.memory_space<hbm>>
    %dma_wait3A_367 = arith.constant 0 : i32
    %dma_wait3A_368 = arith.constant 0 : i32
    %dma_wait3A_369 = tpu.memref_slice %arg13[%dma_wait3A_354, %dma_wait3A_367, %dma_wait3A_368] : memref<8x8x432xf32, #tpu.memory_space<vmem>> -> memref<1x8x432xf32, #tpu.memory_space<vmem>>
    %dma_wait3A_370 = tpu.memref_squeeze %dma_wait3A_369 : memref<1x8x432xf32, #tpu.memory_space<vmem>> -> memref<8x432xf32, #tpu.memory_space<vmem>>
    tpu.wait_dma2 semaphore(%arg15 : memref<!tpu.dma_semaphore, #tpu.memory_space<semaphore_mem>>) src(%dma_wait3A_370 : memref<8x432xf32, #tpu.memory_space<vmem>>) dst(%dma_wait3A_366 : memref<8x432xf32, #tpu.memory_space<hbm>>)
    %add3A_371 = arith.constant 6 : i32
    %add3A_372 = arith.addi %mul3A_21, %add3A_371 : i32
    %dma_wait3A_373 = arith.constant 6 : i32
    %dma_wait3A_374 = arith.constant 0 : i32
    %dma_wait3A_375 = arith.constant 0 : i32
    %dma_wait3A_376 = tpu.memref_slice %arg13[%dma_wait3A_373, %dma_wait3A_374, %dma_wait3A_375] : memref<8x8x432xf32, #tpu.memory_space<vmem>> -> memref<1x8x432xf32, #tpu.memory_space<vmem>>
    %dma_wait3A_377 = tpu.memref_squeeze %dma_wait3A_376 : memref<1x8x432xf32, #tpu.memory_space<vmem>> -> memref<8x432xf32, #tpu.memory_space<vmem>>
    %dma_wait3A_378 = arith.constant 488 : i32
    %dma_wait3A_379 = arith.constant 0 : i32
    %dma_wait3A_380 = tpu.memref_slice %arg5[%select_n3A, %add3A_372, %dma_wait3A_378, %dma_wait3A_379] : memref<4x64x496x432xf32, #tpu.memory_space<hbm>> -> memref<1x1x8x432xf32, #tpu.memory_space<hbm>>
    %dma_wait3A_381 = tpu.memref_squeeze %dma_wait3A_380 : memref<1x1x8x432xf32, #tpu.memory_space<hbm>> -> memref<8x432xf32, #tpu.memory_space<hbm>>
    %dma_wait3A_382 = arith.constant 488 : i32
    %dma_wait3A_383 = arith.constant 0 : i32
    %dma_wait3A_384 = tpu.memref_slice %arg5[%select_n3A, %add3A_372, %dma_wait3A_382, %dma_wait3A_383] : memref<4x64x496x432xf32, #tpu.memory_space<hbm>> -> memref<1x1x8x432xf32, #tpu.memory_space<hbm>>
    %dma_wait3A_385 = tpu.memref_squeeze %dma_wait3A_384 : memref<1x1x8x432xf32, #tpu.memory_space<hbm>> -> memref<8x432xf32, #tpu.memory_space<hbm>>
    %dma_wait3A_386 = arith.constant 0 : i32
    %dma_wait3A_387 = arith.constant 0 : i32
    %dma_wait3A_388 = tpu.memref_slice %arg13[%dma_wait3A_373, %dma_wait3A_386, %dma_wait3A_387] : memref<8x8x432xf32, #tpu.memory_space<vmem>> -> memref<1x8x432xf32, #tpu.memory_space<vmem>>
    %dma_wait3A_389 = tpu.memref_squeeze %dma_wait3A_388 : memref<1x8x432xf32, #tpu.memory_space<vmem>> -> memref<8x432xf32, #tpu.memory_space<vmem>>
    tpu.wait_dma2 semaphore(%arg15 : memref<!tpu.dma_semaphore, #tpu.memory_space<semaphore_mem>>) src(%dma_wait3A_389 : memref<8x432xf32, #tpu.memory_space<vmem>>) dst(%dma_wait3A_385 : memref<8x432xf32, #tpu.memory_space<hbm>>)
    %add3A_390 = arith.constant 7 : i32
    %add3A_391 = arith.addi %mul3A_21, %add3A_390 : i32
    %dma_wait3A_392 = arith.constant 7 : i32
    %dma_wait3A_393 = arith.constant 0 : i32
    %dma_wait3A_394 = arith.constant 0 : i32
    %dma_wait3A_395 = tpu.memref_slice %arg13[%dma_wait3A_392, %dma_wait3A_393, %dma_wait3A_394] : memref<8x8x432xf32, #tpu.memory_space<vmem>> -> memref<1x8x432xf32, #tpu.memory_space<vmem>>
    %dma_wait3A_396 = tpu.memref_squeeze %dma_wait3A_395 : memref<1x8x432xf32, #tpu.memory_space<vmem>> -> memref<8x432xf32, #tpu.memory_space<vmem>>
    %dma_wait3A_397 = arith.constant 488 : i32
    %dma_wait3A_398 = arith.constant 0 : i32
    %dma_wait3A_399 = tpu.memref_slice %arg5[%select_n3A, %add3A_391, %dma_wait3A_397, %dma_wait3A_398] : memref<4x64x496x432xf32, #tpu.memory_space<hbm>> -> memref<1x1x8x432xf32, #tpu.memory_space<hbm>>
    %dma_wait3A_400 = tpu.memref_squeeze %dma_wait3A_399 : memref<1x1x8x432xf32, #tpu.memory_space<hbm>> -> memref<8x432xf32, #tpu.memory_space<hbm>>
    %dma_wait3A_401 = arith.constant 488 : i32
    %dma_wait3A_402 = arith.constant 0 : i32
    %dma_wait3A_403 = tpu.memref_slice %arg5[%select_n3A, %add3A_391, %dma_wait3A_401, %dma_wait3A_402] : memref<4x64x496x432xf32, #tpu.memory_space<hbm>> -> memref<1x1x8x432xf32, #tpu.memory_space<hbm>>
    %dma_wait3A_404 = tpu.memref_squeeze %dma_wait3A_403 : memref<1x1x8x432xf32, #tpu.memory_space<hbm>> -> memref<8x432xf32, #tpu.memory_space<hbm>>
    %dma_wait3A_405 = arith.constant 0 : i32
    %dma_wait3A_406 = arith.constant 0 : i32
    %dma_wait3A_407 = tpu.memref_slice %arg13[%dma_wait3A_392, %dma_wait3A_405, %dma_wait3A_406] : memref<8x8x432xf32, #tpu.memory_space<vmem>> -> memref<1x8x432xf32, #tpu.memory_space<vmem>>
    %dma_wait3A_408 = tpu.memref_squeeze %dma_wait3A_407 : memref<1x8x432xf32, #tpu.memory_space<vmem>> -> memref<8x432xf32, #tpu.memory_space<vmem>>
    tpu.wait_dma2 semaphore(%arg15 : memref<!tpu.dma_semaphore, #tpu.memory_space<semaphore_mem>>) src(%dma_wait3A_408 : memref<8x432xf32, #tpu.memory_space<vmem>>) dst(%dma_wait3A_404 : memref<8x432xf32, #tpu.memory_space<hbm>>)
    return
  }
}

</mosaic_0001>

<sc_bundles>
// kernel: _run.4.cloned.1.call-start
scs
__scs_entry_jumppad:
0x0: {  	(pc) =	sbr.rel $0x88, $3  }
0x1: {  	(tag) =	ssettag $0x0;
	lr =	simm.s32 $0x1  }
0x2: {  	[smem:$0x3F9D] =	sst lr;
	_ =	strace $0xD0000000  }
0x3: {  	_ = 	snop  }
0x4: {  	_ = 	snop  }
0x5: {  	_ = 	snop  }
0x6: {  	_ = 	snop  }
0x7: {  	_ = 	snop  }
__scs_overlays_trampoline_lowered:
0x8: {  	[smem:$0x3FAC] =	sst s0  }
0x9: {  	[smem:$0x3FAD] =	sst s1  }
0xa: {  	[smem:$0x3FAE] =	sst s2  }
0xb: {  	[smem:$0x3FAF] =	sst s3  }
0xc: {  	[smem:$0x3FB0] =	sst s4  }
0xd: {  	[smem:$0x3FB1] =	sst s5  }
0xe: {  	[smem:$0x3FB2] =	sst s6  }
0xf: {  	[smem:$0x3FB3] =	sst s7  }
0x10: {  	[smem:$0x3FB4] =	sst s8  }
0x11: {  	[smem:$0x3FB5] =	sst s9;
	s0 =	simm.s32 @!p0 $0x0  }
0x12: {  	s1 =	sld [smem:$0x3F9B];
	s0 =	simm.s32 @p0 $0x1  }
0x13: {  	[smem:$0x3FB6] =	sst s0;
	s0 =	simm.s32 @!p1 $0x0  }
0x14: {  	s2 =	sld [smem:$0x3F9A];
	s0 =	simm.s32 @p1 $0x1  }
0x15: {  	[smem:$0x3FB7] =	sst s0;
	s0 =	simm.s32 @!p2 $0x0  }
0x16: {  	s3 =	sld [smem:$0x3FDB];
	s0 =	simm.s32 @p2 $0x1  }
0x17: {  	s4 =	simm.s32 $0x1BF5;
	[smem:$0x3FB9] =	sst s0  }
0x18: {  	s0 =	sld [smem:$0x3F9C];
	_ =	swait.ge [sflag:s4], $0x0  }
0x19: {  	s7 =	sld [smem:$0x3F9D]  }
0x1a: {  	s8 =	sadd.s32 $0xFFFFE003, lr  }
0x1b: {  	s9 =	sadd.s32 $0xFFFFFEF7, lr;
	s5 =	simm.s32 $0xFFFFFFFF;
	p2 =	slt.u32 s8, $0xFFFFF086  }
0x1c: {  	p1 =	slt.u32 s9, $0xF7A;
	s5 =	simm.s32 @!p2 $0x0  }
0x1d: {  	s5 =	simm.s32 @p1 $0x1;
	p0 =	seq.s32 s7, s2  }
0x1e: {  	s7 =	smul.u32 @!p0 $0xF7A, s2;
	p2 =	seq.s32 @!p0 s5, $0x0  }
0x1f: {  	s9 =	smul.u32 $0xF7A, s1;
	s8 =	simm.s32 @!p0 $0x1BF5;
	p2 =	por !p2, p0  }
0x20: {  	[sflag:s8] =	ssyncset.s32 @!p0 $0xFFFFF086;
	s6 =	sadd.s32 @!p0 s3, s7;
	s7 =	simm.s32 @!p0 $0x108  }
0x21: {  	s3 =	sadd.s32 s3, s9;
	s6 =	sadd.s32 @!p0 $0x88, s6;
	s7 =	simm.s32 @p2 $0x1082  }
0x22: {  	[simem:s7], [sflag:s8] =	dma.local @!p0 [hbm:s6], $0xF7A  }
0x23: {  	s9 =	sor.u32 $0xD0000000, s2;
	s6 =	simm.s32 $0x108;
	_ =	swait.ge @!p0 [sflag:s8], $0x0  }
0x24: {  	s3 =	sadd.s32 $0x88, s3;
	s6 =	simm.s32 @!p1 $0x1082;
	[sflag:s4] =	ssyncset.s32 $0xFFFFF086  }
0x25: {  	[simem:s6], [sflag:s4] =	dma.local [hbm:s3], $0xF7A  }
0x26: {  	[smem:$0x3F9D] =	sst s1;
	(tag) =	ssettag s2;
	_ =	strace s9  }
0x27: {  	s1 =	sld [smem:$0x3FAD]  }
0x28: {  	s2 =	sld [smem:$0x3FAE]  }
0x29: {  	s4 =	sld [smem:$0x3FB0]  }
0x2a: {  	p0 =	seq.s32 s5, $0x0;
	s5 =	sld [smem:$0x3FB1]  }
0x2b: {  	s6 =	sld [smem:$0x3FB2]  }
0x2c: {  	s7 =	sld [smem:$0x3FB3]  }
0x2d: {  	s3 =	simm.s32 $0x108;
	s8 =	sld [smem:$0x3FB4]  }
0x2e: {  	s3 =	simm.s32 @!p0 $0x1082;
	s9 =	sld [smem:$0x3FB5]  }
0x2f: {  	lr =	sadd.s32 s0, s3;
	s0 =	sld [smem:$0x3FAC]  }
0x30: {  	s3 =	sld [smem:$0x3FAF]  }
0x31: {  	[smem:$0x3FB8] =	sst s10  }
0x32: {  	s10 =	sld [smem:$0x3FB6];
	_ =	sdelay $0x3  }
0x33: {  	p0 =	seq.s32 s10, $0x1;
	s10 =	sld [smem:$0x3FB8];
	_ =	sdelay $0x3  }
0x34: {  	[smem:$0x3FB8] =	sst s10  }
0x35: {  	s10 =	sld [smem:$0x3FB7];
	_ =	sdelay $0x3  }
0x36: {  	p1 =	seq.s32 s10, $0x1;
	s10 =	sld [smem:$0x3FB8];
	_ =	sdelay $0x3  }
0x37: {  	[smem:$0x3FB8] =	sst s10  }
0x38: {  	s10 =	sld [smem:$0x3FB9]  }
0x39: {  	_ = 	snop;
	(pc) =	sbr.ind lr, $3  }
0x3a: {  	_ = 	snop  }
0x3b: {  	_ = 	snop  }
0x3c: {  	p2 =	seq.s32 s10, $0x1;
	s10 =	sld [smem:$0x3FB8]  }
0x3d: {  	_ =	shalt  }
0x3e: {  	_ =	shalt  }
0x3f: {  	_ =	shalt  }
0x40: {  	_ =	shalt  }
0x41: {  	_ =	shalt  }
0x42: {  	_ =	shalt  }
0x43: {  	_ =	shalt  }
0x44: {  	_ =	shalt  }
0x45: {  	_ =	shalt  }
0x46: {  	_ =	shalt  }
0x47: {  	_ =	shalt  }
0x48: {  	_ =	shalt  }
0x49: {  	_ =	shalt  }
0x4a: {  	_ =	shalt  }
0x4b: {  	_ =	shalt  }
0x4c: {  	_ =	shalt  }
0x4d: {  	_ =	shalt  }
0x4e: {  	_ =	shalt  }
0x4f: {  	_ =	shalt  }
0x50: {  	_ =	shalt  }
0x51: {  	_ =	shalt  }
0x52: {  	_ =	shalt  }
0x53: {  	_ =	shalt  }
0x54: {  	_ =	shalt  }
0x55: {  	_ =	shalt  }
0x56: {  	_ =	shalt  }
0x57: {  	_ =	shalt  }
0x58: {  	_ =	shalt  }
0x59: {  	_ =	shalt  }
0x5a: {  	_ =	shalt  }
0x5b: {  	_ =	shalt  }
0x5c: {  	_ =	shalt  }
0x5d: {  	_ =	shalt  }
0x5e: {  	_ =	shalt  }
0x5f: {  	_ =	shalt  }
0x60: {  	_ =	shalt  }
0x61: {  	_ =	shalt  }
0x62: {  	_ =	shalt  }
0x63: {  	_ =	shalt  }
0x64: {  	_ =	shalt  }
0x65: {  	_ =	shalt  }
0x66: {  	_ =	shalt  }
0x67: {  	_ =	shalt  }
0x68: {  	_ =	shalt  }
0x69: {  	_ =	shalt  }
0x6a: {  	_ =	shalt  }
0x6b: {  	_ =	shalt  }
0x6c: {  	_ =	shalt  }
0x6d: {  	_ =	shalt  }
0x6e: {  	_ =	shalt  }
0x6f: {  	_ =	shalt  }
0x70: {  	_ =	shalt  }
0x71: {  	_ =	shalt  }
0x72: {  	_ =	shalt  }
0x73: {  	_ =	shalt  }
0x74: {  	_ =	shalt  }
0x75: {  	_ =	shalt  }
0x76: {  	_ =	shalt  }
0x77: {  	_ =	shalt  }
0x78: {  	_ =	shalt  }
0x79: {  	_ =	shalt  }
0x7a: {  	_ =	shalt  }
0x7b: {  	_ =	shalt  }
0x7c: {  	_ =	shalt  }
0x7d: {  	_ =	shalt  }
0x7e: {  	_ =	shalt  }
0x7f: {  	_ =	shalt  }
0x80: {  	_ =	shalt  }
0x81: {  	_ =	shalt  }
0x82: {  	_ =	shalt  }
0x83: {  	_ =	shalt  }
0x84: {  	_ =	shalt  }
0x85: {  	_ =	shalt  }
0x86: {  	_ =	shalt  }
0x87: {  	_ =	shalt  }
.Lfunc_end0:
.L_simem_size_0:
called_computation_lowered:
.L_overlay_start_0:
0x88: {  	s2 =	sld [smem:$0x3FD9]  }
0x89: {  	s3 =	sld [smem:$0x3FFE];
	_ =	sdelay $0x1  }
0x8a: {  	s1 =	srdreg.scid  }
0x8b: {  	s0 =	sand.u32 $0x1, s1  }
0x8c: {  	s14 =	sshll.u32 s0, $0xA;
	s2 =	sadd.s32 s3, s2  }
0x8d: {  	s2 =	sadd.s32 s2, s14  }
0x8e: {  	[smem:$0x3FC4] =	sst s2  }
0x8f: {  	_ = 	snop  }
0x90: {  	s2 =	sld [smem:$0x3FD0];
	_ =	sdelay $0x1  }
0x91: {  	s15 =	sld [smem:$0x3FC7]  }
0x92: {  	s5 =	simm.s32 $0xA;
	s6 =	simm.s32 $0x10;
	s4 =	sld [smem:$0x3FC6]  }
0x93: {  	[smem:s6], [sflag:s5] =	dma.local [hbm:s2], $0x1  }
0x94: {  	_ =	swait.eq [sflag:s5], $0x1  }
0x95: {  	s16 =	sld [smem:$0x11];
	[sflag:s5] =	ssyncset.done $0x0  }
0x96: {  	s17 =	sld [smem:$0x12];
	[sflag:s5] =	ssyncadd.s32 $0xFFFFFFFF  }
0x97: {  	s18 =	sld [smem:$0x13];
	(tm) =	ssettm $0x1  }
0x98: {  	s7 =	sld [smem:$0x3FFB];
	_ =	sdelay $0x3  }
0x99: {  	_ =	strace s7  }
0x9a: {  	s7 =	sld [smem:$0x3FFC];
	_ =	sdelay $0x3  }
0x9b: {  	_ =	strace s7  }
0x9c: {  	s7 =	sld [smem:$0x3FFD];
	_ =	sdelay $0x3  }
0x9d: {  	_ =	strace s7  }
0x9e: {  	_ =	strace $0x8FFFFFFF  }
0x9f: {  	s19 =	sld [smem:$0x3FDB];
	_ =	sdelay $0x1  }
0xa0: {  	s8 =	simm.s32 $_scs_section_size  }
0xa1: {  	s9 =	simm.s32 $_size__tile_overlayer_lowered;
	s10 =	simm.s32 $_tile_overlayer_lowered  }
0xa2: {  	s22 =	simm.s32 $0x1BFF;
	s21 =	sshll.u32 s10, $0x1;
	s7 =	sadd.s32 s8, s19  }
0xa3: {  	s11 =	simm.s32 $0x0;
	s20 =	sshll.u32 s9, $0x1;
	s9 =	sadd.s32 s21, s7  }
0xa4: {  	[timem:s11], [sflag:s22] =	dma.local [hbm:s9], s20  }
0xa5: {  	_ =	swait.ge [sflag:s22], s20  }
0xa6: {  	s8 =	ssub.s32 $0x0, s20;
	[sflag:s22] =	ssyncset.done $0x0  }
0xa7: {  	[sflag:s22] =	ssyncadd.s32 s8;
	_ =	sdelay $0x1  }
0xa8: {  	s23 =	simm.s32 $0x1B8B  }
0xa9: {  	_ =	swait.ge [sflag:s23], $0x1  }
0xaa: {  	[sflag:s23] =	ssyncset.done $0x0  }
0xab: {  	s25 =	simm.s32 $0x1B8E;
	s24 =	sld [smem:$0x3FFE];
	[sflag:s23] =	ssyncadd.s32 $0xFFFFFFFF  }
0xac: {  	s26 =	simm.s32 $execute0_lowered;
	[smem:$0x3FD2] =	sst s25  }
0xad: {  	s9 =	sshll.u32 s26, $0x1;
	_ =	strace $0x80000046;
	[dreg:$0x1] =	wrdreg $0xFFFFFFFF  }
0xae: {  	s28 =	simm.s32 $_size_execute0_lowered;
	s7 =	sadd.s32 s7, s9;
	[dreg:$0x0] =	wrdreg $0x0  }
0xaf: {  	s9 =	sshll.u32 s28, $0x1;
	[dreg:$0x2] =	wrdreg s7  }
0xb0: {  	[dreg:$0x3] =	wrdreg s9  }
0xb1: {  	[dreg:$0x4] =	wrdreg $0xC0  }
0xb2: {  	_ =	task [dreg:s11], $0x5FFFF  }
0xb3: {  	[dreg:$0x1] =	wrdreg $0xFFFFFFFF  }
0xb4: {  	[dreg:$0x0] =	wrdreg $0x60  }
0xb5: {  	[dreg:$0x2] =	wrdreg s24  }
0xb6: {  	[dreg:$0x3] =	wrdreg s16  }
0xb7: {  	[dreg:$0x4] =	wrdreg s15  }
0xb8: {  	[dreg:$0x5] =	wrdreg s4  }
0xb9: {  	[dreg:$0x6] =	wrdreg s18  }
0xba: {  	[dreg:$0x7] =	wrdreg s17  }
0xbb: {  	[dreg:$0x8] =	wrdreg $0x9  }
0xbc: {  	_ =	task.clear_ibuf [dreg:s11], $0x9FFFF;
	_ =	strace $0x90000046  }
0xbd: {  	s29 =	simm.s32 $0x9;
	_ =	strace $0x80000048  }
0xbe: {  	_ =	swait.ge [sflag:s29], $0x1  }
0xbf: {  	[sflag:s29] =	ssyncadd.s32 $0xFFFFFFFF  }
0xc0: {  	_ =	strace $0x90000048  }
0xc1: {  	_ =	sfence  }
0xc2: {  	s30 =	sld [smem:$0x0];
	_ =	sdelay $0x2  }
0xc3: {  	s31 =	sshll.u32 s1, $0xD;
	s1 =	sshrl.u32 s1, $0x2  }
0xc4: {  	s3 =	sand.u32 $0x4000, s31;
	s1 =	sadd.s32 s1, s30  }
0xc5: {  	s0 =	sor.u32 s3, s0;
	s1 =	sshll.u32 s1, $0x11  }
0xc6: {  	s0 =	sor.u32 s1, s0  }
0xc7: {  	s0 =	sadd.s32 $0x8F2B, s0  }
0xc8: {  	[sflag:s0] =	ssyncadd.remote.s32 $0x1  }
0xc9: {  	_ =	sfence.sel $0xFFFF  }
0xca: {  	[dreg:$0x0] =	wrdreg $0xFFFFFFFF;
	(pc) =	sbr.abs _section_cstart, $3  }
0xcb: {  	[dreg:$0x1] =	wrdreg $0xFFFFFFFF  }
0xcc: {  	_ =	task.clear_ibuf [dreg:s11], $0x2FFFF;
	_ =	strace $0x9FFFFFFF  }
0xcd: {  	(tm) =	ssettm $0x7FFFFFFF  }
tec
execute0_lowered:
.L_overlay_start_1:
0x0: {  	(tag) =	ssettag $0x1  }
0x1: {  	s1 =	rddreg [dreg:$0x0]  }
0x2: {  	s0 =	rddreg [dreg:$0x1]  }
0x3: {  	s2 =	rddreg [dreg:$0x2]  }
0x4: {  	s3 =	rddreg [dreg:$0x3]  }
0x5: {  	s4 =	rddreg [dreg:$0x4];
	s5 =	srdreg.scid  }
0x6: {  	s6 =	stileid.u32;
	s9 =	rddreg [dreg:$0x5]  }
0x7: {  	s13 =	simm.s32 $0x1A400;
	s14 =	simm.s32 $0x1AC00;
	s15 =	simm.s32 $0x1B400  }
0x8: {  	s17 =	simm.s32 $0x1;
	s18 =	simm.s32 $0x1C400;
	s19 =	simm.s32 $0x2  }
0x9: {  	s20 =	simm.s32 $0x7D0;
	s21 =	simm.s32 $0x1CC00;
	s22 =	simm.s32 $0x1D400  }
0xa: {  	s23 =	simm.s32 $0x1DC00;
	s24 =	simm.s32 $0x6900;
	s26 =	simm.s32 $0x13B00  }
0xb: {  	s28 =	simm.s32 $0x0;
	s7 =	sand.u32 $0x1, s5;
	s6 =	sshll.u32 s6, $0x1  }
0xc: {  	s5 =	simm.s32 $0x0;
	s6 =	sor.u32 s7, s6;
	s8 =	ssub.s32 $0x2, s7  }
0xd: {  	[smem:$0x7FF] =	sst s5;
	s16 =	smul.u32 $0x68A0, s6;
	s11 =	sshrl.u32 s8, $0x1  }
0xe: {  	s7 =	sadd.s32 $0x400, s1;
	_ =	strace $0x80000047;
	s12 =	ssub.s32 s8, s11  }
0xf: {  	s6 =	sadd.s32 $0x1800, s1;
	s10 =	sshrl.u32 s16, $0x3;
	s12 =	smax.u32 s12, $0x1;
	v0 =	vmov s16  }
0x10: {  	v1 =	vimm.s32 $0x0;
	v2 =	vimm.s32 $0xFFFFFFFF;
	s16 =	simm.s32 $0x1BC00;
	s1 =	sadd.s32 s10, s1;
	s8 =	sadd.s32 s4, s10;
	v0 =	vsub.s32 $0x0, v0  }
0x11: {  	v3 =	vlaneseq.u32;
	v4 =	vimm.f32 $0.0e+00;
	s9 =	sadd.s32 s9, s10;
	s10 =	sadd.s32 $0x2C00, s1;
	s11 =	sadd.s32 $0x1D000, s1;
	v0 =	vbroadcast v0, $0x0  }
.LBB2_1:
0x12: {  	s1 =	simm.s32 $0x40;
	s4 =	simm.s32 $0x0  }
.LBB2_2:
0x13: {  	p0 =	seq.s32 s1, $0x1A240;
	[tilespmem:s4+$0x0] =	vst v1;
	s25 =	smov.u32 s1;
	s1 =	sadd.s32 $0x40, s1  }
.Ltmp0:
0x14: {  	[tilespmem:s4+$0x6900] =	vst v2;
	(pc) =	sbr.rel @!p0 .LBB2_2-.Ltmp0, $2  }
0x15: {  	_ =	sdelay $0x2  }
0x16: {  	s4 =	sshra.s32 s25, $0x2  }
0x17: {  	[tilespmem:s4+$0x0] =	vst v1  }
0x18: {  	s29 =	simm.s32 $0x0;
	[tilespmem:s4+$0x6900] =	vst v2;
	s30 =	simm.s32 $0x0  }
.LBB2_4:
0x19: {  	s1 =	smul.u32 $0xFA, s30;
	_ =	sdelay $0x1  }
0x1a: {  	s4 =	sadd.s32 s6, s1  }
0x1b: {  	[tilespmem:s13], [sflag:$0x1] =	stream.linear.gather [hbm4b:s4+s29], $0x7D0, $0x38;
	[tilespmem:$0x1E400] =	vst v63  }
0x1c: {  	s25 =	sadd.s32 s7, s1  }
0x1d: {  	[tilespmem:s14], [sflag:$0x1] =	stream.linear.gather [hbm4b:s25+s29], $0x7D0, $0x38;
	[tilespmem:$0x1E400] =	vst v63  }
0x1e: {  	s31 =	sadd.s32 s0, s1  }
0x1f: {  	[tilespmem:s15], [sflag:$0x1] =	stream.linear.gather [hbm4b:s31+s29], $0x7D0, $0x38;
	[tilespmem:$0x1E400] =	vst v63  }
0x20: {  	s1 =	sadd.s32 s2, s1  }
0x21: {  	[tilespmem:s16], [sflag:$0x1] =	stream.linear.gather [hbm4b:s1+s29], $0x7D0, $0x38;
	[tilespmem:$0x1E400] =	vst v63  }
0x22: {  	_ =	swait.ge [sflag:s17], $0x7D0  }
0x23: {  	[sflag:s17] =	ssyncset.done $0x0  }
0x24: {  	[sflag:s17] =	ssyncadd.s32 $0xFFFFF830  }
0x25: {  	_ =	swait.ge [sflag:s17], $0x7D0  }
0x26: {  	[sflag:s17] =	ssyncset.done $0x0  }
0x27: {  	[sflag:s17] =	ssyncadd.s32 $0xFFFFF830  }
0x28: {  	_ =	swait.ge [sflag:s17], $0x7D0  }
0x29: {  	[sflag:s17] =	ssyncset.done $0x0  }
0x2a: {  	[sflag:s17] =	ssyncadd.s32 $0xFFFFF830  }
0x2b: {  	_ =	swait.ge [sflag:s17], $0x7D0  }
0x2c: {  	[sflag:s17] =	ssyncset.done $0x0  }
0x2d: {  	s4 =	simm.s32 $0x0;
	s1 =	simm.s32 $0x40;
	[sflag:s17] =	ssyncadd.s32 $0xFFFFF830  }
.LBB2_5:
0x2e: {  	p0 =	sne.s32 s1, $0x1F00;
	v5 =	vld [tilespmem:s4+$0x1A400]  }
0x2f: {  	v6 =	vld [tilespmem:s4+$0x1AC00];
	_ =	sdelay $0x2  }
0x30: {  	v7 =	vld [tilespmem:s4+$0x1B400]  }
0x31: {  	v5 =	vmul.u32 $0x34500, v5  }
0x32: {  	v6 =	vmul.u32 $0x1B0, v6  }
0x33: {  	v5 =	vadd.s32 v0, v5  }
0x34: {  	v5 =	vadd.s32 v6, v5  }
0x35: {  	v5 =	vadd.s32 v7, v5  }
0x36: {  	vm0 =	vlt.u32 v5, $0x68A0  }
0x37: {  	v6 =	vld [tilespmem:s4+$0x1BC00];
	v5 =	vnsel vm0, $0x0, v5  }
.Ltmp1:
0x38: {  	(pc) =	sbr.rel @p0 .LBB2_5-.Ltmp1, $2  }
0x39: {  	_ =	sdelay $0x2  }
0x3a: {  	s4 =	sshra.s32 s1, $0x2;
	s1 =	sadd.s32 $0x40, s1;
	[tilespmem:v5+s5+$0x0] =	vst.idx.msk vm0, v6  }
0x3b: {  	v5 =	vld [tilespmem:s4+$0x1A400]  }
0x3c: {  	v6 =	vld [tilespmem:s4+$0x1AC00];
	_ =	sdelay $0x2  }
0x3d: {  	v7 =	vld [tilespmem:s4+$0x1B400]  }
0x3e: {  	v5 =	vmul.u32 $0x34500, v5  }
0x3f: {  	v6 =	vmul.u32 $0x1B0, v6  }
0x40: {  	v5 =	vadd.s32 v0, v5  }
0x41: {  	v5 =	vadd.s32 v6, v5  }
0x42: {  	v5 =	vadd.s32 v7, v5  }
0x43: {  	s30 =	sadd.s32 $0x1, s30;
	vm0 =	vlt.u32 v5, $0x68A0  }
0x44: {  	p0 =	seq.s32 s30, $0x14;
	v6 =	vld [tilespmem:s4+$0x1BC00];
	v5 =	vnsel vm0, $0x0, v5  }
.Ltmp2:
0x45: {  	_ = 	snop;
	(pc) =	sbr.rel @!p0 .LBB2_4-.Ltmp2, $2  }
0x46: {  	_ =	sdelay $0x2  }
0x47: {  	[tilespmem:v5+s5+$0x0] =	vst.idx.msk vm0, v6  }
0x48: {  	s29 =	simm.s32 $0x0;
	s4 =	simm.s32 $0x0;
	s31 =	simm.s32 $0x0  }
.LBB2_8:
0x49: {  	s1 =	smul.u32 $0x7D0, s31;
	_ =	sdelay $0x1  }
0x4a: {  	s1 =	sshrl.u32 s1, $0x3  }
0x4b: {  	s1 =	sadd.s32 s3, s1  }
0x4c: {  	[tilespmem:s18], [sflag:$0x2] =	stream.linear.gather [hbm4b:s1+s29], $0x7D0, $0x38;
	[tilespmem:$0x1E400] =	vst v63  }
0x4d: {  	_ =	swait.ge [sflag:s19], $0x7D0  }
0x4e: {  	[sflag:s19] =	ssyncset.done $0x0  }
0x4f: {  	[sflag:s19] =	ssyncadd.s32 $0xFFFFF830  }
0x50: {  	[tilespmem:s21], [sflag:$0x1] =	stream.indirect.gather [hbm4b:s6+s20], $0x1, s18, s20, $0xb8;
	[tilespmem:$0x1E400] =	vst v63  }
0x51: {  	_ = 	snop  }
0x52: {  	[tilespmem:s22], [sflag:$0x1] =	stream.indirect.gather [hbm4b:s7+s20], $0x1, s18, s20, $0xb8;
	[tilespmem:$0x1E400] =	vst v63  }
0x53: {  	_ = 	snop  }
0x54: {  	[tilespmem:s23], [sflag:$0x1] =	stream.indirect.gather [hbm4b:s0+s20], $0x1, s18, s20, $0xb8;
	[tilespmem:$0x1E400] =	vst v63  }
0x55: {  	_ =	swait.ge [sflag:s17], $0x7D0  }
0x56: {  	[sflag:s17] =	ssyncset.done $0x0  }
0x57: {  	[sflag:s17] =	ssyncadd.s32 $0xFFFFF830  }
0x58: {  	_ =	swait.ge [sflag:s17], $0x7D0  }
0x59: {  	[sflag:s17] =	ssyncset.done $0x0  }
0x5a: {  	[sflag:s17] =	ssyncadd.s32 $0xFFFFF830  }
0x5b: {  	_ =	swait.ge [sflag:s17], $0x7D0  }
0x5c: {  	[sflag:s17] =	ssyncset.done $0x0  }
0x5d: {  	s25 =	simm.s32 $0x0;
	[sflag:s17] =	ssyncadd.s32 $0xFFFFF830  }
0x5e: {  	v5 =	vld [tilespmem:s25+$0x1CC00]  }
0x5f: {  	v6 =	vld [tilespmem:s25+$0x1D400];
	_ =	sdelay $0x2  }
0x60: {  	v7 =	vld [tilespmem:s25+$0x1DC00]  }
0x61: {  	v5 =	vmul.u32 $0x34500, v5  }
0x62: {  	v6 =	vmul.u32 $0x1B0, v6  }
0x63: {  	v5 =	vadd.s32 v0, v5  }
0x64: {  	v5 =	vadd.s32 v6, v5  }
0x65: {  	v5 =	vadd.s32 v7, v5  }
0x66: {  	vm0 =	vlt.u32 v5, $0x68A0  }
0x67: {  	v5 =	vnsel vm0, $0x0, v5;
	_ =	sdelay $0x3  }
0x68: {  	v6 =	vor.u32 s4, v3  }
0x69: {  	s30 =	smov.u32 s4;
	s1 =	simm.s32 $0x80;
	s25 =	simm.s32 $0x10;
	[tilespmem:v5+s24+$0x0] =	vst.idx.msk vm0, v6  }
.LBB2_9:
0x6a: {  	p0 =	sne.s32 s1, $0x1F00;
	v5 =	vld [tilespmem:s25+$0x1CC00]  }
0x6b: {  	v6 =	vld [tilespmem:s25+$0x1D400];
	_ =	sdelay $0x2  }
0x6c: {  	v7 =	vld [tilespmem:s25+$0x1DC00]  }
0x6d: {  	v5 =	vmul.u32 $0x34500, v5  }
0x6e: {  	v6 =	vmul.u32 $0x1B0, v6  }
0x6f: {  	v5 =	vadd.s32 v0, v5  }
0x70: {  	v5 =	vadd.s32 v6, v5  }
0x71: {  	v5 =	vadd.s32 v7, v5  }
0x72: {  	vm0 =	vlt.u32 v5, $0x68A0  }
0x73: {  	v5 =	vnsel vm0, $0x0, v5  }
.Ltmp3:
0x74: {  	(pc) =	sbr.rel @p0 .LBB2_9-.Ltmp3, $4  }
0x75: {  	_ = 	snop  }
0x76: {  	s30 =	sadd.s32 $0x10, s30  }
0x77: {  	v6 =	vor.u32 s30, v3  }
0x78: {  	s25 =	sshra.s32 s1, $0x2;
	s1 =	sadd.s32 $0x40, s1;
	[tilespmem:v5+s24+$0x0] =	vst.idx.msk vm0, v6  }
0x79: {  	v5 =	vld [tilespmem:s25+$0x1CC00]  }
0x7a: {  	v6 =	vld [tilespmem:s25+$0x1D400];
	_ =	sdelay $0x2  }
0x7b: {  	v7 =	vld [tilespmem:s25+$0x1DC00]  }
0x7c: {  	v5 =	vmul.u32 $0x34500, v5  }
0x7d: {  	v6 =	vmul.u32 $0x1B0, v6  }
0x7e: {  	v5 =	vadd.s32 v0, v5  }
0x7f: {  	v5 =	vadd.s32 v6, v5  }
0x80: {  	v5 =	vadd.s32 v7, v5  }
0x81: {  	s31 =	sadd.s32 $0x1, s31;
	vm0 =	vlt.u32 v5, $0x68A0  }
0x82: {  	p0 =	sne.s32 s31, $0x6;
	v5 =	vnsel vm0, $0x0, v5  }
.Ltmp4:
0x83: {  	_ = 	snop;
	(pc) =	sbr.rel @p0 .LBB2_8-.Ltmp4, $4  }
0x84: {  	_ = 	snop  }
0x85: {  	s1 =	sadd.s32 $0x10, s30  }
0x86: {  	v6 =	vor.u32 s1, v3  }
0x87: {  	s4 =	sadd.s32 $0x7D0, s4;
	[tilespmem:v5+s24+$0x0] =	vst.idx.msk vm0, v6  }
0x88: {  	s1 =	simm.s32 $0x0  }
0x89: {  	v5 =	vld [tilespmem:s1+$0x0];
	_ =	sdelay $0x2  }
0x8a: {  	s4 =	simm.s32 $0x40  }
.LBB2_12:
0x8b: {  	p0 =	sne.s32 s4, $0x1A240  }
.Ltmp5:
0x8c: {  	s25 =	sshra.s32 s4, $0x2;
	s4 =	sadd.s32 $0x40, s4;
	vm0 =	vgt.s32 v5, $0x0;
	v6 =	vcvt.s32.f32 v5;
	(pc) =	sbr.rel @p0 .LBB2_12-.Ltmp5, $3  }
0x8d: {  	v5 =	vld [tilespmem:s25+$0x0];
	v7 =	vsel vm0, $0x3F800000, v4  }
0x8e: {  	[tilespmem:s1+$0xD200] =	vst v7;
	v6 =	vmul.f32 $3.125000000e-02, v6;
	_ =	sdelay $0x1  }
0x8f: {  	[tilespmem:s1+$0x13B00] =	vst v6;
	s1 =	smov.u32 s25  }
0x90: {  	_ = 	snop  }
0x91: {  	v6 =	vcvt.s32.f32 v5  }
0x92: {  	vm0 =	vgt.s32 v5, $0x0  }
0x93: {  	v5 =	vsel vm0, $0x3F800000, v4;
	v6 =	vmul.f32 $3.125000000e-02, v6  }
0x94: {  	[tilespmem:s1+$0xD200] =	vst v5  }
0x95: {  	[tilespmem:s1+$0x13B00] =	vst v6  }
0x96: {  	[hbm4b:s8+s5] =	stream.linear.scatter [tilespmem:s5], [sflag:$0x2], $0x68A0, $0x38;
	[tilespmem:$0x1E400] =	vst v63  }
0x97: {  	_ =	swait.ge [sflag:s19], $0x68A0  }
0x98: {  	[sflag:s19] =	ssyncset.done $0x0  }
0x99: {  	s31 =	simm.s32 $0xD200;
	[sflag:s19] =	ssyncadd.s32 $0xFFFF9760  }
0x9a: {  	[hbm4b:s9+s5] =	stream.linear.scatter [tilespmem:s31], [sflag:$0x2], $0x68A0, $0x38;
	[tilespmem:$0x1E400] =	vst v63  }
0x9b: {  	_ =	swait.ge [sflag:s19], $0x68A0  }
0x9c: {  	[sflag:s19] =	ssyncset.done $0x0  }
0x9d: {  	[sflag:s19] =	ssyncadd.s32 $0xFFFF9760  }
0x9e: {  	[hbm4b:s10+s5] =	stream.linear.scatter [tilespmem:s26], [sflag:$0x2], $0x68A0, $0x38;
	[tilespmem:$0x1E400] =	vst v63  }
0x9f: {  	s28 =	sadd.s32 $0x1, s28;
	_ =	swait.ge [sflag:s19], $0x68A0  }
0xa0: {  	p0 =	sne.s32 s28, s12;
	[sflag:s19] =	ssyncset.done $0x0  }
.Ltmp6:
0xa1: {  	[sflag:s19] =	ssyncadd.s32 $0xFFFF9760;
	(pc) =	sbr.rel @p0 .LBB2_1-.Ltmp6, $4  }
0xa2: {  	[hbm4b:s11+s5] =	stream.linear.scatter [tilespmem:s24], [sflag:$0x2], $0x68A0, $0x38;
	[tilespmem:$0x1E400] =	vst v63  }
0xa3: {  	_ =	swait.ge [sflag:s19], $0x68A0  }
0xa4: {  	[sflag:s19] =	ssyncset.done $0x0  }
0xa5: {  	[sflag:s19] =	ssyncadd.s32 $0xFFFF9760  }
0xa6: {  	_ =	sfence.sel $0x180000  }
0xa7: {  	[bflag:$0x0] =	sbarrier.arrive $0xFFFF  }
0xa8: {  	_ =	strace $0x90000047  }
0xa9: {  	s0 =	stileid.u32;
	[bflag:$0x2] =	sbarrier.arrive $0xFFFF  }
0xaa: {  	p0 =	sne.s32 s0, $0x0;
	s0 =	rddreg [dreg:$0x6]  }
0xab: {  	s0 =	sadd.s32 @!p0 $0x100000, s0  }
0xac: {  	[sflag:s0] =	ssyncadd.tile.s32 @!p0 $0x1;
	_ =	shalt  }
.Lfunc_end2:
_tile_overlayer_lowered:
.L_overlay_start_2:
0xad: {  	(tag) =	ssettag $0x2  }
0xae: {  	s0 =	rddreg [dreg:$0x0];
	s2 =	stileid.u32  }
0xaf: {  	s1 =	rddreg [dreg:$0x1];
	p0 =	sne.s32 s2, $0x0  }
0xb0: {  	s3 =	rddreg [dreg:$0x2];
	[bflag:$0x3] =	sbarrier.arrive $0xFFFF;
	s2 =	simm.s32 @!p0 $0x1C02  }
0xb1: {  	[timem:s3], [sflag:s2] =	dma.local @!p0 [hbm:s0], s1  }
0xb2: {  	s0 =	simm.s32 @!p0 $0x2  }
0xb3: {  	_ =	swait.ge @!p0 [sflag:s0], s1  }
0xb4: {  	s1 =	ssub.s32 @!p0 $0x0, s1;
	[sflag:s0] =	ssyncset.done @!p0 $0x0  }
0xb5: {  	[sflag:s0] =	ssyncadd.s32 @!p0 s1  }
0xb6: {  	[bflag:$0x3] =	sbarrier.arrive $0xFFFF  }
0xb7: {  	_ =	shalt  }

// kernel: _run.7.cloned.1.call-start
scs
__scs_entry_jumppad:
0x0: {  	(pc) =	sbr.rel $0x88, $3  }
0x1: {  	(tag) =	ssettag $0x0;
	lr =	simm.s32 $0x1  }
0x2: {  	[smem:$0x3F9D] =	sst lr;
	_ =	strace $0xD0000000  }
0x3: {  	_ = 	snop  }
0x4: {  	_ = 	snop  }
0x5: {  	_ = 	snop  }
0x6: {  	_ = 	snop  }
0x7: {  	_ = 	snop  }
__scs_overlays_trampoline_lowered:
0x8: {  	[smem:$0x3FAC] =	sst s0  }
0x9: {  	[smem:$0x3FAD] =	sst s1  }
0xa: {  	[smem:$0x3FAE] =	sst s2  }
0xb: {  	[smem:$0x3FAF] =	sst s3  }
0xc: {  	[smem:$0x3FB0] =	sst s4  }
0xd: {  	[smem:$0x3FB1] =	sst s5  }
0xe: {  	[smem:$0x3FB2] =	sst s6  }
0xf: {  	[smem:$0x3FB3] =	sst s7  }
0x10: {  	[smem:$0x3FB4] =	sst s8  }
0x11: {  	[smem:$0x3FB5] =	sst s9;
	s0 =	simm.s32 @!p0 $0x0  }
0x12: {  	s1 =	sld [smem:$0x3F9B];
	s0 =	simm.s32 @p0 $0x1  }
0x13: {  	[smem:$0x3FB6] =	sst s0;
	s0 =	simm.s32 @!p1 $0x0  }
0x14: {  	s2 =	sld [smem:$0x3F9A];
	s0 =	simm.s32 @p1 $0x1  }
0x15: {  	[smem:$0x3FB7] =	sst s0;
	s0 =	simm.s32 @!p2 $0x0  }
0x16: {  	s3 =	sld [smem:$0x3FDB];
	s0 =	simm.s32 @p2 $0x1  }
0x17: {  	s4 =	simm.s32 $0x1BF5;
	[smem:$0x3FB9] =	sst s0  }
0x18: {  	s0 =	sld [smem:$0x3F9C];
	_ =	swait.ge [sflag:s4], $0x0  }
0x19: {  	s7 =	sld [smem:$0x3F9D]  }
0x1a: {  	s8 =	sadd.s32 $0xFFFFE003, lr  }
0x1b: {  	s9 =	sadd.s32 $0xFFFFFEF7, lr;
	s5 =	simm.s32 $0xFFFFFFFF;
	p2 =	slt.u32 s8, $0xFFFFF086  }
0x1c: {  	p1 =	slt.u32 s9, $0xF7A;
	s5 =	simm.s32 @!p2 $0x0  }
0x1d: {  	s5 =	simm.s32 @p1 $0x1;
	p0 =	seq.s32 s7, s2  }
0x1e: {  	s7 =	smul.u32 @!p0 $0xF7A, s2;
	p2 =	seq.s32 @!p0 s5, $0x0  }
0x1f: {  	s9 =	smul.u32 $0xF7A, s1;
	s8 =	simm.s32 @!p0 $0x1BF5;
	p2 =	por !p2, p0  }
0x20: {  	[sflag:s8] =	ssyncset.s32 @!p0 $0xFFFFF086;
	s6 =	sadd.s32 @!p0 s3, s7;
	s7 =	simm.s32 @!p0 $0x108  }
0x21: {  	s3 =	sadd.s32 s3, s9;
	s6 =	sadd.s32 @!p0 $0x88, s6;
	s7 =	simm.s32 @p2 $0x1082  }
0x22: {  	[simem:s7], [sflag:s8] =	dma.local @!p0 [hbm:s6], $0xF7A  }
0x23: {  	s9 =	sor.u32 $0xD0000000, s2;
	s6 =	simm.s32 $0x108;
	_ =	swait.ge @!p0 [sflag:s8], $0x0  }
0x24: {  	s3 =	sadd.s32 $0x88, s3;
	s6 =	simm.s32 @!p1 $0x1082;
	[sflag:s4] =	ssyncset.s32 $0xFFFFF086  }
0x25: {  	[simem:s6], [sflag:s4] =	dma.local [hbm:s3], $0xF7A  }
0x26: {  	[smem:$0x3F9D] =	sst s1;
	(tag) =	ssettag s2;
	_ =	strace s9  }
0x27: {  	s1 =	sld [smem:$0x3FAD]  }
0x28: {  	s2 =	sld [smem:$0x3FAE]  }
0x29: {  	s4 =	sld [smem:$0x3FB0]  }
0x2a: {  	p0 =	seq.s32 s5, $0x0;
	s5 =	sld [smem:$0x3FB1]  }
0x2b: {  	s6 =	sld [smem:$0x3FB2]  }
0x2c: {  	s7 =	sld [smem:$0x3FB3]  }
0x2d: {  	s3 =	simm.s32 $0x108;
	s8 =	sld [smem:$0x3FB4]  }
0x2e: {  	s3 =	simm.s32 @!p0 $0x1082;
	s9 =	sld [smem:$0x3FB5]  }
0x2f: {  	lr =	sadd.s32 s0, s3;
	s0 =	sld [smem:$0x3FAC]  }
0x30: {  	s3 =	sld [smem:$0x3FAF]  }
0x31: {  	[smem:$0x3FB8] =	sst s10  }
0x32: {  	s10 =	sld [smem:$0x3FB6];
	_ =	sdelay $0x3  }
0x33: {  	p0 =	seq.s32 s10, $0x1;
	s10 =	sld [smem:$0x3FB8];
	_ =	sdelay $0x3  }
0x34: {  	[smem:$0x3FB8] =	sst s10  }
0x35: {  	s10 =	sld [smem:$0x3FB7];
	_ =	sdelay $0x3  }
0x36: {  	p1 =	seq.s32 s10, $0x1;
	s10 =	sld [smem:$0x3FB8];
	_ =	sdelay $0x3  }
0x37: {  	[smem:$0x3FB8] =	sst s10  }
0x38: {  	s10 =	sld [smem:$0x3FB9]  }
0x39: {  	_ = 	snop;
	(pc) =	sbr.ind lr, $3  }
0x3a: {  	_ = 	snop  }
0x3b: {  	_ = 	snop  }
0x3c: {  	p2 =	seq.s32 s10, $0x1;
	s10 =	sld [smem:$0x3FB8]  }
0x3d: {  	_ =	shalt  }
0x3e: {  	_ =	shalt  }
0x3f: {  	_ =	shalt  }
0x40: {  	_ =	shalt  }
0x41: {  	_ =	shalt  }
0x42: {  	_ =	shalt  }
0x43: {  	_ =	shalt  }
0x44: {  	_ =	shalt  }
0x45: {  	_ =	shalt  }
0x46: {  	_ =	shalt  }
0x47: {  	_ =	shalt  }
0x48: {  	_ =	shalt  }
0x49: {  	_ =	shalt  }
0x4a: {  	_ =	shalt  }
0x4b: {  	_ =	shalt  }
0x4c: {  	_ =	shalt  }
0x4d: {  	_ =	shalt  }
0x4e: {  	_ =	shalt  }
0x4f: {  	_ =	shalt  }
0x50: {  	_ =	shalt  }
0x51: {  	_ =	shalt  }
0x52: {  	_ =	shalt  }
0x53: {  	_ =	shalt  }
0x54: {  	_ =	shalt  }
0x55: {  	_ =	shalt  }
0x56: {  	_ =	shalt  }
0x57: {  	_ =	shalt  }
0x58: {  	_ =	shalt  }
0x59: {  	_ =	shalt  }
0x5a: {  	_ =	shalt  }
0x5b: {  	_ =	shalt  }
0x5c: {  	_ =	shalt  }
0x5d: {  	_ =	shalt  }
0x5e: {  	_ =	shalt  }
0x5f: {  	_ =	shalt  }
0x60: {  	_ =	shalt  }
0x61: {  	_ =	shalt  }
0x62: {  	_ =	shalt  }
0x63: {  	_ =	shalt  }
0x64: {  	_ =	shalt  }
0x65: {  	_ =	shalt  }
0x66: {  	_ =	shalt  }
0x67: {  	_ =	shalt  }
0x68: {  	_ =	shalt  }
0x69: {  	_ =	shalt  }
0x6a: {  	_ =	shalt  }
0x6b: {  	_ =	shalt  }
0x6c: {  	_ =	shalt  }
0x6d: {  	_ =	shalt  }
0x6e: {  	_ =	shalt  }
0x6f: {  	_ =	shalt  }
0x70: {  	_ =	shalt  }
0x71: {  	_ =	shalt  }
0x72: {  	_ =	shalt  }
0x73: {  	_ =	shalt  }
0x74: {  	_ =	shalt  }
0x75: {  	_ =	shalt  }
0x76: {  	_ =	shalt  }
0x77: {  	_ =	shalt  }
0x78: {  	_ =	shalt  }
0x79: {  	_ =	shalt  }
0x7a: {  	_ =	shalt  }
0x7b: {  	_ =	shalt  }
0x7c: {  	_ =	shalt  }
0x7d: {  	_ =	shalt  }
0x7e: {  	_ =	shalt  }
0x7f: {  	_ =	shalt  }
0x80: {  	_ =	shalt  }
0x81: {  	_ =	shalt  }
0x82: {  	_ =	shalt  }
0x83: {  	_ =	shalt  }
0x84: {  	_ =	shalt  }
0x85: {  	_ =	shalt  }
0x86: {  	_ =	shalt  }
0x87: {  	_ =	shalt  }
.Lfunc_end0:
.L_simem_size_0:
called_computation.1_lowered:
.L_overlay_start_0:
0x88: {  	s2 =	sld [smem:$0x3FD9]  }
0x89: {  	s3 =	sld [smem:$0x3FFE];
	_ =	sdelay $0x1  }
0x8a: {  	s1 =	srdreg.scid  }
0x8b: {  	s0 =	sand.u32 $0x1, s1  }
0x8c: {  	s14 =	sshll.u32 s0, $0xA;
	s2 =	sadd.s32 s3, s2  }
0x8d: {  	s2 =	sadd.s32 s2, s14  }
0x8e: {  	[smem:$0x3FC4] =	sst s2  }
0x8f: {  	_ = 	snop  }
0x90: {  	s2 =	sld [smem:$0x3FD0];
	_ =	sdelay $0x2  }
0x91: {  	s4 =	simm.s32 $0xA;
	s5 =	simm.s32 $0x10;
	s15 =	sld [smem:$0x3FC6]  }
0x92: {  	[smem:s5], [sflag:s4] =	dma.local [hbm:s2], $0x1  }
0x93: {  	_ =	swait.eq [sflag:s4], $0x1  }
0x94: {  	[sflag:s4] =	ssyncset.done $0x0  }
0x95: {  	[sflag:s4] =	ssyncadd.s32 $0xFFFFFFFF  }
0x96: {  	s16 =	sld [smem:$0x10];
	(tm) =	ssettm $0x1  }
0x97: {  	s17 =	sld [smem:$0x3FFB];
	_ =	sdelay $0x3  }
0x98: {  	_ =	strace s17  }
0x99: {  	s4 =	sld [smem:$0x3FFC];
	_ =	sdelay $0x3  }
0x9a: {  	_ =	strace s4  }
0x9b: {  	s4 =	sld [smem:$0x3FFD];
	_ =	sdelay $0x3  }
0x9c: {  	_ =	strace s4  }
0x9d: {  	_ =	strace $0x8FFFFFFF  }
0x9e: {  	s18 =	sld [smem:$0x3FDB];
	_ =	sdelay $0x1  }
0x9f: {  	s19 =	simm.s32 $_scs_section_size  }
0xa0: {  	s6 =	simm.s32 $_size__tile_overlayer_lowered;
	s7 =	simm.s32 $_tile_overlayer_lowered  }
0xa1: {  	s22 =	simm.s32 $0x1BFF;
	s21 =	sshll.u32 s7, $0x1;
	s4 =	sadd.s32 s19, s18  }
0xa2: {  	s8 =	simm.s32 $0x0;
	s20 =	sshll.u32 s6, $0x1;
	s6 =	sadd.s32 s21, s4  }
0xa3: {  	[timem:s8], [sflag:s22] =	dma.local [hbm:s6], s20  }
0xa4: {  	_ =	swait.ge [sflag:s22], s20  }
0xa5: {  	s5 =	ssub.s32 $0x0, s20;
	[sflag:s22] =	ssyncset.done $0x0  }
0xa6: {  	[sflag:s22] =	ssyncadd.s32 s5;
	_ =	sdelay $0x1  }
0xa7: {  	s23 =	simm.s32 $0x1B8B  }
0xa8: {  	_ =	swait.ge [sflag:s23], $0x1  }
0xa9: {  	[sflag:s23] =	ssyncset.done $0x0  }
0xaa: {  	s25 =	simm.s32 $0x1B8E;
	s24 =	sld [smem:$0x3FFE];
	[sflag:s23] =	ssyncadd.s32 $0xFFFFFFFF  }
0xab: {  	s26 =	simm.s32 $execute0_lowered;
	[smem:$0x3FD2] =	sst s25  }
0xac: {  	s6 =	sshll.u32 s26, $0x1;
	_ =	strace $0x80000049;
	[dreg:$0x1] =	wrdreg $0xFFFFFFFF  }
0xad: {  	s28 =	simm.s32 $_size_execute0_lowered;
	s4 =	sadd.s32 s4, s6;
	[dreg:$0x0] =	wrdreg $0x0  }
0xae: {  	s6 =	sshll.u32 s28, $0x1;
	[dreg:$0x2] =	wrdreg s4  }
0xaf: {  	[dreg:$0x3] =	wrdreg s6  }
0xb0: {  	[dreg:$0x4] =	wrdreg $0xC0  }
0xb1: {  	_ =	task [dreg:s8], $0x5FFFF  }
0xb2: {  	[dreg:$0x1] =	wrdreg $0xFFFFFFFF  }
0xb3: {  	[dreg:$0x0] =	wrdreg $0x60  }
0xb4: {  	[dreg:$0x2] =	wrdreg s24  }
0xb5: {  	[dreg:$0x3] =	wrdreg s16  }
0xb6: {  	[dreg:$0x4] =	wrdreg s15  }
0xb7: {  	[dreg:$0x5] =	wrdreg $0x9  }
0xb8: {  	_ =	task.clear_ibuf [dreg:s8], $0x6FFFF;
	_ =	strace $0x90000049  }
0xb9: {  	s29 =	simm.s32 $0x9;
	_ =	strace $0x8000004B  }
0xba: {  	_ =	swait.ge [sflag:s29], $0x1  }
0xbb: {  	[sflag:s29] =	ssyncadd.s32 $0xFFFFFFFF  }
0xbc: {  	_ =	strace $0x9000004B  }
0xbd: {  	_ =	sfence  }
0xbe: {  	s30 =	sld [smem:$0x0];
	_ =	sdelay $0x2  }
0xbf: {  	s31 =	sshll.u32 s1, $0xD;
	s1 =	sshrl.u32 s1, $0x2  }
0xc0: {  	s3 =	sand.u32 $0x4000, s31;
	s1 =	sadd.s32 s1, s30  }
0xc1: {  	s0 =	sor.u32 s3, s0;
	s1 =	sshll.u32 s1, $0x11  }
0xc2: {  	s0 =	sor.u32 s1, s0  }
0xc3: {  	s0 =	sadd.s32 $0x8F2B, s0  }
0xc4: {  	[sflag:s0] =	ssyncadd.remote.s32 $0x1  }
0xc5: {  	_ =	sfence.sel $0xFFFF  }
0xc6: {  	[dreg:$0x0] =	wrdreg $0xFFFFFFFF;
	(pc) =	sbr.abs _section_cstart, $3  }
0xc7: {  	[dreg:$0x1] =	wrdreg $0xFFFFFFFF  }
0xc8: {  	_ =	task.clear_ibuf [dreg:s8], $0x2FFFF;
	_ =	strace $0x9FFFFFFF  }
0xc9: {  	(tm) =	ssettm $0x7FFFFFFF  }
tec
execute0_lowered:
.L_overlay_start_1:
0x0: {  	(tag) =	ssettag $0x1  }
0x1: {  	s0 =	srdreg.scid  }
0x2: {  	s1 =	rddreg [dreg:$0x0];
	s2 =	stileid.u32  }
0x3: {  	s15 =	rddreg [dreg:$0x1];
	s5 =	simm.s32 $0x0;
	s0 =	sand.u32 $0x1, s0  }
0x4: {  	s4 =	sand.u32 $0x7, s2;
	[smem:$0x7FF] =	sst s5;
	s3 =	sshll.u32 s0, $0x4  }
0x5: {  	s16 =	sadd.s32 $0x1D000, s1;
	s1 =	sadd.s32 $0x37400, s1;
	s3 =	sor.u32 s2, s3  }
0x6: {  	p1 =	sne.s32 s4, $0x0;
	s4 =	simm.s32 $0x1;
	p0 =	seq.s32 s3, $0x0  }
0x7: {  	_ =	strace $0x8000004A;
	[dreg:$0x5] =	wrdreg s1;
	p0 =	por !p1, !p0  }
0x8: {  	s0 =	ssub.s32 $0x2, s0;
	[dreg:$0x4] =	wrdreg s16;
	p0 =	por !p0, !p0  }
0x9: {  	s28 =	sshrl.u32 s0, $0x1;
	s25 =	sshrl.u32 s3, $0x3;
	s4 =	simm.s32 @!p0 $0x0  }
0xa: {  	s2 =	simm.s32 $0x0;
	s0 =	ssub.s32 s0, s28;
	s4 =	ssub.s32 s25, s4  }
0xb: {  	s3 =	sshll.u32 s3, $0x3;
	s0 =	smax.u32 s0, $0x1;
	s26 =	smul.u32 $0x34500, s4  }
0xc: {  	[dreg:$0x12] =	wrdreg s0;
	s6 =	sshll.u32 s4, $0x6;
	s4 =	smul.u32 $0xF80000, s4  }
0xd: {  	s3 =	ssub.s32 s3, s6;
	s29 =	sshrl.u32 s26, $0x3;
	s30 =	sadd.s32 $0x1170, s26  }
0xe: {  	s6 =	sor.u32 $0x1, s3;
	s7 =	smul.u32 $0x3E000, s3;
	s31 =	sor.u32 $0x2, s3  }
0xf: {  	s17 =	sadd.s32 $0x22E0, s26;
	s9 =	sor.u32 $0x3, s3;
	s18 =	sadd.s32 $0x3450, s26  }
0x10: {  	s19 =	sor.u32 $0x4, s3;
	s12 =	sor.u32 $0x5, s3;
	s8 =	smul.u32 $0x3E000, s6  }
0x11: {  	s13 =	sor.u32 $0x6, s3;
	s23 =	sor.u32 $0x7, s3;
	s10 =	smul.u32 $0x3E000, s31  }
0x12: {  	v0 =	vmov s3;
	s3 =	simm.s32 $0x0;
	s11 =	smul.u32 $0x3E000, s9;
	[dreg:$0x8] =	wrdreg s17  }
0x13: {  	s5 =	sadd.s32 s16, s29;
	s14 =	smul.u32 $0x3E000, s19;
	[dreg:$0x9] =	wrdreg s18  }
0x14: {  	[dreg:$0x6] =	wrdreg s5;
	s5 =	sshrl.u32 s30, $0x3;
	s7 =	sadd.s32 s4, s7  }
0x15: {  	s21 =	smul.u32 $0x3E000, s12;
	s5 =	sadd.s32 s16, s5;
	[dreg:$0xa] =	wrdreg s7  }
0x16: {  	v9 =	vimm.s32 $0xECA86420;
	s24 =	smul.u32 $0x3E000, s13;
	s20 =	sadd.s32 s4, s8;
	[dreg:$0x7] =	wrdreg s5  }
0x17: {  	v8 =	vimm.f32 $0.0e+00;
	vm0 =	vcmask $0xB08;
	vm1 =	vcmask $0x1310;
	s26 =	smul.u32 $0x3E000, s23;
	s22 =	sadd.s32 s4, s10;
	[dreg:$0xb] =	wrdreg s20  }
0x18: {  	vm2 =	vcmask $0x1B18;
	vm3 =	vmmov $0xff;
	v5 =	vmov s12;
	s12 =	simm.s32 $0x2300;
	s25 =	sadd.s32 s4, s11;
	[dreg:$0xc] =	wrdreg s22  }
.Ltmp0:
0x19: {  	vm11 =	vcmask $0x704;
	v12 =	vimm.s32 $0x0;
	v14 =	vimm.s32 $0x0;
	s28 =	sadd.s32 s4, s14;
	[dreg:$0xd] =	wrdreg s25;
	(pc) =	sbr.rel .LBB2_1-.Ltmp0, $4  }
0x1a: {  	v10 =	vunpack.c.l.s4.s8 v9;
	v9 =	vlaneseq.u32;
	v6 =	vmov s13;
	s13 =	simm.s32 $0x1180;
	s29 =	sadd.s32 s4, s21;
	[dreg:$0xe] =	wrdreg s28  }
0x1b: {  	v14 =	vsel vm3, $0xFFFFFFFF, v14;
	v11 =	vmul.u32 $0x2, v9;
	v4 =	vmov s19;
	s19 =	simm.s32 $0xC;
	s30 =	sadd.s32 s4, s24;
	[dreg:$0xf] =	wrdreg s29  }
0x1c: {  	v13 =	vmul.u32 $0x80, v9;
	v10 =	vunpack.c.0.s8.s32 v10;
	v2 =	vmov s31;
	s31 =	sadd.s32 s4, s26;
	s14 =	simm.s32 $0xB;
	[dreg:$0x10] =	wrdreg s30  }
0x1d: {  	[tilespmem:$0x1FFF0] =	vst v14;
	v1 =	vmov s6;
	v3 =	vmov s9;
	v7 =	vmov s23;
	s21 =	simm.s32 $0xF000;
	[dreg:$0x11] =	wrdreg s31;
	s20 =	simm.s32 $0x8100  }
.LBB2_34:
0x1e: {  	s0 =	simm.s32 $0x1  }
0x1f: {  	_ =	swait.ge [sflag:s0], $0x1000  }
0x20: {  	[sflag:s0] =	ssyncset.done $0x0  }
0x21: {  	[sflag:s0] =	ssyncadd.s32 $0xFFFFF000  }
0x22: {  	_ =	swait.ge [sflag:s0], $0x1000  }
0x23: {  	[sflag:s0] =	ssyncset.done $0x0  }
0x24: {  	[sflag:s0] =	ssyncadd.s32 $0xFFFFF000  }
0x25: {  	_ =	swait.ge [sflag:s0], $0x1000  }
0x26: {  	[sflag:s0] =	ssyncset.done $0x0  }
0x27: {  	[sflag:s0] =	ssyncadd.s32 $0xFFFFF000  }
0x28: {  	_ =	swait.ge [sflag:s0], $0x1000  }
0x29: {  	[sflag:s0] =	ssyncset.done $0x0  }
0x2a: {  	[sflag:s0] =	ssyncadd.s32 $0xFFFFF000  }
0x2b: {  	_ =	swait.ge [sflag:s0], $0x1000  }
0x2c: {  	[sflag:s0] =	ssyncset.done $0x0  }
0x2d: {  	[sflag:s0] =	ssyncadd.s32 $0xFFFFF000  }
0x2e: {  	_ =	swait.ge [sflag:s0], $0x1000  }
0x2f: {  	[sflag:s0] =	ssyncset.done $0x0  }
0x30: {  	[sflag:s0] =	ssyncadd.s32 $0xFFFFF000  }
0x31: {  	_ =	swait.ge [sflag:s0], $0x1000  }
0x32: {  	[sflag:s0] =	ssyncset.done $0x0  }
0x33: {  	[sflag:s0] =	ssyncadd.s32 $0xFFFFF000  }
0x34: {  	_ =	swait.ge [sflag:s0], $0x1000  }
0x35: {  	[sflag:s0] =	ssyncset.done $0x0  }
0x36: {  	s1 =	simm.s32 $0x2;
	[sflag:s0] =	ssyncadd.s32 $0xFFFFF000  }
0x37: {  	_ =	swait.ge [sflag:s1], $0x1000  }
0x38: {  	[sflag:s1] =	ssyncset.done $0x0  }
0x39: {  	[sflag:s1] =	ssyncadd.s32 $0xFFFFF000  }
0x3a: {  	_ =	swait.ge [sflag:s1], $0x1000  }
0x3b: {  	[sflag:s1] =	ssyncset.done $0x0  }
0x3c: {  	[sflag:s1] =	ssyncadd.s32 $0xFFFFF000  }
0x3d: {  	_ =	swait.ge [sflag:s1], $0x1000  }
0x3e: {  	[sflag:s1] =	ssyncset.done $0x0  }
0x3f: {  	[sflag:s1] =	ssyncadd.s32 $0xFFFFF000  }
0x40: {  	_ =	swait.ge [sflag:s1], $0x1000  }
0x41: {  	[sflag:s1] =	ssyncset.done $0x0  }
0x42: {  	[sflag:s1] =	ssyncadd.s32 $0xFFFFF000  }
0x43: {  	_ =	swait.ge [sflag:s1], $0x1000  }
0x44: {  	[sflag:s1] =	ssyncset.done $0x0  }
0x45: {  	[sflag:s1] =	ssyncadd.s32 $0xFFFFF000  }
0x46: {  	_ =	swait.ge [sflag:s1], $0x1000  }
0x47: {  	[sflag:s1] =	ssyncset.done $0x0  }
0x48: {  	[sflag:s1] =	ssyncadd.s32 $0xFFFFF000  }
0x49: {  	_ =	swait.ge [sflag:s1], $0x1000  }
0x4a: {  	[sflag:s1] =	ssyncset.done $0x0  }
0x4b: {  	[sflag:s1] =	ssyncadd.s32 $0xFFFFF000  }
0x4c: {  	_ =	swait.ge [sflag:s1], $0x1000  }
0x4d: {  	s3 =	rddreg [dreg:$0x13]  }
0x4e: {  	s31 =	rddreg [dreg:$0x12];
	s3 =	sadd.s32 $0x1, s3  }
0x4f: {  	p0 =	sne.s32 s3, s31  }
.Ltmp1:
0x50: {  	_ = 	snop;
	(pc) =	sbr.rel @!p0 .LBB2_35-.Ltmp1, $4  }
0x51: {  	s16 =	rddreg [dreg:$0x4]  }
0x52: {  	s12 =	simm.s32 $0x2300;
	[sflag:s1] =	ssyncset.done $0x0;
	s17 =	rddreg [dreg:$0x8]  }
0x53: {  	s13 =	simm.s32 $0x1180;
	s18 =	rddreg [dreg:$0x9];
	[sflag:s1] =	ssyncadd.s32 $0xFFFFF000  }
0x54: {  	s14 =	simm.s32 $0xB;
	s19 =	simm.s32 $0xC;
	s15 =	rddreg [dreg:$0x1]  }
.LBB2_1:
0x55: {  	s0 =	simm.s32 $0x0  }
0x56: {  	s0 =	smulhi.u32 $0x97B425F, s0;
	_ =	sdelay $0x1  }
0x57: {  	s0 =	smul.u32 $0xFFFFFF28, s0;
	_ =	sdelay $0x1  }
0x58: {  	s1 =	sadd.s32 $0x0, s0  }
0x59: {  	s0 =	sshll.u32 s1, $0x10  }
0x5a: {  	s0 =	sshra.s32 s0, $0x10  }
0x5b: {  	s0 =	smul.u32 $0xFFFF97B5, s0;
	_ =	sdelay $0x1  }
0x5c: {  	s0 =	sshrl.u32 s0, $0x10  }
0x5d: {  	[dreg:$0x13] =	wrdreg s3;
	s31 =	simm.s32 $0x0;
	s0 =	sadd.s32 s1, s0  }
0x5e: {  	s3 =	smulhi.u32 $0x97B425F, s31;
	s4 =	sand.u32 $0x8000, s0;
	s0 =	sshll.u32 s0, $0x10  }
0x5f: {  	s4 =	sshrl.u32 s4, $0xF;
	s0 =	sshra.s32 s0, $0x14  }
0x60: {  	s5 =	smul.u32 $0xFFFFFF28, s3;
	s6 =	sadd.s32 s4, s0  }
0x61: {  	s3 =	simm.s32 $0x1;
	s8 =	ssub.s32 $0x0, s1;
	s7 =	smul.u32 $0xFFFFFFE5, s6  }
0x62: {  	s0 =	sadd.s32 $0x1, s5;
	s4 =	simm.s32 $0x2;
	s5 =	simm.s32 $0x0  }
.LBB2_2:
0x63: {  	p0 =	sne.s32 s4, $0x6BF;
	s7 =	sand.u32 $0xFFFF, s7  }
0x64: {  	s8 =	sand.u32 $0xFFFF, s8;
	s9 =	sshll.u32 s0, $0x10;
	p1 =	slt.s32 s1, $0x1  }
0x65: {  	s5 =	sand.u32 $0xFFF8, s5;
	p2 =	sne.s32 s7, s8;
	s7 =	sshra.s32 s9, $0x10  }
0x66: {  	s5 =	sshrl.u32 s5, $0x3;
	p1 =	por !p1, !p2;
	s7 =	smul.u32 $0xFFFF97B5, s7  }
0x67: {  	s9 =	simm.s32 $0x1;
	s8 =	smul.u32 $0x12F7, s5;
	p1 =	por !p1, !p1  }
0x68: {  	s5 =	smov.u32 s3;
	s3 =	sshrl.u32 s4, $0x3;
	s9 =	simm.s32 @!p1 $0x0  }
0x69: {  	s3 =	smulhi.u32 $0x97B425F, s3;
	s7 =	sshrl.u32 s7, $0x10;
	s6 =	ssub.s32 s6, s9  }
0x6a: {  	s8 =	sshrl.u32 s8, $0x5;
	s7 =	sadd.s32 s0, s7;
	s9 =	smul.u32 $0xFFFFFE5, s6  }
0x6b: {  	s8 =	sand.u32 $0x1FF000, s8;
	s10 =	sand.u32 $0x8000, s7;
	s7 =	sshll.u32 s7, $0x10  }
0x6c: {  	s10 =	sshrl.u32 s10, $0xF;
	s1 =	sadd.s32 s1, s9;
	s9 =	sshll.u32 s6, $0x9  }
0x6d: {  	s6 =	sshll.u32 s6, $0x7;
	s9 =	sand.u32 $0xFFFFF000, s9;
	s11 =	sshll.u32 s1, $0x7  }
0x6e: {  	s1 =	sshll.u32 s1, $0x4;
	s11 =	sand.u32 $0xFFFFFC00, s11;
	s8 =	sadd.s32 s9, s8  }
.Ltmp2:
0x6f: {  	s6 =	sand.u32 $0x380, s6;
	s8 =	sadd.s32 s11, s8;
	(pc) =	sbr.rel @p0 .LBB2_2-.Ltmp2, $4  }
0x70: {  	s7 =	sshra.s32 s7, $0x14;
	s1 =	sand.u32 $0x70, s1;
	s8 =	sor.u32 s6, s8  }
0x71: {  	s9 =	smul.u32 $0xFFFFFF28, s3;
	s6 =	sadd.s32 s10, s7;
	s1 =	sor.u32 s1, s8  }
0x72: {  	s3 =	smov.u32 s4;
	s7 =	smul.u32 $0xFFFFFFE5, s6;
	[tilespmem:s1+$0xF000] =	vst v8;
	s1 =	smov.u32 s0  }
0x73: {  	s4 =	sadd.s32 $0x1, s4;
	s0 =	sadd.s32 s9, s3;
	s8 =	ssub.s32 $0x0, s1  }
0x74: {  	s4 =	sand.u32 $0xFFFF, s7  }
0x75: {  	s11 =	sand.u32 $0xFFFF, s8;
	s22 =	sshll.u32 s0, $0x10;
	p0 =	slt.s32 s1, $0x1  }
0x76: {  	s5 =	sand.u32 $0xFFF8, s5;
	s7 =	simm.s32 $0x1;
	s10 =	ssub.s32 $0x0, s0  }
0x77: {  	p5 =	slt.s32 s0, $0x1;
	s3 =	sand.u32 $0xFFF8, s3;
	s23 =	sshra.s32 s22, $0x10  }
0x78: {  	p1 =	sne.s32 s4, s11;
	s5 =	sshrl.u32 s5, $0x3;
	s4 =	smul.u32 $0xFFFF97B5, s23  }
0x79: {  	s3 =	sshrl.u32 s3, $0x3;
	p0 =	por !p0, !p1;
	s5 =	smul.u32 $0x12F7, s5  }
0x7a: {  	s11 =	simm.s32 $0x0;
	s3 =	smul.u32 $0x12F7, s3;
	p0 =	por !p0, !p0  }
0x7b: {  	s7 =	simm.s32 @!p0 $0x0;
	s4 =	sshrl.u32 s4, $0x10;
	s5 =	sshrl.u32 s5, $0x5  }
0x7c: {  	s3 =	sshrl.u32 s3, $0x5;
	s6 =	ssub.s32 s6, s7;
	s4 =	sadd.s32 s0, s4  }
0x7d: {  	s5 =	sand.u32 $0x1FF000, s5;
	s24 =	sand.u32 $0x8000, s4;
	s4 =	sshll.u32 s4, $0x10  }
0x7e: {  	s7 =	smul.u32 $0xFFFFFE5, s6;
	s26 =	sshrl.u32 s24, $0xF;
	s4 =	sshra.s32 s4, $0x14  }
0x7f: {  	s3 =	sand.u32 $0x1FF000, s3;
	s28 =	sshll.u32 s6, $0x9;
	s4 =	sadd.s32 s26, s4  }
0x80: {  	s6 =	sshll.u32 s6, $0x7;
	s25 =	sadd.s32 s1, s7;
	s31 =	smul.u32 $0xFFFFFFE5, s4  }
0x81: {  	s29 =	sand.u32 $0xFFFFF000, s28;
	s6 =	sand.u32 $0x380, s6;
	s9 =	sshll.u32 s25, $0x7  }
0x82: {  	s7 =	sand.u32 $0xFFFF, s10;
	s30 =	sand.u32 $0xFFFFFC00, s9;
	s9 =	sand.u32 $0xFFFF, s31  }
0x83: {  	s1 =	sshll.u32 s25, $0x4;
	p6 =	sne.s32 s9, s7;
	s7 =	smulhi.u32 $0x97B425F, s11  }
0x84: {  	s28 =	simm.s32 $0x0;
	s5 =	sadd.s32 s29, s5;
	s1 =	sand.u32 $0x70, s1  }
0x85: {  	s5 =	sadd.s32 s30, s5;
	p0 =	por !p5, !p6;
	s7 =	smul.u32 $0xFFFFFF28, s7  }
0x86: {  	s9 =	simm.s32 $0x1;
	s5 =	sor.u32 s6, s5;
	p0 =	por !p0, !p0  }
0x87: {  	s5 =	sor.u32 s1, s5;
	s9 =	simm.s32 @!p0 $0x0;
	s1 =	sadd.s32 $0x0, s7  }
0x88: {  	[tilespmem:s5+$0xF000] =	vst v8;
	s5 =	simm.s32 $0x2;
	s4 =	ssub.s32 s4, s9;
	s24 =	sshll.u32 s1, $0x10  }
0x89: {  	s22 =	smul.u32 $0xFFFFFE5, s4;
	s25 =	sshll.u32 s4, $0x9;
	s6 =	sshra.s32 s24, $0x10  }
0x8a: {  	s4 =	sshll.u32 s4, $0x7;
	s7 =	sand.u32 $0xFFFFF000, s25;
	s6 =	smul.u32 $0xFFFF97B5, s6  }
0x8b: {  	s4 =	sand.u32 $0x380, s4;
	s23 =	sadd.s32 s0, s22;
	s3 =	sadd.s32 s7, s3  }
0x8c: {  	s7 =	smulhi.u32 $0x97B425F, s28;
	s26 =	sshll.u32 s23, $0x7;
	s6 =	sshrl.u32 s6, $0x10  }
0x8d: {  	s0 =	sshll.u32 s23, $0x4;
	s8 =	sand.u32 $0xFFFFFC00, s26;
	s6 =	sadd.s32 s1, s6  }
0x8e: {  	s0 =	sand.u32 $0x70, s0;
	s29 =	sand.u32 $0x8000, s6;
	s6 =	sshll.u32 s6, $0x10  }
0x8f: {  	s3 =	sadd.s32 s8, s3;
	s30 =	sshrl.u32 s29, $0xF;
	s6 =	sshra.s32 s6, $0x14  }
0x90: {  	s31 =	smul.u32 $0xFFFFFF28, s7;
	s3 =	sor.u32 s4, s3;
	s6 =	sadd.s32 s30, s6  }
0x91: {  	s8 =	ssub.s32 $0x0, s1;
	s0 =	sor.u32 s0, s3;
	s7 =	smul.u32 $0xFFFFFFE5, s6  }
0x92: {  	s4 =	simm.s32 $0x1;
	s3 =	simm.s32 $0x0;
	[tilespmem:s0+$0xF000] =	vst v8;
	s0 =	sadd.s32 $0x1, s31  }
.LBB2_4:
0x93: {  	p0 =	sne.s32 s5, $0x6BF;
	s7 =	sand.u32 $0xFFFF, s7  }
0x94: {  	s8 =	sand.u32 $0xFFFF, s8;
	s9 =	sshll.u32 s0, $0x10;
	p1 =	slt.s32 s1, $0x1  }
0x95: {  	s3 =	sand.u32 $0xFFF8, s3;
	p2 =	sne.s32 s7, s8;
	s7 =	sshra.s32 s9, $0x10  }
0x96: {  	s3 =	sshrl.u32 s3, $0x3;
	p1 =	por !p1, !p2;
	s7 =	smul.u32 $0xFFFF97B5, s7  }
0x97: {  	s9 =	simm.s32 $0x1;
	s8 =	smul.u32 $0x12F7, s3;
	p1 =	por !p1, !p1  }
0x98: {  	s3 =	smov.u32 s4;
	s4 =	sshrl.u32 s5, $0x3;
	s9 =	simm.s32 @!p1 $0x0  }
0x99: {  	s4 =	smulhi.u32 $0x97B425F, s4;
	s7 =	sshrl.u32 s7, $0x10;
	s6 =	ssub.s32 s6, s9  }
0x9a: {  	s8 =	sshrl.u32 s8, $0x5;
	s7 =	sadd.s32 s0, s7;
	s9 =	smul.u32 $0xFFFFFE5, s6  }
0x9b: {  	s8 =	sand.u32 $0x1FF000, s8;
	s10 =	sand.u32 $0x8000, s7;
	s7 =	sshll.u32 s7, $0x10  }
0x9c: {  	s10 =	sshrl.u32 s10, $0xF;
	s1 =	sadd.s32 s1, s9;
	s9 =	sshll.u32 s6, $0x9  }
0x9d: {  	s6 =	sshll.u32 s6, $0x7;
	s9 =	sand.u32 $0xFFFFF000, s9;
	s11 =	sshll.u32 s1, $0x7  }
0x9e: {  	s1 =	sshll.u32 s1, $0x4;
	s11 =	sand.u32 $0xFFFFFC00, s11;
	s8 =	sadd.s32 s9, s8  }
.Ltmp3:
0x9f: {  	s6 =	sand.u32 $0x380, s6;
	s8 =	sadd.s32 s11, s8;
	(pc) =	sbr.rel @p0 .LBB2_4-.Ltmp3, $4  }
0xa0: {  	s7 =	sshra.s32 s7, $0x14;
	s1 =	sand.u32 $0x70, s1;
	s8 =	sor.u32 s6, s8  }
0xa1: {  	s9 =	smul.u32 $0xFFFFFF28, s4;
	s6 =	sadd.s32 s10, s7;
	s1 =	sor.u32 s1, s8  }
0xa2: {  	s4 =	smov.u32 s5;
	s7 =	smul.u32 $0xFFFFFFE5, s6;
	[tilespmem:s1+$0x17000] =	vst v8;
	s1 =	smov.u32 s0  }
0xa3: {  	s5 =	sadd.s32 $0x1, s5;
	s0 =	sadd.s32 s9, s4;
	s8 =	ssub.s32 $0x0, s1  }
0xa4: {  	s5 =	sshll.u32 s0, $0x10  }
0xa5: {  	s5 =	sshra.s32 s5, $0x10  }
0xa6: {  	s7 =	sand.u32 $0xFFFF, s7;
	s8 =	sand.u32 $0xFFFF, s8;
	s5 =	smul.u32 $0xFFFF97B5, s5  }
0xa7: {  	p0 =	slt.s32 s1, $0x1;
	p1 =	sne.s32 s7, s8  }
0xa8: {  	s3 =	sand.u32 $0xFFF8, s3;
	p0 =	por !p0, !p1;
	s5 =	sshrl.u32 s5, $0x10  }
0xa9: {  	s7 =	simm.s32 $0x1;
	p0 =	por !p0, !p0;
	s5 =	sadd.s32 s0, s5  }
0xaa: {  	s7 =	simm.s32 @!p0 $0x0;
	s31 =	sand.u32 $0x8000, s5;
	s5 =	sshll.u32 s5, $0x10  }
0xab: {  	s6 =	ssub.s32 s6, s7;
	s8 =	sshrl.u32 s31, $0xF;
	s5 =	sshra.s32 s5, $0x14  }
0xac: {  	s4 =	sand.u32 $0xFFF8, s4;
	s9 =	smul.u32 $0xFFFFFE5, s6;
	s5 =	sadd.s32 s8, s5  }
0xad: {  	s3 =	sshrl.u32 s3, $0x3;
	s4 =	sshrl.u32 s4, $0x3;
	s7 =	smul.u32 $0xFFFFFFE5, s5  }
0xae: {  	s3 =	smul.u32 $0x12F7, s3;
	s10 =	sadd.s32 s1, s9;
	s9 =	ssub.s32 $0x0, s0  }
0xaf: {  	s4 =	smul.u32 $0x12F7, s4;
	s9 =	sand.u32 $0xFFFF, s9;
	s7 =	sand.u32 $0xFFFF, s7  }
0xb0: {  	p6 =	slt.s32 s0, $0x1;
	s3 =	sshrl.u32 s3, $0x5;
	p5 =	sne.s32 s7, s9  }
0xb1: {  	s4 =	sshrl.u32 s4, $0x5;
	s3 =	sand.u32 $0x1FF000, s3;
	p0 =	por !p6, !p5  }
0xb2: {  	s4 =	sand.u32 $0x1FF000, s4;
	s9 =	simm.s32 $0x1;
	p0 =	por !p0, !p0  }
0xb3: {  	s11 =	sshll.u32 s6, $0x9;
	s6 =	sshll.u32 s6, $0x7;
	s9 =	simm.s32 @!p0 $0x0  }
0xb4: {  	s6 =	sand.u32 $0x380, s6;
	s8 =	sand.u32 $0xFFFFF000, s11;
	s5 =	ssub.s32 s5, s9  }
0xb5: {  	s22 =	sshll.u32 s10, $0x7;
	s1 =	sshll.u32 s10, $0x4;
	s23 =	smul.u32 $0xFFFFFE5, s5  }
0xb6: {  	s3 =	sadd.s32 s8, s3;
	s1 =	sand.u32 $0x70, s1;
	s7 =	sand.u32 $0xFFFFFC00, s22  }
0xb7: {  	s3 =	sadd.s32 s7, s3;
	s25 =	sshll.u32 s5, $0x9;
	s24 =	sadd.s32 s0, s23  }
0xb8: {  	s3 =	sor.u32 s6, s3;
	s6 =	sand.u32 $0xFFFFF000, s25;
	s7 =	sshll.u32 s24, $0x7  }
0xb9: {  	s5 =	sshll.u32 s5, $0x7;
	s4 =	sadd.s32 s6, s4;
	s7 =	sand.u32 $0xFFFFFC00, s7  }
0xba: {  	s5 =	sand.u32 $0x380, s5;
	s0 =	sshll.u32 s24, $0x4;
	s4 =	sadd.s32 s7, s4  }
0xbb: {  	s1 =	sor.u32 s1, s3;
	s0 =	sand.u32 $0x70, s0;
	s26 =	sor.u32 s5, s4  }
0xbc: {  	[tilespmem:s1+$0x17000] =	vst v8;
	s0 =	sor.u32 s0, s26  }
0xbd: {  	s28 =	rddreg [dreg:$0x2];
	s29 =	simm.s32 $0xD;
	[tilespmem:s0+$0x17000] =	vst v8;
	s0 =	simm.s32 $0x0  }
0xbe: {  	[tilespmem:s12], [sflag:$0xD] =	stream.linear.gather [hbm4b:s28+s0], $0x2F00, $0x38;
	[tilespmem:$0x1F000] =	vst v63  }
0xbf: {  	_ =	swait.ge [sflag:s29], $0x2F00  }
0xc0: {  	[sflag:s29] =	ssyncset.done $0x0  }
0xc1: {  	s3 =	simm.s32 $0x0;
	s30 =	rddreg [dreg:$0x6];
	[sflag:s29] =	ssyncadd.s32 $0xFFFFD100  }
0xc2: {  	[tilespmem:s0], [sflag:$0xB] =	stream.linear.gather [hbm4b:s30+s0], $0x1170, $0x38;
	[tilespmem:$0x1F000] =	vst v63  }
0xc3: {  	s1 =	simm.s32 $0x1170;
	s5 =	simm.s32 $0x0;
	s31 =	rddreg [dreg:$0x7]  }
0xc4: {  	[tilespmem:s13], [sflag:$0xC] =	stream.linear.gather [hbm4b:s31+s0], $0x1170, $0x38;
	[tilespmem:$0x1F000] =	vst v63  }
.LBB2_6:
0xc5: {  	_ =	swait.ge [sflag:s14], $0x1170  }
0xc6: {  	[sflag:s14] =	ssyncset.done $0x0  }
0xc7: {  	s4 =	simm.s32 $0x0;
	[sflag:s14] =	ssyncadd.s32 $0xFFFFEE90  }
0xc8: {  	v14 =	vld [tilespmem:s4+$0x0];
	_ =	sdelay $0x4  }
0xc9: {  	vm9 =	vgt.s32 v14, $0xFFFFFFFF  }
0xca: {  	v15 =	vmpcnt.ones.xlane vm9;
	_ =	sdelay $0x1  }
0xcb: {  	(v2sf) =	vpush v15, $0x0;
	_ =	sdelay $0x5  }
0xcc: {  	v16 =	vor.u32 s0, v9;
	s7 =	smul.u32 $0x22E0, s5;
	[tilespmem:s3+$0x5200] =	vst.msk vm9, v14  }
0xcd: {  	s8 =	simm.s32 $0x10;
	s6 =	simm.s32 $0x80;
	s4 =	smov.u32 s0;
	[tilespmem:s3+$0x8100] =	vst.msk vm9, v16  }
.LBB2_7:
0xce: {  	p0 =	sne.s32 s6, $0x4580;
	v14 =	vld [tilespmem:s8+$0x0];
	_ =	sdelay $0x4  }
0xcf: {  	vm9 =	vgt.s32 v14, $0xFFFFFFFF  }
0xd0: {  	v15 =	vmpcnt.ones.xlane vm9  }
0xd1: {  	s8 =	spop (v2sf)  }
0xd2: {  	s4 =	sadd.s32 $0x10, s4;
	(v2sf) =	vpush v15, $0x0;
	s3 =	sadd.s32 s3, s8  }
0xd3: {  	v15 =	vor.u32 s4, v9;
	[tilespmem:s3+$0x5200] =	vst.msk vm9, v14  }
0xd4: {  	[tilespmem:s3+$0x8100] =	vst.msk vm9, v15  }
.Ltmp4:
0xd5: {  	(pc) =	sbr.rel @p0 .LBB2_7-.Ltmp4, $2  }
0xd6: {  	_ =	sdelay $0x2  }
0xd7: {  	s8 =	sshra.s32 s6, $0x2;
	s6 =	sadd.s32 $0x40, s6  }
0xd8: {  	v14 =	vld [tilespmem:s8+$0x0];
	_ =	sdelay $0x4  }
0xd9: {  	vm9 =	vgt.s32 v14, $0xFFFFFFFF  }
0xda: {  	v15 =	vmpcnt.ones.xlane vm9;
	_ =	sdelay $0x1  }
0xdb: {  	(v2sf) =	vpush v15, $0x0;
	_ =	sdelay $0x9  }
0xdc: {  	p0 =	seq.s32 s5, $0x17;
	s6 =	spop (v2sf)  }
0xdd: {  	s4 =	sadd.s32 $0x10, s4;
	s3 =	sadd.s32 s3, s6;
	s6 =	sadd.s32 @!p0 s7, s17  }
0xde: {  	v15 =	vor.u32 s4, v9;
	[tilespmem:s3+$0x5200] =	vst.msk vm9, v14;
	s4 =	sshrl.u32 @!p0 s6, $0x3  }
0xdf: {  	s8 =	simm.s32 @!p0 $0x0;
	[tilespmem:s3+$0x8100] =	vst.msk vm9, v15;
	s4 =	sadd.s32 @!p0 s16, s4  }
0xe0: {  	[tilespmem:s8], [sflag:$0xB] =	stream.linear.gather @!p0 [hbm4b:s4+s8], $0x1170, $0x38;
	[tilespmem:$0x1F000] =	vst v63  }
0xe1: {  	s30 =	spop (v2sf)  }
0xe2: {  	_ =	swait.ge [sflag:s19], $0x1170  }
0xe3: {  	[sflag:s19] =	ssyncset.done $0x0  }
0xe4: {  	s31 =	simm.s32 $0x0;
	[sflag:s19] =	ssyncadd.s32 $0xFFFFEE90  }
0xe5: {  	v14 =	vld [tilespmem:s31+$0x1180];
	_ =	sdelay $0x4  }
0xe6: {  	vm9 =	vgt.s32 v14, $0xFFFFFFFF  }
0xe7: {  	v15 =	vmpcnt.ones.xlane vm9;
	_ =	sdelay $0x1  }
0xe8: {  	(v2sf) =	vpush v15, $0x0;
	_ =	sdelay $0x4  }
0xe9: {  	s3 =	sadd.s32 s3, s30  }
0xea: {  	[tilespmem:s3+$0x5200] =	vst.msk vm9, v14;
	v14 =	vor.u32 s1, v9  }
0xeb: {  	s6 =	simm.s32 $0x80;
	s8 =	simm.s32 $0x10;
	s4 =	smov.u32 s1;
	[tilespmem:s3+$0x8100] =	vst.msk vm9, v14  }
.LBB2_9:
0xec: {  	p1 =	sne.s32 s6, $0x4580;
	v14 =	vld [tilespmem:s8+$0x1180];
	_ =	sdelay $0x4  }
0xed: {  	vm9 =	vgt.s32 v14, $0xFFFFFFFF  }
0xee: {  	v15 =	vmpcnt.ones.xlane vm9  }
0xef: {  	s8 =	spop (v2sf)  }
0xf0: {  	s4 =	sadd.s32 $0x10, s4;
	(v2sf) =	vpush v15, $0x0;
	s3 =	sadd.s32 s3, s8  }
0xf1: {  	v15 =	vor.u32 s4, v9;
	[tilespmem:s3+$0x5200] =	vst.msk vm9, v14  }
0xf2: {  	[tilespmem:s3+$0x8100] =	vst.msk vm9, v15  }
.Ltmp5:
0xf3: {  	(pc) =	sbr.rel @p1 .LBB2_9-.Ltmp5, $2  }
0xf4: {  	_ =	sdelay $0x2  }
0xf5: {  	s8 =	sshra.s32 s6, $0x2;
	s6 =	sadd.s32 $0x40, s6  }
0xf6: {  	v14 =	vld [tilespmem:s8+$0x1180];
	_ =	sdelay $0x4  }
0xf7: {  	vm9 =	vgt.s32 v14, $0xFFFFFFFF  }
0xf8: {  	v15 =	vmpcnt.ones.xlane vm9;
	_ =	sdelay $0x1  }
0xf9: {  	(v2sf) =	vpush v15, $0x0;
	_ =	sdelay $0xb  }
.Ltmp6:
0xfa: {  	_ = 	snop;
	(pc) =	sbr.rel @p0 .LBB2_12-.Ltmp6, $4  }
0xfb: {  	s6 =	spop (v2sf)  }
0xfc: {  	s4 =	sadd.s32 $0x10, s4;
	s3 =	sadd.s32 s3, s6  }
0xfd: {  	v15 =	vor.u32 s4, v9;
	[tilespmem:s3+$0x5200] =	vst.msk vm9, v14;
	s31 =	spop (v2sf)  }
0xfe: {  	[tilespmem:s3+$0x8100] =	vst.msk vm9, v15;
	s3 =	sadd.s32 s3, s31  }
.Ltmp7:
0xff: {  	(pc) =	sbr.rel .LBB2_6-.Ltmp7, $4  }
0x100: {  	s4 =	sadd.s32 s7, s18  }
0x101: {  	s5 =	sadd.s32 $0x1, s5;
	s4 =	sshrl.u32 s4, $0x3  }
0x102: {  	s0 =	sadd.s32 $0x22E0, s0;
	s1 =	sadd.s32 $0x22E0, s1;
	s4 =	sadd.s32 s16, s4  }
0x103: {  	[tilespmem:s13], [sflag:$0xC] =	stream.linear.gather [hbm4b:s4+s2], $0x1170, $0x38;
	[tilespmem:$0x1F000] =	vst v63  }
.LBB2_12:
0x104: {  	s0 =	sadd.s32 $0xF, s3  }
0x105: {  	s7 =	simm.s32 $0x0;
	s5 =	simm.s32 $0x0;
	s1 =	sand.u32 $0xF, s0  }
0x106: {  	s4 =	sshra.s32 s0, $0x1F;
	p0 =	slt.s32 s0, $0x1;
	p1 =	sne.s32 s1, $0x0  }
0x107: {  	s6 =	simm.s32 $0x0;
	s31 =	sshrl.u32 s4, $0x1C;
	p0 =	por !p0, !p1  }
0x108: {  	s1 =	simm.s32 $0x1;
	s0 =	sadd.s32 s31, s0;
	p0 =	por !p0, !p0  }
0x109: {  	s4 =	simm.s32 $0x3;
	s0 =	sshra.s32 s0, $0x4;
	s1 =	simm.s32 @!p0 $0x0  }
0x10a: {  	v14 =	vmov s3;
	s2 =	ssub.s32 s0, s1;
	s0 =	simm.s32 $0x5200;
	s1 =	simm.s32 $0xB000  }
.LBB2_13:
0x10b: {  	p0 =	sge.s32 s6, s2  }
0x10c: {  	v15 =	vld @!p0 [tilespmem:s0+$0x0];
	_ =	sdelay $0x1  }
0x10d: {  	v16 =	vlaneseq.u32 @!p0  }
0x10e: {  	v16 =	vor.u32 @!p0 s5, v16  }
0x10f: {  	vm9 =	vlt.s32 @!p0 v16, v14  }
0x110: {  	v15 =	vnsel @!p0 vm9, $0x0, v15;
	_ =	sdelay $0x3  }
0x111: {  	s9 =	simm.s32 @!p0 $0x2300  }
0x112: {  	v15 =	vld.idx.msk @!p0 [tilespmem:v15+s9+$0x0], $0xffff;
	_ =	sdelay $0x4  }
0x113: {  	v16 =	vand.u32 @!p0 $0x1, v15  }
0x114: {  	vm10 =	vlt.s32 @!p0 v15, $0x1;
	vm9 =	veq.s32 @!p0 v16, $0x1;
	v16 =	vshrl.u32 @!p0 v15, $0x1F  }
0x115: {  	v15 =	vadd.s32 @!p0 v16, v15;
	vm9 =	vmand @!p0 vm10, vm9;
	v16 =	vimm.s32 @!p0 $0x0  }
0x116: {  	v15 =	vshra.s32 @!p0 v15, $0x1;
	v16 =	vsel @!p0 vm9, $0xFFFFFFFF, v16  }
0x117: {  	v15 =	vadd.s32 @!p0 v16, v15;
	_ =	sdelay $0x3  }
0x118: {  	s9 =	simm.s32 @!p0 $0x0;
	vm9 =	vmmov @!p0 $0xffff  }
0x119: {  	[tilespmem:s1], [sflag:s4] =	stream.indirect_vreg.gather @!p0 [hbm4b:s15+s9], $0x80, v15, vm9, $0xb8;
	[tilespmem:$0x1F000] =	vst v63  }
0x11a: {  	s5 =	sadd.s32 $0x10, s5;
	p0 =	slt.s32 s6, s2;
	s9 =	simm.s32 $0x1  }
0x11b: {  	s9 =	simm.s32 @!p0 $0x0;
	p0 =	seq.s32 s5, $0x80  }
.Ltmp8:
0x11c: {  	_ = 	snop;
	(pc) =	sbr.rel @!p0 .LBB2_13-.Ltmp8, $3  }
0x11d: {  	_ =	sdelay $0x1  }
0x11e: {  	s0 =	sadd.s32 $0x10, s0;
	s6 =	sadd.s32 $0x1, s6  }
0x11f: {  	s1 =	sadd.s32 $0x800, s1;
	s4 =	sadd.s32 $0x1, s4;
	s7 =	sadd.s32 s9, s7  }
.Ltmp9:
0x120: {  	(pc) =	sbr.rel .LBB2_15-.Ltmp9, $4  }
0x121: {  	[dreg:$0x15] =	wrdreg s7  }
0x122: {  	[dreg:$0x14] =	wrdreg s2;
	s22 =	sadd.s32 $0xFFFFFFFF, s3;
	s30 =	simm.s32 $0x0  }
0x123: {  	s6 =	simm.s32 $0xFFFFFFFF;
	s12 =	simm.s32 $0x0;
	p0 =	sgt.s32 s22, $0x0  }
0x124: {  	s31 =	simm.s32 $0x0;
	s7 =	simm.s32 $0x0;
	s22 =	simm.s32 @!p0 $0x0  }
.LBB2_30:
0x125: {  	s11 =	rddreg [dreg:$0x15]  }
0x126: {  	s6 =	rddreg [dreg:$0x16]  }
0x127: {  	s11 =	smov.u32 @p0 s11;
	s6 =	smov.u32 @p0 s6  }
.LBB2_33:
0x128: {  	s0 =	rddreg [dreg:$0x19]  }
0x129: {  	s1 =	rddreg [dreg:$0xa];
	s0 =	sshll.u32 s0, $0xC  }
0x12a: {  	s1 =	sadd.s32 s1, s0  }
0x12b: {  	s2 =	rddreg [dreg:$0x5];
	s1 =	sshrl.u32 s1, $0x3  }
0x12c: {  	s4 =	simm.s32 $0x0;
	s15 =	rddreg [dreg:$0xb];
	s1 =	sadd.s32 s2, s1  }
0x12d: {  	[hbm4b:s1+s4] =	stream.linear.scatter [tilespmem:s20], [sflag:$0x2], $0x1000, $0x38;
	[tilespmem:$0x1F000] =	vst v63  }
0x12e: {  	s1 =	sadd.s32 s15, s0  }
0x12f: {  	s1 =	sshrl.u32 s1, $0x3  }
0x130: {  	s5 =	simm.s32 $0x18000;
	s16 =	rddreg [dreg:$0xc];
	s1 =	sadd.s32 s2, s1  }
0x131: {  	[hbm4b:s1+s4] =	stream.linear.scatter [tilespmem:s5], [sflag:$0x2], $0x1000, $0x38;
	[tilespmem:$0x1F000] =	vst v63  }
0x132: {  	s1 =	sadd.s32 s16, s0  }
0x133: {  	s1 =	sshrl.u32 s1, $0x3  }
0x134: {  	s17 =	simm.s32 $0x19000;
	s18 =	rddreg [dreg:$0xd];
	s1 =	sadd.s32 s2, s1  }
0x135: {  	[hbm4b:s1+s4] =	stream.linear.scatter [tilespmem:s17], [sflag:$0x2], $0x1000, $0x38;
	[tilespmem:$0x1F000] =	vst v63  }
0x136: {  	s1 =	sadd.s32 s18, s0  }
0x137: {  	s1 =	sshrl.u32 s1, $0x3  }
0x138: {  	s19 =	simm.s32 $0x1A000;
	s20 =	rddreg [dreg:$0xe];
	s1 =	sadd.s32 s2, s1  }
0x139: {  	[hbm4b:s1+s4] =	stream.linear.scatter [tilespmem:s19], [sflag:$0x2], $0x1000, $0x38;
	[tilespmem:$0x1F000] =	vst v63  }
0x13a: {  	[dreg:$0x15] =	wrdreg s11;
	s1 =	sadd.s32 s20, s0  }
0x13b: {  	s23 =	rddreg [dreg:$0xf];
	s1 =	sshrl.u32 s1, $0x3  }
0x13c: {  	s21 =	simm.s32 $0x1B000;
	s25 =	rddreg [dreg:$0x10];
	s1 =	sadd.s32 s2, s1  }
0x13d: {  	[hbm4b:s1+s4] =	stream.linear.scatter [tilespmem:s21], [sflag:$0x2], $0x1000, $0x38;
	[tilespmem:$0x1F000] =	vst v63  }
0x13e: {  	s24 =	simm.s32 $0x1C000;
	s28 =	rddreg [dreg:$0x11];
	s1 =	sadd.s32 s23, s0  }
0x13f: {  	s26 =	simm.s32 $0x1D000;
	s7 =	rddreg [dreg:$0x17];
	s1 =	sshrl.u32 s1, $0x3  }
0x140: {  	s29 =	simm.s32 $0x1E000;
	s7 =	sadd.s32 $0x1, s7;
	s1 =	sadd.s32 s2, s1  }
0x141: {  	[hbm4b:s1+s4] =	stream.linear.scatter [tilespmem:s24], [sflag:$0x2], $0x1000, $0x38;
	[tilespmem:$0x1F000] =	vst v63  }
0x142: {  	s12 =	rddreg [dreg:$0x18];
	p0 =	sne.s32 s7, $0x1F;
	s1 =	sadd.s32 s25, s0  }
.Ltmp10:
0x143: {  	s0 =	sadd.s32 s28, s0;
	s1 =	sshrl.u32 s1, $0x3;
	(pc) =	sbr.rel @!p0 .LBB2_34-.Ltmp10, $4  }
0x144: {  	s20 =	simm.s32 $0x8100;
	s0 =	sshrl.u32 s0, $0x3;
	s1 =	sadd.s32 s2, s1  }
0x145: {  	[hbm4b:s1+s4] =	stream.linear.scatter [tilespmem:s26], [sflag:$0x2], $0x1000, $0x38;
	[tilespmem:$0x1F000] =	vst v63  }
0x146: {  	s21 =	simm.s32 $0xF000;
	s0 =	sadd.s32 s2, s0;
	s2 =	simm.s32 $0x0  }
0x147: {  	[hbm4b:s0+s4] =	stream.linear.scatter [tilespmem:s29], [sflag:$0x2], $0x1000, $0x38;
	[tilespmem:$0x1F000] =	vst v63  }
.LBB2_15:
0x148: {  	[dreg:$0x16] =	wrdreg s6  }
0x149: {  	s0 =	sshllo.u32 s7, $0x1;
	s2 =	smov.u32 s30;
	[dreg:$0x18] =	wrdreg s31  }
0x14a: {  	s4 =	sadd.s32 $0x0, s3;
	s1 =	simm.s32 $0xE;
	s30 =	simm.s32 $0x0  }
0x14b: {  	s13 =	smov.u32 s3;
	[dreg:$0x19] =	wrdreg s0;
	s0 =	smul.u32 $0xD80, s0  }
.LBB2_16:
0x14c: {  	p0 =	sne.s32 s1, $0x1;
	p1 =	slt.s32 s4, $0x1;
	s5 =	sand.u32 $0x1, s4  }
0x14d: {  	s6 =	sshrl.u32 s4, $0x1F;
	p2 =	seq.s32 s5, $0x1  }
0x14e: {  	s4 =	sadd.s32 s6, s4;
	p1 =	por !p1, !p2  }
0x14f: {  	s5 =	simm.s32 $0x1;
	s4 =	sshra.s32 s4, $0x1;
	p1 =	por !p1, !p1  }
0x150: {  	s5 =	simm.s32 @!p1 $0x0  }
0x151: {  	s4 =	ssub.s32 s4, s5  }
0x152: {  	s6 =	smov.u32 s22;
	p1 =	slt.s32 s4, s22;
	s5 =	sadd.s32 $0x1, s4  }
0x153: {  	s6 =	smov.u32 @p1 s4  }
0x154: {  	v15 =	vmov s6;
	_ =	sdelay $0x4  }
0x155: {  	v15 =	vld.idx.msk [tilespmem:v15+s20+$0x0], $0xffff;
	_ =	sdelay $0x5  }
0x156: {  	(v2sf) =	vpush v15, $0x0;
	_ =	sdelay $0xe  }
.Ltmp11:
0x157: {  	s6 =	spop (v2sf);
	(pc) =	sbr.rel @p0 .LBB2_16-.Ltmp11, $4  }
0x158: {  	p1 =	slt.s32 s6, s0;
	s6 =	smov.u32 s30  }
0x159: {  	p2 =	slt.s32 s30, s13;
	s6 =	smov.u32 @p1 s5;
	s4 =	smov.u32 @p1 s13  }
0x15a: {  	s30 =	smov.u32 @p2 s6;
	s13 =	smov.u32 @p2 s4  }
0x15b: {  	s1 =	sadd.s32 $0xFFFFFFFF, s1;
	s4 =	sadd.s32 s30, s13  }
0x15c: {  	s1 =	sand.u32 $0x1, s4  }
0x15d: {  	p0 =	slt.s32 s4, $0x1;
	p1 =	seq.s32 s1, $0x1  }
0x15e: {  	s29 =	sshrl.u32 s4, $0x1F;
	p0 =	por !p0, !p1  }
0x15f: {  	s1 =	sadd.s32 s29, s4;
	s4 =	simm.s32 $0x1;
	p0 =	por !p0, !p0  }
0x160: {  	s1 =	sshra.s32 s1, $0x1;
	s4 =	simm.s32 @!p0 $0x0  }
0x161: {  	s4 =	ssub.s32 s1, s4  }
0x162: {  	s1 =	smov.u32 s22;
	p0 =	slt.s32 s4, s22  }
0x163: {  	s1 =	smov.u32 @p0 s4  }
0x164: {  	v15 =	vmov s1;
	_ =	sdelay $0x4  }
0x165: {  	v15 =	vld.idx.msk [tilespmem:v15+s20+$0x0], $0xffff;
	_ =	sdelay $0x4  }
0x166: {  	(v2sf) =	vpush v15, $0x0;
	_ =	sdelay $0xd  }
0x167: {  	p0 =	seq.s32 s7, $0x0  }
0x168: {  	s9 =	simm.s32 @!p0 $0x1;
	s6 =	spop (v2sf)  }
0x169: {  	_ =	swait.ge @!p0 [sflag:s9], $0x1000  }
0x16a: {  	[sflag:s9] =	ssyncset.done @!p0 $0x0  }
0x16b: {  	[sflag:s9] =	ssyncadd.s32 @!p0 $0xFFFFF000  }
0x16c: {  	_ =	swait.ge @!p0 [sflag:s9], $0x1000  }
0x16d: {  	[sflag:s9] =	ssyncset.done @!p0 $0x0  }
0x16e: {  	[sflag:s9] =	ssyncadd.s32 @!p0 $0xFFFFF000  }
0x16f: {  	_ =	swait.ge @!p0 [sflag:s9], $0x1000  }
0x170: {  	[sflag:s9] =	ssyncset.done @!p0 $0x0  }
0x171: {  	s1 =	sand.u32 @!p0 $0xF, s12;
	p1 =	slt.s32 @!p0 s12, $0x1;
	[sflag:s9] =	ssyncadd.s32 @!p0 $0xFFFFF000  }
0x172: {  	s5 =	simm.s32 @!p0 $0x1;
	p2 =	sne.s32 @!p0 s1, $0x0;
	_ =	swait.ge @!p0 [sflag:s9], $0x1000  }
0x173: {  	s1 =	sshra.s32 @!p0 s12, $0x1F;
	p1 =	por @!p0 !p1, !p2;
	[sflag:s9] =	ssyncset.done @!p0 $0x0  }
0x174: {  	s1 =	sshrl.u32 @!p0 s1, $0x1C;
	p1 =	por @!p0 !p1, !p1;
	[sflag:s9] =	ssyncadd.s32 @!p0 $0xFFFFF000  }
0x175: {  	s1 =	sadd.s32 @!p0 s1, s12;
	p1 =	por !p1, p0;
	_ =	swait.ge @!p0 [sflag:s9], $0x1000  }
0x176: {  	s1 =	sshra.s32 @!p0 s1, $0x4;
	s5 =	simm.s32 @p1 $0x0;
	[sflag:s9] =	ssyncset.done @!p0 $0x0  }
0x177: {  	s1 =	ssub.s32 @!p0 s1, s5;
	[sflag:s9] =	ssyncadd.s32 @!p0 $0xFFFFF000  }
0x178: {  	s5 =	sshll.u32 @!p0 s1, $0x4;
	_ =	swait.ge @!p0 [sflag:s9], $0x1000  }
0x179: {  	s10 =	ssub.s32 @!p0 s2, s5;
	[sflag:s9] =	ssyncset.done @!p0 $0x0  }
0x17a: {  	s10 =	sadd.s32 @!p0 $0xF, s10;
	[sflag:s9] =	ssyncadd.s32 @!p0 $0xFFFFF000  }
0x17b: {  	s11 =	sand.u32 @!p0 $0xF, s10;
	_ =	swait.ge @!p0 [sflag:s9], $0x1000  }
0x17c: {  	p1 =	slt.s32 @!p0 s10, $0x1;
	p2 =	sne.s32 @!p0 s11, $0x0;
	[sflag:s9] =	ssyncset.done @!p0 $0x0  }
0x17d: {  	s11 =	sshra.s32 @!p0 s10, $0x1F;
	p1 =	por @!p0 !p1, !p2;
	[sflag:s9] =	ssyncadd.s32 @!p0 $0xFFFFF000  }
0x17e: {  	s11 =	sshrl.u32 @!p0 s11, $0x1C;
	p1 =	por @!p0 !p1, !p1;
	_ =	swait.ge @!p0 [sflag:s9], $0x1000  }
0x17f: {  	s10 =	sadd.s32 @!p0 s11, s10;
	p1 =	por !p1, p0;
	[sflag:s9] =	ssyncset.done @!p0 $0x0  }
0x180: {  	s10 =	sshra.s32 @!p0 s10, $0x4;
	[sflag:s9] =	ssyncadd.s32 @!p0 $0xFFFFF000;
	s9 =	simm.s32 @p1 $0x0  }
0x181: {  	s8 =	ssub.s32 @!p0 s10, s9  }
0x182: {  	p2 =	slt.s32 @!p0 s8, $0x1  }
0x183: {  	v15 =	vld [tilespmem:$0x1FFF0];
	p2 =	por p0, p2  }
.Ltmp12:
0x184: {  	_ = 	snop;
	(pc) =	sbr.rel @p2 .LBB2_20-.Ltmp12, $4  }
0x185: {  	v16 =	vmov s2;
	s31 =	smul.u32 $0xFFFFE500, s7;
	vm15 =	vcmask $0x1F1C;
	s4 =	sadd.s32 $0x1, s4  }
0x186: {  	vm12 =	vcmask $0x2F2C;
	vm3 =	vcmask $0x2724;
	vm4 =	vcmask $0x300;
	[dreg:$0x1a] =	wrdreg s2;
	p1 =	slt.s32 s6, s0;
	s6 =	smov.u32 s30  }
0x187: {  	vm5 =	vcmask $0x2320;
	vm6 =	vcmask $0x2B28;
	vm7 =	vcmask $0x3330;
	[dreg:$0x17] =	wrdreg s7;
	s6 =	smov.u32 @p1 s4;
	p1 =	slt.s32 s30, s13  }
0x188: {  	vm8 =	vcmask $0x3B38;
	vm14 =	vcmask $0x3734;
	[dreg:$0x1b] =	wrdreg s31;
	s30 =	smov.u32 @p1 s6;
	vm13 =	vnez.u8 v15  }
0x189: {  	s1 =	sshll.u32 s1, $0x6;
	s2 =	rddreg [dreg:$0x1b]  }
0x18a: {  	s4 =	sadd.s32 $0x1B00, s2;
	s1 =	sshra.s32 s1, $0x2  }
0x18b: {  	v15 =	vmov s12;
	v17 =	vmov s4;
	s12 =	sadd.s32 $0x8100, s1  }
.LBB2_19:
0x18c: {  	v18 =	vld [tilespmem:s12+$0x0];
	_ =	sdelay $0x2  }
0x18d: {  	v19 =	vor.u32 s5, v9  }
0x18e: {  	vm9 =	vge.s32 v19, v15;
	vm10 =	vlt.s32 v19, v16  }
0x18f: {  	vm9 =	vmand vm9, vm10;
	v18 =	vadd.s32 v17, v18  }
0x190: {  	v18 =	vnsel vm9, $0x0, v18  }
0x191: {  	(v2sf) =	vpush v18, $0xD;
	_ =	sdelay $0x1  }
0x192: {  	(v2sf) =	vpush v18, $0xC;
	_ =	sdelay $0x1  }
0x193: {  	(v2sf) =	vpush v18, $0xE;
	_ =	sdelay $0x1  }
0x194: {  	(v2sf) =	vpush v18, $0xF;
	_ =	sdelay $0x1  }
0x195: {  	(v2sf) =	vpush v18, $0x9;
	_ =	sdelay $0x1  }
0x196: {  	(v2sf) =	vpush v18, $0x8;
	_ =	sdelay $0x1  }
0x197: {  	(v2sf) =	vpush v18, $0xA;
	_ =	sdelay $0x1  }
0x198: {  	(v2sf) =	vpush v18, $0xB  }
0x199: {  	s1 =	spop (v2sf)  }
0x19a: {  	(v2sf) =	vpush v18, $0x0;
	s4 =	smulhi.u32 $0x4BDA12F7, s1;
	s1 =	sshra.s32 s1, $0x1F  }
0x19b: {  	s6 =	spop (v2sf);
	s1 =	smul.u32 $0x4BDA12F7, s1  }
0x19c: {  	(v2sf) =	vpush v18, $0x1;
	s10 =	smulhi.u32 $0x4BDA12F7, s6;
	s6 =	sshra.s32 s6, $0x1F  }
0x19d: {  	s9 =	spop (v2sf);
	s6 =	smul.u32 $0x4BDA12F7, s6  }
0x19e: {  	(v2sf) =	vpush v18, $0x2;
	s16 =	smulhi.u32 $0x4BDA12F7, s9;
	s9 =	sshra.s32 s9, $0x1F  }
0x19f: {  	(v2sf) =	vpush v18, $0x3;
	s13 =	spop (v2sf);
	s18 =	smul.u32 $0x4BDA12F7, s9  }
0x1a0: {  	(v2sf) =	vpush v18, $0x4;
	s19 =	smulhi.u32 $0x4BDA12F7, s13;
	s13 =	sshra.s32 s13, $0x1F  }
0x1a1: {  	(v2sf) =	vpush v18, $0x5;
	s14 =	spop (v2sf);
	s13 =	smul.u32 $0x4BDA12F7, s13  }
0x1a2: {  	(v2sf) =	vpush v18, $0x6;
	s23 =	smulhi.u32 $0x4BDA12F7, s14;
	s14 =	sshra.s32 s14, $0x1F  }
0x1a3: {  	(v2sf) =	vpush v18, $0x7;
	s15 =	spop (v2sf);
	s31 =	smul.u32 $0x4BDA12F7, s14  }
0x1a4: {  	[smem:$0x7FC] =	sst s8;
	s21 =	smulhi.u32 $0x4BDA12F7, s15;
	s9 =	sshra.s32 s15, $0x1F  }
0x1a5: {  	s17 =	spop (v2sf);
	s28 =	smul.u32 $0x4BDA12F7, s9  }
0x1a6: {  	[smem:$0x7FD] =	sst s5;
	s29 =	smulhi.u32 $0x4BDA12F7, s17;
	s17 =	sshra.s32 s17, $0x1F  }
0x1a7: {  	s14 =	sadd.s32 s1, s4;
	s24 =	spop (v2sf);
	s15 =	smul.u32 $0x4BDA12F7, s17  }
0x1a8: {  	s16 =	sadd.s32 s18, s16;
	s5 =	smulhi.u32 $0x4BDA12F7, s24;
	s24 =	sshra.s32 s24, $0x1F  }
0x1a9: {  	s13 =	sadd.s32 s13, s19;
	s25 =	spop (v2sf);
	s4 =	smul.u32 $0x4BDA12F7, s24  }
0x1aa: {  	s17 =	sadd.s32 s6, s10;
	s10 =	smulhi.u32 $0x4BDA12F7, s25;
	s11 =	sshra.s32 s25, $0x1F  }
0x1ab: {  	s19 =	sadd.s32 s31, s23;
	s2 =	spop (v2sf);
	s11 =	smul.u32 $0x4BDA12F7, s11  }
0x1ac: {  	s31 =	sshrl.u32 s13, $0x1F;
	s18 =	smulhi.u32 $0x4BDA12F7, s2;
	s6 =	sshra.s32 s2, $0x1F  }
0x1ad: {  	s24 =	sshrl.u32 s14, $0x1F;
	s7 =	spop (v2sf);
	s1 =	smul.u32 $0x4BDA12F7, s6  }
0x1ae: {  	s25 =	sshrl.u32 s17, $0x1F;
	s20 =	spop (v2sf);
	s23 =	smulhi.u32 $0x4BDA12F7, s7  }
0x1af: {  	s7 =	sshra.s32 s7, $0x1F;
	s6 =	sadd.s32 s28, s21;
	s8 =	spop (v2sf)  }
0x1b0: {  	s21 =	smul.u32 $0x4BDA12F7, s7;
	s7 =	sadd.s32 s15, s29;
	s26 =	spop (v2sf)  }
0x1b1: {  	s15 =	smulhi.u32 $0x4BDA12F7, s20;
	s20 =	sshra.s32 s20, $0x1F;
	s9 =	spop (v2sf)  }
0x1b2: {  	s2 =	sshrl.u32 s16, $0x1F;
	s20 =	smul.u32 $0x4BDA12F7, s20;
	s28 =	spop (v2sf)  }
0x1b3: {  	s5 =	sadd.s32 s4, s5;
	s29 =	smulhi.u32 $0x4BDA12F7, s28;
	s4 =	sshra.s32 s28, $0x1F  }
0x1b4: {  	s10 =	sadd.s32 s11, s10;
	s1 =	sadd.s32 s1, s18;
	s4 =	smul.u32 $0x4BDA12F7, s4  }
0x1b5: {  	s11 =	sshrl.u32 s7, $0x1F;
	s7 =	sshra.s32 s7, $0x7;
	s18 =	sadd.s32 s21, s23  }
0x1b6: {  	s21 =	smulhi.u32 $0x4BDA12F7, s8;
	s8 =	sshra.s32 s8, $0x1F;
	s4 =	sadd.s32 s4, s29  }
0x1b7: {  	s23 =	sshrl.u32 s6, $0x1F;
	s6 =	sshra.s32 s6, $0x7;
	s29 =	sshra.s32 s4, $0x1F  }
0x1b8: {  	v20 =	vmov s25;
	s8 =	smul.u32 $0x4BDA12F7, s8;
	s15 =	sadd.s32 s20, s15;
	s20 =	sshra.s32 s10, $0x7;
	v19 =	vmov s29  }
0x1b9: {  	v20 =	vsel vm0, s24, v20;
	v22 =	vmov s23;
	s23 =	sshra.s32 s18, $0x1F;
	s29 =	sshrl.u32 s10, $0x1F;
	s10 =	sshra.s32 s10, $0x1F;
	v19 =	vsel vm4, s20, v19  }
0x1ba: {  	v20 =	vsel vm1, s2, v20;
	s24 =	smulhi.u32 $0x4BDA12F7, s26;
	s26 =	sshra.s32 s26, $0x1F;
	v21 =	vmov s29;
	s29 =	sshra.s32 s1, $0x7;
	v19 =	vsel vm11, s10, v19  }
0x1bb: {  	vm10 =	vcmask $0xF0C;
	v20 =	vsel vm2, s31, v20;
	s8 =	sadd.s32 s8, s21;
	s20 =	sshrl.u32 s1, $0x1F;
	s1 =	sshra.s32 s1, $0x1F;
	v19 =	vsel vm0, s29, v19  }
0x1bc: {  	v23 =	vmov s6;
	s21 =	sshrl.u32 s5, $0x1F;
	s25 =	smul.u32 $0x4BDA12F7, s26;
	s26 =	sshra.s32 s18, $0x7;
	v21 =	vnsel vm4, $0x0, v21;
	v19 =	vsel vm10, s1, v19  }
0x1bd: {  	s5 =	sshra.s32 s5, $0x7;
	s28 =	sshrl.u32 s19, $0x1F;
	s10 =	sshrl.u32 s18, $0x1F;
	v21 =	vsel vm0, s20, v21;
	vm10 =	vcmask $0x1714;
	v19 =	vsel vm1, s26, v19  }
0x1be: {  	v22 =	vsel vm0, s28, v22;
	s24 =	sadd.s32 s25, s24;
	s29 =	sshrl.u32 s15, $0x1F;
	v21 =	vsel vm1, s10, v21;
	s26 =	sshra.s32 s15, $0x7;
	v19 =	vsel vm10, s23, v19  }
0x1bf: {  	s25 =	sshrl.u32 s8, $0x1F;
	v22 =	vsel vm1, s11, v22;
	s18 =	sshra.s32 s19, $0x7;
	v21 =	vsel vm2, s29, v21;
	s29 =	sshra.s32 s15, $0x1F;
	v19 =	vsel vm2, s26, v19  }
0x1c0: {  	s11 =	sshra.s32 s8, $0x7;
	v22 =	vsel vm2, s21, v22;
	s20 =	smulhi.u32 $0x4BDA12F7, s9;
	s9 =	sshra.s32 s9, $0x1F;
	v23 =	vsel vm0, s18, v23;
	v19 =	vsel vm15, s29, v19  }
0x1c1: {  	s8 =	sshra.s32 s8, $0x1F;
	v20 =	vcombine.low v22, v20;
	s31 =	smul.u32 $0x4BDA12F7, s9;
	v23 =	vsel vm1, s7, v23;
	s15 =	sshra.s32 s17, $0x7;
	v19 =	vsel vm5, s11, v19  }
0x1c2: {  	s28 =	sshrl.u32 s24, $0x1F;
	s19 =	sshra.s32 s24, $0x7;
	s17 =	sshra.s32 s14, $0x7;
	v23 =	vsel vm2, s5, v23;
	v55 =	vmov s15;
	v19 =	vsel vm3, s8, v19  }
0x1c3: {  	s1 =	sshra.s32 s24, $0x1F;
	v21 =	vsel vm5, s25, v21;
	s2 =	sadd.s32 s31, s20;
	s20 =	sshra.s32 s16, $0x7;
	v22 =	vsel vm0, s17, v55;
	v19 =	vsel vm6, s19, v19  }
0x1c4: {  	s24 =	sshra.s32 s13, $0x7;
	v21 =	vsel vm6, s28, v21;
	s31 =	sshrl.u32 s2, $0x1F;
	s25 =	sshra.s32 s2, $0x7;
	v22 =	vsel vm1, s20, v22;
	v19 =	vsel vm12, s1, v19  }
0x1c5: {  	s26 =	sshrl.u32 s4, $0x1F;
	v21 =	vsel vm7, s31, v21;
	s29 =	sshra.s32 s2, $0x1F;
	v22 =	vsel vm2, s24, v22;
	v19 =	vsel vm7, s25, v19  }
0x1c6: {  	s31 =	sshra.s32 s4, $0x7;
	v21 =	vsel vm8, s26, v21;
	v22 =	vcombine.low v23, v22;
	v19 =	vsel vm14, s29, v19  }
0x1c7: {  	v20 =	vperm.xlane v20, v10;
	v21 =	vperm.xlane v21, v11;
	v19 =	vsel vm8, s31, v19  }
0x1c8: {  	v22 =	vperm.xlane v22, v10;
	v19 =	vperm.xlane v19, v11;
	_ =	sdelay $0x1  }
0x1c9: {  	v20 =	vsel vm13, v21, v20;
	v19 =	vsel vm13, v19, v22  }
0x1ca: {  	v19 =	vadd.s32 v20, v19  }
0x1cb: {  	v20 =	vmul.u32 $0xFFFFFE50, v19  }
0x1cc: {  	v56 =	vsub.s32 $0x0, v18  }
0x1cd: {  	vm10 =	vlt.s32 v18, $0x1;
	vm11 =	vne.s32 v20, v56  }
0x1ce: {  	vm10 =	vmand vm10, vm11  }
0x1cf: {  	v57 =	vsel vm10, $0xFFFFFFFF, v12  }
0x1d0: {  	v19 =	vadd.s32 v57, v19  }
0x1d1: {  	v20 =	vmul.u32 $0xFFFFFE50, v19;
	_ =	sdelay $0x1  }
0x1d2: {  	v18 =	vadd.s32 v18, v20  }
0x1d3: {  	v58 =	vshll.u32 v19, $0x9;
	v59 =	vshll.u32 v18, $0x3  }
0x1d4: {  	v19 =	vshll.u32 v19, $0x7;
	v20 =	vand.u32 $0xFFFFF000, v58;
	v21 =	vand.u32 $0xFFFFFC00, v59  }
0x1d5: {  	v19 =	vand.u32 $0x380, v19;
	v20 =	vadd.s32 v20, v21  }
0x1d6: {  	v18 =	vand.u32 $0x7F, v18;
	v19 =	vor.u32 v19, v20  }
0x1d7: {  	v18 =	vor.u32 v18, v19  }
0x1d8: {  	v19 =	vadd.s32 $0x1000, v18  }
0x1d9: {  	v60 =	vadd.s32 $0x2000, v18  }
0x1da: {  	v61 =	vadd.s32 $0x3000, v18  }
0x1db: {  	s21 =	simm.s32 $0xF000;
	s23 =	sld [smem:$0x7FC];
	v62 =	vadd.s32 $0x4000, v18  }
0x1dc: {  	v63 =	vadd.s32 $0x5000, v18;
	[tilespmem:v18+s21+$0x0] =	vst.idx.msk vm9, v8  }
0x1dd: {  	[tilespmem:v19+s21+$0x0] =	vst.idx.msk vm9, v8;
	v19 =	vadd.s32 $0x6000, v18  }
0x1de: {  	p1 =	sne.s32 s23, $0x1;
	v18 =	vadd.s32 $0x7000, v18;
	[tilespmem:v60+s21+$0x0] =	vst.idx.msk vm9, v8  }
.Ltmp13:
0x1df: {  	[tilespmem:v61+s21+$0x0] =	vst.idx.msk vm9, v8;
	(pc) =	sbr.rel @p1 .LBB2_19-.Ltmp13, $4  }
0x1e0: {  	s28 =	sld [smem:$0x7FD];
	[tilespmem:v62+s21+$0x0] =	vst.idx.msk vm9, v8  }
0x1e1: {  	[tilespmem:v63+s21+$0x0] =	vst.idx.msk vm9, v8  }
0x1e2: {  	[tilespmem:v19+s21+$0x0] =	vst.idx.msk vm9, v8  }
0x1e3: {  	s12 =	sadd.s32 $0x10, s12;
	s5 =	sadd.s32 $0x10, s28;
	s8 =	sadd.s32 $0xFFFFFFFF, s23;
	vm11 =	vcmask $0x704;
	[tilespmem:v18+s21+$0x0] =	vst.idx.msk vm9, v8  }
.LBB2_20:
0x1e4: {  	s6 =	rddreg [dreg:$0x18];
	s28 =	sadd.s32 $0xF, s30;
	s5 =	simm.s32 $0x1  }
0x1e5: {  	p6 =	slt.s32 s30, $0xFFFFFFF2;
	s1 =	sshra.s32 s6, $0x1F;
	s2 =	sand.u32 $0xF, s6  }
0x1e6: {  	p1 =	slt.s32 s6, $0x1;
	s4 =	sand.u32 $0xF, s28;
	s29 =	sshra.s32 s28, $0x1F  }
0x1e7: {  	s1 =	sshrl.u32 s1, $0x1C;
	p2 =	sne.s32 s2, $0x0;
	p5 =	sne.s32 s4, $0x0  }
0x1e8: {  	s4 =	sshrl.u32 s29, $0x1C;
	s2 =	simm.s32 $0x1;
	p1 =	por !p1, !p2  }
0x1e9: {  	s1 =	sadd.s32 s1, s6;
	s31 =	sadd.s32 s4, s28;
	p1 =	por !p1, !p1  }
0x1ea: {  	s1 =	sshra.s32 s1, $0x4;
	s5 =	simm.s32 @!p1 $0x0;
	p1 =	por !p6, !p5  }
0x1eb: {  	s5 =	ssub.s32 s1, s5;
	s1 =	sshra.s32 s31, $0x4;
	p1 =	por !p1, !p1  }
0x1ec: {  	s1 =	ssub.s32 s1, s5;
	s2 =	simm.s32 @!p1 $0x0  }
0x1ed: {  	[dreg:$0x1c] =	wrdreg s5;
	p1 =	sle.s32 s30, s6;
	s5 =	ssub.s32 s1, s2  }
0x1ee: {  	p2 =	slt.s32 @!p1 s5, $0x1  }
0x1ef: {  	p2 =	por p1, p2  }
.Ltmp14:
0x1f0: {  	_ = 	snop;
	(pc) =	sbr.rel @p2 .LBB2_21-.Ltmp14, $2  }
0x1f1: {  	_ =	sdelay $0x2  }
0x1f2: {  	v15 =	vmov s30;
	v17 =	vmov s6  }
0x1f3: {  	s4 =	rddreg [dreg:$0x1c];
	v19 =	vld [tilespmem:$0x1FFF0]  }
0x1f4: {  	s2 =	rddreg [dreg:$0x1b]  }
0x1f5: {  	vm15 =	vcmask $0x1F1C;
	vm12 =	vcmask $0x2F2C;
	s6 =	rddreg [dreg:$0x16]  }
0x1f6: {  	vm3 =	vcmask $0x2724;
	vm4 =	vcmask $0x300;
	vm5 =	vcmask $0x2320;
	[dreg:$0x1e] =	wrdreg s5;
	s1 =	sshll.u32 s4, $0x6  }
0x1f7: {  	vm6 =	vcmask $0x2B28;
	vm7 =	vcmask $0x3330;
	v18 =	vmov s2;
	s8 =	sshll.u32 s4, $0x4;
	s2 =	simm.s32 $0x0;
	s1 =	sshra.s32 s1, $0x2  }
0x1f8: {  	vm13 =	vcmask $0x3B38;
	vm14 =	vcmask $0x3734;
	s4 =	rddreg [dreg:$0x15];
	s7 =	sadd.s32 $0x8100, s1;
	s12 =	sadd.s32 $0x5200, s1;
	vm8 =	vnez.u8 v19  }
.LBB2_23:
0x1f9: {  	s1 =	rddreg [dreg:$0x1c]  }
0x1fa: {  	s9 =	sadd.s32 s2, s1  }
0x1fb: {  	s5 =	rddreg [dreg:$0x14];
	s1 =	sadd.s32 $0x7, s9  }
0x1fc: {  	p1 =	slt.s32 s4, s5;
	p2 =	sle.s32 s4, s1  }
0x1fd: {  	p1 =	por !p1, !p2  }
0x1fe: {  	p1 =	por !p1, !p1  }
0x1ff: {  	s1 =	sshll.u32 @p1 s4, $0x4  }
0x200: {  	v19 =	vld @p1 [tilespmem:s1+$0x5200];
	_ =	sdelay $0x1  }
0x201: {  	v20 =	vlaneseq.u32 @p1  }
0x202: {  	v20 =	vor.u32 @p1 s1, v20  }
0x203: {  	vm9 =	vlt.s32 @p1 v20, v14  }
0x204: {  	v19 =	vnsel @p1 vm9, $0x0, v19;
	_ =	sdelay $0x3  }
0x205: {  	s1 =	simm.s32 @p1 $0x2300  }
0x206: {  	v19 =	vld.idx.msk @p1 [tilespmem:v19+s1+$0x0], $0xffff;
	_ =	sdelay $0x4  }
0x207: {  	v20 =	vand.u32 @p1 $0x1, v19  }
0x208: {  	[dreg:$0x15] =	wrdreg s4;
	v21 =	vshrl.u32 @p1 v19, $0x1F;
	vm9 =	vlt.s32 @p1 v19, $0x1;
	vm10 =	veq.s32 @p1 v20, $0x1  }
0x209: {  	[smem:$0x7F9] =	sst s2;
	v19 =	vadd.s32 @p1 v21, v19;
	v20 =	vimm.s32 @p1 $0x0;
	vm9 =	vmand @p1 vm9, vm10  }
0x20a: {  	[smem:$0x7F8] =	sst s8;
	v19 =	vshra.s32 @p1 v19, $0x1;
	v20 =	vsel @p1 vm9, $0xFFFFFFFF, v20  }
0x20b: {  	[smem:$0x7F6] =	sst s12;
	v19 =	vadd.s32 @p1 v20, v19  }
0x20c: {  	[smem:$0x7F7] =	sst s7  }
0x20d: {  	[smem:$0x7FB] =	sst s6;
	s1 =	sand.u32 @p1 $0x7, s4  }
0x20e: {  	s5 =	rddreg [dreg:$0x1];
	s2 =	sshll.u32 @p1 s1, $0xB  }
0x20f: {  	s4 =	simm.s32 @p1 $0x0;
	s1 =	sadd.s32 @p1 $0x3, s1;
	s2 =	sadd.s32 @p1 $0xB000, s2;
	vm9 =	vmmov @p1 $0xffff  }
0x210: {  	[tilespmem:s2], [sflag:s1] =	stream.indirect_vreg.gather @p1 [hbm4b:s5+s4], $0x80, v19, vm9, $0xb8;
	[tilespmem:$0x1F000] =	vst v63  }
0x211: {  	[dreg:$0x16] =	wrdreg s9;
	p2 =	sle.s32 s9, s6;
	s1 =	sand.u32 $0x7, s9  }
0x212: {  	[smem:$0x7FA] =	sst s1;
	s1 =	sadd.s32 @!p2 $0x3, s1  }
0x213: {  	_ =	swait.ge @!p2 [sflag:s1], $0x800  }
0x214: {  	[sflag:s1] =	ssyncset.done @!p2 $0x0  }
0x215: {  	[sflag:s1] =	ssyncadd.s32 @!p2 $0xFFFFF800  }
0x216: {  	v19 =	vld [tilespmem:s7+$0x0];
	_ =	sdelay $0x2  }
0x217: {  	v20 =	vor.u32 s8, v9  }
0x218: {  	vm10 =	vlt.s32 v20, v15;
	vm9 =	vge.s32 v20, v17  }
0x219: {  	vm9 =	vmand vm9, vm10;
	v19 =	vadd.s32 v18, v19  }
0x21a: {  	v19 =	vnsel vm9, $0x0, v19  }
0x21b: {  	(v2sf) =	vpush v19, $0xD;
	_ =	sdelay $0x1  }
0x21c: {  	(v2sf) =	vpush v19, $0xC;
	_ =	sdelay $0x1  }
0x21d: {  	(v2sf) =	vpush v19, $0xE;
	_ =	sdelay $0x1  }
0x21e: {  	(v2sf) =	vpush v19, $0xF;
	_ =	sdelay $0x1  }
0x21f: {  	(v2sf) =	vpush v19, $0x9;
	_ =	sdelay $0x1  }
0x220: {  	(v2sf) =	vpush v19, $0x8;
	_ =	sdelay $0x1  }
0x221: {  	(v2sf) =	vpush v19, $0xA;
	_ =	sdelay $0x1  }
0x222: {  	(v2sf) =	vpush v19, $0xB  }
0x223: {  	s9 =	spop (v2sf)  }
0x224: {  	(v2sf) =	vpush v19, $0x0;
	s2 =	smulhi.u32 $0x4BDA12F7, s9;
	s1 =	sshra.s32 s9, $0x1F  }
0x225: {  	s10 =	spop (v2sf);
	s1 =	smul.u32 $0x4BDA12F7, s1  }
0x226: {  	(v2sf) =	vpush v19, $0x1;
	s6 =	smulhi.u32 $0x4BDA12F7, s10;
	s4 =	sshra.s32 s10, $0x1F  }
0x227: {  	s11 =	spop (v2sf);
	s4 =	smul.u32 $0x4BDA12F7, s4  }
0x228: {  	s8 =	smulhi.u32 $0x4BDA12F7, s11;
	s7 =	sshra.s32 s11, $0x1F  }
0x229: {  	(v2sf) =	vpush v19, $0x2;
	s12 =	spop (v2sf);
	s7 =	smul.u32 $0x4BDA12F7, s7  }
0x22a: {  	s10 =	smulhi.u32 $0x4BDA12F7, s12;
	s9 =	sshra.s32 s12, $0x1F  }
0x22b: {  	(v2sf) =	vpush v19, $0x3;
	s15 =	spop (v2sf);
	s9 =	smul.u32 $0x4BDA12F7, s9  }
0x22c: {  	(v2sf) =	vpush v19, $0x4;
	s20 =	smulhi.u32 $0x4BDA12F7, s15;
	s15 =	sshra.s32 s15, $0x1F  }
0x22d: {  	(v2sf) =	vpush v19, $0x5;
	s17 =	spop (v2sf);
	s15 =	smul.u32 $0x4BDA12F7, s15  }
0x22e: {  	(v2sf) =	vpush v19, $0x6;
	s21 =	smulhi.u32 $0x4BDA12F7, s17;
	s17 =	sshra.s32 s17, $0x1F  }
0x22f: {  	(v2sf) =	vpush v19, $0x7;
	s18 =	spop (v2sf);
	s23 =	smul.u32 $0x4BDA12F7, s17  }
0x230: {  	s26 =	smulhi.u32 $0x4BDA12F7, s18;
	s18 =	sshra.s32 s18, $0x1F  }
0x231: {  	s19 =	spop (v2sf);
	s28 =	smul.u32 $0x4BDA12F7, s18  }
0x232: {  	s25 =	smulhi.u32 $0x4BDA12F7, s19;
	s16 =	sshra.s32 s19, $0x1F  }
0x233: {  	s13 =	spop (v2sf);
	s5 =	smul.u32 $0x4BDA12F7, s16  }
0x234: {  	s18 =	sadd.s32 s1, s2;
	s16 =	smulhi.u32 $0x4BDA12F7, s13;
	s17 =	sshra.s32 s13, $0x1F  }
0x235: {  	s24 =	spop (v2sf);
	s23 =	sadd.s32 s23, s21;
	s12 =	smul.u32 $0x4BDA12F7, s17  }
0x236: {  	s2 =	smulhi.u32 $0x4BDA12F7, s24;
	s19 =	sshra.s32 s24, $0x1F;
	s24 =	sadd.s32 s4, s6  }
0x237: {  	s17 =	sadd.s32 s9, s10;
	s9 =	sadd.s32 s15, s20;
	s4 =	smul.u32 $0x4BDA12F7, s19  }
0x238: {  	s19 =	sadd.s32 s7, s8;
	s8 =	sshrl.u32 s18, $0x1F;
	s29 =	spop (v2sf)  }
0x239: {  	s20 =	sshrl.u32 s24, $0x1F;
	s7 =	smulhi.u32 $0x4BDA12F7, s29;
	s6 =	sshra.s32 s29, $0x1F  }
0x23a: {  	s1 =	sadd.s32 s5, s25;
	s31 =	spop (v2sf);
	s10 =	smul.u32 $0x4BDA12F7, s6  }
0x23b: {  	s14 =	spop (v2sf);
	s15 =	smulhi.u32 $0x4BDA12F7, s31;
	s29 =	sshra.s32 s31, $0x1F  }
0x23c: {  	s6 =	sadd.s32 s28, s26;
	s11 =	spop (v2sf);
	s21 =	smul.u32 $0x4BDA12F7, s29  }
0x23d: {  	s26 =	smulhi.u32 $0x4BDA12F7, s14;
	s14 =	sshra.s32 s14, $0x1F;
	s13 =	spop (v2sf)  }
0x23e: {  	s12 =	sadd.s32 s12, s16;
	s31 =	smul.u32 $0x4BDA12F7, s14;
	s25 =	spop (v2sf)  }
0x23f: {  	s2 =	sadd.s32 s4, s2;
	s28 =	smulhi.u32 $0x4BDA12F7, s25;
	s14 =	sshra.s32 s25, $0x1F  }
0x240: {  	s7 =	sadd.s32 s10, s7;
	s15 =	sadd.s32 s21, s15;
	s29 =	smul.u32 $0x4BDA12F7, s14  }
0x241: {  	s21 =	sshrl.u32 s9, $0x1F;
	s25 =	sshrl.u32 s19, $0x1F;
	s10 =	sadd.s32 s31, s26  }
0x242: {  	v36 =	vmov s20;
	s31 =	smulhi.u32 $0x4BDA12F7, s11;
	s11 =	sshra.s32 s11, $0x1F;
	s4 =	sadd.s32 s29, s28  }
0x243: {  	v21 =	vsel vm0, s8, v36;
	s26 =	sshrl.u32 s12, $0x1F;
	s11 =	smul.u32 $0x4BDA12F7, s11;
	s16 =	sshra.s32 s4, $0x1F  }
0x244: {  	s14 =	sshrl.u32 s17, $0x1F;
	v21 =	vsel vm1, s25, v21;
	s25 =	smulhi.u32 $0x4BDA12F7, s13;
	s28 =	sshra.s32 s12, $0x7;
	v20 =	vmov s16  }
0x245: {  	v22 =	vmov s26;
	s26 =	sshra.s32 s13, $0x1F;
	s29 =	sshrl.u32 s2, $0x1F;
	s12 =	sshra.s32 s12, $0x1F;
	v20 =	vsel vm4, s28, v20  }
0x246: {  	vm10 =	vcmask $0xF0C;
	v22 =	vnsel vm4, $0x0, v22;
	s5 =	sadd.s32 s11, s31;
	s31 =	sshrl.u32 s7, $0x1F;
	v20 =	vsel vm11, s12, v20;
	s12 =	sshra.s32 s2, $0x7  }
0x247: {  	v21 =	vsel vm2, s14, v21;
	v22 =	vsel vm0, s29, v22;
	s16 =	sshrl.u32 s23, $0x1F;
	s2 =	sshra.s32 s2, $0x1F;
	v20 =	vsel vm0, s12, v20;
	s12 =	smul.u32 $0x4BDA12F7, s26  }
0x248: {  	s13 =	sshrl.u32 s10, $0x1F;
	s29 =	sshra.s32 s7, $0x7;
	v22 =	vsel vm1, s31, v22;
	s28 =	sshrl.u32 s15, $0x1F;
	v23 =	vmov s16;
	v20 =	vsel vm10, s2, v20  }
0x249: {  	s7 =	sshra.s32 s7, $0x1F;
	v22 =	vsel vm2, s28, v22;
	vm10 =	vcmask $0x1714;
	v20 =	vsel vm1, s29, v20;
	s2 =	sadd.s32 s12, s25;
	s12 =	sld [smem:$0x7F6]  }
0x24a: {  	s31 =	sshrl.u32 s6, $0x1F;
	s16 =	sshra.s32 s15, $0x7;
	v23 =	vsel vm0, s21, v23;
	s28 =	sshra.s32 s24, $0x7;
	v22 =	vsel vm5, s13, v22;
	v20 =	vsel vm10, s7, v20  }
0x24b: {  	s8 =	sshra.s32 s18, $0x7;
	s14 =	sshrl.u32 s5, $0x1F;
	v23 =	vsel vm1, s31, v23;
	s26 =	sshra.s32 s15, $0x1F;
	v25 =	vmov s28;
	v20 =	vsel vm2, s16, v20  }
0x24c: {  	s20 =	sshrl.u32 s1, $0x1F;
	s31 =	sshra.s32 s10, $0x7;
	s13 =	sshra.s32 s19, $0x7;
	v22 =	vsel vm6, s14, v22;
	v25 =	vsel vm0, s8, v25;
	v24 =	vld [tilespmem:s12+$0x0];
	v20 =	vsel vm15, s26, v20  }
0x24d: {  	s11 =	sshra.s32 s10, $0x1F;
	v23 =	vsel vm2, s20, v23;
	s29 =	sshra.s32 s23, $0x7;
	v25 =	vsel vm1, s13, v25;
	v20 =	vsel vm5, s31, v20  }
0x24e: {  	s18 =	sshra.s32 s17, $0x7;
	s9 =	sshra.s32 s9, $0x7;
	s14 =	sshra.s32 s5, $0x7;
	v21 =	vcombine.low v23, v21;
	v26 =	vmov s29;
	v20 =	vsel vm3, s11, v20  }
0x24f: {  	s6 =	sshra.s32 s6, $0x7;
	s5 =	sshra.s32 s5, $0x1F;
	s25 =	sshrl.u32 s2, $0x1F;
	v25 =	vsel vm2, s18, v25;
	v26 =	vsel vm0, s9, v26;
	v20 =	vsel vm6, s14, v20  }
0x250: {  	s1 =	sshra.s32 s1, $0x7;
	s20 =	sshra.s32 s2, $0x7;
	v22 =	vsel vm7, s25, v22;
	v26 =	vsel vm1, s6, v26;
	v20 =	vsel vm12, s5, v20  }
0x251: {  	s23 =	sshrl.u32 s4, $0x1F;
	s2 =	sshra.s32 s2, $0x1F;
	v26 =	vsel vm2, s1, v26;
	v37 =	vnsel vm9, $0x0, v24;
	v20 =	vsel vm7, s20, v20  }
0x252: {  	s25 =	sshra.s32 s4, $0x7;
	v22 =	vsel vm13, s23, v22;
	v38 =	vcombine.low v26, v25;
	v20 =	vsel vm14, s2, v20  }
0x253: {  	v21 =	vperm.xlane v21, v10;
	v22 =	vperm.xlane v22, v11;
	v20 =	vsel vm13, s25, v20  }
0x254: {  	v24 =	vperm.xlane v38, v10;
	v20 =	vperm.xlane v20, v11  }
0x255: {  	s28 =	simm.s32 $0x2300  }
0x256: {  	v21 =	vsel vm8, v22, v21;
	v23 =	vld.idx.msk [tilespmem:v37+s28+$0x0], $0xffff;
	v20 =	vsel vm8, v20, v24  }
0x257: {  	v20 =	vadd.s32 v21, v20  }
0x258: {  	v21 =	vmul.u32 $0xFFFFFE50, v20  }
0x259: {  	v39 =	vsub.s32 $0x0, v19  }
0x25a: {  	vm10 =	vlt.s32 v19, $0x1;
	s29 =	sld [smem:$0x7FA];
	vm11 =	vne.s32 v21, v39  }
0x25b: {  	vm10 =	vmand vm10, vm11;
	v40 =	vshll.u32 v23, $0x6  }
0x25c: {  	v41 =	vsel vm10, $0xFFFFFFFF, v12;
	v21 =	vand.u32 $0x40, v40  }
0x25d: {  	s1 =	sshll.u32 s29, $0xB;
	v20 =	vadd.s32 v41, v20;
	v42 =	vadd.s32 v0, v21  }
0x25e: {  	v45 =	vor.u32 s1, v13;
	v43 =	vmul.u32 $0xFFFFFE50, v20;
	v44 =	vand.u32 $0xFFFFFF80, v42  }
0x25f: {  	v22 =	vand.u32 $0x78, v42;
	v24 =	vadd.s32 v45, v44  }
0x260: {  	v19 =	vadd.s32 v19, v43;
	v22 =	vor.u32 v22, v24  }
0x261: {  	v46 =	vshll.u32 v20, $0x9;
	v47 =	vshll.u32 v19, $0x3  }
0x262: {  	v20 =	vshll.u32 v20, $0x7;
	v23 =	vand.u32 $0xFFFFF000, v46;
	v24 =	vand.u32 $0xFFFFFC00, v47  }
0x263: {  	v48 =	vadd.s32 v1, v21;
	v20 =	vand.u32 $0x380, v20;
	v23 =	vadd.s32 v23, v24  }
0x264: {  	s31 =	simm.s32 $0xB000;
	v49 =	vand.u32 $0xFFFFFF80, v48;
	v19 =	vand.u32 $0x7F, v19;
	v20 =	vor.u32 v20, v23  }
0x265: {  	v23 =	vadd.s32 v45, v49;
	v22 =	vld.idx.msk [tilespmem:v22+s31+$0x0], $0xffff;
	v19 =	vor.u32 v19, v20;
	v20 =	vand.u32 $0x79, v48  }
0x266: {  	v20 =	vor.u32 v20, v23;
	_ =	sdelay $0x2  }
0x267: {  	s21 =	simm.s32 $0xF000;
	v50 =	vadd.s32 v2, v21  }
0x268: {  	v51 =	vand.u32 $0xFFFFFF80, v50;
	[tilespmem:v19+s21+$0x0] =	vst.idx.msk vm9, v22  }
0x269: {  	v52 =	vadd.s32 $0x1000, v19;
	v23 =	vand.u32 $0x7A, v50;
	v22 =	vadd.s32 v45, v51;
	v20 =	vld.idx.msk [tilespmem:v20+s31+$0x0], $0xffff  }
0x26a: {  	v22 =	vor.u32 v23, v22;
	_ =	sdelay $0x2  }
0x26b: {  	v53 =	vadd.s32 v3, v21  }
0x26c: {  	[tilespmem:v52+s21+$0x0] =	vst.idx.msk vm9, v20;
	v20 =	vand.u32 $0xFFFFFF80, v53  }
0x26d: {  	v54 =	vadd.s32 $0x2000, v19;
	v23 =	vand.u32 $0x7B, v53;
	v22 =	vld.idx.msk [tilespmem:v22+s31+$0x0], $0xffff;
	v20 =	vadd.s32 v45, v20  }
0x26e: {  	v20 =	vor.u32 v23, v20;
	_ =	sdelay $0x2  }
0x26f: {  	v55 =	vadd.s32 v4, v21  }
0x270: {  	v56 =	vand.u32 $0xFFFFFF80, v55;
	[tilespmem:v54+s21+$0x0] =	vst.idx.msk vm9, v22  }
0x271: {  	v57 =	vadd.s32 $0x3000, v19;
	v23 =	vand.u32 $0x7C, v55;
	v22 =	vadd.s32 v45, v56;
	v20 =	vld.idx.msk [tilespmem:v20+s31+$0x0], $0xffff  }
0x272: {  	v22 =	vor.u32 v23, v22;
	_ =	sdelay $0x2  }
0x273: {  	v58 =	vadd.s32 v5, v21  }
0x274: {  	[tilespmem:v57+s21+$0x0] =	vst.idx.msk vm9, v20;
	v20 =	vand.u32 $0xFFFFFF80, v58  }
0x275: {  	v59 =	vadd.s32 $0x4000, v19;
	v23 =	vand.u32 $0x7D, v58;
	v22 =	vld.idx.msk [tilespmem:v22+s31+$0x0], $0xffff;
	v20 =	vadd.s32 v45, v20  }
0x276: {  	v20 =	vor.u32 v23, v20;
	_ =	sdelay $0x2  }
0x277: {  	v60 =	vadd.s32 v6, v21  }
0x278: {  	v61 =	vand.u32 $0xFFFFFF80, v60;
	[tilespmem:v59+s21+$0x0] =	vst.idx.msk vm9, v22  }
0x279: {  	v62 =	vadd.s32 $0x5000, v19;
	v23 =	vand.u32 $0x7E, v60;
	v22 =	vadd.s32 v45, v61;
	v20 =	vld.idx.msk [tilespmem:v20+s31+$0x0], $0xffff  }
0x27a: {  	v22 =	vor.u32 v23, v22;
	_ =	sdelay $0x2  }
0x27b: {  	v21 =	vadd.s32 v7, v21  }
0x27c: {  	[tilespmem:v62+s21+$0x0] =	vst.idx.msk vm9, v20;
	v20 =	vand.u32 $0xFFFFFF80, v21  }
0x27d: {  	v63 =	vadd.s32 $0x6000, v19;
	v21 =	vand.u32 $0x7F, v21;
	v22 =	vld.idx.msk [tilespmem:v22+s31+$0x0], $0xffff;
	v20 =	vadd.s32 v45, v20  }
0x27e: {  	s24 =	sld [smem:$0x7F9];
	v20 =	vor.u32 v21, v20  }
0x27f: {  	s9 =	sld [smem:$0x7FB]  }
0x280: {  	s19 =	rddreg [dreg:$0x1e]  }
0x281: {  	s6 =	rddreg [dreg:$0x16];
	s1 =	simm.s32 $0x1  }
0x282: {  	s1 =	simm.s32 @!p1 $0x0;
	p1 =	sgt.s32 s9, s6;
	s2 =	sadd.s32 $0x1, s24;
	[tilespmem:v63+s21+$0x0] =	vst.idx.msk vm9, v22  }
0x283: {  	s6 =	smov.u32 @p1 s9;
	p1 =	sgt.s32 s19, s2;
	v19 =	vadd.s32 $0x7000, v19;
	v20 =	vld.idx.msk [tilespmem:v20+s31+$0x0], $0xffff  }
.Ltmp15:
0x284: {  	s15 =	sld [smem:$0x7F7];
	(pc) =	sbr.rel @p1 .LBB2_23-.Ltmp15, $3  }
0x285: {  	s16 =	sld [smem:$0x7F8];
	_ =	sdelay $0x1  }
0x286: {  	s7 =	sadd.s32 $0x10, s15;
	s26 =	rddreg [dreg:$0x15]  }
0x287: {  	s12 =	sadd.s32 $0x10, s12;
	s8 =	sadd.s32 $0x10, s16;
	s4 =	sadd.s32 s1, s26;
	vm11 =	vcmask $0x704;
	[tilespmem:v19+s21+$0x0] =	vst.idx.msk vm9, v20  }
.Ltmp16:
0x288: {  	_ = 	snop;
	(pc) =	sbr.rel .LBB2_24-.Ltmp16, $1  }
0x289: {  	_ =	sdelay $0x3  }
.LBB2_21:
0x28a: {  	s4 =	rddreg [dreg:$0x15]  }
0x28b: {  	s6 =	rddreg [dreg:$0x16]  }
0x28c: {  	s4 =	smov.u32 @p1 s4;
	s6 =	smov.u32 @p1 s6  }
.LBB2_24:
0x28d: {  	s12 =	rddreg [dreg:$0x17]  }
0x28e: {  	s2 =	rddreg [dreg:$0xa];
	s1 =	sshll.u32 s12, $0xD  }
0x28f: {  	s2 =	sadd.s32 s2, s1  }
0x290: {  	s13 =	rddreg [dreg:$0x5];
	s2 =	sshrl.u32 s2, $0x3  }
0x291: {  	s31 =	simm.s32 $0x0;
	s14 =	rddreg [dreg:$0xb];
	s2 =	sadd.s32 s13, s2  }
0x292: {  	[hbm4b:s2+s31] =	stream.linear.scatter [tilespmem:s21], [sflag:$0x1], $0x1000, $0x38;
	[tilespmem:$0x1F000] =	vst v63  }
0x293: {  	s2 =	sadd.s32 s14, s1  }
0x294: {  	s2 =	sshrl.u32 s2, $0x3  }
0x295: {  	s5 =	simm.s32 $0x10000;
	s15 =	rddreg [dreg:$0xc];
	s2 =	sadd.s32 s13, s2  }
0x296: {  	[hbm4b:s2+s31] =	stream.linear.scatter [tilespmem:s5], [sflag:$0x1], $0x1000, $0x38;
	[tilespmem:$0x1F000] =	vst v63  }
0x297: {  	s2 =	sadd.s32 s15, s1  }
0x298: {  	s2 =	sshrl.u32 s2, $0x3  }
0x299: {  	s16 =	simm.s32 $0x11000;
	s17 =	rddreg [dreg:$0xd];
	s2 =	sadd.s32 s13, s2  }
0x29a: {  	[hbm4b:s2+s31] =	stream.linear.scatter [tilespmem:s16], [sflag:$0x1], $0x1000, $0x38;
	[tilespmem:$0x1F000] =	vst v63  }
0x29b: {  	s2 =	sadd.s32 s17, s1  }
0x29c: {  	s2 =	sshrl.u32 s2, $0x3  }
0x29d: {  	s18 =	simm.s32 $0x12000;
	s19 =	rddreg [dreg:$0xe];
	s2 =	sadd.s32 s13, s2  }
0x29e: {  	[hbm4b:s2+s31] =	stream.linear.scatter [tilespmem:s18], [sflag:$0x1], $0x1000, $0x38;
	[tilespmem:$0x1F000] =	vst v63  }
0x29f: {  	s2 =	sadd.s32 s19, s1  }
0x2a0: {  	s2 =	sshrl.u32 s2, $0x3  }
0x2a1: {  	s20 =	simm.s32 $0x13000;
	s21 =	rddreg [dreg:$0xf];
	s2 =	sadd.s32 s13, s2  }
0x2a2: {  	[hbm4b:s2+s31] =	stream.linear.scatter [tilespmem:s20], [sflag:$0x1], $0x1000, $0x38;
	[tilespmem:$0x1F000] =	vst v63  }
0x2a3: {  	[dreg:$0x16] =	wrdreg s6;
	s2 =	sadd.s32 s21, s1  }
0x2a4: {  	[dreg:$0x15] =	wrdreg s4;
	s23 =	simm.s32 $0x14000;
	s2 =	sshrl.u32 s2, $0x3  }
0x2a5: {  	s24 =	rddreg [dreg:$0x10];
	s25 =	simm.s32 $0x15000;
	s2 =	sadd.s32 s13, s2  }
0x2a6: {  	[hbm4b:s2+s31] =	stream.linear.scatter [tilespmem:s23], [sflag:$0x1], $0x1000, $0x38;
	[tilespmem:$0x1F000] =	vst v63  }
0x2a7: {  	s26 =	rddreg [dreg:$0x11];
	s28 =	simm.s32 $0x16000;
	s2 =	sadd.s32 s24, s1  }
0x2a8: {  	s4 =	sadd.s32 $0x0, s3;
	s1 =	sadd.s32 s26, s1;
	s2 =	sshrl.u32 s2, $0x3  }
0x2a9: {  	s11 =	smov.u32 s3;
	s1 =	sshrl.u32 s1, $0x3;
	s2 =	sadd.s32 s13, s2  }
0x2aa: {  	[hbm4b:s2+s31] =	stream.linear.scatter [tilespmem:s25], [sflag:$0x1], $0x1000, $0x38;
	[tilespmem:$0x1F000] =	vst v63  }
0x2ab: {  	s6 =	simm.s32 $0x8100;
	s29 =	smul.u32 $0x1B00, s12;
	s1 =	sadd.s32 s13, s1  }
0x2ac: {  	[hbm4b:s1+s31] =	stream.linear.scatter [tilespmem:s28], [sflag:$0x1], $0x1000, $0x38;
	[tilespmem:$0x1F000] =	vst v63  }
0x2ad: {  	s12 =	sadd.s32 $0x1B00, s29;
	s20 =	simm.s32 $0x17000;
	s1 =	simm.s32 $0xE  }
.LBB2_25:
0x2ae: {  	p1 =	sne.s32 s1, $0x1;
	p2 =	slt.s32 s4, $0x1;
	s2 =	sand.u32 $0x1, s4  }
0x2af: {  	s5 =	sshrl.u32 s4, $0x1F;
	p3 =	seq.s32 s2, $0x1  }
0x2b0: {  	s2 =	sadd.s32 s5, s4;
	p2 =	por !p2, !p3  }
0x2b1: {  	s4 =	simm.s32 $0x1;
	s2 =	sshra.s32 s2, $0x1;
	p2 =	por !p2, !p2  }
0x2b2: {  	s4 =	simm.s32 @!p2 $0x0  }
0x2b3: {  	s2 =	ssub.s32 s2, s4  }
0x2b4: {  	s5 =	smov.u32 s22;
	p2 =	slt.s32 s2, s22;
	s4 =	sadd.s32 $0x1, s2  }
0x2b5: {  	s5 =	smov.u32 @p2 s2  }
0x2b6: {  	v18 =	vmov s5;
	_ =	sdelay $0x4  }
0x2b7: {  	v18 =	vld.idx.msk [tilespmem:v18+s6+$0x0], $0xffff;
	_ =	sdelay $0x5  }
0x2b8: {  	(v2sf) =	vpush v18, $0x0;
	_ =	sdelay $0xe  }
.Ltmp17:
0x2b9: {  	s5 =	spop (v2sf);
	(pc) =	sbr.rel @p1 .LBB2_25-.Ltmp17, $4  }
0x2ba: {  	p2 =	slt.s32 s5, s12;
	s5 =	smov.u32 s31  }
0x2bb: {  	p3 =	slt.s32 s31, s11;
	s5 =	smov.u32 @p2 s4;
	s2 =	smov.u32 @p2 s11  }
0x2bc: {  	s31 =	smov.u32 @p3 s5;
	s11 =	smov.u32 @p3 s2  }
0x2bd: {  	s1 =	sadd.s32 $0xFFFFFFFF, s1;
	s4 =	sadd.s32 s31, s11  }
0x2be: {  	s1 =	sand.u32 $0x1, s4  }
0x2bf: {  	p1 =	slt.s32 s4, $0x1;
	p2 =	seq.s32 s1, $0x1  }
0x2c0: {  	s28 =	sshrl.u32 s4, $0x1F;
	p1 =	por !p1, !p2  }
0x2c1: {  	s2 =	simm.s32 $0x1;
	s1 =	sadd.s32 s28, s4;
	p1 =	por !p1, !p1  }
0x2c2: {  	s1 =	sshra.s32 s1, $0x1;
	s2 =	simm.s32 @!p1 $0x0  }
0x2c3: {  	s2 =	ssub.s32 s1, s2  }
0x2c4: {  	s1 =	smov.u32 s22;
	p1 =	slt.s32 s2, s22  }
0x2c5: {  	s1 =	smov.u32 @p1 s2  }
0x2c6: {  	v18 =	vmov s1;
	_ =	sdelay $0x4  }
0x2c7: {  	v18 =	vld.idx.msk [tilespmem:v18+s6+$0x0], $0xffff;
	_ =	sdelay $0x4  }
0x2c8: {  	(v2sf) =	vpush v18, $0x0;
	_ =	sdelay $0xe  }
0x2c9: {  	s6 =	simm.s32 @!p0 $0x2;
	s29 =	spop (v2sf)  }
0x2ca: {  	_ =	swait.ge @!p0 [sflag:s6], $0x1000  }
0x2cb: {  	[sflag:s6] =	ssyncset.done @!p0 $0x0  }
0x2cc: {  	[sflag:s6] =	ssyncadd.s32 @!p0 $0xFFFFF000  }
0x2cd: {  	_ =	swait.ge @!p0 [sflag:s6], $0x1000  }
0x2ce: {  	[sflag:s6] =	ssyncset.done @!p0 $0x0  }
0x2cf: {  	[sflag:s6] =	ssyncadd.s32 @!p0 $0xFFFFF000  }
0x2d0: {  	_ =	swait.ge @!p0 [sflag:s6], $0x1000  }
0x2d1: {  	s5 =	rddreg [dreg:$0x1a]  }
0x2d2: {  	[sflag:s6] =	ssyncset.done @!p0 $0x0;
	s1 =	sand.u32 @!p0 $0xF, s5  }
0x2d3: {  	p1 =	slt.s32 @!p0 s5, $0x1;
	[sflag:s6] =	ssyncadd.s32 @!p0 $0xFFFFF000;
	p2 =	sne.s32 @!p0 s1, $0x0  }
0x2d4: {  	s1 =	sshra.s32 @!p0 s5, $0x1F;
	_ =	swait.ge @!p0 [sflag:s6], $0x1000;
	p1 =	por @!p0 !p1, !p2  }
0x2d5: {  	s1 =	sshrl.u32 @!p0 s1, $0x1C;
	[sflag:s6] =	ssyncset.done @!p0 $0x0;
	p1 =	por @!p0 !p1, !p1  }
0x2d6: {  	s1 =	sadd.s32 @!p0 s1, s5;
	s5 =	simm.s32 @!p0 $0x1;
	p1 =	por !p1, p0  }
0x2d7: {  	[sflag:s6] =	ssyncadd.s32 @!p0 $0xFFFFF000;
	s1 =	sshra.s32 @!p0 s1, $0x4;
	s5 =	simm.s32 @p1 $0x0  }
0x2d8: {  	_ =	swait.ge @!p0 [sflag:s6], $0x1000;
	s1 =	ssub.s32 @!p0 s1, s5  }
0x2d9: {  	s5 =	rddreg [dreg:$0x18];
	s8 =	sshll.u32 @!p0 s1, $0x4  }
0x2da: {  	[sflag:s6] =	ssyncset.done @!p0 $0x0;
	s7 =	ssub.s32 @!p0 s5, s8  }
0x2db: {  	s2 =	sadd.s32 $0x1, s2;
	[sflag:s6] =	ssyncadd.s32 @!p0 $0xFFFFF000;
	s7 =	sadd.s32 @!p0 $0xF, s7  }
0x2dc: {  	p1 =	slt.s32 s29, s12;
	_ =	swait.ge @!p0 [sflag:s6], $0x1000;
	s4 =	sand.u32 @!p0 $0xF, s7  }
0x2dd: {  	[sflag:s6] =	ssyncset.done @!p0 $0x0;
	p2 =	slt.s32 @!p0 s7, $0x1;
	p3 =	sne.s32 @!p0 s4, $0x0  }
0x2de: {  	[sflag:s6] =	ssyncadd.s32 @!p0 $0xFFFFF000;
	s4 =	sshra.s32 @!p0 s7, $0x1F;
	p2 =	por @!p0 !p2, !p3  }
0x2df: {  	_ =	swait.ge @!p0 [sflag:s6], $0x1000;
	s4 =	sshrl.u32 @!p0 s4, $0x1C;
	p2 =	por @!p0 !p2, !p2  }
0x2e0: {  	s4 =	sadd.s32 @!p0 s4, s7;
	s7 =	simm.s32 @!p0 $0x1;
	p2 =	por !p2, p0  }
0x2e1: {  	[sflag:s6] =	ssyncset.done @!p0 $0x0;
	s4 =	sshra.s32 @!p0 s4, $0x4;
	s7 =	simm.s32 @p2 $0x0  }
0x2e2: {  	[sflag:s6] =	ssyncadd.s32 @!p0 $0xFFFFF000;
	s5 =	ssub.s32 @!p0 s4, s7;
	s4 =	smov.u32 s31  }
0x2e3: {  	_ =	swait.ge @!p0 [sflag:s6], $0x1000;
	s4 =	smov.u32 @p1 s2;
	p1 =	slt.s32 @!p0 s5, $0x1  }
0x2e4: {  	v18 =	vld [tilespmem:$0x1FFF0];
	p1 =	por p0, p1  }
.Ltmp18:
0x2e5: {  	_ = 	snop;
	(pc) =	sbr.rel @p1 .LBB2_29-.Ltmp18, $4  }
0x2e6: {  	vm15 =	vcmask $0x1F1C  }
0x2e7: {  	vm12 =	vcmask $0x2F2C;
	vm3 =	vcmask $0x2724;
	vm4 =	vcmask $0x300  }
0x2e8: {  	vm5 =	vcmask $0x2320;
	vm6 =	vcmask $0x2B28;
	vm7 =	vcmask $0x3330;
	[sflag:s6] =	ssyncset.done @!p0 $0x0;
	p2 =	slt.s32 s31, s11  }
0x2e9: {  	vm8 =	vcmask $0x3B38;
	vm14 =	vcmask $0x3734;
	[sflag:s6] =	ssyncadd.s32 @!p0 $0xFFFFF000;
	s31 =	smov.u32 @p2 s4;
	vm13 =	vnez.u8 v18  }
0x2ea: {  	s1 =	sshll.u32 s1, $0x6;
	s2 =	rddreg [dreg:$0x1b]  }
0x2eb: {  	s2 =	sadd.s32 $0xD80, s2;
	s1 =	sshra.s32 s1, $0x2  }
0x2ec: {  	v18 =	vmov s2;
	s11 =	sadd.s32 $0x8100, s1  }
.LBB2_28:
0x2ed: {  	v19 =	vld [tilespmem:s11+$0x0];
	_ =	sdelay $0x2  }
0x2ee: {  	v20 =	vor.u32 s8, v9  }
0x2ef: {  	vm9 =	vge.s32 v20, v16;
	vm10 =	vlt.s32 v20, v17  }
0x2f0: {  	vm9 =	vmand vm9, vm10;
	v19 =	vadd.s32 v18, v19  }
0x2f1: {  	v19 =	vnsel vm9, $0x0, v19  }
0x2f2: {  	(v2sf) =	vpush v19, $0xD;
	_ =	sdelay $0x1  }
0x2f3: {  	(v2sf) =	vpush v19, $0xC;
	_ =	sdelay $0x1  }
0x2f4: {  	(v2sf) =	vpush v19, $0xE;
	_ =	sdelay $0x1  }
0x2f5: {  	(v2sf) =	vpush v19, $0xF;
	_ =	sdelay $0x1  }
0x2f6: {  	(v2sf) =	vpush v19, $0x9;
	_ =	sdelay $0x1  }
0x2f7: {  	(v2sf) =	vpush v19, $0x8;
	_ =	sdelay $0x1  }
0x2f8: {  	(v2sf) =	vpush v19, $0xA;
	_ =	sdelay $0x1  }
0x2f9: {  	(v2sf) =	vpush v19, $0xB  }
0x2fa: {  	(v2sf) =	vpush v19, $0x0;
	s1 =	spop (v2sf)  }
0x2fb: {  	(v2sf) =	vpush v19, $0x1;
	s2 =	smulhi.u32 $0x4BDA12F7, s1;
	s1 =	sshra.s32 s1, $0x1F  }
0x2fc: {  	s4 =	spop (v2sf);
	s1 =	smul.u32 $0x4BDA12F7, s1  }
0x2fd: {  	(v2sf) =	vpush v19, $0x2;
	s6 =	smulhi.u32 $0x4BDA12F7, s4;
	s4 =	sshra.s32 s4, $0x1F  }
0x2fe: {  	s7 =	spop (v2sf);
	s4 =	smul.u32 $0x4BDA12F7, s4  }
0x2ff: {  	s12 =	smulhi.u32 $0x4BDA12F7, s7;
	s7 =	sshra.s32 s7, $0x1F  }
0x300: {  	(v2sf) =	vpush v19, $0x3;
	s10 =	spop (v2sf);
	s7 =	smul.u32 $0x4BDA12F7, s7  }
0x301: {  	[smem:$0x7F5] =	sst s8;
	(v2sf) =	vpush v19, $0x4;
	s15 =	smulhi.u32 $0x4BDA12F7, s10;
	s8 =	sshra.s32 s10, $0x1F  }
0x302: {  	(v2sf) =	vpush v19, $0x5;
	s9 =	spop (v2sf);
	s8 =	smul.u32 $0x4BDA12F7, s8  }
0x303: {  	(v2sf) =	vpush v19, $0x6;
	s17 =	smulhi.u32 $0x4BDA12F7, s9;
	s9 =	sshra.s32 s9, $0x1F  }
0x304: {  	(v2sf) =	vpush v19, $0x7;
	s13 =	spop (v2sf);
	s19 =	smul.u32 $0x4BDA12F7, s9  }
0x305: {  	[smem:$0x7F4] =	sst s5;
	s21 =	smulhi.u32 $0x4BDA12F7, s13;
	s13 =	sshra.s32 s13, $0x1F  }
0x306: {  	s2 =	sadd.s32 s1, s2;
	s14 =	spop (v2sf);
	s24 =	smul.u32 $0x4BDA12F7, s13  }
0x307: {  	[smem:$0x7F3] =	sst s2;
	s26 =	smulhi.u32 $0x4BDA12F7, s14;
	s14 =	sshra.s32 s14, $0x1F  }
0x308: {  	s2 =	sshrl.u32 s2, $0x1F;
	s16 =	spop (v2sf);
	s29 =	smul.u32 $0x4BDA12F7, s14  }
0x309: {  	s18 =	spop (v2sf);
	s13 =	smulhi.u32 $0x4BDA12F7, s16;
	s16 =	sshra.s32 s16, $0x1F  }
0x30a: {  	s7 =	sadd.s32 s7, s12;
	s20 =	spop (v2sf);
	s14 =	smul.u32 $0x4BDA12F7, s16  }
0x30b: {  	s16 =	sadd.s32 s4, s6;
	s4 =	smulhi.u32 $0x4BDA12F7, s18;
	s6 =	sshra.s32 s18, $0x1F  }
0x30c: {  	s15 =	sadd.s32 s8, s15;
	s23 =	spop (v2sf);
	s1 =	smul.u32 $0x4BDA12F7, s6  }
0x30d: {  	s10 =	sshrl.u32 s16, $0x1F;
	s12 =	smulhi.u32 $0x4BDA12F7, s20;
	s18 =	sshra.s32 s20, $0x1F  }
0x30e: {  	s20 =	sshrl.u32 s7, $0x1F;
	s6 =	sadd.s32 s24, s21;
	s8 =	smul.u32 $0x4BDA12F7, s18  }
0x30f: {  	s25 =	spop (v2sf);
	s18 =	sadd.s32 s19, s17;
	s17 =	smulhi.u32 $0x4BDA12F7, s23  }
0x310: {  	s19 =	sshra.s32 s23, $0x1F;
	s23 =	sshrl.u32 s15, $0x1F;
	s28 =	spop (v2sf)  }
0x311: {  	s13 =	sadd.s32 s14, s13;
	s21 =	smul.u32 $0x4BDA12F7, s19;
	s5 =	spop (v2sf)  }
0x312: {  	s24 =	smulhi.u32 $0x4BDA12F7, s25;
	s25 =	sshra.s32 s25, $0x1F;
	s9 =	spop (v2sf)  }
0x313: {  	s19 =	sadd.s32 s29, s26;
	s14 =	smul.u32 $0x4BDA12F7, s25;
	s26 =	spop (v2sf)  }
0x314: {  	s1 =	sadd.s32 s1, s4;
	s4 =	smulhi.u32 $0x4BDA12F7, s26;
	s25 =	sshra.s32 s26, $0x1F  }
0x315: {  	s8 =	sadd.s32 s8, s12;
	s29 =	sshra.s32 s28, $0x1F;
	s12 =	smul.u32 $0x4BDA12F7, s25  }
0x316: {  	v21 =	vmov s10;
	s17 =	sadd.s32 s21, s17;
	s21 =	smulhi.u32 $0x4BDA12F7, s28;
	s28 =	sshrl.u32 s6, $0x1F  }
0x317: {  	v21 =	vsel vm0, s2, v21;
	s10 =	sshra.s32 s8, $0x7;
	s6 =	sshra.s32 s6, $0x7;
	s4 =	sadd.s32 s12, s4  }
0x318: {  	v21 =	vsel vm1, s20, v21;
	s14 =	sadd.s32 s14, s24;
	s25 =	smul.u32 $0x4BDA12F7, s29;
	s29 =	sshra.s32 s4, $0x1F  }
0x319: {  	v21 =	vsel vm2, s23, v21;
	s24 =	sshra.s32 s1, $0x7;
	s23 =	sshra.s32 s17, $0x7;
	s2 =	smulhi.u32 $0x4BDA12F7, s5;
	v20 =	vmov s29  }
0x31a: {  	vm10 =	vcmask $0xF0C;
	s5 =	sshra.s32 s5, $0x1F;
	s29 =	sshrl.u32 s1, $0x1F;
	s1 =	sshra.s32 s1, $0x1F;
	v20 =	vsel vm4, s24, v20  }
0x31b: {  	v23 =	vmov s28;
	s5 =	smul.u32 $0x4BDA12F7, s5;
	s26 =	sshrl.u32 s18, $0x1F;
	s12 =	sshrl.u32 s19, $0x1F;
	v22 =	vmov s29;
	v20 =	vsel vm11, s1, v20  }
0x31c: {  	v23 =	vsel vm0, s26, v23;
	s21 =	sadd.s32 s25, s21;
	s24 =	sshrl.u32 s8, $0x1F;
	s8 =	sshra.s32 s8, $0x1F;
	v22 =	vnsel vm4, $0x0, v22;
	v20 =	vsel vm0, s10, v20  }
0x31d: {  	s25 =	sshrl.u32 s13, $0x1F;
	v23 =	vsel vm1, s12, v23;
	s12 =	sld [smem:$0x7F3];
	s29 =	sshrl.u32 s17, $0x1F;
	v22 =	vsel vm0, s24, v22;
	v20 =	vsel vm10, s8, v20  }
0x31e: {  	s10 =	smulhi.u32 $0x4BDA12F7, s9;
	s9 =	sshra.s32 s9, $0x1F;
	v22 =	vsel vm1, s29, v22;
	s29 =	sshra.s32 s17, $0x1F;
	vm10 =	vcmask $0x1714;
	v20 =	vsel vm1, s23, v20  }
0x31f: {  	s24 =	sshrl.u32 s14, $0x1F;
	s28 =	smul.u32 $0x4BDA12F7, s9;
	s17 =	sshra.s32 s14, $0x7;
	v20 =	vsel vm10, s29, v20  }
0x320: {  	v23 =	vsel vm2, s25, v23;
	s1 =	sadd.s32 s5, s2;
	s5 =	sshrl.u32 s21, $0x1F;
	v22 =	vsel vm2, s24, v22;
	s24 =	sshra.s32 s14, $0x1F;
	v20 =	vsel vm2, s17, v20  }
0x321: {  	v24 =	vmov s6;
	v21 =	vcombine.low v23, v21;
	s14 =	sshra.s32 s18, $0x7;
	s8 =	sadd.s32 s28, s10;
	s28 =	sshra.s32 s21, $0x7;
	v20 =	vsel vm15, s24, v20  }
0x322: {  	s23 =	sshrl.u32 s1, $0x1F;
	v22 =	vsel vm5, s5, v22;
	s29 =	sshra.s32 s16, $0x7;
	s10 =	sshra.s32 s21, $0x1F;
	v24 =	vsel vm0, s14, v24;
	v20 =	vsel vm5, s28, v20  }
0x323: {  	s9 =	sshra.s32 s12, $0x7;
	s18 =	sshra.s32 s19, $0x7;
	s16 =	sshra.s32 s1, $0x7;
	v22 =	vsel vm6, s23, v22;
	v55 =	vmov s29;
	v20 =	vsel vm3, s10, v20  }
0x324: {  	s1 =	sshra.s32 s1, $0x1F;
	s26 =	sshrl.u32 s8, $0x1F;
	s17 =	sshra.s32 s7, $0x7;
	v24 =	vsel vm1, s18, v24;
	v23 =	vsel vm0, s9, v55;
	v20 =	vsel vm6, s16, v20  }
0x325: {  	s19 =	sshra.s32 s15, $0x7;
	s21 =	sshra.s32 s13, $0x7;
	s23 =	sshra.s32 s8, $0x7;
	v22 =	vsel vm7, s26, v22;
	v23 =	vsel vm1, s17, v23;
	v20 =	vsel vm12, s1, v20  }
0x326: {  	s24 =	sshrl.u32 s4, $0x1F;
	v24 =	vsel vm2, s21, v24;
	s26 =	sshra.s32 s8, $0x1F;
	v23 =	vsel vm2, s19, v23;
	v20 =	vsel vm7, s23, v20  }
0x327: {  	s29 =	sshra.s32 s4, $0x7;
	v22 =	vsel vm8, s24, v22;
	v23 =	vcombine.low v24, v23;
	v20 =	vsel vm14, s26, v20  }
0x328: {  	v21 =	vperm.xlane v21, v10;
	v22 =	vperm.xlane v22, v11;
	v20 =	vsel vm8, s29, v20  }
0x329: {  	v23 =	vperm.xlane v23, v10;
	v20 =	vperm.xlane v20, v11;
	_ =	sdelay $0x1  }
0x32a: {  	v21 =	vsel vm13, v22, v21;
	v20 =	vsel vm13, v20, v23  }
0x32b: {  	v20 =	vadd.s32 v21, v20  }
0x32c: {  	v21 =	vmul.u32 $0xFFFFFE50, v20  }
0x32d: {  	v56 =	vsub.s32 $0x0, v19  }
0x32e: {  	vm10 =	vlt.s32 v19, $0x1;
	vm11 =	vne.s32 v21, v56  }
0x32f: {  	vm10 =	vmand vm10, vm11  }
0x330: {  	v57 =	vsel vm10, $0xFFFFFFFF, v12  }
0x331: {  	v20 =	vadd.s32 v57, v20  }
0x332: {  	v21 =	vmul.u32 $0xFFFFFE50, v20;
	_ =	sdelay $0x1  }
0x333: {  	v19 =	vadd.s32 v19, v21  }
0x334: {  	v58 =	vshll.u32 v20, $0x9;
	v59 =	vshll.u32 v19, $0x3  }
0x335: {  	v20 =	vshll.u32 v20, $0x7;
	v21 =	vand.u32 $0xFFFFF000, v58;
	v22 =	vand.u32 $0xFFFFFC00, v59  }
0x336: {  	v20 =	vand.u32 $0x380, v20;
	v21 =	vadd.s32 v21, v22  }
0x337: {  	v19 =	vand.u32 $0x7F, v19;
	v20 =	vor.u32 v20, v21  }
0x338: {  	v19 =	vor.u32 v19, v20  }
0x339: {  	v20 =	vadd.s32 $0x1000, v19  }
0x33a: {  	v60 =	vadd.s32 $0x2000, v19  }
0x33b: {  	v61 =	vadd.s32 $0x3000, v19  }
0x33c: {  	s20 =	simm.s32 $0x17000;
	s25 =	sld [smem:$0x7F4];
	v62 =	vadd.s32 $0x4000, v19  }
0x33d: {  	v63 =	vadd.s32 $0x5000, v19;
	[tilespmem:v19+s20+$0x0] =	vst.idx.msk vm9, v8  }
0x33e: {  	[tilespmem:v20+s20+$0x0] =	vst.idx.msk vm9, v8;
	v20 =	vadd.s32 $0x6000, v19  }
0x33f: {  	p0 =	sne.s32 s25, $0x1;
	v19 =	vadd.s32 $0x7000, v19;
	[tilespmem:v60+s20+$0x0] =	vst.idx.msk vm9, v8  }
.Ltmp19:
0x340: {  	[tilespmem:v61+s20+$0x0] =	vst.idx.msk vm9, v8;
	(pc) =	sbr.rel @p0 .LBB2_28-.Ltmp19, $4  }
0x341: {  	s28 =	sld [smem:$0x7F5];
	[tilespmem:v62+s20+$0x0] =	vst.idx.msk vm9, v8  }
0x342: {  	[tilespmem:v63+s20+$0x0] =	vst.idx.msk vm9, v8  }
0x343: {  	[tilespmem:v20+s20+$0x0] =	vst.idx.msk vm9, v8  }
0x344: {  	s11 =	sadd.s32 $0x10, s11;
	s5 =	sadd.s32 $0xFFFFFFFF, s25;
	s8 =	sadd.s32 $0x10, s28;
	vm11 =	vcmask $0x704;
	[tilespmem:v19+s20+$0x0] =	vst.idx.msk vm9, v8  }
.LBB2_29:
0x345: {  	s1 =	sshra.s32 s30, $0x1F;
	s2 =	sand.u32 $0xF, s30  }
0x346: {  	p0 =	slt.s32 s30, $0x1;
	s26 =	sadd.s32 $0xF, s31;
	s5 =	simm.s32 $0x1  }
0x347: {  	p6 =	slt.s32 s31, $0xFFFFFFF2;
	s1 =	sshrl.u32 s1, $0x1C;
	p1 =	sne.s32 s2, $0x0  }
0x348: {  	s4 =	sand.u32 $0xF, s26;
	s28 =	sshra.s32 s26, $0x1F;
	s2 =	simm.s32 $0x1  }
0x349: {  	s1 =	sadd.s32 s1, s30;
	p0 =	por !p0, !p1;
	p5 =	sne.s32 s4, $0x0  }
0x34a: {  	s4 =	sshrl.u32 s28, $0x1C;
	s1 =	sshra.s32 s1, $0x4;
	p0 =	por !p0, !p0  }
0x34b: {  	s29 =	sadd.s32 s4, s26;
	s5 =	simm.s32 @!p0 $0x0;
	p0 =	por !p6, !p5  }
0x34c: {  	s5 =	ssub.s32 s1, s5;
	s1 =	sshra.s32 s29, $0x4;
	p0 =	por !p0, !p0  }
0x34d: {  	s1 =	ssub.s32 s1, s5;
	s2 =	simm.s32 @!p0 $0x0  }
0x34e: {  	p0 =	sle.s32 s31, s30;
	s4 =	ssub.s32 s1, s2  }
0x34f: {  	p1 =	slt.s32 @!p0 s4, $0x1  }
0x350: {  	p1 =	por p0, p1  }
.Ltmp20:
0x351: {  	_ = 	snop;
	(pc) =	sbr.rel @p1 .LBB2_30-.Ltmp20, $2  }
0x352: {  	_ =	sdelay $0x2  }
0x353: {  	[dreg:$0x1d] =	wrdreg s5  }
0x354: {  	v18 =	vld [tilespmem:$0x1FFF0]  }
0x355: {  	s2 =	rddreg [dreg:$0x1d]  }
0x356: {  	v16 =	vmov s31;
	v17 =	vmov s0;
	vm15 =	vcmask $0x1F1C;
	s11 =	rddreg [dreg:$0x15]  }
0x357: {  	vm12 =	vcmask $0x2F2C;
	vm14 =	vcmask $0x2724;
	vm4 =	vcmask $0x300;
	s6 =	rddreg [dreg:$0x16];
	s1 =	sshll.u32 s2, $0x6  }
0x358: {  	vm5 =	vcmask $0x2320;
	vm6 =	vcmask $0x2B28;
	vm7 =	vcmask $0x3330;
	[dreg:$0x1f] =	wrdreg s4;
	s7 =	sshll.u32 s2, $0x4;
	s1 =	sshra.s32 s1, $0x2  }
0x359: {  	vm13 =	vcmask $0x3B38;
	vm8 =	vcmask $0x3734;
	s5 =	sadd.s32 $0x8100, s1;
	s10 =	sadd.s32 $0x5200, s1;
	s1 =	simm.s32 $0x0;
	vm3 =	vnez.u8 v18  }
.LBB2_32:
0x35a: {  	s0 =	rddreg [dreg:$0x1d]  }
0x35b: {  	[smem:$0x7F0] =	sst s1;
	s8 =	sadd.s32 s1, s0  }
0x35c: {  	s26 =	rddreg [dreg:$0x14];
	s1 =	sadd.s32 $0x7, s8  }
0x35d: {  	p0 =	slt.s32 s11, s26;
	p1 =	sle.s32 s11, s1  }
0x35e: {  	p0 =	por !p0, !p1  }
0x35f: {  	p0 =	por !p0, !p0  }
0x360: {  	s1 =	sshll.u32 @p0 s11, $0x4  }
0x361: {  	v18 =	vld @p0 [tilespmem:s1+$0x5200];
	_ =	sdelay $0x1  }
0x362: {  	v19 =	vlaneseq.u32 @p0  }
0x363: {  	v19 =	vor.u32 @p0 s1, v19  }
0x364: {  	vm9 =	vlt.s32 @p0 v19, v14  }
0x365: {  	v18 =	vnsel @p0 vm9, $0x0, v18;
	_ =	sdelay $0x3  }
0x366: {  	s1 =	simm.s32 @p0 $0x2300  }
0x367: {  	v18 =	vld.idx.msk @p0 [tilespmem:v18+s1+$0x0], $0xffff;
	_ =	sdelay $0x4  }
0x368: {  	v19 =	vand.u32 @p0 $0x1, v18  }
0x369: {  	v20 =	vshrl.u32 @p0 v18, $0x1F;
	vm9 =	vlt.s32 @p0 v18, $0x1;
	vm10 =	veq.s32 @p0 v19, $0x1  }
0x36a: {  	v18 =	vadd.s32 @p0 v20, v18;
	v19 =	vimm.s32 @p0 $0x0;
	vm9 =	vmand @p0 vm9, vm10  }
0x36b: {  	[smem:$0x7EE] =	sst s7;
	v18 =	vshra.s32 @p0 v18, $0x1;
	v19 =	vsel @p0 vm9, $0xFFFFFFFF, v19  }
0x36c: {  	[smem:$0x7ED] =	sst s10;
	v18 =	vadd.s32 @p0 v19, v18  }
0x36d: {  	[smem:$0x7EF] =	sst s5  }
0x36e: {  	[smem:$0x7F2] =	sst s6;
	s1 =	sand.u32 @p0 $0x7, s11  }
0x36f: {  	s0 =	rddreg [dreg:$0x1];
	s2 =	sshll.u32 @p0 s1, $0xB  }
0x370: {  	s4 =	simm.s32 @p0 $0x0;
	s1 =	sadd.s32 @p0 $0x3, s1;
	s2 =	sadd.s32 @p0 $0xB000, s2;
	vm9 =	vmmov @p0 $0xffff  }
0x371: {  	[tilespmem:s2], [sflag:s1] =	stream.indirect_vreg.gather @p0 [hbm4b:s0+s4], $0x80, v18, vm9, $0xb8;
	[tilespmem:$0x1F000] =	vst v63  }
0x372: {  	[dreg:$0x16] =	wrdreg s8;
	p1 =	sle.s32 s8, s6;
	s0 =	sand.u32 $0x7, s8  }
0x373: {  	[smem:$0x7F1] =	sst s0;
	s1 =	sadd.s32 @!p1 $0x3, s0  }
0x374: {  	_ =	swait.ge @!p1 [sflag:s1], $0x800  }
0x375: {  	[sflag:s1] =	ssyncset.done @!p1 $0x0  }
0x376: {  	[sflag:s1] =	ssyncadd.s32 @!p1 $0xFFFFF800  }
0x377: {  	v18 =	vld [tilespmem:s5+$0x0];
	_ =	sdelay $0x2  }
0x378: {  	v19 =	vor.u32 s7, v9  }
0x379: {  	vm10 =	vlt.s32 v19, v16;
	vm9 =	vge.s32 v19, v15  }
0x37a: {  	vm9 =	vmand vm9, vm10;
	v18 =	vsub.s32 v18, v17  }
0x37b: {  	v18 =	vnsel vm9, $0x0, v18  }
0x37c: {  	(v2sf) =	vpush v18, $0xD;
	_ =	sdelay $0x1  }
0x37d: {  	(v2sf) =	vpush v18, $0xC;
	_ =	sdelay $0x1  }
0x37e: {  	(v2sf) =	vpush v18, $0xE;
	_ =	sdelay $0x1  }
0x37f: {  	(v2sf) =	vpush v18, $0xF;
	_ =	sdelay $0x1  }
0x380: {  	(v2sf) =	vpush v18, $0x9;
	_ =	sdelay $0x1  }
0x381: {  	(v2sf) =	vpush v18, $0x8;
	_ =	sdelay $0x1  }
0x382: {  	(v2sf) =	vpush v18, $0xA;
	_ =	sdelay $0x1  }
0x383: {  	(v2sf) =	vpush v18, $0xB  }
0x384: {  	s28 =	spop (v2sf)  }
0x385: {  	(v2sf) =	vpush v18, $0x0;
	s2 =	smulhi.u32 $0x4BDA12F7, s28;
	s1 =	sshra.s32 s28, $0x1F  }
0x386: {  	s29 =	spop (v2sf);
	s1 =	smul.u32 $0x4BDA12F7, s1  }
0x387: {  	(v2sf) =	vpush v18, $0x1;
	s6 =	smulhi.u32 $0x4BDA12F7, s29;
	s4 =	sshra.s32 s29, $0x1F  }
0x388: {  	s0 =	spop (v2sf);
	s4 =	smul.u32 $0x4BDA12F7, s4  }
0x389: {  	(v2sf) =	vpush v18, $0x2;
	s8 =	smulhi.u32 $0x4BDA12F7, s0;
	s7 =	sshra.s32 s0, $0x1F  }
0x38a: {  	s9 =	spop (v2sf);
	s7 =	smul.u32 $0x4BDA12F7, s7  }
0x38b: {  	(v2sf) =	vpush v18, $0x3;
	s14 =	smulhi.u32 $0x4BDA12F7, s9;
	s9 =	sshra.s32 s9, $0x1F  }
0x38c: {  	(v2sf) =	vpush v18, $0x4;
	s15 =	spop (v2sf);
	s9 =	smul.u32 $0x4BDA12F7, s9  }
0x38d: {  	(v2sf) =	vpush v18, $0x5;
	s19 =	smulhi.u32 $0x4BDA12F7, s15;
	s15 =	sshra.s32 s15, $0x1F  }
0x38e: {  	(v2sf) =	vpush v18, $0x6;
	s16 =	spop (v2sf);
	s15 =	smul.u32 $0x4BDA12F7, s15  }
0x38f: {  	(v2sf) =	vpush v18, $0x7;
	s20 =	smulhi.u32 $0x4BDA12F7, s16;
	s16 =	sshra.s32 s16, $0x1F  }
0x390: {  	s17 =	spop (v2sf);
	s21 =	smul.u32 $0x4BDA12F7, s16  }
0x391: {  	s23 =	smulhi.u32 $0x4BDA12F7, s17;
	s17 =	sshra.s32 s17, $0x1F  }
0x392: {  	s18 =	spop (v2sf);
	s28 =	smul.u32 $0x4BDA12F7, s17  }
0x393: {  	s14 =	sadd.s32 s9, s14;
	s24 =	smulhi.u32 $0x4BDA12F7, s18;
	s13 =	sshra.s32 s18, $0x1F  }
0x394: {  	s5 =	spop (v2sf);
	s18 =	sadd.s32 s4, s6;
	s25 =	smul.u32 $0x4BDA12F7, s13  }
0x395: {  	s9 =	sadd.s32 s15, s19;
	s13 =	smulhi.u32 $0x4BDA12F7, s5;
	s16 =	sshra.s32 s5, $0x1F  }
0x396: {  	s26 =	spop (v2sf);
	s19 =	sadd.s32 s21, s20;
	s5 =	smul.u32 $0x4BDA12F7, s16  }
0x397: {  	s16 =	sadd.s32 s1, s2;
	s2 =	smulhi.u32 $0x4BDA12F7, s26;
	s17 =	sshra.s32 s26, $0x1F  }
0x398: {  	s4 =	smul.u32 $0x4BDA12F7, s17;
	s17 =	sadd.s32 s7, s8;
	s29 =	spop (v2sf)  }
0x399: {  	s8 =	sshrl.u32 s16, $0x1F;
	s7 =	smulhi.u32 $0x4BDA12F7, s29;
	s29 =	sshra.s32 s29, $0x1F  }
0x39a: {  	s1 =	sadd.s32 s25, s24;
	s10 =	spop (v2sf);
	s29 =	smul.u32 $0x4BDA12F7, s29  }
0x39b: {  	s12 =	spop (v2sf);
	s15 =	smulhi.u32 $0x4BDA12F7, s10;
	s6 =	sshra.s32 s10, $0x1F  }
0x39c: {  	s5 =	sadd.s32 s5, s13;
	s0 =	spop (v2sf);
	s20 =	smul.u32 $0x4BDA12F7, s6  }
0x39d: {  	s21 =	smulhi.u32 $0x4BDA12F7, s12;
	s12 =	sshra.s32 s12, $0x1F;
	s26 =	spop (v2sf)  }
0x39e: {  	s10 =	sshrl.u32 s18, $0x1F;
	s12 =	smul.u32 $0x4BDA12F7, s12;
	s25 =	spop (v2sf)  }
0x39f: {  	s6 =	sadd.s32 s28, s23;
	s13 =	smulhi.u32 $0x4BDA12F7, s25;
	s23 =	sshra.s32 s25, $0x1F  }
0x3a0: {  	s24 =	sshrl.u32 s17, $0x1F;
	v36 =	vmov s10;
	s10 =	sshrl.u32 s19, $0x1F;
	s28 =	smul.u32 $0x4BDA12F7, s23  }
0x3a1: {  	s2 =	sadd.s32 s4, s2;
	s7 =	sadd.s32 s29, s7;
	v22 =	vmov s10;
	s10 =	sld [smem:$0x7ED]  }
0x3a2: {  	s29 =	sshra.s32 s5, $0x7;
	s23 =	sadd.s32 s12, s21;
	s4 =	sadd.s32 s28, s13  }
0x3a3: {  	s12 =	smulhi.u32 $0x4BDA12F7, s0;
	s0 =	sshra.s32 s0, $0x1F;
	s13 =	sshra.s32 s4, $0x1F  }
0x3a4: {  	v20 =	vsel vm0, s8, v36;
	s8 =	sshra.s32 s9, $0x7;
	s15 =	sadd.s32 s20, s15;
	v23 =	vld [tilespmem:s10+$0x0];
	s0 =	smul.u32 $0x4BDA12F7, s0;
	v19 =	vmov s13  }
0x3a5: {  	vm10 =	vcmask $0xF0C;
	s20 =	sshrl.u32 s9, $0x1F;
	s28 =	sshrl.u32 s5, $0x1F;
	s5 =	sshra.s32 s5, $0x1F;
	v19 =	vsel vm4, s29, v19  }
0x3a6: {  	v20 =	vsel vm1, s24, v20;
	s24 =	sshra.s32 s26, $0x1F;
	v21 =	vmov s28;
	s0 =	sadd.s32 s0, s12;
	s12 =	sshra.s32 s2, $0x7;
	v19 =	vsel vm11, s5, v19  }
0x3a7: {  	s25 =	sshrl.u32 s14, $0x1F;
	v22 =	vsel vm0, s20, v22;
	s28 =	sshrl.u32 s2, $0x1F;
	s2 =	sshra.s32 s2, $0x1F;
	v21 =	vnsel vm4, $0x0, v21;
	v19 =	vsel vm0, s12, v19  }
0x3a8: {  	s20 =	sshra.s32 s15, $0x7;
	s21 =	smulhi.u32 $0x4BDA12F7, s26;
	v20 =	vsel vm2, s25, v20;
	s26 =	sshra.s32 s7, $0x7;
	v21 =	vsel vm0, s28, v21;
	v19 =	vsel vm10, s2, v19  }
0x3a9: {  	s29 =	sshrl.u32 s7, $0x1F;
	s28 =	sshrl.u32 s6, $0x1F;
	s7 =	sshra.s32 s7, $0x1F;
	v37 =	vnsel vm9, $0x0, v23;
	vm10 =	vcmask $0x1714;
	v19 =	vsel vm1, s26, v19  }
0x3aa: {  	s25 =	sshrl.u32 s15, $0x1F;
	s9 =	sshra.s32 s23, $0x1F;
	v21 =	vsel vm1, s29, v21;
	v22 =	vsel vm1, s28, v22;
	s28 =	sshra.s32 s19, $0x7;
	v19 =	vsel vm10, s7, v19  }
0x3ab: {  	s29 =	sshrl.u32 s23, $0x1F;
	s12 =	smul.u32 $0x4BDA12F7, s24;
	v21 =	vsel vm2, s25, v21;
	s25 =	sshra.s32 s15, $0x1F;
	v25 =	vmov s28;
	v19 =	vsel vm2, s20, v19  }
0x3ac: {  	s13 =	sshrl.u32 s0, $0x1F;
	s6 =	sshra.s32 s6, $0x7;
	v21 =	vsel vm5, s29, v21;
	s29 =	sshra.s32 s23, $0x7;
	v25 =	vsel vm0, s8, v25;
	v19 =	vsel vm15, s25, v19  }
0x3ad: {  	s2 =	sadd.s32 s12, s21;
	v21 =	vsel vm6, s13, v21;
	s21 =	sshrl.u32 s1, $0x1F;
	s26 =	sshra.s32 s18, $0x7;
	v25 =	vsel vm1, s6, v25;
	v19 =	vsel vm5, s29, v19  }
0x3ae: {  	s13 =	sshra.s32 s0, $0x7;
	s1 =	sshra.s32 s1, $0x7;
	v22 =	vsel vm2, s21, v22;
	v24 =	vmov s26;
	s7 =	sshra.s32 s16, $0x7;
	v19 =	vsel vm14, s9, v19  }
0x3af: {  	s12 =	sshra.s32 s17, $0x7;
	s0 =	sshra.s32 s0, $0x1F;
	s24 =	sshrl.u32 s2, $0x1F;
	v25 =	vsel vm2, s1, v25;
	v24 =	vsel vm0, s7, v24;
	v19 =	vsel vm6, s13, v19  }
0x3b0: {  	s16 =	sshra.s32 s14, $0x7;
	s18 =	sshra.s32 s2, $0x7;
	v21 =	vsel vm7, s24, v21;
	v24 =	vsel vm1, s12, v24;
	v19 =	vsel vm12, s0, v19  }
0x3b1: {  	s19 =	sshrl.u32 s4, $0x1F;
	s21 =	sshra.s32 s2, $0x1F;
	v20 =	vcombine.low v22, v20;
	v24 =	vsel vm2, s16, v24;
	v19 =	vsel vm7, s18, v19  }
0x3b2: {  	s24 =	sshra.s32 s4, $0x7;
	v21 =	vsel vm13, s19, v21;
	v38 =	vcombine.low v25, v24;
	v19 =	vsel vm8, s21, v19  }
0x3b3: {  	v20 =	vperm.xlane v20, v10;
	v21 =	vperm.xlane v21, v11;
	v19 =	vsel vm13, s24, v19  }
0x3b4: {  	v23 =	vperm.xlane v38, v10;
	v19 =	vperm.xlane v19, v11  }
0x3b5: {  	s26 =	simm.s32 $0x2300  }
0x3b6: {  	v22 =	vld.idx.msk [tilespmem:v37+s26+$0x0], $0xffff;
	v20 =	vsel vm3, v21, v20;
	v19 =	vsel vm3, v19, v23  }
0x3b7: {  	v19 =	vadd.s32 v20, v19  }
0x3b8: {  	v20 =	vmul.u32 $0xFFFFFE50, v19  }
0x3b9: {  	v39 =	vsub.s32 $0x0, v18  }
0x3ba: {  	s28 =	sld [smem:$0x7F1];
	vm10 =	vlt.s32 v18, $0x1;
	vm11 =	vne.s32 v20, v39  }
0x3bb: {  	v40 =	vshll.u32 v22, $0x6;
	vm10 =	vmand vm10, vm11  }
0x3bc: {  	v20 =	vand.u32 $0x40, v40;
	v41 =	vsel vm10, $0xFFFFFFFF, v12  }
0x3bd: {  	s0 =	sshll.u32 s28, $0xB;
	v42 =	vadd.s32 v0, v20;
	v19 =	vadd.s32 v41, v19  }
0x3be: {  	v45 =	vor.u32 s0, v13;
	v44 =	vand.u32 $0xFFFFFF80, v42;
	v43 =	vmul.u32 $0xFFFFFE50, v19  }
0x3bf: {  	v21 =	vand.u32 $0x78, v42;
	v23 =	vadd.s32 v45, v44  }
0x3c0: {  	v21 =	vor.u32 v21, v23;
	v18 =	vadd.s32 v18, v43  }
0x3c1: {  	v46 =	vshll.u32 v19, $0x9;
	v47 =	vshll.u32 v18, $0x3  }
0x3c2: {  	v19 =	vshll.u32 v19, $0x7;
	v22 =	vand.u32 $0xFFFFF000, v46;
	v23 =	vand.u32 $0xFFFFFC00, v47  }
0x3c3: {  	v48 =	vadd.s32 v1, v20;
	v19 =	vand.u32 $0x380, v19;
	v22 =	vadd.s32 v22, v23  }
0x3c4: {  	s29 =	simm.s32 $0xB000;
	v49 =	vand.u32 $0xFFFFFF80, v48;
	v18 =	vand.u32 $0x7F, v18;
	v19 =	vor.u32 v19, v22  }
0x3c5: {  	v21 =	vld.idx.msk [tilespmem:v21+s29+$0x0], $0xffff;
	v22 =	vadd.s32 v45, v49;
	v18 =	vor.u32 v18, v19;
	v19 =	vand.u32 $0x79, v48  }
0x3c6: {  	v19 =	vor.u32 v19, v22;
	_ =	sdelay $0x2  }
0x3c7: {  	s20 =	simm.s32 $0x17000;
	v50 =	vadd.s32 v2, v20  }
0x3c8: {  	v51 =	vand.u32 $0xFFFFFF80, v50;
	[tilespmem:v18+s20+$0x0] =	vst.idx.msk vm9, v21  }
0x3c9: {  	v52 =	vadd.s32 $0x1000, v18;
	v22 =	vand.u32 $0x7A, v50;
	v21 =	vadd.s32 v45, v51;
	v19 =	vld.idx.msk [tilespmem:v19+s29+$0x0], $0xffff  }
0x3ca: {  	v21 =	vor.u32 v22, v21;
	_ =	sdelay $0x2  }
0x3cb: {  	v53 =	vadd.s32 v3, v20  }
0x3cc: {  	[tilespmem:v52+s20+$0x0] =	vst.idx.msk vm9, v19;
	v19 =	vand.u32 $0xFFFFFF80, v53  }
0x3cd: {  	v54 =	vadd.s32 $0x2000, v18;
	v22 =	vand.u32 $0x7B, v53;
	v21 =	vld.idx.msk [tilespmem:v21+s29+$0x0], $0xffff;
	v19 =	vadd.s32 v45, v19  }
0x3ce: {  	v19 =	vor.u32 v22, v19;
	_ =	sdelay $0x2  }
0x3cf: {  	v55 =	vadd.s32 v4, v20  }
0x3d0: {  	v56 =	vand.u32 $0xFFFFFF80, v55;
	[tilespmem:v54+s20+$0x0] =	vst.idx.msk vm9, v21  }
0x3d1: {  	v57 =	vadd.s32 $0x3000, v18;
	v22 =	vand.u32 $0x7C, v55;
	v21 =	vadd.s32 v45, v56;
	v19 =	vld.idx.msk [tilespmem:v19+s29+$0x0], $0xffff  }
0x3d2: {  	v21 =	vor.u32 v22, v21;
	_ =	sdelay $0x2  }
0x3d3: {  	v58 =	vadd.s32 v5, v20  }
0x3d4: {  	[tilespmem:v57+s20+$0x0] =	vst.idx.msk vm9, v19;
	v19 =	vand.u32 $0xFFFFFF80, v58  }
0x3d5: {  	v59 =	vadd.s32 $0x4000, v18;
	v22 =	vand.u32 $0x7D, v58;
	v21 =	vld.idx.msk [tilespmem:v21+s29+$0x0], $0xffff;
	v19 =	vadd.s32 v45, v19  }
0x3d6: {  	v19 =	vor.u32 v22, v19;
	_ =	sdelay $0x2  }
0x3d7: {  	v60 =	vadd.s32 v6, v20  }
0x3d8: {  	v61 =	vand.u32 $0xFFFFFF80, v60;
	[tilespmem:v59+s20+$0x0] =	vst.idx.msk vm9, v21  }
0x3d9: {  	v62 =	vadd.s32 $0x5000, v18;
	v22 =	vand.u32 $0x7E, v60;
	v21 =	vadd.s32 v45, v61;
	v19 =	vld.idx.msk [tilespmem:v19+s29+$0x0], $0xffff  }
0x3da: {  	v21 =	vor.u32 v22, v21;
	_ =	sdelay $0x2  }
0x3db: {  	v20 =	vadd.s32 v7, v20  }
0x3dc: {  	[tilespmem:v62+s20+$0x0] =	vst.idx.msk vm9, v19;
	v19 =	vand.u32 $0xFFFFFF80, v20  }
0x3dd: {  	v63 =	vadd.s32 $0x6000, v18;
	v20 =	vand.u32 $0x7F, v20;
	v21 =	vld.idx.msk [tilespmem:v21+s29+$0x0], $0xffff;
	v19 =	vadd.s32 v45, v19  }
0x3de: {  	s23 =	sld [smem:$0x7F0];
	v19 =	vor.u32 v20, v19  }
0x3df: {  	s2 =	sld [smem:$0x7F2];
	_ =	sdelay $0x1  }
0x3e0: {  	s6 =	rddreg [dreg:$0x16];
	s1 =	sadd.s32 $0x1, s23;
	s0 =	simm.s32 $0x1  }
0x3e1: {  	s25 =	rddreg [dreg:$0x1f];
	s0 =	simm.s32 @!p0 $0x0;
	p0 =	sgt.s32 s2, s6;
	[tilespmem:v63+s20+$0x0] =	vst.idx.msk vm9, v21  }
0x3e2: {  	s6 =	smov.u32 @p0 s2;
	p0 =	sgt.s32 s25, s1;
	v18 =	vadd.s32 $0x7000, v18;
	v19 =	vld.idx.msk [tilespmem:v19+s29+$0x0], $0xffff  }
.Ltmp21:
0x3e3: {  	s15 =	sld [smem:$0x7EE];
	(pc) =	sbr.rel @p0 .LBB2_32-.Ltmp21, $3  }
0x3e4: {  	s17 =	sld [smem:$0x7EF];
	_ =	sdelay $0x1  }
0x3e5: {  	s10 =	sadd.s32 $0x10, s10  }
0x3e6: {  	s7 =	sadd.s32 $0x10, s15;
	s5 =	sadd.s32 $0x10, s17;
	s11 =	sadd.s32 s0, s11;
	vm11 =	vcmask $0x704;
	[tilespmem:v18+s20+$0x0] =	vst.idx.msk vm9, v19  }
.Ltmp22:
0x3e7: {  	_ = 	snop;
	(pc) =	sbr.rel .LBB2_33-.Ltmp22, $1  }
0x3e8: {  	_ =	sdelay $0x3  }
.LBB2_35:
0x3e9: {  	_ =	sfence.sel $0x180000  }
0x3ea: {  	[bflag:$0x0] =	sbarrier.arrive $0xFFFF  }
0x3eb: {  	_ =	strace $0x9000004A  }
0x3ec: {  	s0 =	stileid.u32;
	[bflag:$0x2] =	sbarrier.arrive $0xFFFF  }
0x3ed: {  	p0 =	sne.s32 s0, $0x0;
	s0 =	rddreg [dreg:$0x3]  }
0x3ee: {  	s0 =	sadd.s32 @!p0 $0x100000, s0  }
0x3ef: {  	[sflag:s0] =	ssyncadd.tile.s32 @!p0 $0x1;
	_ =	shalt  }
.Lfunc_end2:
_tile_overlayer_lowered:
.L_overlay_start_2:
0x3f0: {  	(tag) =	ssettag $0x2  }
0x3f1: {  	s0 =	rddreg [dreg:$0x0];
	s2 =	stileid.u32  }
0x3f2: {  	s1 =	rddreg [dreg:$0x1];
	p0 =	sne.s32 s2, $0x0  }
0x3f3: {  	s3 =	rddreg [dreg:$0x2];
	[bflag:$0x3] =	sbarrier.arrive $0xFFFF;
	s2 =	simm.s32 @!p0 $0x1C0D  }
0x3f4: {  	[timem:s3], [sflag:s2] =	dma.local @!p0 [hbm:s0], s1  }
0x3f5: {  	s0 =	simm.s32 @!p0 $0xD  }
0x3f6: {  	_ =	swait.ge @!p0 [sflag:s0], s1  }
0x3f7: {  	s1 =	ssub.s32 @!p0 $0x0, s1;
	[sflag:s0] =	ssyncset.done @!p0 $0x0  }
0x3f8: {  	[sflag:s0] =	ssyncadd.s32 @!p0 s1  }
0x3f9: {  	[bflag:$0x3] =	sbarrier.arrive $0xFFFF  }
0x3fa: {  	_ =	shalt  }

</sc_bundles>
